<compile_context>
chip_gen: v7x
topology: tpu7x:2x2x1
jax: 0.10.2.dev20260603
libtpu: 0.0.44.dev20260713+nightly
codegen_flags: <defaults>
</compile_context>

<pallas_src>
import jax
import jax.numpy as jnp
from jax import lax
from jax.experimental import pallas as pl
from jax.experimental.pallas import tpu as pltpu
from jax.experimental.pallas import tpu_sc as plsc

D = 128
K = 512
BS = 1024
BATCH = 512
NROWS = 100000
NWORK = 32
B_PER_W = BS // NWORK
KCHUNK = 128
NCHUNK = K // KCHUNK


def _sc_body(nidx_hbm, x_hbm, mem_hbm,
             neg_hbm,
             idxrow0, idxrow1, xrow0, xrow1,
             ring0, ring1, ring2, ring3, negout_a, negout_b,
             gsem, isem, osem):
    wid = lax.axis_index("c") * 16 + lax.axis_index("s")
    rings = (ring0, ring1, ring2, ring3)
    idxrows = (idxrow0, idxrow1)
    xrows = (xrow0, xrow1)
    negouts = (negout_a, negout_b)

    lane = lax.iota(jnp.int32, 16)
    lane15 = lane == 15

    def issue_gather(u, c, ring):
        pltpu.async_copy(mem_hbm.at[idxrows[u].at[c]], rings[ring],
                         gsem.at[ring])

    def wait_ring(ring):
        pltpu.make_async_copy(mem_hbm.at[idxrow0.at[0]], rings[ring],
                              gsem.at[ring]).wait()

    def issue_idx(u, b):
        pltpu.async_copy(nidx_hbm.at[b], idxrows[u], isem.at[u])
        pltpu.async_copy(x_hbm.at[b], xrows[u], isem.at[u])

    def wait_idx(u):
        pltpu.make_async_copy(nidx_hbm.at[0], idxrows[u], isem.at[u]).wait()
        pltpu.make_async_copy(x_hbm.at[0], xrows[u], isem.at[u]).wait()

    def compute(ring, u, c):
        rows_ref = rings[ring]
        negout_u = negouts[u]
        xchunks = [xrows[u][pl.ds(16 * t, 16)] for t in range(8)]

        @plsc.parallel_loop(0, KCHUNK, 1, unroll=8)
        def _row(r):
            prods = [rows_ref[r, pl.ds(16 * t, 16)] * xchunks[t]
                     for t in range(8)]
            acc = ((prods[0] + prods[1]) + (prods[2] + prods[3])) + \
                  ((prods[4] + prods[5]) + (prods[6] + prods[7]))
            cs = plsc.cumsum(acc)
            plsc.store_scatter(
                negout_u,
                [jnp.full((16,), c * KCHUNK + r, jnp.int32)],
                cs, mask=lane15)

    def fire_negout(u, b):
        pltpu.async_copy(negouts[u], neg_hbm.at[b], osem.at[u])

    def wait_negout(u):
        pltpu.make_async_copy(negouts[u], neg_hbm.at[0], osem.at[u]).wait()

    base = wid * B_PER_W
    pltpu.sync_copy(nidx_hbm.at[base], idxrow0)
    pltpu.sync_copy(x_hbm.at[base], xrow0)
    issue_gather(0, 0, 0)
    issue_gather(0, 1, 1)

    def body_b(bi, carry):
        b0 = base + 2 * bi
        b1 = b0 + 1
        b0n = b0 + 2
        issue_idx(1, b1)
        issue_gather(0, 2, 2)

        @pl.when(bi >= 1)
        def _():
            wait_negout(0)
        wait_ring(0)
        compute(0, 0, 0)
        issue_gather(0, 3, 3)
        wait_ring(1)
        compute(1, 0, 1)
        wait_idx(1)
        issue_gather(1, 0, 0)
        wait_ring(2)
        compute(2, 0, 2)
        issue_gather(1, 1, 1)
        wait_ring(3)

        @pl.when(bi < B_PER_W // 2 - 1)
        def _():
            issue_idx(0, b0n)
        compute(3, 0, 3)
        fire_negout(0, b0)
        issue_gather(1, 2, 2)

        @pl.when(bi >= 1)
        def _():
            wait_negout(1)
        wait_ring(0)
        compute(0, 1, 0)
        issue_gather(1, 3, 3)
        wait_ring(1)
        compute(1, 1, 1)
        @pl.when(bi < B_PER_W // 2 - 1)
        def _():
            wait_idx(0)
            issue_gather(0, 0, 0)
        wait_ring(2)
        compute(2, 1, 2)
        wait_ring(3)

        @pl.when(bi < B_PER_W // 2 - 1)
        def _():
            issue_gather(0, 1, 1)
        compute(3, 1, 3)
        fire_negout(1, b1)
        return carry

    lax.fori_loop(0, B_PER_W // 2, body_b, 0)
    wait_negout(0)
    wait_negout(1)


def _sc_gather_dot(noise_idx4, x, memory):
    mesh = plsc.VectorSubcoreMesh(core_axis_name="c", subcore_axis_name="s")
    f = pl.kernel(
        _sc_body,
        out_type=jax.ShapeDtypeStruct((BS, K), jnp.float32),
        mesh=mesh,
        compiler_params=pltpu.CompilerParams(needs_layout_passes=False),
        scratch_types=[
            pltpu.VMEM((NCHUNK, KCHUNK), jnp.int32),
            pltpu.VMEM((NCHUNK, KCHUNK), jnp.int32),
            pltpu.VMEM((D,), jnp.float32),
            pltpu.VMEM((D,), jnp.float32),
            pltpu.VMEM((KCHUNK, D), jnp.float32),
            pltpu.VMEM((KCHUNK, D), jnp.float32),
            pltpu.VMEM((KCHUNK, D), jnp.float32),
            pltpu.VMEM((KCHUNK, D), jnp.float32),
            pltpu.VMEM((K,), jnp.float32),
            pltpu.VMEM((K,), jnp.float32),
            pltpu.SemaphoreType.DMA((4,)),
            pltpu.SemaphoreType.DMA((2,)),
            pltpu.SemaphoreType.DMA((2,)),
        ],
    )
    return f(noise_idx4, x, memory)


def _sc_dmem_body(mem_hbm, idxs_hbm, dmem_hbm, dmidx_v, dmrows_v, dsem):
    wid = lax.axis_index("c") * 16 + lax.axis_index("s")
    pltpu.sync_copy(idxs_hbm.at[pl.ds(wid * 16, 16)], dmidx_v)
    pltpu.async_copy(mem_hbm.at[dmidx_v], dmrows_v, dsem).wait()
    pltpu.sync_copy(dmrows_v, dmem_hbm.at[pl.ds(wid * 16, 16)])


def _sc_gather_dmem(memory, idxs):
    mesh = plsc.VectorSubcoreMesh(core_axis_name="c", subcore_axis_name="s")
    f = pl.kernel(
        _sc_dmem_body,
        out_type=jax.ShapeDtypeStruct((BATCH, D), jnp.float32),
        mesh=mesh,
        compiler_params=pltpu.CompilerParams(needs_layout_passes=False),
        scratch_types=[
            pltpu.VMEM((16,), jnp.int32),
            pltpu.VMEM((16, D), jnp.float32),
            pltpu.SemaphoreType.DMA,
        ],
    )
    return f(memory, idxs)


def _tc_update_body(idxs_smem, params_smem, x_ref, dmem_ref,
                    icol_ref, irow_ref, mem_any,
                    newmem_ref, nds_ref, csem, sem):
    xv = x_ref[...]
    xa = xv[0:BATCH]
    xb = xv[BATCH:BS]
    m = params_smem[3]
    nd = dmem_ref[...] * m + (1.0 - m) * 0.5 * (xa + xb)
    inv = lax.rsqrt(jnp.sum(nd * nd, axis=1, keepdims=True))
    nd = nd * inv
    eq = icol_ref[...] == irow_ref[...]
    jidx = lax.broadcasted_iota(jnp.int32, (BATCH, BATCH), 1)
    lastpos = jnp.max(jnp.where(eq, jidx, -1), axis=1, keepdims=True)
    sel = (jidx == lastpos).astype(jnp.float32)
    nds_ref[...] = jnp.dot(sel, nd, preferred_element_type=jnp.float32)
    for base in range(0, BATCH, 64):
        def fire(j, carry):
            pltpu.make_async_copy(
                nds_ref.at[pl.ds(j, 1)],
                newmem_ref.at[pl.ds(idxs_smem[j], 1)], sem).start()
            return carry
        lax.fori_loop(base, base + 64, fire, 0)

        def drain(j, carry):
            pltpu.make_async_copy(
                nds_ref.at[pl.ds(0, 1)],
                newmem_ref.at[pl.ds(0, 1)], sem).wait()
            return carry
        lax.fori_loop(base, base + 64, drain, 0)


def _tc_update(idxs, params, x, dmem, newmem0):
    icol = idxs.reshape(BATCH, 1)
    irow = idxs.reshape(1, BATCH)
    return pl.pallas_call(
        _tc_update_body,
        grid=(),
        in_specs=[
            pl.BlockSpec(memory_space=pltpu.SMEM),
            pl.BlockSpec(memory_space=pltpu.SMEM),
            pl.BlockSpec(memory_space=pltpu.VMEM),
            pl.BlockSpec(memory_space=pltpu.VMEM),
            pl.BlockSpec(memory_space=pltpu.VMEM),
            pl.BlockSpec(memory_space=pltpu.VMEM),
            pl.BlockSpec(memory_space=pl.ANY),
        ],
        out_specs=pl.BlockSpec(memory_space=pl.ANY),
        out_shape=jax.ShapeDtypeStruct((NROWS, D), jnp.float32),
        scratch_shapes=[
            pltpu.VMEM((BATCH, D), jnp.float32),
            pltpu.SemaphoreType.DMA,
            pltpu.SemaphoreType.DMA,
        ],
        input_output_aliases={6: 0},
    )(idxs, params, x, dmem, icol, irow, newmem0)


def _copy_kernel_body(src_ref, dst_ref):
    dst_ref[...] = src_ref[...]


def _copy_bank(memory):
    blk = 2000
    return pl.pallas_call(
        _copy_kernel_body,
        grid=(NROWS // blk,),
        in_specs=[pl.BlockSpec((blk, D), lambda i: (i, 0))],
        out_specs=pl.BlockSpec((blk, D), lambda i: (i, 0)),
        out_shape=jax.ShapeDtypeStruct((NROWS, D), jnp.float32),
    )(memory)


def _tc_outs_body(params_smem, x_ref, neg_ref, outs_ref, probs_ref):
    xv = x_ref[...]
    xa = xv[0:BATCH]
    xb = xv[BATCH:BS]
    T = params_smem[1]
    p = jnp.sum(xa * xb, axis=1, keepdims=True)
    e_pos = jnp.exp(p / T)
    e_neg = jnp.exp(neg_ref[...] / T)
    S = 2.0 * jnp.sum(e_pos) + jnp.sum(e_neg)
    Zn = S / float(BS * (K + 1)) * float(NROWS)
    Z = jnp.where(params_smem[0] < 0.0, Zn,
                  params_smem[2] * Zn + (1.0 - params_smem[2]) * params_smem[0])
    e_pos2 = jnp.concatenate([e_pos, e_pos], axis=0)
    outs_ref[...] = jnp.concatenate([e_pos2, e_neg], axis=1) / Z
    negsum = jnp.sum(e_neg, axis=1, keepdims=True)
    probs = jnp.sum(e_pos2 / (e_pos2 + negsum)) / float(BS)
    probs_ref[...] = jnp.reshape(probs, (1, 1))


def _tc_outs(params, x, neg):
    return pl.pallas_call(
        _tc_outs_body,
        grid=(),
        in_specs=[
            pl.BlockSpec(memory_space=pltpu.SMEM),
            pl.BlockSpec(memory_space=pltpu.VMEM),
            pl.BlockSpec(memory_space=pltpu.VMEM),
        ],
        out_specs=(
            pl.BlockSpec(memory_space=pltpu.VMEM),
            pl.BlockSpec(memory_space=pltpu.VMEM),
        ),
        out_shape=(
            jax.ShapeDtypeStruct((BS, K + 1), jnp.float32),
            jax.ShapeDtypeStruct((1, 1), jnp.float32),
        ),
    )(params, x, neg)


def kernel(x, idxs, i, noise_idx, memory, params):
    idxs = idxs.astype(jnp.int32)
    noise_idx4 = noise_idx.astype(jnp.int32).reshape(BS, NCHUNK, KCHUNK)
    dmem = _sc_gather_dmem(memory, idxs)
    neg = _sc_gather_dot(noise_idx4, x, memory)
    newmem0 = _copy_bank(memory)
    new_memory = _tc_update(idxs, params, x, dmem, newmem0)
    outs, probs = _tc_outs(params, x, neg)
    return outs, jnp.reshape(probs, ()), new_memory

# --- scband reference (transcript-rebuilt; emitter-appended) ---
"""Pipeline reference for scband-memory-ins-dis-88227218195015 (READ-ONLY COPY).

The authoritative reference and input builder live on the scoring server;
editing this copy changes nothing except your own understanding.
"""

import jax, jax.numpy as jnp
import numpy as np

INPUT_SIZE = 128
OUTPUT_SIZE = 100000
CLIPS_NUM = 2
BATCH_SIZE = 512
K = 512
LOADER_LENGTH = 1000


def _make_indices(batch_size, clips_num):
    bs = batch_size * clips_num
    indices = np.arange(bs).reshape(clips_num, batch_size).T.copy()
    pos = np.zeros((bs, clips_num - 1), dtype=np.int64)
    for i in range(bs):
        temp = [i % batch_size + ii * batch_size for ii in range(clips_num)]
        temp.remove(i)
        pos[i, :] = np.asarray(temp, dtype=np.int64)
    return jnp.asarray(indices), jnp.asarray(pos)


def setup_inputs(seed: int = 0):
    key = jax.random.key(seed)
    k1, k2, k3, k4 = jax.random.split(key, 4)
    bs = BATCH_SIZE * CLIPS_NUM
    x = jax.random.normal(k1, (bs, INPUT_SIZE), dtype=jnp.float32)
    x = x / jnp.linalg.norm(x, axis=1, keepdims=True)
    idxs = jax.random.randint(k2, (BATCH_SIZE,), 0, OUTPUT_SIZE)
    noise_idx = jax.random.randint(k3, (bs, K), 0, OUTPUT_SIZE)
    stdv = 1.0 / np.sqrt(INPUT_SIZE / 3.0)
    memory = jax.random.uniform(k4, (OUTPUT_SIZE, INPUT_SIZE), minval=-stdv, maxval=stdv, dtype=jnp.float32)
    params = jnp.array([-1.0, 0.07, 0.9, 0.5], dtype=jnp.float32)
    return {"x": x, "idxs": idxs, "i": 0, "noise_idx": noise_idx, "memory": memory, "params": params}


def reference(x, idxs, i, noise_idx, memory, params):
    bs = x.shape[0]
    batch_size = bs // CLIPS_NUM
    indices, pos_indices = _make_indices(batch_size, CLIPS_NUM)
    emb = x
    # compute_data_prob
    positives = emb[pos_indices]                       # [bs, clips_num-1, d]
    prods = emb[:, None, :] * positives
    pos_logits = jnp.mean(jnp.sum(prods, axis=-1), axis=-1, keepdims=True)  # [bs, 1]
    # compute_noise_prob: big gather from memory bank
    noise_weight = jnp.take(memory, noise_idx.reshape(-1), axis=0).reshape(bs, K, INPUT_SIZE)
    neg_logits = jnp.einsum('bkd,bd->bk', noise_weight, emb)  # bmm(noise_weight, emb[:,:,None]).squeeze
    # nce_core
    logits = jnp.concatenate([pos_logits, neg_logits], axis=-1)  # [bs, 1+K]
    T = jax.lax.stop_gradient(params[1])
    outs = jnp.exp(logits / T)
    nLen = memory.shape[0]
    Z_new = jnp.mean(outs) * nLen
    Z = jnp.where(params[0] < 0, Z_new, params[2] * Z_new + (1.0 - params[2]) * params[0])
    Z = jax.lax.stop_gradient(Z)
    outs = outs / Z
    probs_full = outs / jnp.sum(outs, axis=1, keepdims=True)
    probs = jnp.mean(probs_full[:, 0])
    # update_new_data_memory (no grad): gather + scatter-overwrite
    data_memory = jnp.take(memory, idxs, axis=0)               # [batch_size, d]
    new_dm = jnp.mean(emb[indices], axis=1)                    # [batch_size, d]
    new_dm = data_memory * params[3] + (1.0 - params[3]) * new_dm
    new_dm = new_dm / jnp.linalg.norm(new_dm, axis=1, keepdims=True)
    new_memory = jax.lax.stop_gradient(memory.at[idxs].set(new_dm))
    return outs, probs, new_memory

if __name__ == "__main__":
    import jax
    _d = setup_inputs()
    print(jax.jit(kernel)(*tuple(_d.values())))

</pallas_src>

<mosaic_0001>
#map = affine_map<(d0, d1) -> (0, 0, 0)>
#map1 = affine_map<(d0, d1) -> (0, 0)>
module attributes {stable_mosaic.version = 14 : i64} {
  func.func @_sc_body(%arg0: i32, %arg1: i32, %arg2: memref<1024x4x128xi32, #tpu.memory_space<hbm>>, %arg3: memref<1024x128xf32, #tpu.memory_space<hbm>>, %arg4: memref<100000x128xf32, #tpu.memory_space<hbm>>, %arg5: memref<1024x512xf32, #tpu.memory_space<hbm>>, %arg6: memref<4x128xi32, #tpu.memory_space<vmem>>, %arg7: memref<4x128xi32, #tpu.memory_space<vmem>>, %arg8: memref<128xf32, #tpu.memory_space<vmem>>, %arg9: memref<128xf32, #tpu.memory_space<vmem>>, %arg10: memref<128x128xf32, #tpu.memory_space<vmem>>, %arg11: memref<128x128xf32, #tpu.memory_space<vmem>>, %arg12: memref<128x128xf32, #tpu.memory_space<vmem>>, %arg13: memref<128x128xf32, #tpu.memory_space<vmem>>, %arg14: memref<512xf32, #tpu.memory_space<vmem>>, %arg15: memref<512xf32, #tpu.memory_space<vmem>>, %arg16: memref<4x!tpu.dma_semaphore, #tpu.memory_space<semaphore_mem>>, %arg17: memref<2x!tpu.dma_semaphore, #tpu.memory_space<semaphore_mem>>, %arg18: memref<2x!tpu.dma_semaphore, #tpu.memory_space<semaphore_mem>>) attributes {dimension_semantics = [#tpu.dimension_semantics<core_parallel>, #tpu.dimension_semantics<subcore_parallel>], iteration_bounds = array<i64: 2, 16>, scalar_prefetch = 0 : i64, scratch_operands = 13 : i64, tpu.core_type = #tpu.core_type<sc_vector_subcore>, window_params = [{transform_indices = #map}, {transform_indices = #map1}, {transform_indices = #map1}, {transform_indices = #map1}]} {
    %mul3A = arith.constant 16 : i32
    %mul3A_0 = arith.muli %arg0, %mul3A : i32
    %add3A = arith.addi %mul3A_0, %arg1 : i32
    %iota3A = tpu.iota {dimensions = array<i32: 0>} : vector<16xi32>
    %eq3A = arith.constant 15 : i32
    %eq3A_1 = vector.broadcast %eq3A : i32 to vector<16xi32>
    %eq3A_2 = arith.cmpi eq, %iota3A, %eq3A_1 : vector<16xi32>
    %mul3A_3 = arith.constant 32 : i32
    %mul3A_4 = arith.muli %add3A, %mul3A_3 : i32
    "tpu.region"() ({
      %run_scoped3A = tpu.sem_alloc : memref<!tpu.dma_semaphore, #tpu.memory_space<semaphore_mem>>
      %dma_start3A_48 = arith.constant 0 : i32
      %dma_start3A_49 = arith.constant 0 : i32
      %dma_start3A_50 = tpu.memref_slice %arg2[%mul3A_4, %dma_start3A_48, %dma_start3A_49] : memref<1024x4x128xi32, #tpu.memory_space<hbm>> -> memref<1x4x128xi32, #tpu.memory_space<hbm>>
      %dma_start3A_51 = tpu.memref_squeeze %dma_start3A_50 : memref<1x4x128xi32, #tpu.memory_space<hbm>> -> memref<4x128xi32, #tpu.memory_space<hbm>>
      %dma_start3A_52 = arith.constant 0 : i32
      %dma_start3A_53 = arith.constant 0 : i32
      %dma_start3A_54 = tpu.memref_slice %arg2[%mul3A_4, %dma_start3A_52, %dma_start3A_53] : memref<1024x4x128xi32, #tpu.memory_space<hbm>> -> memref<1x4x128xi32, #tpu.memory_space<hbm>>
      %dma_start3A_55 = tpu.memref_squeeze %dma_start3A_54 : memref<1x4x128xi32, #tpu.memory_space<hbm>> -> memref<4x128xi32, #tpu.memory_space<hbm>>
      tpu.enqueue_dma source(%dma_start3A_55 : memref<4x128xi32, #tpu.memory_space<hbm>>) target(%arg6 : memref<4x128xi32, #tpu.memory_space<vmem>>) target_semaphore(%run_scoped3A : memref<!tpu.dma_semaphore, #tpu.memory_space<semaphore_mem>>)
      %dma_wait3A_56 = arith.constant 0 : i32
      %dma_wait3A_57 = arith.constant 0 : i32
      %dma_wait3A_58 = tpu.memref_slice %arg2[%mul3A_4, %dma_wait3A_56, %dma_wait3A_57] : memref<1024x4x128xi32, #tpu.memory_space<hbm>> -> memref<1x4x128xi32, #tpu.memory_space<hbm>>
      %dma_wait3A_59 = tpu.memref_squeeze %dma_wait3A_58 : memref<1x4x128xi32, #tpu.memory_space<hbm>> -> memref<4x128xi32, #tpu.memory_space<hbm>>
      %dma_wait3A_60 = arith.constant 0 : i32
      %dma_wait3A_61 = arith.constant 0 : i32
      %dma_wait3A_62 = tpu.memref_slice %arg2[%mul3A_4, %dma_wait3A_60, %dma_wait3A_61] : memref<1024x4x128xi32, #tpu.memory_space<hbm>> -> memref<1x4x128xi32, #tpu.memory_space<hbm>>
      %dma_wait3A_63 = tpu.memref_squeeze %dma_wait3A_62 : memref<1x4x128xi32, #tpu.memory_space<hbm>> -> memref<4x128xi32, #tpu.memory_space<hbm>>
      tpu.wait_dma2 semaphore(%run_scoped3A : memref<!tpu.dma_semaphore, #tpu.memory_space<semaphore_mem>>) src(%dma_wait3A_63 : memref<4x128xi32, #tpu.memory_space<hbm>>) dst(%arg6 : memref<4x128xi32, #tpu.memory_space<vmem>>)
      tpu.yield
    }) : () -> ()
    "tpu.region"() ({
      %run_scoped3A = tpu.sem_alloc : memref<!tpu.dma_semaphore, #tpu.memory_space<semaphore_mem>>
      %dma_start3A_48 = arith.constant 0 : i32
      %dma_start3A_49 = tpu.memref_slice %arg3[%mul3A_4, %dma_start3A_48] : memref<1024x128xf32, #tpu.memory_space<hbm>> -> memref<1x128xf32, #tpu.memory_space<hbm>>
      %dma_start3A_50 = tpu.memref_squeeze %dma_start3A_49 : memref<1x128xf32, #tpu.memory_space<hbm>> -> memref<128xf32, #tpu.memory_space<hbm>>
      %dma_start3A_51 = arith.constant 0 : i32
      %dma_start3A_52 = tpu.memref_slice %arg3[%mul3A_4, %dma_start3A_51] : memref<1024x128xf32, #tpu.memory_space<hbm>> -> memref<1x128xf32, #tpu.memory_space<hbm>>
      %dma_start3A_53 = tpu.memref_squeeze %dma_start3A_52 : memref<1x128xf32, #tpu.memory_space<hbm>> -> memref<128xf32, #tpu.memory_space<hbm>>
      tpu.enqueue_dma source(%dma_start3A_53 : memref<128xf32, #tpu.memory_space<hbm>>) target(%arg8 : memref<128xf32, #tpu.memory_space<vmem>>) target_semaphore(%run_scoped3A : memref<!tpu.dma_semaphore, #tpu.memory_space<semaphore_mem>>)
      %dma_wait3A_54 = arith.constant 0 : i32
      %dma_wait3A_55 = tpu.memref_slice %arg3[%mul3A_4, %dma_wait3A_54] : memref<1024x128xf32, #tpu.memory_space<hbm>> -> memref<1x128xf32, #tpu.memory_space<hbm>>
      %dma_wait3A_56 = tpu.memref_squeeze %dma_wait3A_55 : memref<1x128xf32, #tpu.memory_space<hbm>> -> memref<128xf32, #tpu.memory_space<hbm>>
      %dma_wait3A_57 = arith.constant 0 : i32
      %dma_wait3A_58 = tpu.memref_slice %arg3[%mul3A_4, %dma_wait3A_57] : memref<1024x128xf32, #tpu.memory_space<hbm>> -> memref<1x128xf32, #tpu.memory_space<hbm>>
      %dma_wait3A_59 = tpu.memref_squeeze %dma_wait3A_58 : memref<1x128xf32, #tpu.memory_space<hbm>> -> memref<128xf32, #tpu.memory_space<hbm>>
      tpu.wait_dma2 semaphore(%run_scoped3A : memref<!tpu.dma_semaphore, #tpu.memory_space<semaphore_mem>>) src(%dma_wait3A_59 : memref<128xf32, #tpu.memory_space<hbm>>) dst(%arg8 : memref<128xf32, #tpu.memory_space<vmem>>)
      tpu.yield
    }) : () -> ()
    %dma_start3A = arith.constant 0 : i32
    %dma_start3A_5 = arith.constant 0 : i32
    %dma_start3A_6 = arith.constant 0 : i32
    %dma_start3A_7 = tpu.memref_slice %arg6[%dma_start3A, %dma_start3A_6] : memref<4x128xi32, #tpu.memory_space<vmem>> -> memref<1x128xi32, #tpu.memory_space<vmem>>
    %dma_start3A_8 = tpu.memref_squeeze %dma_start3A_7 : memref<1x128xi32, #tpu.memory_space<vmem>> -> memref<128xi32, #tpu.memory_space<vmem>>
    %dma_start3A_9 = arith.constant 0 : i32
    %dma_start3A_10 = arith.constant 0 : i32
    %dma_start3A_11 = tpu.memref_slice %arg4[%dma_start3A_9, %dma_start3A_10] : memref<100000x128xf32, #tpu.memory_space<hbm>> -> memref<100000x128xf32, #tpu.memory_space<hbm>>
    %dma_start3A_12 = tpu.memref_slice %arg16[%dma_start3A_5] : memref<4x!tpu.dma_semaphore, #tpu.memory_space<semaphore_mem>> -> memref<1x!tpu.dma_semaphore, #tpu.memory_space<semaphore_mem>>
    %dma_start3A_13 = tpu.memref_squeeze %dma_start3A_12 : memref<1x!tpu.dma_semaphore, #tpu.memory_space<semaphore_mem>> -> memref<!tpu.dma_semaphore, #tpu.memory_space<semaphore_mem>>
    tpu.enqueue_indirect_dma source(%dma_start3A_11 : memref<100000x128xf32, #tpu.memory_space<hbm>>) target(%arg10 : memref<128x128xf32, #tpu.memory_space<vmem>>) offsets(%dma_start3A_8 : memref<128xi32, #tpu.memory_space<vmem>>) semaphore(%dma_start3A_13 : memref<!tpu.dma_semaphore, #tpu.memory_space<semaphore_mem>>)
    %dma_start3A_14 = arith.constant 1 : i32
    %dma_start3A_15 = arith.constant 1 : i32
    %dma_start3A_16 = arith.constant 0 : i32
    %dma_start3A_17 = tpu.memref_slice %arg6[%dma_start3A_14, %dma_start3A_16] : memref<4x128xi32, #tpu.memory_space<vmem>> -> memref<1x128xi32, #tpu.memory_space<vmem>>
    %dma_start3A_18 = tpu.memref_squeeze %dma_start3A_17 : memref<1x128xi32, #tpu.memory_space<vmem>> -> memref<128xi32, #tpu.memory_space<vmem>>
    %dma_start3A_19 = arith.constant 0 : i32
    %dma_start3A_20 = arith.constant 0 : i32
    %dma_start3A_21 = tpu.memref_slice %arg4[%dma_start3A_19, %dma_start3A_20] : memref<100000x128xf32, #tpu.memory_space<hbm>> -> memref<100000x128xf32, #tpu.memory_space<hbm>>
    %dma_start3A_22 = tpu.memref_slice %arg16[%dma_start3A_15] : memref<4x!tpu.dma_semaphore, #tpu.memory_space<semaphore_mem>> -> memref<1x!tpu.dma_semaphore, #tpu.memory_space<semaphore_mem>>
    %dma_start3A_23 = tpu.memref_squeeze %dma_start3A_22 : memref<1x!tpu.dma_semaphore, #tpu.memory_space<semaphore_mem>> -> memref<!tpu.dma_semaphore, #tpu.memory_space<semaphore_mem>>
    tpu.enqueue_indirect_dma source(%dma_start3A_21 : memref<100000x128xf32, #tpu.memory_space<hbm>>) target(%arg11 : memref<128x128xf32, #tpu.memory_space<vmem>>) offsets(%dma_start3A_18 : memref<128xi32, #tpu.memory_space<vmem>>) semaphore(%dma_start3A_23 : memref<!tpu.dma_semaphore, #tpu.memory_space<semaphore_mem>>)
    %scan3A = arith.constant 0 : i32
    %scan3A_24 = arith.constant 0 : i32
    %scan3A_25 = arith.constant 16 : i32
    %scan3A_26 = arith.addi %scan3A_24, %scan3A_25 : i32
    %scan3A_27 = arith.constant 1 : i32
    scf.for %scan3A_48 = %scan3A_24 to %scan3A_26 step %scan3A_27  : i32 {
      %mul3A_49 = arith.constant 2 : i32
      %mul3A_50 = arith.muli %mul3A_49, %scan3A_48 : i32
      %add3A_51 = arith.addi %mul3A_4, %mul3A_50 : i32
      %add3A_52 = arith.constant 1 : i32
      %add3A_53 = arith.addi %add3A_51, %add3A_52 : i32
      %add3A_54 = arith.constant 2 : i32
      %add3A_55 = arith.addi %add3A_51, %add3A_54 : i32
      %dma_start3A_56 = arith.constant 1 : i32
      %dma_start3A_57 = arith.constant 0 : i32
      %dma_start3A_58 = arith.constant 0 : i32
      %dma_start3A_59 = tpu.memref_slice %arg2[%add3A_53, %dma_start3A_57, %dma_start3A_58] : memref<1024x4x128xi32, #tpu.memory_space<hbm>> -> memref<1x4x128xi32, #tpu.memory_space<hbm>>
      %dma_start3A_60 = tpu.memref_squeeze %dma_start3A_59 : memref<1x4x128xi32, #tpu.memory_space<hbm>> -> memref<4x128xi32, #tpu.memory_space<hbm>>
      %dma_start3A_61 = tpu.memref_slice %arg17[%dma_start3A_56] : memref<2x!tpu.dma_semaphore, #tpu.memory_space<semaphore_mem>> -> memref<1x!tpu.dma_semaphore, #tpu.memory_space<semaphore_mem>>
      %dma_start3A_62 = tpu.memref_squeeze %dma_start3A_61 : memref<1x!tpu.dma_semaphore, #tpu.memory_space<semaphore_mem>> -> memref<!tpu.dma_semaphore, #tpu.memory_space<semaphore_mem>>
      %dma_start3A_63 = arith.constant 0 : i32
      %dma_start3A_64 = arith.constant 0 : i32
      %dma_start3A_65 = tpu.memref_slice %arg2[%add3A_53, %dma_start3A_63, %dma_start3A_64] : memref<1024x4x128xi32, #tpu.memory_space<hbm>> -> memref<1x4x128xi32, #tpu.memory_space<hbm>>
      %dma_start3A_66 = tpu.memref_squeeze %dma_start3A_65 : memref<1x4x128xi32, #tpu.memory_space<hbm>> -> memref<4x128xi32, #tpu.memory_space<hbm>>
      tpu.enqueue_dma source(%dma_start3A_66 : memref<4x128xi32, #tpu.memory_space<hbm>>) target(%arg7 : memref<4x128xi32, #tpu.memory_space<vmem>>) target_semaphore(%dma_start3A_62 : memref<!tpu.dma_semaphore, #tpu.memory_space<semaphore_mem>>)
      %dma_start3A_67 = arith.constant 1 : i32
      %dma_start3A_68 = arith.constant 0 : i32
      %dma_start3A_69 = tpu.memref_slice %arg3[%add3A_53, %dma_start3A_68] : memref<1024x128xf32, #tpu.memory_space<hbm>> -> memref<1x128xf32, #tpu.memory_space<hbm>>
      %dma_start3A_70 = tpu.memref_squeeze %dma_start3A_69 : memref<1x128xf32, #tpu.memory_space<hbm>> -> memref<128xf32, #tpu.memory_space<hbm>>
      %dma_start3A_71 = tpu.memref_slice %arg17[%dma_start3A_67] : memref<2x!tpu.dma_semaphore, #tpu.memory_space<semaphore_mem>> -> memref<1x!tpu.dma_semaphore, #tpu.memory_space<semaphore_mem>>
      %dma_start3A_72 = tpu.memref_squeeze %dma_start3A_71 : memref<1x!tpu.dma_semaphore, #tpu.memory_space<semaphore_mem>> -> memref<!tpu.dma_semaphore, #tpu.memory_space<semaphore_mem>>
      %dma_start3A_73 = arith.constant 0 : i32
      %dma_start3A_74 = tpu.memref_slice %arg3[%add3A_53, %dma_start3A_73] : memref<1024x128xf32, #tpu.memory_space<hbm>> -> memref<1x128xf32, #tpu.memory_space<hbm>>
      %dma_start3A_75 = tpu.memref_squeeze %dma_start3A_74 : memref<1x128xf32, #tpu.memory_space<hbm>> -> memref<128xf32, #tpu.memory_space<hbm>>
      tpu.enqueue_dma source(%dma_start3A_75 : memref<128xf32, #tpu.memory_space<hbm>>) target(%arg9 : memref<128xf32, #tpu.memory_space<vmem>>) target_semaphore(%dma_start3A_72 : memref<!tpu.dma_semaphore, #tpu.memory_space<semaphore_mem>>)
      %dma_start3A_76 = arith.constant 2 : i32
      %dma_start3A_77 = arith.constant 2 : i32
      %dma_start3A_78 = arith.constant 0 : i32
      %dma_start3A_79 = tpu.memref_slice %arg6[%dma_start3A_76, %dma_start3A_78] : memref<4x128xi32, #tpu.memory_space<vmem>> -> memref<1x128xi32, #tpu.memory_space<vmem>>
      %dma_start3A_80 = tpu.memref_squeeze %dma_start3A_79 : memref<1x128xi32, #tpu.memory_space<vmem>> -> memref<128xi32, #tpu.memory_space<vmem>>
      %dma_start3A_81 = arith.constant 0 : i32
      %dma_start3A_82 = arith.constant 0 : i32
      %dma_start3A_83 = tpu.memref_slice %arg4[%dma_start3A_81, %dma_start3A_82] : memref<100000x128xf32, #tpu.memory_space<hbm>> -> memref<100000x128xf32, #tpu.memory_space<hbm>>
      %dma_start3A_84 = tpu.memref_slice %arg16[%dma_start3A_77] : memref<4x!tpu.dma_semaphore, #tpu.memory_space<semaphore_mem>> -> memref<1x!tpu.dma_semaphore, #tpu.memory_space<semaphore_mem>>
      %dma_start3A_85 = tpu.memref_squeeze %dma_start3A_84 : memref<1x!tpu.dma_semaphore, #tpu.memory_space<semaphore_mem>> -> memref<!tpu.dma_semaphore, #tpu.memory_space<semaphore_mem>>
      tpu.enqueue_indirect_dma source(%dma_start3A_83 : memref<100000x128xf32, #tpu.memory_space<hbm>>) target(%arg12 : memref<128x128xf32, #tpu.memory_space<vmem>>) offsets(%dma_start3A_80 : memref<128xi32, #tpu.memory_space<vmem>>) semaphore(%dma_start3A_85 : memref<!tpu.dma_semaphore, #tpu.memory_space<semaphore_mem>>)
      %ge3A = arith.constant 1 : i32
      %ge3A_86 = arith.cmpi sge, %scan3A_48, %ge3A : i32
      %convert_element_type3A = arith.extui %ge3A_86 : i1 to i32
      %cond3A = arith.constant 0 : i32
      %cond3A_87 = arith.cmpi ne, %convert_element_type3A, %cond3A : i32
      scf.if %cond3A_87 {
        %dma_wait3A_427 = arith.constant 0 : i32
        %dma_wait3A_428 = arith.constant 0 : i32
        %dma_wait3A_429 = arith.constant 0 : i32
        %dma_wait3A_430 = tpu.memref_slice %arg5[%dma_wait3A_427, %dma_wait3A_429] : memref<1024x512xf32, #tpu.memory_space<hbm>> -> memref<1x512xf32, #tpu.memory_space<hbm>>
        %dma_wait3A_431 = tpu.memref_squeeze %dma_wait3A_430 : memref<1x512xf32, #tpu.memory_space<hbm>> -> memref<512xf32, #tpu.memory_space<hbm>>
        %dma_wait3A_432 = tpu.memref_slice %arg18[%dma_wait3A_428] : memref<2x!tpu.dma_semaphore, #tpu.memory_space<semaphore_mem>> -> memref<1x!tpu.dma_semaphore, #tpu.memory_space<semaphore_mem>>
        %dma_wait3A_433 = tpu.memref_squeeze %dma_wait3A_432 : memref<1x!tpu.dma_semaphore, #tpu.memory_space<semaphore_mem>> -> memref<!tpu.dma_semaphore, #tpu.memory_space<semaphore_mem>>
        %dma_wait3A_434 = arith.constant 0 : i32
        %dma_wait3A_435 = tpu.memref_slice %arg5[%dma_wait3A_427, %dma_wait3A_434] : memref<1024x512xf32, #tpu.memory_space<hbm>> -> memref<1x512xf32, #tpu.memory_space<hbm>>
        %dma_wait3A_436 = tpu.memref_squeeze %dma_wait3A_435 : memref<1x512xf32, #tpu.memory_space<hbm>> -> memref<512xf32, #tpu.memory_space<hbm>>
        tpu.wait_dma2 semaphore(%dma_wait3A_433 : memref<!tpu.dma_semaphore, #tpu.memory_space<semaphore_mem>>) src(%arg14 : memref<512xf32, #tpu.memory_space<vmem>>) dst(%dma_wait3A_436 : memref<512xf32, #tpu.memory_space<hbm>>)
      } else {
      }
      %dma_wait3A_88 = arith.constant 0 : i32
      %dma_wait3A_89 = arith.constant 0 : i32
      %dma_wait3A_90 = arith.constant 0 : i32
      %dma_wait3A_91 = tpu.memref_slice %arg6[%dma_wait3A_88, %dma_wait3A_90] : memref<4x128xi32, #tpu.memory_space<vmem>> -> memref<1x128xi32, #tpu.memory_space<vmem>>
      %dma_wait3A_92 = tpu.memref_squeeze %dma_wait3A_91 : memref<1x128xi32, #tpu.memory_space<vmem>> -> memref<128xi32, #tpu.memory_space<vmem>>
      %dma_wait3A_93 = arith.constant 0 : i32
      %dma_wait3A_94 = arith.constant 0 : i32
      %dma_wait3A_95 = tpu.memref_slice %arg4[%dma_wait3A_93, %dma_wait3A_94] : memref<100000x128xf32, #tpu.memory_space<hbm>> -> memref<100000x128xf32, #tpu.memory_space<hbm>>
      %dma_wait3A_96 = tpu.memref_slice %arg16[%dma_wait3A_89] : memref<4x!tpu.dma_semaphore, #tpu.memory_space<semaphore_mem>> -> memref<1x!tpu.dma_semaphore, #tpu.memory_space<semaphore_mem>>
      %dma_wait3A_97 = tpu.memref_squeeze %dma_wait3A_96 : memref<1x!tpu.dma_semaphore, #tpu.memory_space<semaphore_mem>> -> memref<!tpu.dma_semaphore, #tpu.memory_space<semaphore_mem>>
      tpu.wait_indirect_dma semaphore(%dma_wait3A_97 : memref<!tpu.dma_semaphore, #tpu.memory_space<semaphore_mem>>) src(%dma_wait3A_95 : memref<100000x128xf32, #tpu.memory_space<hbm>>) dst(%arg10 : memref<128x128xf32, #tpu.memory_space<vmem>>)
      %get3A = arith.constant 0 : index
      %get3A_98 = tpu.vector_load %arg8[%get3A] {strides = array<i32>} : memref<128xf32, #tpu.memory_space<vmem>>, vector<16xf32>,
      %get3A_99 = arith.constant 16 : index
      %get3A_100 = tpu.vector_load %arg8[%get3A_99] {strides = array<i32>} : memref<128xf32, #tpu.memory_space<vmem>>, vector<16xf32>,
      %get3A_101 = arith.constant 32 : index
      %get3A_102 = tpu.vector_load %arg8[%get3A_101] {strides = array<i32>} : memref<128xf32, #tpu.memory_space<vmem>>, vector<16xf32>,
      %get3A_103 = arith.constant 48 : index
      %get3A_104 = tpu.vector_load %arg8[%get3A_103] {strides = array<i32>} : memref<128xf32, #tpu.memory_space<vmem>>, vector<16xf32>,
      %get3A_105 = arith.constant 64 : index
      %get3A_106 = tpu.vector_load %arg8[%get3A_105] {strides = array<i32>} : memref<128xf32, #tpu.memory_space<vmem>>, vector<16xf32>,
      %get3A_107 = arith.constant 80 : index
      %get3A_108 = tpu.vector_load %arg8[%get3A_107] {strides = array<i32>} : memref<128xf32, #tpu.memory_space<vmem>>, vector<16xf32>,
      %get3A_109 = arith.constant 96 : index
      %get3A_110 = tpu.vector_load %arg8[%get3A_109] {strides = array<i32>} : memref<128xf32, #tpu.memory_space<vmem>>, vector<16xf32>,
      %get3A_111 = arith.constant 112 : index
      %get3A_112 = tpu.vector_load %arg8[%get3A_111] {strides = array<i32>} : memref<128xf32, #tpu.memory_space<vmem>>, vector<16xf32>,
      %parallel_loop3A = arith.constant 0 : i32
      %parallel_loop3A_113 = arith.constant 128 : i32
      %parallel_loop3A_114 = arith.constant 1 : i32
      scf.for %parallel_loop3A_427 = %parallel_loop3A to %parallel_loop3A_113 step %parallel_loop3A_114  : i32 {
        %parallel_loop3A_428 = arith.index_cast %parallel_loop3A_427 : i32 to index
        %parallel_loop3A_429 = arith.constant 0 : index
        %parallel_loop3A_430 = tpu.vector_load %arg10[%parallel_loop3A_428, %parallel_loop3A_429] {strides = array<i32>} : memref<128x128xf32, #tpu.memory_space<vmem>>, vector<16xf32>,
        %parallel_loop3A_431 = arith.mulf %parallel_loop3A_430, %get3A_98 : vector<16xf32>
        %parallel_loop3A_432 = arith.index_cast %parallel_loop3A_427 : i32 to index
        %parallel_loop3A_433 = arith.constant 16 : index
        %parallel_loop3A_434 = tpu.vector_load %arg10[%parallel_loop3A_432, %parallel_loop3A_433] {strides = array<i32>} : memref<128x128xf32, #tpu.memory_space<vmem>>, vector<16xf32>,
        %parallel_loop3A_435 = arith.mulf %parallel_loop3A_434, %get3A_100 : vector<16xf32>
        %parallel_loop3A_436 = arith.index_cast %parallel_loop3A_427 : i32 to index
        %parallel_loop3A_437 = arith.constant 32 : index
        %parallel_loop3A_438 = tpu.vector_load %arg10[%parallel_loop3A_436, %parallel_loop3A_437] {strides = array<i32>} : memref<128x128xf32, #tpu.memory_space<vmem>>, vector<16xf32>,
        %parallel_loop3A_439 = arith.mulf %parallel_loop3A_438, %get3A_102 : vector<16xf32>
        %parallel_loop3A_440 = arith.index_cast %parallel_loop3A_427 : i32 to index
        %parallel_loop3A_441 = arith.constant 48 : index
        %parallel_loop3A_442 = tpu.vector_load %arg10[%parallel_loop3A_440, %parallel_loop3A_441] {strides = array<i32>} : memref<128x128xf32, #tpu.memory_space<vmem>>, vector<16xf32>,
        %parallel_loop3A_443 = arith.mulf %parallel_loop3A_442, %get3A_104 : vector<16xf32>
        %parallel_loop3A_444 = arith.index_cast %parallel_loop3A_427 : i32 to index
        %parallel_loop3A_445 = arith.constant 64 : index
        %parallel_loop3A_446 = tpu.vector_load %arg10[%parallel_loop3A_444, %parallel_loop3A_445] {strides = array<i32>} : memref<128x128xf32, #tpu.memory_space<vmem>>, vector<16xf32>,
        %parallel_loop3A_447 = arith.mulf %parallel_loop3A_446, %get3A_106 : vector<16xf32>
        %parallel_loop3A_448 = arith.index_cast %parallel_loop3A_427 : i32 to index
        %parallel_loop3A_449 = arith.constant 80 : index
        %parallel_loop3A_450 = tpu.vector_load %arg10[%parallel_loop3A_448, %parallel_loop3A_449] {strides = array<i32>} : memref<128x128xf32, #tpu.memory_space<vmem>>, vector<16xf32>,
        %parallel_loop3A_451 = arith.mulf %parallel_loop3A_450, %get3A_108 : vector<16xf32>
        %parallel_loop3A_452 = arith.index_cast %parallel_loop3A_427 : i32 to index
        %parallel_loop3A_453 = arith.constant 96 : index
        %parallel_loop3A_454 = tpu.vector_load %arg10[%parallel_loop3A_452, %parallel_loop3A_453] {strides = array<i32>} : memref<128x128xf32, #tpu.memory_space<vmem>>, vector<16xf32>,
        %parallel_loop3A_455 = arith.mulf %parallel_loop3A_454, %get3A_110 : vector<16xf32>
        %parallel_loop3A_456 = arith.index_cast %parallel_loop3A_427 : i32 to index
        %parallel_loop3A_457 = arith.constant 112 : index
        %parallel_loop3A_458 = tpu.vector_load %arg10[%parallel_loop3A_456, %parallel_loop3A_457] {strides = array<i32>} : memref<128x128xf32, #tpu.memory_space<vmem>>, vector<16xf32>,
        %parallel_loop3A_459 = arith.mulf %parallel_loop3A_458, %get3A_112 : vector<16xf32>
        %parallel_loop3A_460 = arith.addf %parallel_loop3A_431, %parallel_loop3A_435 : vector<16xf32>
        %parallel_loop3A_461 = arith.addf %parallel_loop3A_439, %parallel_loop3A_443 : vector<16xf32>
        %parallel_loop3A_462 = arith.addf %parallel_loop3A_460, %parallel_loop3A_461 : vector<16xf32>
        %parallel_loop3A_463 = arith.addf %parallel_loop3A_447, %parallel_loop3A_451 : vector<16xf32>
        %parallel_loop3A_464 = arith.addf %parallel_loop3A_455, %parallel_loop3A_459 : vector<16xf32>
        %parallel_loop3A_465 = arith.addf %parallel_loop3A_463, %parallel_loop3A_464 : vector<16xf32>
        %parallel_loop3A_466 = arith.addf %parallel_loop3A_462, %parallel_loop3A_465 : vector<16xf32>
        %parallel_loop3A_467 = arith.constant true
        %parallel_loop3A_468 = vector.broadcast %parallel_loop3A_467 : i1 to vector<16xi1>
        %parallel_loop3A_469 = tpu.scan <sum>, %parallel_loop3A_466 masked %parallel_loop3A_468 : vector<16xf32>, vector<16xi1> -> vector<16xf32>
        %parallel_loop3A_470 = arith.constant 0 : i32
        %parallel_loop3A_471 = arith.addi %parallel_loop3A_470, %parallel_loop3A_427 : i32
        %parallel_loop3A_472 = vector.broadcast %parallel_loop3A_471 : i32 to vector<16xi32>
        tpu.vector_store_idx %arg14[%parallel_loop3A_472], %parallel_loop3A_469 masked %eq3A_2 : memref<512xf32, #tpu.memory_space<vmem>>[vector<16xi32>], vector<16xf32>, vector<16xi1>
      } {sc.loop_unroll_factor = 8 : i64, sc.parallel_access}
      %dma_start3A_115 = arith.constant 3 : i32
      %dma_start3A_116 = arith.constant 3 : i32
      %dma_start3A_117 = arith.constant 0 : i32
      %dma_start3A_118 = tpu.memref_slice %arg6[%dma_start3A_115, %dma_start3A_117] : memref<4x128xi32, #tpu.memory_space<vmem>> -> memref<1x128xi32, #tpu.memory_space<vmem>>
      %dma_start3A_119 = tpu.memref_squeeze %dma_start3A_118 : memref<1x128xi32, #tpu.memory_space<vmem>> -> memref<128xi32, #tpu.memory_space<vmem>>
      %dma_start3A_120 = arith.constant 0 : i32
      %dma_start3A_121 = arith.constant 0 : i32
      %dma_start3A_122 = tpu.memref_slice %arg4[%dma_start3A_120, %dma_start3A_121] : memref<100000x128xf32, #tpu.memory_space<hbm>> -> memref<100000x128xf32, #tpu.memory_space<hbm>>
      %dma_start3A_123 = tpu.memref_slice %arg16[%dma_start3A_116] : memref<4x!tpu.dma_semaphore, #tpu.memory_space<semaphore_mem>> -> memref<1x!tpu.dma_semaphore, #tpu.memory_space<semaphore_mem>>
      %dma_start3A_124 = tpu.memref_squeeze %dma_start3A_123 : memref<1x!tpu.dma_semaphore, #tpu.memory_space<semaphore_mem>> -> memref<!tpu.dma_semaphore, #tpu.memory_space<semaphore_mem>>
      tpu.enqueue_indirect_dma source(%dma_start3A_122 : memref<100000x128xf32, #tpu.memory_space<hbm>>) target(%arg13 : memref<128x128xf32, #tpu.memory_space<vmem>>) offsets(%dma_start3A_119 : memref<128xi32, #tpu.memory_space<vmem>>) semaphore(%dma_start3A_124 : memref<!tpu.dma_semaphore, #tpu.memory_space<semaphore_mem>>)
      %dma_wait3A_125 = arith.constant 0 : i32
      %dma_wait3A_126 = arith.constant 1 : i32
      %dma_wait3A_127 = arith.constant 0 : i32
      %dma_wait3A_128 = tpu.memref_slice %arg6[%dma_wait3A_125, %dma_wait3A_127] : memref<4x128xi32, #tpu.memory_space<vmem>> -> memref<1x128xi32, #tpu.memory_space<vmem>>
      %dma_wait3A_129 = tpu.memref_squeeze %dma_wait3A_128 : memref<1x128xi32, #tpu.memory_space<vmem>> -> memref<128xi32, #tpu.memory_space<vmem>>
      %dma_wait3A_130 = arith.constant 0 : i32
      %dma_wait3A_131 = arith.constant 0 : i32
      %dma_wait3A_132 = tpu.memref_slice %arg4[%dma_wait3A_130, %dma_wait3A_131] : memref<100000x128xf32, #tpu.memory_space<hbm>> -> memref<100000x128xf32, #tpu.memory_space<hbm>>
      %dma_wait3A_133 = tpu.memref_slice %arg16[%dma_wait3A_126] : memref<4x!tpu.dma_semaphore, #tpu.memory_space<semaphore_mem>> -> memref<1x!tpu.dma_semaphore, #tpu.memory_space<semaphore_mem>>
      %dma_wait3A_134 = tpu.memref_squeeze %dma_wait3A_133 : memref<1x!tpu.dma_semaphore, #tpu.memory_space<semaphore_mem>> -> memref<!tpu.dma_semaphore, #tpu.memory_space<semaphore_mem>>
      tpu.wait_indirect_dma semaphore(%dma_wait3A_134 : memref<!tpu.dma_semaphore, #tpu.memory_space<semaphore_mem>>) src(%dma_wait3A_132 : memref<100000x128xf32, #tpu.memory_space<hbm>>) dst(%arg11 : memref<128x128xf32, #tpu.memory_space<vmem>>)
      %get3A_135 = arith.constant 0 : index
      %get3A_136 = tpu.vector_load %arg8[%get3A_135] {strides = array<i32>} : memref<128xf32, #tpu.memory_space<vmem>>, vector<16xf32>,
      %get3A_137 = arith.constant 16 : index
      %get3A_138 = tpu.vector_load %arg8[%get3A_137] {strides = array<i32>} : memref<128xf32, #tpu.memory_space<vmem>>, vector<16xf32>,
      %get3A_139 = arith.constant 32 : index
      %get3A_140 = tpu.vector_load %arg8[%get3A_139] {strides = array<i32>} : memref<128xf32, #tpu.memory_space<vmem>>, vector<16xf32>,
      %get3A_141 = arith.constant 48 : index
      %get3A_142 = tpu.vector_load %arg8[%get3A_141] {strides = array<i32>} : memref<128xf32, #tpu.memory_space<vmem>>, vector<16xf32>,
      %get3A_143 = arith.constant 64 : index
      %get3A_144 = tpu.vector_load %arg8[%get3A_143] {strides = array<i32>} : memref<128xf32, #tpu.memory_space<vmem>>, vector<16xf32>,
      %get3A_145 = arith.constant 80 : index
      %get3A_146 = tpu.vector_load %arg8[%get3A_145] {strides = array<i32>} : memref<128xf32, #tpu.memory_space<vmem>>, vector<16xf32>,
      %get3A_147 = arith.constant 96 : index
      %get3A_148 = tpu.vector_load %arg8[%get3A_147] {strides = array<i32>} : memref<128xf32, #tpu.memory_space<vmem>>, vector<16xf32>,
      %get3A_149 = arith.constant 112 : index
      %get3A_150 = tpu.vector_load %arg8[%get3A_149] {strides = array<i32>} : memref<128xf32, #tpu.memory_space<vmem>>, vector<16xf32>,
      %parallel_loop3A_151 = arith.constant 0 : i32
      %parallel_loop3A_152 = arith.constant 128 : i32
      %parallel_loop3A_153 = arith.constant 1 : i32
      scf.for %parallel_loop3A_427 = %parallel_loop3A_151 to %parallel_loop3A_152 step %parallel_loop3A_153  : i32 {
        %parallel_loop3A_428 = arith.index_cast %parallel_loop3A_427 : i32 to index
        %parallel_loop3A_429 = arith.constant 0 : index
        %parallel_loop3A_430 = tpu.vector_load %arg11[%parallel_loop3A_428, %parallel_loop3A_429] {strides = array<i32>} : memref<128x128xf32, #tpu.memory_space<vmem>>, vector<16xf32>,
        %parallel_loop3A_431 = arith.mulf %parallel_loop3A_430, %get3A_136 : vector<16xf32>
        %parallel_loop3A_432 = arith.index_cast %parallel_loop3A_427 : i32 to index
        %parallel_loop3A_433 = arith.constant 16 : index
        %parallel_loop3A_434 = tpu.vector_load %arg11[%parallel_loop3A_432, %parallel_loop3A_433] {strides = array<i32>} : memref<128x128xf32, #tpu.memory_space<vmem>>, vector<16xf32>,
        %parallel_loop3A_435 = arith.mulf %parallel_loop3A_434, %get3A_138 : vector<16xf32>
        %parallel_loop3A_436 = arith.index_cast %parallel_loop3A_427 : i32 to index
        %parallel_loop3A_437 = arith.constant 32 : index
        %parallel_loop3A_438 = tpu.vector_load %arg11[%parallel_loop3A_436, %parallel_loop3A_437] {strides = array<i32>} : memref<128x128xf32, #tpu.memory_space<vmem>>, vector<16xf32>,
        %parallel_loop3A_439 = arith.mulf %parallel_loop3A_438, %get3A_140 : vector<16xf32>
        %parallel_loop3A_440 = arith.index_cast %parallel_loop3A_427 : i32 to index
        %parallel_loop3A_441 = arith.constant 48 : index
        %parallel_loop3A_442 = tpu.vector_load %arg11[%parallel_loop3A_440, %parallel_loop3A_441] {strides = array<i32>} : memref<128x128xf32, #tpu.memory_space<vmem>>, vector<16xf32>,
        %parallel_loop3A_443 = arith.mulf %parallel_loop3A_442, %get3A_142 : vector<16xf32>
        %parallel_loop3A_444 = arith.index_cast %parallel_loop3A_427 : i32 to index
        %parallel_loop3A_445 = arith.constant 64 : index
        %parallel_loop3A_446 = tpu.vector_load %arg11[%parallel_loop3A_444, %parallel_loop3A_445] {strides = array<i32>} : memref<128x128xf32, #tpu.memory_space<vmem>>, vector<16xf32>,
        %parallel_loop3A_447 = arith.mulf %parallel_loop3A_446, %get3A_144 : vector<16xf32>
        %parallel_loop3A_448 = arith.index_cast %parallel_loop3A_427 : i32 to index
        %parallel_loop3A_449 = arith.constant 80 : index
        %parallel_loop3A_450 = tpu.vector_load %arg11[%parallel_loop3A_448, %parallel_loop3A_449] {strides = array<i32>} : memref<128x128xf32, #tpu.memory_space<vmem>>, vector<16xf32>,
        %parallel_loop3A_451 = arith.mulf %parallel_loop3A_450, %get3A_146 : vector<16xf32>
        %parallel_loop3A_452 = arith.index_cast %parallel_loop3A_427 : i32 to index
        %parallel_loop3A_453 = arith.constant 96 : index
        %parallel_loop3A_454 = tpu.vector_load %arg11[%parallel_loop3A_452, %parallel_loop3A_453] {strides = array<i32>} : memref<128x128xf32, #tpu.memory_space<vmem>>, vector<16xf32>,
        %parallel_loop3A_455 = arith.mulf %parallel_loop3A_454, %get3A_148 : vector<16xf32>
        %parallel_loop3A_456 = arith.index_cast %parallel_loop3A_427 : i32 to index
        %parallel_loop3A_457 = arith.constant 112 : index
        %parallel_loop3A_458 = tpu.vector_load %arg11[%parallel_loop3A_456, %parallel_loop3A_457] {strides = array<i32>} : memref<128x128xf32, #tpu.memory_space<vmem>>, vector<16xf32>,
        %parallel_loop3A_459 = arith.mulf %parallel_loop3A_458, %get3A_150 : vector<16xf32>
        %parallel_loop3A_460 = arith.addf %parallel_loop3A_431, %parallel_loop3A_435 : vector<16xf32>
        %parallel_loop3A_461 = arith.addf %parallel_loop3A_439, %parallel_loop3A_443 : vector<16xf32>
        %parallel_loop3A_462 = arith.addf %parallel_loop3A_460, %parallel_loop3A_461 : vector<16xf32>
        %parallel_loop3A_463 = arith.addf %parallel_loop3A_447, %parallel_loop3A_451 : vector<16xf32>
        %parallel_loop3A_464 = arith.addf %parallel_loop3A_455, %parallel_loop3A_459 : vector<16xf32>
        %parallel_loop3A_465 = arith.addf %parallel_loop3A_463, %parallel_loop3A_464 : vector<16xf32>
        %parallel_loop3A_466 = arith.addf %parallel_loop3A_462, %parallel_loop3A_465 : vector<16xf32>
        %parallel_loop3A_467 = arith.constant true
        %parallel_loop3A_468 = vector.broadcast %parallel_loop3A_467 : i1 to vector<16xi1>
        %parallel_loop3A_469 = tpu.scan <sum>, %parallel_loop3A_466 masked %parallel_loop3A_468 : vector<16xf32>, vector<16xi1> -> vector<16xf32>
        %parallel_loop3A_470 = arith.constant 128 : i32
        %parallel_loop3A_471 = arith.addi %parallel_loop3A_470, %parallel_loop3A_427 : i32
        %parallel_loop3A_472 = vector.broadcast %parallel_loop3A_471 : i32 to vector<16xi32>
        tpu.vector_store_idx %arg14[%parallel_loop3A_472], %parallel_loop3A_469 masked %eq3A_2 : memref<512xf32, #tpu.memory_space<vmem>>[vector<16xi32>], vector<16xf32>, vector<16xi1>
      } {sc.loop_unroll_factor = 8 : i64, sc.parallel_access}
      %dma_wait3A_154 = arith.constant 0 : i32
      %dma_wait3A_155 = arith.constant 1 : i32
      %dma_wait3A_156 = arith.constant 0 : i32
      %dma_wait3A_157 = arith.constant 0 : i32
      %dma_wait3A_158 = tpu.memref_slice %arg2[%dma_wait3A_154, %dma_wait3A_156, %dma_wait3A_157] : memref<1024x4x128xi32, #tpu.memory_space<hbm>> -> memref<1x4x128xi32, #tpu.memory_space<hbm>>
      %dma_wait3A_159 = tpu.memref_squeeze %dma_wait3A_158 : memref<1x4x128xi32, #tpu.memory_space<hbm>> -> memref<4x128xi32, #tpu.memory_space<hbm>>
      %dma_wait3A_160 = tpu.memref_slice %arg17[%dma_wait3A_155] : memref<2x!tpu.dma_semaphore, #tpu.memory_space<semaphore_mem>> -> memref<1x!tpu.dma_semaphore, #tpu.memory_space<semaphore_mem>>
      %dma_wait3A_161 = tpu.memref_squeeze %dma_wait3A_160 : memref<1x!tpu.dma_semaphore, #tpu.memory_space<semaphore_mem>> -> memref<!tpu.dma_semaphore, #tpu.memory_space<semaphore_mem>>
      %dma_wait3A_162 = arith.constant 0 : i32
      %dma_wait3A_163 = arith.constant 0 : i32
      %dma_wait3A_164 = tpu.memref_slice %arg2[%dma_wait3A_154, %dma_wait3A_162, %dma_wait3A_163] : memref<1024x4x128xi32, #tpu.memory_space<hbm>> -> memref<1x4x128xi32, #tpu.memory_space<hbm>>
      %dma_wait3A_165 = tpu.memref_squeeze %dma_wait3A_164 : memref<1x4x128xi32, #tpu.memory_space<hbm>> -> memref<4x128xi32, #tpu.memory_space<hbm>>
      tpu.wait_dma2 semaphore(%dma_wait3A_161 : memref<!tpu.dma_semaphore, #tpu.memory_space<semaphore_mem>>) src(%dma_wait3A_165 : memref<4x128xi32, #tpu.memory_space<hbm>>) dst(%arg7 : memref<4x128xi32, #tpu.memory_space<vmem>>)
      %dma_wait3A_166 = arith.constant 0 : i32
      %dma_wait3A_167 = arith.constant 1 : i32
      %dma_wait3A_168 = arith.constant 0 : i32
      %dma_wait3A_169 = tpu.memref_slice %arg3[%dma_wait3A_166, %dma_wait3A_168] : memref<1024x128xf32, #tpu.memory_space<hbm>> -> memref<1x128xf32, #tpu.memory_space<hbm>>
      %dma_wait3A_170 = tpu.memref_squeeze %dma_wait3A_169 : memref<1x128xf32, #tpu.memory_space<hbm>> -> memref<128xf32, #tpu.memory_space<hbm>>
      %dma_wait3A_171 = tpu.memref_slice %arg17[%dma_wait3A_167] : memref<2x!tpu.dma_semaphore, #tpu.memory_space<semaphore_mem>> -> memref<1x!tpu.dma_semaphore, #tpu.memory_space<semaphore_mem>>
      %dma_wait3A_172 = tpu.memref_squeeze %dma_wait3A_171 : memref<1x!tpu.dma_semaphore, #tpu.memory_space<semaphore_mem>> -> memref<!tpu.dma_semaphore, #tpu.memory_space<semaphore_mem>>
      %dma_wait3A_173 = arith.constant 0 : i32
      %dma_wait3A_174 = tpu.memref_slice %arg3[%dma_wait3A_166, %dma_wait3A_173] : memref<1024x128xf32, #tpu.memory_space<hbm>> -> memref<1x128xf32, #tpu.memory_space<hbm>>
      %dma_wait3A_175 = tpu.memref_squeeze %dma_wait3A_174 : memref<1x128xf32, #tpu.memory_space<hbm>> -> memref<128xf32, #tpu.memory_space<hbm>>
      tpu.wait_dma2 semaphore(%dma_wait3A_172 : memref<!tpu.dma_semaphore, #tpu.memory_space<semaphore_mem>>) src(%dma_wait3A_175 : memref<128xf32, #tpu.memory_space<hbm>>) dst(%arg9 : memref<128xf32, #tpu.memory_space<vmem>>)
      %dma_start3A_176 = arith.constant 0 : i32
      %dma_start3A_177 = arith.constant 0 : i32
      %dma_start3A_178 = arith.constant 0 : i32
      %dma_start3A_179 = tpu.memref_slice %arg7[%dma_start3A_176, %dma_start3A_178] : memref<4x128xi32, #tpu.memory_space<vmem>> -> memref<1x128xi32, #tpu.memory_space<vmem>>
      %dma_start3A_180 = tpu.memref_squeeze %dma_start3A_179 : memref<1x128xi32, #tpu.memory_space<vmem>> -> memref<128xi32, #tpu.memory_space<vmem>>
      %dma_start3A_181 = arith.constant 0 : i32
      %dma_start3A_182 = arith.constant 0 : i32
      %dma_start3A_183 = tpu.memref_slice %arg4[%dma_start3A_181, %dma_start3A_182] : memref<100000x128xf32, #tpu.memory_space<hbm>> -> memref<100000x128xf32, #tpu.memory_space<hbm>>
      %dma_start3A_184 = tpu.memref_slice %arg16[%dma_start3A_177] : memref<4x!tpu.dma_semaphore, #tpu.memory_space<semaphore_mem>> -> memref<1x!tpu.dma_semaphore, #tpu.memory_space<semaphore_mem>>
      %dma_start3A_185 = tpu.memref_squeeze %dma_start3A_184 : memref<1x!tpu.dma_semaphore, #tpu.memory_space<semaphore_mem>> -> memref<!tpu.dma_semaphore, #tpu.memory_space<semaphore_mem>>
      tpu.enqueue_indirect_dma source(%dma_start3A_183 : memref<100000x128xf32, #tpu.memory_space<hbm>>) target(%arg10 : memref<128x128xf32, #tpu.memory_space<vmem>>) offsets(%dma_start3A_180 : memref<128xi32, #tpu.memory_space<vmem>>) semaphore(%dma_start3A_185 : memref<!tpu.dma_semaphore, #tpu.memory_space<semaphore_mem>>)
      %dma_wait3A_186 = arith.constant 0 : i32
      %dma_wait3A_187 = arith.constant 2 : i32
      %dma_wait3A_188 = arith.constant 0 : i32
      %dma_wait3A_189 = tpu.memref_slice %arg6[%dma_wait3A_186, %dma_wait3A_188] : memref<4x128xi32, #tpu.memory_space<vmem>> -> memref<1x128xi32, #tpu.memory_space<vmem>>
      %dma_wait3A_190 = tpu.memref_squeeze %dma_wait3A_189 : memref<1x128xi32, #tpu.memory_space<vmem>> -> memref<128xi32, #tpu.memory_space<vmem>>
      %dma_wait3A_191 = arith.constant 0 : i32
      %dma_wait3A_192 = arith.constant 0 : i32
      %dma_wait3A_193 = tpu.memref_slice %arg4[%dma_wait3A_191, %dma_wait3A_192] : memref<100000x128xf32, #tpu.memory_space<hbm>> -> memref<100000x128xf32, #tpu.memory_space<hbm>>
      %dma_wait3A_194 = tpu.memref_slice %arg16[%dma_wait3A_187] : memref<4x!tpu.dma_semaphore, #tpu.memory_space<semaphore_mem>> -> memref<1x!tpu.dma_semaphore, #tpu.memory_space<semaphore_mem>>
      %dma_wait3A_195 = tpu.memref_squeeze %dma_wait3A_194 : memref<1x!tpu.dma_semaphore, #tpu.memory_space<semaphore_mem>> -> memref<!tpu.dma_semaphore, #tpu.memory_space<semaphore_mem>>
      tpu.wait_indirect_dma semaphore(%dma_wait3A_195 : memref<!tpu.dma_semaphore, #tpu.memory_space<semaphore_mem>>) src(%dma_wait3A_193 : memref<100000x128xf32, #tpu.memory_space<hbm>>) dst(%arg12 : memref<128x128xf32, #tpu.memory_space<vmem>>)
      %get3A_196 = arith.constant 0 : index
      %get3A_197 = tpu.vector_load %arg8[%get3A_196] {strides = array<i32>} : memref<128xf32, #tpu.memory_space<vmem>>, vector<16xf32>,
      %get3A_198 = arith.constant 16 : index
      %get3A_199 = tpu.vector_load %arg8[%get3A_198] {strides = array<i32>} : memref<128xf32, #tpu.memory_space<vmem>>, vector<16xf32>,
      %get3A_200 = arith.constant 32 : index
      %get3A_201 = tpu.vector_load %arg8[%get3A_200] {strides = array<i32>} : memref<128xf32, #tpu.memory_space<vmem>>, vector<16xf32>,
      %get3A_202 = arith.constant 48 : index
      %get3A_203 = tpu.vector_load %arg8[%get3A_202] {strides = array<i32>} : memref<128xf32, #tpu.memory_space<vmem>>, vector<16xf32>,
      %get3A_204 = arith.constant 64 : index
      %get3A_205 = tpu.vector_load %arg8[%get3A_204] {strides = array<i32>} : memref<128xf32, #tpu.memory_space<vmem>>, vector<16xf32>,
      %get3A_206 = arith.constant 80 : index
      %get3A_207 = tpu.vector_load %arg8[%get3A_206] {strides = array<i32>} : memref<128xf32, #tpu.memory_space<vmem>>, vector<16xf32>,
      %get3A_208 = arith.constant 96 : index
      %get3A_209 = tpu.vector_load %arg8[%get3A_208] {strides = array<i32>} : memref<128xf32, #tpu.memory_space<vmem>>, vector<16xf32>,
      %get3A_210 = arith.constant 112 : index
      %get3A_211 = tpu.vector_load %arg8[%get3A_210] {strides = array<i32>} : memref<128xf32, #tpu.memory_space<vmem>>, vector<16xf32>,
      %parallel_loop3A_212 = arith.constant 0 : i32
      %parallel_loop3A_213 = arith.constant 128 : i32
      %parallel_loop3A_214 = arith.constant 1 : i32
      scf.for %parallel_loop3A_427 = %parallel_loop3A_212 to %parallel_loop3A_213 step %parallel_loop3A_214  : i32 {
        %parallel_loop3A_428 = arith.index_cast %parallel_loop3A_427 : i32 to index
        %parallel_loop3A_429 = arith.constant 0 : index
        %parallel_loop3A_430 = tpu.vector_load %arg12[%parallel_loop3A_428, %parallel_loop3A_429] {strides = array<i32>} : memref<128x128xf32, #tpu.memory_space<vmem>>, vector<16xf32>,
        %parallel_loop3A_431 = arith.mulf %parallel_loop3A_430, %get3A_197 : vector<16xf32>
        %parallel_loop3A_432 = arith.index_cast %parallel_loop3A_427 : i32 to index
        %parallel_loop3A_433 = arith.constant 16 : index
        %parallel_loop3A_434 = tpu.vector_load %arg12[%parallel_loop3A_432, %parallel_loop3A_433] {strides = array<i32>} : memref<128x128xf32, #tpu.memory_space<vmem>>, vector<16xf32>,
        %parallel_loop3A_435 = arith.mulf %parallel_loop3A_434, %get3A_199 : vector<16xf32>
        %parallel_loop3A_436 = arith.index_cast %parallel_loop3A_427 : i32 to index
        %parallel_loop3A_437 = arith.constant 32 : index
        %parallel_loop3A_438 = tpu.vector_load %arg12[%parallel_loop3A_436, %parallel_loop3A_437] {strides = array<i32>} : memref<128x128xf32, #tpu.memory_space<vmem>>, vector<16xf32>,
        %parallel_loop3A_439 = arith.mulf %parallel_loop3A_438, %get3A_201 : vector<16xf32>
        %parallel_loop3A_440 = arith.index_cast %parallel_loop3A_427 : i32 to index
        %parallel_loop3A_441 = arith.constant 48 : index
        %parallel_loop3A_442 = tpu.vector_load %arg12[%parallel_loop3A_440, %parallel_loop3A_441] {strides = array<i32>} : memref<128x128xf32, #tpu.memory_space<vmem>>, vector<16xf32>,
        %parallel_loop3A_443 = arith.mulf %parallel_loop3A_442, %get3A_203 : vector<16xf32>
        %parallel_loop3A_444 = arith.index_cast %parallel_loop3A_427 : i32 to index
        %parallel_loop3A_445 = arith.constant 64 : index
        %parallel_loop3A_446 = tpu.vector_load %arg12[%parallel_loop3A_444, %parallel_loop3A_445] {strides = array<i32>} : memref<128x128xf32, #tpu.memory_space<vmem>>, vector<16xf32>,
        %parallel_loop3A_447 = arith.mulf %parallel_loop3A_446, %get3A_205 : vector<16xf32>
        %parallel_loop3A_448 = arith.index_cast %parallel_loop3A_427 : i32 to index
        %parallel_loop3A_449 = arith.constant 80 : index
        %parallel_loop3A_450 = tpu.vector_load %arg12[%parallel_loop3A_448, %parallel_loop3A_449] {strides = array<i32>} : memref<128x128xf32, #tpu.memory_space<vmem>>, vector<16xf32>,
        %parallel_loop3A_451 = arith.mulf %parallel_loop3A_450, %get3A_207 : vector<16xf32>
        %parallel_loop3A_452 = arith.index_cast %parallel_loop3A_427 : i32 to index
        %parallel_loop3A_453 = arith.constant 96 : index
        %parallel_loop3A_454 = tpu.vector_load %arg12[%parallel_loop3A_452, %parallel_loop3A_453] {strides = array<i32>} : memref<128x128xf32, #tpu.memory_space<vmem>>, vector<16xf32>,
        %parallel_loop3A_455 = arith.mulf %parallel_loop3A_454, %get3A_209 : vector<16xf32>
        %parallel_loop3A_456 = arith.index_cast %parallel_loop3A_427 : i32 to index
        %parallel_loop3A_457 = arith.constant 112 : index
        %parallel_loop3A_458 = tpu.vector_load %arg12[%parallel_loop3A_456, %parallel_loop3A_457] {strides = array<i32>} : memref<128x128xf32, #tpu.memory_space<vmem>>, vector<16xf32>,
        %parallel_loop3A_459 = arith.mulf %parallel_loop3A_458, %get3A_211 : vector<16xf32>
        %parallel_loop3A_460 = arith.addf %parallel_loop3A_431, %parallel_loop3A_435 : vector<16xf32>
        %parallel_loop3A_461 = arith.addf %parallel_loop3A_439, %parallel_loop3A_443 : vector<16xf32>
        %parallel_loop3A_462 = arith.addf %parallel_loop3A_460, %parallel_loop3A_461 : vector<16xf32>
        %parallel_loop3A_463 = arith.addf %parallel_loop3A_447, %parallel_loop3A_451 : vector<16xf32>
        %parallel_loop3A_464 = arith.addf %parallel_loop3A_455, %parallel_loop3A_459 : vector<16xf32>
        %parallel_loop3A_465 = arith.addf %parallel_loop3A_463, %parallel_loop3A_464 : vector<16xf32>
        %parallel_loop3A_466 = arith.addf %parallel_loop3A_462, %parallel_loop3A_465 : vector<16xf32>
        %parallel_loop3A_467 = arith.constant true
        %parallel_loop3A_468 = vector.broadcast %parallel_loop3A_467 : i1 to vector<16xi1>
        %parallel_loop3A_469 = tpu.scan <sum>, %parallel_loop3A_466 masked %parallel_loop3A_468 : vector<16xf32>, vector<16xi1> -> vector<16xf32>
        %parallel_loop3A_470 = arith.constant 256 : i32
        %parallel_loop3A_471 = arith.addi %parallel_loop3A_470, %parallel_loop3A_427 : i32
        %parallel_loop3A_472 = vector.broadcast %parallel_loop3A_471 : i32 to vector<16xi32>
        tpu.vector_store_idx %arg14[%parallel_loop3A_472], %parallel_loop3A_469 masked %eq3A_2 : memref<512xf32, #tpu.memory_space<vmem>>[vector<16xi32>], vector<16xf32>, vector<16xi1>
      } {sc.loop_unroll_factor = 8 : i64, sc.parallel_access}
      %dma_start3A_215 = arith.constant 1 : i32
      %dma_start3A_216 = arith.constant 1 : i32
      %dma_start3A_217 = arith.constant 0 : i32
      %dma_start3A_218 = tpu.memref_slice %arg7[%dma_start3A_215, %dma_start3A_217] : memref<4x128xi32, #tpu.memory_space<vmem>> -> memref<1x128xi32, #tpu.memory_space<vmem>>
      %dma_start3A_219 = tpu.memref_squeeze %dma_start3A_218 : memref<1x128xi32, #tpu.memory_space<vmem>> -> memref<128xi32, #tpu.memory_space<vmem>>
      %dma_start3A_220 = arith.constant 0 : i32
      %dma_start3A_221 = arith.constant 0 : i32
      %dma_start3A_222 = tpu.memref_slice %arg4[%dma_start3A_220, %dma_start3A_221] : memref<100000x128xf32, #tpu.memory_space<hbm>> -> memref<100000x128xf32, #tpu.memory_space<hbm>>
      %dma_start3A_223 = tpu.memref_slice %arg16[%dma_start3A_216] : memref<4x!tpu.dma_semaphore, #tpu.memory_space<semaphore_mem>> -> memref<1x!tpu.dma_semaphore, #tpu.memory_space<semaphore_mem>>
      %dma_start3A_224 = tpu.memref_squeeze %dma_start3A_223 : memref<1x!tpu.dma_semaphore, #tpu.memory_space<semaphore_mem>> -> memref<!tpu.dma_semaphore, #tpu.memory_space<semaphore_mem>>
      tpu.enqueue_indirect_dma source(%dma_start3A_222 : memref<100000x128xf32, #tpu.memory_space<hbm>>) target(%arg11 : memref<128x128xf32, #tpu.memory_space<vmem>>) offsets(%dma_start3A_219 : memref<128xi32, #tpu.memory_space<vmem>>) semaphore(%dma_start3A_224 : memref<!tpu.dma_semaphore, #tpu.memory_space<semaphore_mem>>)
      %dma_wait3A_225 = arith.constant 0 : i32
      %dma_wait3A_226 = arith.constant 3 : i32
      %dma_wait3A_227 = arith.constant 0 : i32
      %dma_wait3A_228 = tpu.memref_slice %arg6[%dma_wait3A_225, %dma_wait3A_227] : memref<4x128xi32, #tpu.memory_space<vmem>> -> memref<1x128xi32, #tpu.memory_space<vmem>>
      %dma_wait3A_229 = tpu.memref_squeeze %dma_wait3A_228 : memref<1x128xi32, #tpu.memory_space<vmem>> -> memref<128xi32, #tpu.memory_space<vmem>>
      %dma_wait3A_230 = arith.constant 0 : i32
      %dma_wait3A_231 = arith.constant 0 : i32
      %dma_wait3A_232 = tpu.memref_slice %arg4[%dma_wait3A_230, %dma_wait3A_231] : memref<100000x128xf32, #tpu.memory_space<hbm>> -> memref<100000x128xf32, #tpu.memory_space<hbm>>
      %dma_wait3A_233 = tpu.memref_slice %arg16[%dma_wait3A_226] : memref<4x!tpu.dma_semaphore, #tpu.memory_space<semaphore_mem>> -> memref<1x!tpu.dma_semaphore, #tpu.memory_space<semaphore_mem>>
      %dma_wait3A_234 = tpu.memref_squeeze %dma_wait3A_233 : memref<1x!tpu.dma_semaphore, #tpu.memory_space<semaphore_mem>> -> memref<!tpu.dma_semaphore, #tpu.memory_space<semaphore_mem>>
      tpu.wait_indirect_dma semaphore(%dma_wait3A_234 : memref<!tpu.dma_semaphore, #tpu.memory_space<semaphore_mem>>) src(%dma_wait3A_232 : memref<100000x128xf32, #tpu.memory_space<hbm>>) dst(%arg13 : memref<128x128xf32, #tpu.memory_space<vmem>>)
      %lt3A = arith.constant 15 : i32
      %lt3A_235 = arith.cmpi slt, %scan3A_48, %lt3A : i32
      %convert_element_type3A_236 = arith.extui %lt3A_235 : i1 to i32
      %cond3A_237 = arith.constant 0 : i32
      %cond3A_238 = arith.cmpi ne, %convert_element_type3A_236, %cond3A_237 : i32
      scf.if %cond3A_238 {
        %dma_start3A_427 = arith.constant 0 : i32
        %dma_start3A_428 = arith.constant 0 : i32
        %dma_start3A_429 = arith.constant 0 : i32
        %dma_start3A_430 = tpu.memref_slice %arg2[%add3A_55, %dma_start3A_428, %dma_start3A_429] : memref<1024x4x128xi32, #tpu.memory_space<hbm>> -> memref<1x4x128xi32, #tpu.memory_space<hbm>>
        %dma_start3A_431 = tpu.memref_squeeze %dma_start3A_430 : memref<1x4x128xi32, #tpu.memory_space<hbm>> -> memref<4x128xi32, #tpu.memory_space<hbm>>
        %dma_start3A_432 = tpu.memref_slice %arg17[%dma_start3A_427] : memref<2x!tpu.dma_semaphore, #tpu.memory_space<semaphore_mem>> -> memref<1x!tpu.dma_semaphore, #tpu.memory_space<semaphore_mem>>
        %dma_start3A_433 = tpu.memref_squeeze %dma_start3A_432 : memref<1x!tpu.dma_semaphore, #tpu.memory_space<semaphore_mem>> -> memref<!tpu.dma_semaphore, #tpu.memory_space<semaphore_mem>>
        %dma_start3A_434 = arith.constant 0 : i32
        %dma_start3A_435 = arith.constant 0 : i32
        %dma_start3A_436 = tpu.memref_slice %arg2[%add3A_55, %dma_start3A_434, %dma_start3A_435] : memref<1024x4x128xi32, #tpu.memory_space<hbm>> -> memref<1x4x128xi32, #tpu.memory_space<hbm>>
        %dma_start3A_437 = tpu.memref_squeeze %dma_start3A_436 : memref<1x4x128xi32, #tpu.memory_space<hbm>> -> memref<4x128xi32, #tpu.memory_space<hbm>>
        tpu.enqueue_dma source(%dma_start3A_437 : memref<4x128xi32, #tpu.memory_space<hbm>>) target(%arg6 : memref<4x128xi32, #tpu.memory_space<vmem>>) target_semaphore(%dma_start3A_433 : memref<!tpu.dma_semaphore, #tpu.memory_space<semaphore_mem>>)
        %dma_start3A_438 = arith.constant 0 : i32
        %dma_start3A_439 = arith.constant 0 : i32
        %dma_start3A_440 = tpu.memref_slice %arg3[%add3A_55, %dma_start3A_439] : memref<1024x128xf32, #tpu.memory_space<hbm>> -> memref<1x128xf32, #tpu.memory_space<hbm>>
        %dma_start3A_441 = tpu.memref_squeeze %dma_start3A_440 : memref<1x128xf32, #tpu.memory_space<hbm>> -> memref<128xf32, #tpu.memory_space<hbm>>
        %dma_start3A_442 = tpu.memref_slice %arg17[%dma_start3A_438] : memref<2x!tpu.dma_semaphore, #tpu.memory_space<semaphore_mem>> -> memref<1x!tpu.dma_semaphore, #tpu.memory_space<semaphore_mem>>
        %dma_start3A_443 = tpu.memref_squeeze %dma_start3A_442 : memref<1x!tpu.dma_semaphore, #tpu.memory_space<semaphore_mem>> -> memref<!tpu.dma_semaphore, #tpu.memory_space<semaphore_mem>>
        %dma_start3A_444 = arith.constant 0 : i32
        %dma_start3A_445 = tpu.memref_slice %arg3[%add3A_55, %dma_start3A_444] : memref<1024x128xf32, #tpu.memory_space<hbm>> -> memref<1x128xf32, #tpu.memory_space<hbm>>
        %dma_start3A_446 = tpu.memref_squeeze %dma_start3A_445 : memref<1x128xf32, #tpu.memory_space<hbm>> -> memref<128xf32, #tpu.memory_space<hbm>>
        tpu.enqueue_dma source(%dma_start3A_446 : memref<128xf32, #tpu.memory_space<hbm>>) target(%arg8 : memref<128xf32, #tpu.memory_space<vmem>>) target_semaphore(%dma_start3A_443 : memref<!tpu.dma_semaphore, #tpu.memory_space<semaphore_mem>>)
      } else {
      }
      %get3A_239 = arith.constant 0 : index
      %get3A_240 = tpu.vector_load %arg8[%get3A_239] {strides = array<i32>} : memref<128xf32, #tpu.memory_space<vmem>>, vector<16xf32>,
      %get3A_241 = arith.constant 16 : index
      %get3A_242 = tpu.vector_load %arg8[%get3A_241] {strides = array<i32>} : memref<128xf32, #tpu.memory_space<vmem>>, vector<16xf32>,
      %get3A_243 = arith.constant 32 : index
      %get3A_244 = tpu.vector_load %arg8[%get3A_243] {strides = array<i32>} : memref<128xf32, #tpu.memory_space<vmem>>, vector<16xf32>,
      %get3A_245 = arith.constant 48 : index
      %get3A_246 = tpu.vector_load %arg8[%get3A_245] {strides = array<i32>} : memref<128xf32, #tpu.memory_space<vmem>>, vector<16xf32>,
      %get3A_247 = arith.constant 64 : index
      %get3A_248 = tpu.vector_load %arg8[%get3A_247] {strides = array<i32>} : memref<128xf32, #tpu.memory_space<vmem>>, vector<16xf32>,
      %get3A_249 = arith.constant 80 : index
      %get3A_250 = tpu.vector_load %arg8[%get3A_249] {strides = array<i32>} : memref<128xf32, #tpu.memory_space<vmem>>, vector<16xf32>,
      %get3A_251 = arith.constant 96 : index
      %get3A_252 = tpu.vector_load %arg8[%get3A_251] {strides = array<i32>} : memref<128xf32, #tpu.memory_space<vmem>>, vector<16xf32>,
      %get3A_253 = arith.constant 112 : index
      %get3A_254 = tpu.vector_load %arg8[%get3A_253] {strides = array<i32>} : memref<128xf32, #tpu.memory_space<vmem>>, vector<16xf32>,
      %parallel_loop3A_255 = arith.constant 0 : i32
      %parallel_loop3A_256 = arith.constant 128 : i32
      %parallel_loop3A_257 = arith.constant 1 : i32
      scf.for %parallel_loop3A_427 = %parallel_loop3A_255 to %parallel_loop3A_256 step %parallel_loop3A_257  : i32 {
        %parallel_loop3A_428 = arith.index_cast %parallel_loop3A_427 : i32 to index
        %parallel_loop3A_429 = arith.constant 0 : index
        %parallel_loop3A_430 = tpu.vector_load %arg13[%parallel_loop3A_428, %parallel_loop3A_429] {strides = array<i32>} : memref<128x128xf32, #tpu.memory_space<vmem>>, vector<16xf32>,
        %parallel_loop3A_431 = arith.mulf %parallel_loop3A_430, %get3A_240 : vector<16xf32>
        %parallel_loop3A_432 = arith.index_cast %parallel_loop3A_427 : i32 to index
        %parallel_loop3A_433 = arith.constant 16 : index
        %parallel_loop3A_434 = tpu.vector_load %arg13[%parallel_loop3A_432, %parallel_loop3A_433] {strides = array<i32>} : memref<128x128xf32, #tpu.memory_space<vmem>>, vector<16xf32>,
        %parallel_loop3A_435 = arith.mulf %parallel_loop3A_434, %get3A_242 : vector<16xf32>
        %parallel_loop3A_436 = arith.index_cast %parallel_loop3A_427 : i32 to index
        %parallel_loop3A_437 = arith.constant 32 : index
        %parallel_loop3A_438 = tpu.vector_load %arg13[%parallel_loop3A_436, %parallel_loop3A_437] {strides = array<i32>} : memref<128x128xf32, #tpu.memory_space<vmem>>, vector<16xf32>,
        %parallel_loop3A_439 = arith.mulf %parallel_loop3A_438, %get3A_244 : vector<16xf32>
        %parallel_loop3A_440 = arith.index_cast %parallel_loop3A_427 : i32 to index
        %parallel_loop3A_441 = arith.constant 48 : index
        %parallel_loop3A_442 = tpu.vector_load %arg13[%parallel_loop3A_440, %parallel_loop3A_441] {strides = array<i32>} : memref<128x128xf32, #tpu.memory_space<vmem>>, vector<16xf32>,
        %parallel_loop3A_443 = arith.mulf %parallel_loop3A_442, %get3A_246 : vector<16xf32>
        %parallel_loop3A_444 = arith.index_cast %parallel_loop3A_427 : i32 to index
        %parallel_loop3A_445 = arith.constant 64 : index
        %parallel_loop3A_446 = tpu.vector_load %arg13[%parallel_loop3A_444, %parallel_loop3A_445] {strides = array<i32>} : memref<128x128xf32, #tpu.memory_space<vmem>>, vector<16xf32>,
        %parallel_loop3A_447 = arith.mulf %parallel_loop3A_446, %get3A_248 : vector<16xf32>
        %parallel_loop3A_448 = arith.index_cast %parallel_loop3A_427 : i32 to index
        %parallel_loop3A_449 = arith.constant 80 : index
        %parallel_loop3A_450 = tpu.vector_load %arg13[%parallel_loop3A_448, %parallel_loop3A_449] {strides = array<i32>} : memref<128x128xf32, #tpu.memory_space<vmem>>, vector<16xf32>,
        %parallel_loop3A_451 = arith.mulf %parallel_loop3A_450, %get3A_250 : vector<16xf32>
        %parallel_loop3A_452 = arith.index_cast %parallel_loop3A_427 : i32 to index
        %parallel_loop3A_453 = arith.constant 96 : index
        %parallel_loop3A_454 = tpu.vector_load %arg13[%parallel_loop3A_452, %parallel_loop3A_453] {strides = array<i32>} : memref<128x128xf32, #tpu.memory_space<vmem>>, vector<16xf32>,
        %parallel_loop3A_455 = arith.mulf %parallel_loop3A_454, %get3A_252 : vector<16xf32>
        %parallel_loop3A_456 = arith.index_cast %parallel_loop3A_427 : i32 to index
        %parallel_loop3A_457 = arith.constant 112 : index
        %parallel_loop3A_458 = tpu.vector_load %arg13[%parallel_loop3A_456, %parallel_loop3A_457] {strides = array<i32>} : memref<128x128xf32, #tpu.memory_space<vmem>>, vector<16xf32>,
        %parallel_loop3A_459 = arith.mulf %parallel_loop3A_458, %get3A_254 : vector<16xf32>
        %parallel_loop3A_460 = arith.addf %parallel_loop3A_431, %parallel_loop3A_435 : vector<16xf32>
        %parallel_loop3A_461 = arith.addf %parallel_loop3A_439, %parallel_loop3A_443 : vector<16xf32>
        %parallel_loop3A_462 = arith.addf %parallel_loop3A_460, %parallel_loop3A_461 : vector<16xf32>
        %parallel_loop3A_463 = arith.addf %parallel_loop3A_447, %parallel_loop3A_451 : vector<16xf32>
        %parallel_loop3A_464 = arith.addf %parallel_loop3A_455, %parallel_loop3A_459 : vector<16xf32>
        %parallel_loop3A_465 = arith.addf %parallel_loop3A_463, %parallel_loop3A_464 : vector<16xf32>
        %parallel_loop3A_466 = arith.addf %parallel_loop3A_462, %parallel_loop3A_465 : vector<16xf32>
        %parallel_loop3A_467 = arith.constant true
        %parallel_loop3A_468 = vector.broadcast %parallel_loop3A_467 : i1 to vector<16xi1>
        %parallel_loop3A_469 = tpu.scan <sum>, %parallel_loop3A_466 masked %parallel_loop3A_468 : vector<16xf32>, vector<16xi1> -> vector<16xf32>
        %parallel_loop3A_470 = arith.constant 384 : i32
        %parallel_loop3A_471 = arith.addi %parallel_loop3A_470, %parallel_loop3A_427 : i32
        %parallel_loop3A_472 = vector.broadcast %parallel_loop3A_471 : i32 to vector<16xi32>
        tpu.vector_store_idx %arg14[%parallel_loop3A_472], %parallel_loop3A_469 masked %eq3A_2 : memref<512xf32, #tpu.memory_space<vmem>>[vector<16xi32>], vector<16xf32>, vector<16xi1>
      } {sc.loop_unroll_factor = 8 : i64, sc.parallel_access}
      %dma_start3A_258 = arith.constant 0 : i32
      %dma_start3A_259 = arith.constant 0 : i32
      %dma_start3A_260 = tpu.memref_slice %arg5[%add3A_51, %dma_start3A_259] : memref<1024x512xf32, #tpu.memory_space<hbm>> -> memref<1x512xf32, #tpu.memory_space<hbm>>
      %dma_start3A_261 = tpu.memref_squeeze %dma_start3A_260 : memref<1x512xf32, #tpu.memory_space<hbm>> -> memref<512xf32, #tpu.memory_space<hbm>>
      %dma_start3A_262 = tpu.memref_slice %arg18[%dma_start3A_258] : memref<2x!tpu.dma_semaphore, #tpu.memory_space<semaphore_mem>> -> memref<1x!tpu.dma_semaphore, #tpu.memory_space<semaphore_mem>>
      %dma_start3A_263 = tpu.memref_squeeze %dma_start3A_262 : memref<1x!tpu.dma_semaphore, #tpu.memory_space<semaphore_mem>> -> memref<!tpu.dma_semaphore, #tpu.memory_space<semaphore_mem>>
      %dma_start3A_264 = arith.constant 0 : i32
      %dma_start3A_265 = tpu.memref_slice %arg5[%add3A_51, %dma_start3A_264] : memref<1024x512xf32, #tpu.memory_space<hbm>> -> memref<1x512xf32, #tpu.memory_space<hbm>>
      %dma_start3A_266 = tpu.memref_squeeze %dma_start3A_265 : memref<1x512xf32, #tpu.memory_space<hbm>> -> memref<512xf32, #tpu.memory_space<hbm>>
      tpu.enqueue_dma source(%arg14 : memref<512xf32, #tpu.memory_space<vmem>>) target(%dma_start3A_266 : memref<512xf32, #tpu.memory_space<hbm>>) target_semaphore(%dma_start3A_263 : memref<!tpu.dma_semaphore, #tpu.memory_space<semaphore_mem>>)
      %dma_start3A_267 = arith.constant 2 : i32
      %dma_start3A_268 = arith.constant 2 : i32
      %dma_start3A_269 = arith.constant 0 : i32
      %dma_start3A_270 = tpu.memref_slice %arg7[%dma_start3A_267, %dma_start3A_269] : memref<4x128xi32, #tpu.memory_space<vmem>> -> memref<1x128xi32, #tpu.memory_space<vmem>>
      %dma_start3A_271 = tpu.memref_squeeze %dma_start3A_270 : memref<1x128xi32, #tpu.memory_space<vmem>> -> memref<128xi32, #tpu.memory_space<vmem>>
      %dma_start3A_272 = arith.constant 0 : i32
      %dma_start3A_273 = arith.constant 0 : i32
      %dma_start3A_274 = tpu.memref_slice %arg4[%dma_start3A_272, %dma_start3A_273] : memref<100000x128xf32, #tpu.memory_space<hbm>> -> memref<100000x128xf32, #tpu.memory_space<hbm>>
      %dma_start3A_275 = tpu.memref_slice %arg16[%dma_start3A_268] : memref<4x!tpu.dma_semaphore, #tpu.memory_space<semaphore_mem>> -> memref<1x!tpu.dma_semaphore, #tpu.memory_space<semaphore_mem>>
      %dma_start3A_276 = tpu.memref_squeeze %dma_start3A_275 : memref<1x!tpu.dma_semaphore, #tpu.memory_space<semaphore_mem>> -> memref<!tpu.dma_semaphore, #tpu.memory_space<semaphore_mem>>
      tpu.enqueue_indirect_dma source(%dma_start3A_274 : memref<100000x128xf32, #tpu.memory_space<hbm>>) target(%arg12 : memref<128x128xf32, #tpu.memory_space<vmem>>) offsets(%dma_start3A_271 : memref<128xi32, #tpu.memory_space<vmem>>) semaphore(%dma_start3A_276 : memref<!tpu.dma_semaphore, #tpu.memory_space<semaphore_mem>>)
      %ge3A_277 = arith.constant 1 : i32
      %ge3A_278 = arith.cmpi sge, %scan3A_48, %ge3A_277 : i32
      %convert_element_type3A_279 = arith.extui %ge3A_278 : i1 to i32
      %cond3A_280 = arith.constant 0 : i32
      %cond3A_281 = arith.cmpi ne, %convert_element_type3A_279, %cond3A_280 : i32
      scf.if %cond3A_281 {
        %dma_wait3A_427 = arith.constant 0 : i32
        %dma_wait3A_428 = arith.constant 1 : i32
        %dma_wait3A_429 = arith.constant 0 : i32
        %dma_wait3A_430 = tpu.memref_slice %arg5[%dma_wait3A_427, %dma_wait3A_429] : memref<1024x512xf32, #tpu.memory_space<hbm>> -> memref<1x512xf32, #tpu.memory_space<hbm>>
        %dma_wait3A_431 = tpu.memref_squeeze %dma_wait3A_430 : memref<1x512xf32, #tpu.memory_space<hbm>> -> memref<512xf32, #tpu.memory_space<hbm>>
        %dma_wait3A_432 = tpu.memref_slice %arg18[%dma_wait3A_428] : memref<2x!tpu.dma_semaphore, #tpu.memory_space<semaphore_mem>> -> memref<1x!tpu.dma_semaphore, #tpu.memory_space<semaphore_mem>>
        %dma_wait3A_433 = tpu.memref_squeeze %dma_wait3A_432 : memref<1x!tpu.dma_semaphore, #tpu.memory_space<semaphore_mem>> -> memref<!tpu.dma_semaphore, #tpu.memory_space<semaphore_mem>>
        %dma_wait3A_434 = arith.constant 0 : i32
        %dma_wait3A_435 = tpu.memref_slice %arg5[%dma_wait3A_427, %dma_wait3A_434] : memref<1024x512xf32, #tpu.memory_space<hbm>> -> memref<1x512xf32, #tpu.memory_space<hbm>>
        %dma_wait3A_436 = tpu.memref_squeeze %dma_wait3A_435 : memref<1x512xf32, #tpu.memory_space<hbm>> -> memref<512xf32, #tpu.memory_space<hbm>>
        tpu.wait_dma2 semaphore(%dma_wait3A_433 : memref<!tpu.dma_semaphore, #tpu.memory_space<semaphore_mem>>) src(%arg15 : memref<512xf32, #tpu.memory_space<vmem>>) dst(%dma_wait3A_436 : memref<512xf32, #tpu.memory_space<hbm>>)
      } else {
      }
      %dma_wait3A_282 = arith.constant 0 : i32
      %dma_wait3A_283 = arith.constant 0 : i32
      %dma_wait3A_284 = arith.constant 0 : i32
      %dma_wait3A_285 = tpu.memref_slice %arg6[%dma_wait3A_282, %dma_wait3A_284] : memref<4x128xi32, #tpu.memory_space<vmem>> -> memref<1x128xi32, #tpu.memory_space<vmem>>
      %dma_wait3A_286 = tpu.memref_squeeze %dma_wait3A_285 : memref<1x128xi32, #tpu.memory_space<vmem>> -> memref<128xi32, #tpu.memory_space<vmem>>
      %dma_wait3A_287 = arith.constant 0 : i32
      %dma_wait3A_288 = arith.constant 0 : i32
      %dma_wait3A_289 = tpu.memref_slice %arg4[%dma_wait3A_287, %dma_wait3A_288] : memref<100000x128xf32, #tpu.memory_space<hbm>> -> memref<100000x128xf32, #tpu.memory_space<hbm>>
      %dma_wait3A_290 = tpu.memref_slice %arg16[%dma_wait3A_283] : memref<4x!tpu.dma_semaphore, #tpu.memory_space<semaphore_mem>> -> memref<1x!tpu.dma_semaphore, #tpu.memory_space<semaphore_mem>>
      %dma_wait3A_291 = tpu.memref_squeeze %dma_wait3A_290 : memref<1x!tpu.dma_semaphore, #tpu.memory_space<semaphore_mem>> -> memref<!tpu.dma_semaphore, #tpu.memory_space<semaphore_mem>>
      tpu.wait_indirect_dma semaphore(%dma_wait3A_291 : memref<!tpu.dma_semaphore, #tpu.memory_space<semaphore_mem>>) src(%dma_wait3A_289 : memref<100000x128xf32, #tpu.memory_space<hbm>>) dst(%arg10 : memref<128x128xf32, #tpu.memory_space<vmem>>)
      %get3A_292 = arith.constant 0 : index
      %get3A_293 = tpu.vector_load %arg9[%get3A_292] {strides = array<i32>} : memref<128xf32, #tpu.memory_space<vmem>>, vector<16xf32>,
      %get3A_294 = arith.constant 16 : index
      %get3A_295 = tpu.vector_load %arg9[%get3A_294] {strides = array<i32>} : memref<128xf32, #tpu.memory_space<vmem>>, vector<16xf32>,
      %get3A_296 = arith.constant 32 : index
      %get3A_297 = tpu.vector_load %arg9[%get3A_296] {strides = array<i32>} : memref<128xf32, #tpu.memory_space<vmem>>, vector<16xf32>,
      %get3A_298 = arith.constant 48 : index
      %get3A_299 = tpu.vector_load %arg9[%get3A_298] {strides = array<i32>} : memref<128xf32, #tpu.memory_space<vmem>>, vector<16xf32>,
      %get3A_300 = arith.constant 64 : index
      %get3A_301 = tpu.vector_load %arg9[%get3A_300] {strides = array<i32>} : memref<128xf32, #tpu.memory_space<vmem>>, vector<16xf32>,
      %get3A_302 = arith.constant 80 : index
      %get3A_303 = tpu.vector_load %arg9[%get3A_302] {strides = array<i32>} : memref<128xf32, #tpu.memory_space<vmem>>, vector<16xf32>,
      %get3A_304 = arith.constant 96 : index
      %get3A_305 = tpu.vector_load %arg9[%get3A_304] {strides = array<i32>} : memref<128xf32, #tpu.memory_space<vmem>>, vector<16xf32>,
      %get3A_306 = arith.constant 112 : index
      %get3A_307 = tpu.vector_load %arg9[%get3A_306] {strides = array<i32>} : memref<128xf32, #tpu.memory_space<vmem>>, vector<16xf32>,
      %parallel_loop3A_308 = arith.constant 0 : i32
      %parallel_loop3A_309 = arith.constant 128 : i32
      %parallel_loop3A_310 = arith.constant 1 : i32
      scf.for %parallel_loop3A_427 = %parallel_loop3A_308 to %parallel_loop3A_309 step %parallel_loop3A_310  : i32 {
        %parallel_loop3A_428 = arith.index_cast %parallel_loop3A_427 : i32 to index
        %parallel_loop3A_429 = arith.constant 0 : index
        %parallel_loop3A_430 = tpu.vector_load %arg10[%parallel_loop3A_428, %parallel_loop3A_429] {strides = array<i32>} : memref<128x128xf32, #tpu.memory_space<vmem>>, vector<16xf32>,
        %parallel_loop3A_431 = arith.mulf %parallel_loop3A_430, %get3A_293 : vector<16xf32>
        %parallel_loop3A_432 = arith.index_cast %parallel_loop3A_427 : i32 to index
        %parallel_loop3A_433 = arith.constant 16 : index
        %parallel_loop3A_434 = tpu.vector_load %arg10[%parallel_loop3A_432, %parallel_loop3A_433] {strides = array<i32>} : memref<128x128xf32, #tpu.memory_space<vmem>>, vector<16xf32>,
        %parallel_loop3A_435 = arith.mulf %parallel_loop3A_434, %get3A_295 : vector<16xf32>
        %parallel_loop3A_436 = arith.index_cast %parallel_loop3A_427 : i32 to index
        %parallel_loop3A_437 = arith.constant 32 : index
        %parallel_loop3A_438 = tpu.vector_load %arg10[%parallel_loop3A_436, %parallel_loop3A_437] {strides = array<i32>} : memref<128x128xf32, #tpu.memory_space<vmem>>, vector<16xf32>,
        %parallel_loop3A_439 = arith.mulf %parallel_loop3A_438, %get3A_297 : vector<16xf32>
        %parallel_loop3A_440 = arith.index_cast %parallel_loop3A_427 : i32 to index
        %parallel_loop3A_441 = arith.constant 48 : index
        %parallel_loop3A_442 = tpu.vector_load %arg10[%parallel_loop3A_440, %parallel_loop3A_441] {strides = array<i32>} : memref<128x128xf32, #tpu.memory_space<vmem>>, vector<16xf32>,
        %parallel_loop3A_443 = arith.mulf %parallel_loop3A_442, %get3A_299 : vector<16xf32>
        %parallel_loop3A_444 = arith.index_cast %parallel_loop3A_427 : i32 to index
        %parallel_loop3A_445 = arith.constant 64 : index
        %parallel_loop3A_446 = tpu.vector_load %arg10[%parallel_loop3A_444, %parallel_loop3A_445] {strides = array<i32>} : memref<128x128xf32, #tpu.memory_space<vmem>>, vector<16xf32>,
        %parallel_loop3A_447 = arith.mulf %parallel_loop3A_446, %get3A_301 : vector<16xf32>
        %parallel_loop3A_448 = arith.index_cast %parallel_loop3A_427 : i32 to index
        %parallel_loop3A_449 = arith.constant 80 : index
        %parallel_loop3A_450 = tpu.vector_load %arg10[%parallel_loop3A_448, %parallel_loop3A_449] {strides = array<i32>} : memref<128x128xf32, #tpu.memory_space<vmem>>, vector<16xf32>,
        %parallel_loop3A_451 = arith.mulf %parallel_loop3A_450, %get3A_303 : vector<16xf32>
        %parallel_loop3A_452 = arith.index_cast %parallel_loop3A_427 : i32 to index
        %parallel_loop3A_453 = arith.constant 96 : index
        %parallel_loop3A_454 = tpu.vector_load %arg10[%parallel_loop3A_452, %parallel_loop3A_453] {strides = array<i32>} : memref<128x128xf32, #tpu.memory_space<vmem>>, vector<16xf32>,
        %parallel_loop3A_455 = arith.mulf %parallel_loop3A_454, %get3A_305 : vector<16xf32>
        %parallel_loop3A_456 = arith.index_cast %parallel_loop3A_427 : i32 to index
        %parallel_loop3A_457 = arith.constant 112 : index
        %parallel_loop3A_458 = tpu.vector_load %arg10[%parallel_loop3A_456, %parallel_loop3A_457] {strides = array<i32>} : memref<128x128xf32, #tpu.memory_space<vmem>>, vector<16xf32>,
        %parallel_loop3A_459 = arith.mulf %parallel_loop3A_458, %get3A_307 : vector<16xf32>
        %parallel_loop3A_460 = arith.addf %parallel_loop3A_431, %parallel_loop3A_435 : vector<16xf32>
        %parallel_loop3A_461 = arith.addf %parallel_loop3A_439, %parallel_loop3A_443 : vector<16xf32>
        %parallel_loop3A_462 = arith.addf %parallel_loop3A_460, %parallel_loop3A_461 : vector<16xf32>
        %parallel_loop3A_463 = arith.addf %parallel_loop3A_447, %parallel_loop3A_451 : vector<16xf32>
        %parallel_loop3A_464 = arith.addf %parallel_loop3A_455, %parallel_loop3A_459 : vector<16xf32>
        %parallel_loop3A_465 = arith.addf %parallel_loop3A_463, %parallel_loop3A_464 : vector<16xf32>
        %parallel_loop3A_466 = arith.addf %parallel_loop3A_462, %parallel_loop3A_465 : vector<16xf32>
        %parallel_loop3A_467 = arith.constant true
        %parallel_loop3A_468 = vector.broadcast %parallel_loop3A_467 : i1 to vector<16xi1>
        %parallel_loop3A_469 = tpu.scan <sum>, %parallel_loop3A_466 masked %parallel_loop3A_468 : vector<16xf32>, vector<16xi1> -> vector<16xf32>
        %parallel_loop3A_470 = arith.constant 0 : i32
        %parallel_loop3A_471 = arith.addi %parallel_loop3A_470, %parallel_loop3A_427 : i32
        %parallel_loop3A_472 = vector.broadcast %parallel_loop3A_471 : i32 to vector<16xi32>
        tpu.vector_store_idx %arg15[%parallel_loop3A_472], %parallel_loop3A_469 masked %eq3A_2 : memref<512xf32, #tpu.memory_space<vmem>>[vector<16xi32>], vector<16xf32>, vector<16xi1>
      } {sc.loop_unroll_factor = 8 : i64, sc.parallel_access}
      %dma_start3A_311 = arith.constant 3 : i32
      %dma_start3A_312 = arith.constant 3 : i32
      %dma_start3A_313 = arith.constant 0 : i32
      %dma_start3A_314 = tpu.memref_slice %arg7[%dma_start3A_311, %dma_start3A_313] : memref<4x128xi32, #tpu.memory_space<vmem>> -> memref<1x128xi32, #tpu.memory_space<vmem>>
      %dma_start3A_315 = tpu.memref_squeeze %dma_start3A_314 : memref<1x128xi32, #tpu.memory_space<vmem>> -> memref<128xi32, #tpu.memory_space<vmem>>
      %dma_start3A_316 = arith.constant 0 : i32
      %dma_start3A_317 = arith.constant 0 : i32
      %dma_start3A_318 = tpu.memref_slice %arg4[%dma_start3A_316, %dma_start3A_317] : memref<100000x128xf32, #tpu.memory_space<hbm>> -> memref<100000x128xf32, #tpu.memory_space<hbm>>
      %dma_start3A_319 = tpu.memref_slice %arg16[%dma_start3A_312] : memref<4x!tpu.dma_semaphore, #tpu.memory_space<semaphore_mem>> -> memref<1x!tpu.dma_semaphore, #tpu.memory_space<semaphore_mem>>
      %dma_start3A_320 = tpu.memref_squeeze %dma_start3A_319 : memref<1x!tpu.dma_semaphore, #tpu.memory_space<semaphore_mem>> -> memref<!tpu.dma_semaphore, #tpu.memory_space<semaphore_mem>>
      tpu.enqueue_indirect_dma source(%dma_start3A_318 : memref<100000x128xf32, #tpu.memory_space<hbm>>) target(%arg13 : memref<128x128xf32, #tpu.memory_space<vmem>>) offsets(%dma_start3A_315 : memref<128xi32, #tpu.memory_space<vmem>>) semaphore(%dma_start3A_320 : memref<!tpu.dma_semaphore, #tpu.memory_space<semaphore_mem>>)
      %dma_wait3A_321 = arith.constant 0 : i32
      %dma_wait3A_322 = arith.constant 1 : i32
      %dma_wait3A_323 = arith.constant 0 : i32
      %dma_wait3A_324 = tpu.memref_slice %arg6[%dma_wait3A_321, %dma_wait3A_323] : memref<4x128xi32, #tpu.memory_space<vmem>> -> memref<1x128xi32, #tpu.memory_space<vmem>>
      %dma_wait3A_325 = tpu.memref_squeeze %dma_wait3A_324 : memref<1x128xi32, #tpu.memory_space<vmem>> -> memref<128xi32, #tpu.memory_space<vmem>>
      %dma_wait3A_326 = arith.constant 0 : i32
      %dma_wait3A_327 = arith.constant 0 : i32
      %dma_wait3A_328 = tpu.memref_slice %arg4[%dma_wait3A_326, %dma_wait3A_327] : memref<100000x128xf32, #tpu.memory_space<hbm>> -> memref<100000x128xf32, #tpu.memory_space<hbm>>
      %dma_wait3A_329 = tpu.memref_slice %arg16[%dma_wait3A_322] : memref<4x!tpu.dma_semaphore, #tpu.memory_space<semaphore_mem>> -> memref<1x!tpu.dma_semaphore, #tpu.memory_space<semaphore_mem>>
      %dma_wait3A_330 = tpu.memref_squeeze %dma_wait3A_329 : memref<1x!tpu.dma_semaphore, #tpu.memory_space<semaphore_mem>> -> memref<!tpu.dma_semaphore, #tpu.memory_space<semaphore_mem>>
      tpu.wait_indirect_dma semaphore(%dma_wait3A_330 : memref<!tpu.dma_semaphore, #tpu.memory_space<semaphore_mem>>) src(%dma_wait3A_328 : memref<100000x128xf32, #tpu.memory_space<hbm>>) dst(%arg11 : memref<128x128xf32, #tpu.memory_space<vmem>>)
      %get3A_331 = arith.constant 0 : index
      %get3A_332 = tpu.vector_load %arg9[%get3A_331] {strides = array<i32>} : memref<128xf32, #tpu.memory_space<vmem>>, vector<16xf32>,
      %get3A_333 = arith.constant 16 : index
      %get3A_334 = tpu.vector_load %arg9[%get3A_333] {strides = array<i32>} : memref<128xf32, #tpu.memory_space<vmem>>, vector<16xf32>,
      %get3A_335 = arith.constant 32 : index
      %get3A_336 = tpu.vector_load %arg9[%get3A_335] {strides = array<i32>} : memref<128xf32, #tpu.memory_space<vmem>>, vector<16xf32>,
      %get3A_337 = arith.constant 48 : index
      %get3A_338 = tpu.vector_load %arg9[%get3A_337] {strides = array<i32>} : memref<128xf32, #tpu.memory_space<vmem>>, vector<16xf32>,
      %get3A_339 = arith.constant 64 : index
      %get3A_340 = tpu.vector_load %arg9[%get3A_339] {strides = array<i32>} : memref<128xf32, #tpu.memory_space<vmem>>, vector<16xf32>,
      %get3A_341 = arith.constant 80 : index
      %get3A_342 = tpu.vector_load %arg9[%get3A_341] {strides = array<i32>} : memref<128xf32, #tpu.memory_space<vmem>>, vector<16xf32>,
      %get3A_343 = arith.constant 96 : index
      %get3A_344 = tpu.vector_load %arg9[%get3A_343] {strides = array<i32>} : memref<128xf32, #tpu.memory_space<vmem>>, vector<16xf32>,
      %get3A_345 = arith.constant 112 : index
      %get3A_346 = tpu.vector_load %arg9[%get3A_345] {strides = array<i32>} : memref<128xf32, #tpu.memory_space<vmem>>, vector<16xf32>,
      %parallel_loop3A_347 = arith.constant 0 : i32
      %parallel_loop3A_348 = arith.constant 128 : i32
      %parallel_loop3A_349 = arith.constant 1 : i32
      scf.for %parallel_loop3A_427 = %parallel_loop3A_347 to %parallel_loop3A_348 step %parallel_loop3A_349  : i32 {
        %parallel_loop3A_428 = arith.index_cast %parallel_loop3A_427 : i32 to index
        %parallel_loop3A_429 = arith.constant 0 : index
        %parallel_loop3A_430 = tpu.vector_load %arg11[%parallel_loop3A_428, %parallel_loop3A_429] {strides = array<i32>} : memref<128x128xf32, #tpu.memory_space<vmem>>, vector<16xf32>,
        %parallel_loop3A_431 = arith.mulf %parallel_loop3A_430, %get3A_332 : vector<16xf32>
        %parallel_loop3A_432 = arith.index_cast %parallel_loop3A_427 : i32 to index
        %parallel_loop3A_433 = arith.constant 16 : index
        %parallel_loop3A_434 = tpu.vector_load %arg11[%parallel_loop3A_432, %parallel_loop3A_433] {strides = array<i32>} : memref<128x128xf32, #tpu.memory_space<vmem>>, vector<16xf32>,
        %parallel_loop3A_435 = arith.mulf %parallel_loop3A_434, %get3A_334 : vector<16xf32>
        %parallel_loop3A_436 = arith.index_cast %parallel_loop3A_427 : i32 to index
        %parallel_loop3A_437 = arith.constant 32 : index
        %parallel_loop3A_438 = tpu.vector_load %arg11[%parallel_loop3A_436, %parallel_loop3A_437] {strides = array<i32>} : memref<128x128xf32, #tpu.memory_space<vmem>>, vector<16xf32>,
        %parallel_loop3A_439 = arith.mulf %parallel_loop3A_438, %get3A_336 : vector<16xf32>
        %parallel_loop3A_440 = arith.index_cast %parallel_loop3A_427 : i32 to index
        %parallel_loop3A_441 = arith.constant 48 : index
        %parallel_loop3A_442 = tpu.vector_load %arg11[%parallel_loop3A_440, %parallel_loop3A_441] {strides = array<i32>} : memref<128x128xf32, #tpu.memory_space<vmem>>, vector<16xf32>,
        %parallel_loop3A_443 = arith.mulf %parallel_loop3A_442, %get3A_338 : vector<16xf32>
        %parallel_loop3A_444 = arith.index_cast %parallel_loop3A_427 : i32 to index
        %parallel_loop3A_445 = arith.constant 64 : index
        %parallel_loop3A_446 = tpu.vector_load %arg11[%parallel_loop3A_444, %parallel_loop3A_445] {strides = array<i32>} : memref<128x128xf32, #tpu.memory_space<vmem>>, vector<16xf32>,
        %parallel_loop3A_447 = arith.mulf %parallel_loop3A_446, %get3A_340 : vector<16xf32>
        %parallel_loop3A_448 = arith.index_cast %parallel_loop3A_427 : i32 to index
        %parallel_loop3A_449 = arith.constant 80 : index
        %parallel_loop3A_450 = tpu.vector_load %arg11[%parallel_loop3A_448, %parallel_loop3A_449] {strides = array<i32>} : memref<128x128xf32, #tpu.memory_space<vmem>>, vector<16xf32>,
        %parallel_loop3A_451 = arith.mulf %parallel_loop3A_450, %get3A_342 : vector<16xf32>
        %parallel_loop3A_452 = arith.index_cast %parallel_loop3A_427 : i32 to index
        %parallel_loop3A_453 = arith.constant 96 : index
        %parallel_loop3A_454 = tpu.vector_load %arg11[%parallel_loop3A_452, %parallel_loop3A_453] {strides = array<i32>} : memref<128x128xf32, #tpu.memory_space<vmem>>, vector<16xf32>,
        %parallel_loop3A_455 = arith.mulf %parallel_loop3A_454, %get3A_344 : vector<16xf32>
        %parallel_loop3A_456 = arith.index_cast %parallel_loop3A_427 : i32 to index
        %parallel_loop3A_457 = arith.constant 112 : index
        %parallel_loop3A_458 = tpu.vector_load %arg11[%parallel_loop3A_456, %parallel_loop3A_457] {strides = array<i32>} : memref<128x128xf32, #tpu.memory_space<vmem>>, vector<16xf32>,
        %parallel_loop3A_459 = arith.mulf %parallel_loop3A_458, %get3A_346 : vector<16xf32>
        %parallel_loop3A_460 = arith.addf %parallel_loop3A_431, %parallel_loop3A_435 : vector<16xf32>
        %parallel_loop3A_461 = arith.addf %parallel_loop3A_439, %parallel_loop3A_443 : vector<16xf32>
        %parallel_loop3A_462 = arith.addf %parallel_loop3A_460, %parallel_loop3A_461 : vector<16xf32>
        %parallel_loop3A_463 = arith.addf %parallel_loop3A_447, %parallel_loop3A_451 : vector<16xf32>
        %parallel_loop3A_464 = arith.addf %parallel_loop3A_455, %parallel_loop3A_459 : vector<16xf32>
        %parallel_loop3A_465 = arith.addf %parallel_loop3A_463, %parallel_loop3A_464 : vector<16xf32>
        %parallel_loop3A_466 = arith.addf %parallel_loop3A_462, %parallel_loop3A_465 : vector<16xf32>
        %parallel_loop3A_467 = arith.constant true
        %parallel_loop3A_468 = vector.broadcast %parallel_loop3A_467 : i1 to vector<16xi1>
        %parallel_loop3A_469 = tpu.scan <sum>, %parallel_loop3A_466 masked %parallel_loop3A_468 : vector<16xf32>, vector<16xi1> -> vector<16xf32>
        %parallel_loop3A_470 = arith.constant 128 : i32
        %parallel_loop3A_471 = arith.addi %parallel_loop3A_470, %parallel_loop3A_427 : i32
        %parallel_loop3A_472 = vector.broadcast %parallel_loop3A_471 : i32 to vector<16xi32>
        tpu.vector_store_idx %arg15[%parallel_loop3A_472], %parallel_loop3A_469 masked %eq3A_2 : memref<512xf32, #tpu.memory_space<vmem>>[vector<16xi32>], vector<16xf32>, vector<16xi1>
      } {sc.loop_unroll_factor = 8 : i64, sc.parallel_access}
      %lt3A_350 = arith.constant 15 : i32
      %lt3A_351 = arith.cmpi slt, %scan3A_48, %lt3A_350 : i32
      %convert_element_type3A_352 = arith.extui %lt3A_351 : i1 to i32
      %cond3A_353 = arith.constant 0 : i32
      %cond3A_354 = arith.cmpi ne, %convert_element_type3A_352, %cond3A_353 : i32
      scf.if %cond3A_354 {
        %dma_wait3A_427 = arith.constant 0 : i32
        %dma_wait3A_428 = arith.constant 0 : i32
        %dma_wait3A_429 = arith.constant 0 : i32
        %dma_wait3A_430 = arith.constant 0 : i32
        %dma_wait3A_431 = tpu.memref_slice %arg2[%dma_wait3A_427, %dma_wait3A_429, %dma_wait3A_430] : memref<1024x4x128xi32, #tpu.memory_space<hbm>> -> memref<1x4x128xi32, #tpu.memory_space<hbm>>
        %dma_wait3A_432 = tpu.memref_squeeze %dma_wait3A_431 : memref<1x4x128xi32, #tpu.memory_space<hbm>> -> memref<4x128xi32, #tpu.memory_space<hbm>>
        %dma_wait3A_433 = tpu.memref_slice %arg17[%dma_wait3A_428] : memref<2x!tpu.dma_semaphore, #tpu.memory_space<semaphore_mem>> -> memref<1x!tpu.dma_semaphore, #tpu.memory_space<semaphore_mem>>
        %dma_wait3A_434 = tpu.memref_squeeze %dma_wait3A_433 : memref<1x!tpu.dma_semaphore, #tpu.memory_space<semaphore_mem>> -> memref<!tpu.dma_semaphore, #tpu.memory_space<semaphore_mem>>
        %dma_wait3A_435 = arith.constant 0 : i32
        %dma_wait3A_436 = arith.constant 0 : i32
        %dma_wait3A_437 = tpu.memref_slice %arg2[%dma_wait3A_427, %dma_wait3A_435, %dma_wait3A_436] : memref<1024x4x128xi32, #tpu.memory_space<hbm>> -> memref<1x4x128xi32, #tpu.memory_space<hbm>>
        %dma_wait3A_438 = tpu.memref_squeeze %dma_wait3A_437 : memref<1x4x128xi32, #tpu.memory_space<hbm>> -> memref<4x128xi32, #tpu.memory_space<hbm>>
        tpu.wait_dma2 semaphore(%dma_wait3A_434 : memref<!tpu.dma_semaphore, #tpu.memory_space<semaphore_mem>>) src(%dma_wait3A_438 : memref<4x128xi32, #tpu.memory_space<hbm>>) dst(%arg6 : memref<4x128xi32, #tpu.memory_space<vmem>>)
        %dma_wait3A_439 = arith.constant 0 : i32
        %dma_wait3A_440 = arith.constant 0 : i32
        %dma_wait3A_441 = arith.constant 0 : i32
        %dma_wait3A_442 = tpu.memref_slice %arg3[%dma_wait3A_439, %dma_wait3A_441] : memref<1024x128xf32, #tpu.memory_space<hbm>> -> memref<1x128xf32, #tpu.memory_space<hbm>>
        %dma_wait3A_443 = tpu.memref_squeeze %dma_wait3A_442 : memref<1x128xf32, #tpu.memory_space<hbm>> -> memref<128xf32, #tpu.memory_space<hbm>>
        %dma_wait3A_444 = tpu.memref_slice %arg17[%dma_wait3A_440] : memref<2x!tpu.dma_semaphore, #tpu.memory_space<semaphore_mem>> -> memref<1x!tpu.dma_semaphore, #tpu.memory_space<semaphore_mem>>
        %dma_wait3A_445 = tpu.memref_squeeze %dma_wait3A_444 : memref<1x!tpu.dma_semaphore, #tpu.memory_space<semaphore_mem>> -> memref<!tpu.dma_semaphore, #tpu.memory_space<semaphore_mem>>
        %dma_wait3A_446 = arith.constant 0 : i32
        %dma_wait3A_447 = tpu.memref_slice %arg3[%dma_wait3A_439, %dma_wait3A_446] : memref<1024x128xf32, #tpu.memory_space<hbm>> -> memref<1x128xf32, #tpu.memory_space<hbm>>
        %dma_wait3A_448 = tpu.memref_squeeze %dma_wait3A_447 : memref<1x128xf32, #tpu.memory_space<hbm>> -> memref<128xf32, #tpu.memory_space<hbm>>
        tpu.wait_dma2 semaphore(%dma_wait3A_445 : memref<!tpu.dma_semaphore, #tpu.memory_space<semaphore_mem>>) src(%dma_wait3A_448 : memref<128xf32, #tpu.memory_space<hbm>>) dst(%arg8 : memref<128xf32, #tpu.memory_space<vmem>>)
        %dma_start3A_449 = arith.constant 0 : i32
        %dma_start3A_450 = arith.constant 0 : i32
        %dma_start3A_451 = arith.constant 0 : i32
        %dma_start3A_452 = tpu.memref_slice %arg6[%dma_start3A_449, %dma_start3A_451] : memref<4x128xi32, #tpu.memory_space<vmem>> -> memref<1x128xi32, #tpu.memory_space<vmem>>
        %dma_start3A_453 = tpu.memref_squeeze %dma_start3A_452 : memref<1x128xi32, #tpu.memory_space<vmem>> -> memref<128xi32, #tpu.memory_space<vmem>>
        %dma_start3A_454 = arith.constant 0 : i32
        %dma_start3A_455 = arith.constant 0 : i32
        %dma_start3A_456 = tpu.memref_slice %arg4[%dma_start3A_454, %dma_start3A_455] : memref<100000x128xf32, #tpu.memory_space<hbm>> -> memref<100000x128xf32, #tpu.memory_space<hbm>>
        %dma_start3A_457 = tpu.memref_slice %arg16[%dma_start3A_450] : memref<4x!tpu.dma_semaphore, #tpu.memory_space<semaphore_mem>> -> memref<1x!tpu.dma_semaphore, #tpu.memory_space<semaphore_mem>>
        %dma_start3A_458 = tpu.memref_squeeze %dma_start3A_457 : memref<1x!tpu.dma_semaphore, #tpu.memory_space<semaphore_mem>> -> memref<!tpu.dma_semaphore, #tpu.memory_space<semaphore_mem>>
        tpu.enqueue_indirect_dma source(%dma_start3A_456 : memref<100000x128xf32, #tpu.memory_space<hbm>>) target(%arg10 : memref<128x128xf32, #tpu.memory_space<vmem>>) offsets(%dma_start3A_453 : memref<128xi32, #tpu.memory_space<vmem>>) semaphore(%dma_start3A_458 : memref<!tpu.dma_semaphore, #tpu.memory_space<semaphore_mem>>)
      } else {
      }
      %dma_wait3A_355 = arith.constant 0 : i32
      %dma_wait3A_356 = arith.constant 2 : i32
      %dma_wait3A_357 = arith.constant 0 : i32
      %dma_wait3A_358 = tpu.memref_slice %arg6[%dma_wait3A_355, %dma_wait3A_357] : memref<4x128xi32, #tpu.memory_space<vmem>> -> memref<1x128xi32, #tpu.memory_space<vmem>>
      %dma_wait3A_359 = tpu.memref_squeeze %dma_wait3A_358 : memref<1x128xi32, #tpu.memory_space<vmem>> -> memref<128xi32, #tpu.memory_space<vmem>>
      %dma_wait3A_360 = arith.constant 0 : i32
      %dma_wait3A_361 = arith.constant 0 : i32
      %dma_wait3A_362 = tpu.memref_slice %arg4[%dma_wait3A_360, %dma_wait3A_361] : memref<100000x128xf32, #tpu.memory_space<hbm>> -> memref<100000x128xf32, #tpu.memory_space<hbm>>
      %dma_wait3A_363 = tpu.memref_slice %arg16[%dma_wait3A_356] : memref<4x!tpu.dma_semaphore, #tpu.memory_space<semaphore_mem>> -> memref<1x!tpu.dma_semaphore, #tpu.memory_space<semaphore_mem>>
      %dma_wait3A_364 = tpu.memref_squeeze %dma_wait3A_363 : memref<1x!tpu.dma_semaphore, #tpu.memory_space<semaphore_mem>> -> memref<!tpu.dma_semaphore, #tpu.memory_space<semaphore_mem>>
      tpu.wait_indirect_dma semaphore(%dma_wait3A_364 : memref<!tpu.dma_semaphore, #tpu.memory_space<semaphore_mem>>) src(%dma_wait3A_362 : memref<100000x128xf32, #tpu.memory_space<hbm>>) dst(%arg12 : memref<128x128xf32, #tpu.memory_space<vmem>>)
      %get3A_365 = arith.constant 0 : index
      %get3A_366 = tpu.vector_load %arg9[%get3A_365] {strides = array<i32>} : memref<128xf32, #tpu.memory_space<vmem>>, vector<16xf32>,
      %get3A_367 = arith.constant 16 : index
      %get3A_368 = tpu.vector_load %arg9[%get3A_367] {strides = array<i32>} : memref<128xf32, #tpu.memory_space<vmem>>, vector<16xf32>,
      %get3A_369 = arith.constant 32 : index
      %get3A_370 = tpu.vector_load %arg9[%get3A_369] {strides = array<i32>} : memref<128xf32, #tpu.memory_space<vmem>>, vector<16xf32>,
      %get3A_371 = arith.constant 48 : index
      %get3A_372 = tpu.vector_load %arg9[%get3A_371] {strides = array<i32>} : memref<128xf32, #tpu.memory_space<vmem>>, vector<16xf32>,
      %get3A_373 = arith.constant 64 : index
      %get3A_374 = tpu.vector_load %arg9[%get3A_373] {strides = array<i32>} : memref<128xf32, #tpu.memory_space<vmem>>, vector<16xf32>,
      %get3A_375 = arith.constant 80 : index
      %get3A_376 = tpu.vector_load %arg9[%get3A_375] {strides = array<i32>} : memref<128xf32, #tpu.memory_space<vmem>>, vector<16xf32>,
      %get3A_377 = arith.constant 96 : index
      %get3A_378 = tpu.vector_load %arg9[%get3A_377] {strides = array<i32>} : memref<128xf32, #tpu.memory_space<vmem>>, vector<16xf32>,
      %get3A_379 = arith.constant 112 : index
      %get3A_380 = tpu.vector_load %arg9[%get3A_379] {strides = array<i32>} : memref<128xf32, #tpu.memory_space<vmem>>, vector<16xf32>,
      %parallel_loop3A_381 = arith.constant 0 : i32
      %parallel_loop3A_382 = arith.constant 128 : i32
      %parallel_loop3A_383 = arith.constant 1 : i32
      scf.for %parallel_loop3A_427 = %parallel_loop3A_381 to %parallel_loop3A_382 step %parallel_loop3A_383  : i32 {
        %parallel_loop3A_428 = arith.index_cast %parallel_loop3A_427 : i32 to index
        %parallel_loop3A_429 = arith.constant 0 : index
        %parallel_loop3A_430 = tpu.vector_load %arg12[%parallel_loop3A_428, %parallel_loop3A_429] {strides = array<i32>} : memref<128x128xf32, #tpu.memory_space<vmem>>, vector<16xf32>,
        %parallel_loop3A_431 = arith.mulf %parallel_loop3A_430, %get3A_366 : vector<16xf32>
        %parallel_loop3A_432 = arith.index_cast %parallel_loop3A_427 : i32 to index
        %parallel_loop3A_433 = arith.constant 16 : index
        %parallel_loop3A_434 = tpu.vector_load %arg12[%parallel_loop3A_432, %parallel_loop3A_433] {strides = array<i32>} : memref<128x128xf32, #tpu.memory_space<vmem>>, vector<16xf32>,
        %parallel_loop3A_435 = arith.mulf %parallel_loop3A_434, %get3A_368 : vector<16xf32>
        %parallel_loop3A_436 = arith.index_cast %parallel_loop3A_427 : i32 to index
        %parallel_loop3A_437 = arith.constant 32 : index
        %parallel_loop3A_438 = tpu.vector_load %arg12[%parallel_loop3A_436, %parallel_loop3A_437] {strides = array<i32>} : memref<128x128xf32, #tpu.memory_space<vmem>>, vector<16xf32>,
        %parallel_loop3A_439 = arith.mulf %parallel_loop3A_438, %get3A_370 : vector<16xf32>
        %parallel_loop3A_440 = arith.index_cast %parallel_loop3A_427 : i32 to index
        %parallel_loop3A_441 = arith.constant 48 : index
        %parallel_loop3A_442 = tpu.vector_load %arg12[%parallel_loop3A_440, %parallel_loop3A_441] {strides = array<i32>} : memref<128x128xf32, #tpu.memory_space<vmem>>, vector<16xf32>,
        %parallel_loop3A_443 = arith.mulf %parallel_loop3A_442, %get3A_372 : vector<16xf32>
        %parallel_loop3A_444 = arith.index_cast %parallel_loop3A_427 : i32 to index
        %parallel_loop3A_445 = arith.constant 64 : index
        %parallel_loop3A_446 = tpu.vector_load %arg12[%parallel_loop3A_444, %parallel_loop3A_445] {strides = array<i32>} : memref<128x128xf32, #tpu.memory_space<vmem>>, vector<16xf32>,
        %parallel_loop3A_447 = arith.mulf %parallel_loop3A_446, %get3A_374 : vector<16xf32>
        %parallel_loop3A_448 = arith.index_cast %parallel_loop3A_427 : i32 to index
        %parallel_loop3A_449 = arith.constant 80 : index
        %parallel_loop3A_450 = tpu.vector_load %arg12[%parallel_loop3A_448, %parallel_loop3A_449] {strides = array<i32>} : memref<128x128xf32, #tpu.memory_space<vmem>>, vector<16xf32>,
        %parallel_loop3A_451 = arith.mulf %parallel_loop3A_450, %get3A_376 : vector<16xf32>
        %parallel_loop3A_452 = arith.index_cast %parallel_loop3A_427 : i32 to index
        %parallel_loop3A_453 = arith.constant 96 : index
        %parallel_loop3A_454 = tpu.vector_load %arg12[%parallel_loop3A_452, %parallel_loop3A_453] {strides = array<i32>} : memref<128x128xf32, #tpu.memory_space<vmem>>, vector<16xf32>,
        %parallel_loop3A_455 = arith.mulf %parallel_loop3A_454, %get3A_378 : vector<16xf32>
        %parallel_loop3A_456 = arith.index_cast %parallel_loop3A_427 : i32 to index
        %parallel_loop3A_457 = arith.constant 112 : index
        %parallel_loop3A_458 = tpu.vector_load %arg12[%parallel_loop3A_456, %parallel_loop3A_457] {strides = array<i32>} : memref<128x128xf32, #tpu.memory_space<vmem>>, vector<16xf32>,
        %parallel_loop3A_459 = arith.mulf %parallel_loop3A_458, %get3A_380 : vector<16xf32>
        %parallel_loop3A_460 = arith.addf %parallel_loop3A_431, %parallel_loop3A_435 : vector<16xf32>
        %parallel_loop3A_461 = arith.addf %parallel_loop3A_439, %parallel_loop3A_443 : vector<16xf32>
        %parallel_loop3A_462 = arith.addf %parallel_loop3A_460, %parallel_loop3A_461 : vector<16xf32>
        %parallel_loop3A_463 = arith.addf %parallel_loop3A_447, %parallel_loop3A_451 : vector<16xf32>
        %parallel_loop3A_464 = arith.addf %parallel_loop3A_455, %parallel_loop3A_459 : vector<16xf32>
        %parallel_loop3A_465 = arith.addf %parallel_loop3A_463, %parallel_loop3A_464 : vector<16xf32>
        %parallel_loop3A_466 = arith.addf %parallel_loop3A_462, %parallel_loop3A_465 : vector<16xf32>
        %parallel_loop3A_467 = arith.constant true
        %parallel_loop3A_468 = vector.broadcast %parallel_loop3A_467 : i1 to vector<16xi1>
        %parallel_loop3A_469 = tpu.scan <sum>, %parallel_loop3A_466 masked %parallel_loop3A_468 : vector<16xf32>, vector<16xi1> -> vector<16xf32>
        %parallel_loop3A_470 = arith.constant 256 : i32
        %parallel_loop3A_471 = arith.addi %parallel_loop3A_470, %parallel_loop3A_427 : i32
        %parallel_loop3A_472 = vector.broadcast %parallel_loop3A_471 : i32 to vector<16xi32>
        tpu.vector_store_idx %arg15[%parallel_loop3A_472], %parallel_loop3A_469 masked %eq3A_2 : memref<512xf32, #tpu.memory_space<vmem>>[vector<16xi32>], vector<16xf32>, vector<16xi1>
      } {sc.loop_unroll_factor = 8 : i64, sc.parallel_access}
      %dma_wait3A_384 = arith.constant 0 : i32
      %dma_wait3A_385 = arith.constant 3 : i32
      %dma_wait3A_386 = arith.constant 0 : i32
      %dma_wait3A_387 = tpu.memref_slice %arg6[%dma_wait3A_384, %dma_wait3A_386] : memref<4x128xi32, #tpu.memory_space<vmem>> -> memref<1x128xi32, #tpu.memory_space<vmem>>
      %dma_wait3A_388 = tpu.memref_squeeze %dma_wait3A_387 : memref<1x128xi32, #tpu.memory_space<vmem>> -> memref<128xi32, #tpu.memory_space<vmem>>
      %dma_wait3A_389 = arith.constant 0 : i32
      %dma_wait3A_390 = arith.constant 0 : i32
      %dma_wait3A_391 = tpu.memref_slice %arg4[%dma_wait3A_389, %dma_wait3A_390] : memref<100000x128xf32, #tpu.memory_space<hbm>> -> memref<100000x128xf32, #tpu.memory_space<hbm>>
      %dma_wait3A_392 = tpu.memref_slice %arg16[%dma_wait3A_385] : memref<4x!tpu.dma_semaphore, #tpu.memory_space<semaphore_mem>> -> memref<1x!tpu.dma_semaphore, #tpu.memory_space<semaphore_mem>>
      %dma_wait3A_393 = tpu.memref_squeeze %dma_wait3A_392 : memref<1x!tpu.dma_semaphore, #tpu.memory_space<semaphore_mem>> -> memref<!tpu.dma_semaphore, #tpu.memory_space<semaphore_mem>>
      tpu.wait_indirect_dma semaphore(%dma_wait3A_393 : memref<!tpu.dma_semaphore, #tpu.memory_space<semaphore_mem>>) src(%dma_wait3A_391 : memref<100000x128xf32, #tpu.memory_space<hbm>>) dst(%arg13 : memref<128x128xf32, #tpu.memory_space<vmem>>)
      %lt3A_394 = arith.constant 15 : i32
      %lt3A_395 = arith.cmpi slt, %scan3A_48, %lt3A_394 : i32
      %convert_element_type3A_396 = arith.extui %lt3A_395 : i1 to i32
      %cond3A_397 = arith.constant 0 : i32
      %cond3A_398 = arith.cmpi ne, %convert_element_type3A_396, %cond3A_397 : i32
      scf.if %cond3A_398 {
        %dma_start3A_427 = arith.constant 1 : i32
        %dma_start3A_428 = arith.constant 1 : i32
        %dma_start3A_429 = arith.constant 0 : i32
        %dma_start3A_430 = tpu.memref_slice %arg6[%dma_start3A_427, %dma_start3A_429] : memref<4x128xi32, #tpu.memory_space<vmem>> -> memref<1x128xi32, #tpu.memory_space<vmem>>
        %dma_start3A_431 = tpu.memref_squeeze %dma_start3A_430 : memref<1x128xi32, #tpu.memory_space<vmem>> -> memref<128xi32, #tpu.memory_space<vmem>>
        %dma_start3A_432 = arith.constant 0 : i32
        %dma_start3A_433 = arith.constant 0 : i32
        %dma_start3A_434 = tpu.memref_slice %arg4[%dma_start3A_432, %dma_start3A_433] : memref<100000x128xf32, #tpu.memory_space<hbm>> -> memref<100000x128xf32, #tpu.memory_space<hbm>>
        %dma_start3A_435 = tpu.memref_slice %arg16[%dma_start3A_428] : memref<4x!tpu.dma_semaphore, #tpu.memory_space<semaphore_mem>> -> memref<1x!tpu.dma_semaphore, #tpu.memory_space<semaphore_mem>>
        %dma_start3A_436 = tpu.memref_squeeze %dma_start3A_435 : memref<1x!tpu.dma_semaphore, #tpu.memory_space<semaphore_mem>> -> memref<!tpu.dma_semaphore, #tpu.memory_space<semaphore_mem>>
        tpu.enqueue_indirect_dma source(%dma_start3A_434 : memref<100000x128xf32, #tpu.memory_space<hbm>>) target(%arg11 : memref<128x128xf32, #tpu.memory_space<vmem>>) offsets(%dma_start3A_431 : memref<128xi32, #tpu.memory_space<vmem>>) semaphore(%dma_start3A_436 : memref<!tpu.dma_semaphore, #tpu.memory_space<semaphore_mem>>)
      } else {
      }
      %get3A_399 = arith.constant 0 : index
      %get3A_400 = tpu.vector_load %arg9[%get3A_399] {strides = array<i32>} : memref<128xf32, #tpu.memory_space<vmem>>, vector<16xf32>,
      %get3A_401 = arith.constant 16 : index
      %get3A_402 = tpu.vector_load %arg9[%get3A_401] {strides = array<i32>} : memref<128xf32, #tpu.memory_space<vmem>>, vector<16xf32>,
      %get3A_403 = arith.constant 32 : index
      %get3A_404 = tpu.vector_load %arg9[%get3A_403] {strides = array<i32>} : memref<128xf32, #tpu.memory_space<vmem>>, vector<16xf32>,
      %get3A_405 = arith.constant 48 : index
      %get3A_406 = tpu.vector_load %arg9[%get3A_405] {strides = array<i32>} : memref<128xf32, #tpu.memory_space<vmem>>, vector<16xf32>,
      %get3A_407 = arith.constant 64 : index
      %get3A_408 = tpu.vector_load %arg9[%get3A_407] {strides = array<i32>} : memref<128xf32, #tpu.memory_space<vmem>>, vector<16xf32>,
      %get3A_409 = arith.constant 80 : index
      %get3A_410 = tpu.vector_load %arg9[%get3A_409] {strides = array<i32>} : memref<128xf32, #tpu.memory_space<vmem>>, vector<16xf32>,
      %get3A_411 = arith.constant 96 : index
      %get3A_412 = tpu.vector_load %arg9[%get3A_411] {strides = array<i32>} : memref<128xf32, #tpu.memory_space<vmem>>, vector<16xf32>,
      %get3A_413 = arith.constant 112 : index
      %get3A_414 = tpu.vector_load %arg9[%get3A_413] {strides = array<i32>} : memref<128xf32, #tpu.memory_space<vmem>>, vector<16xf32>,
      %parallel_loop3A_415 = arith.constant 0 : i32
      %parallel_loop3A_416 = arith.constant 128 : i32
      %parallel_loop3A_417 = arith.constant 1 : i32
      scf.for %parallel_loop3A_427 = %parallel_loop3A_415 to %parallel_loop3A_416 step %parallel_loop3A_417  : i32 {
        %parallel_loop3A_428 = arith.index_cast %parallel_loop3A_427 : i32 to index
        %parallel_loop3A_429 = arith.constant 0 : index
        %parallel_loop3A_430 = tpu.vector_load %arg13[%parallel_loop3A_428, %parallel_loop3A_429] {strides = array<i32>} : memref<128x128xf32, #tpu.memory_space<vmem>>, vector<16xf32>,
        %parallel_loop3A_431 = arith.mulf %parallel_loop3A_430, %get3A_400 : vector<16xf32>
        %parallel_loop3A_432 = arith.index_cast %parallel_loop3A_427 : i32 to index
        %parallel_loop3A_433 = arith.constant 16 : index
        %parallel_loop3A_434 = tpu.vector_load %arg13[%parallel_loop3A_432, %parallel_loop3A_433] {strides = array<i32>} : memref<128x128xf32, #tpu.memory_space<vmem>>, vector<16xf32>,
        %parallel_loop3A_435 = arith.mulf %parallel_loop3A_434, %get3A_402 : vector<16xf32>
        %parallel_loop3A_436 = arith.index_cast %parallel_loop3A_427 : i32 to index
        %parallel_loop3A_437 = arith.constant 32 : index
        %parallel_loop3A_438 = tpu.vector_load %arg13[%parallel_loop3A_436, %parallel_loop3A_437] {strides = array<i32>} : memref<128x128xf32, #tpu.memory_space<vmem>>, vector<16xf32>,
        %parallel_loop3A_439 = arith.mulf %parallel_loop3A_438, %get3A_404 : vector<16xf32>
        %parallel_loop3A_440 = arith.index_cast %parallel_loop3A_427 : i32 to index
        %parallel_loop3A_441 = arith.constant 48 : index
        %parallel_loop3A_442 = tpu.vector_load %arg13[%parallel_loop3A_440, %parallel_loop3A_441] {strides = array<i32>} : memref<128x128xf32, #tpu.memory_space<vmem>>, vector<16xf32>,
        %parallel_loop3A_443 = arith.mulf %parallel_loop3A_442, %get3A_406 : vector<16xf32>
        %parallel_loop3A_444 = arith.index_cast %parallel_loop3A_427 : i32 to index
        %parallel_loop3A_445 = arith.constant 64 : index
        %parallel_loop3A_446 = tpu.vector_load %arg13[%parallel_loop3A_444, %parallel_loop3A_445] {strides = array<i32>} : memref<128x128xf32, #tpu.memory_space<vmem>>, vector<16xf32>,
        %parallel_loop3A_447 = arith.mulf %parallel_loop3A_446, %get3A_408 : vector<16xf32>
        %parallel_loop3A_448 = arith.index_cast %parallel_loop3A_427 : i32 to index
        %parallel_loop3A_449 = arith.constant 80 : index
        %parallel_loop3A_450 = tpu.vector_load %arg13[%parallel_loop3A_448, %parallel_loop3A_449] {strides = array<i32>} : memref<128x128xf32, #tpu.memory_space<vmem>>, vector<16xf32>,
        %parallel_loop3A_451 = arith.mulf %parallel_loop3A_450, %get3A_410 : vector<16xf32>
        %parallel_loop3A_452 = arith.index_cast %parallel_loop3A_427 : i32 to index
        %parallel_loop3A_453 = arith.constant 96 : index
        %parallel_loop3A_454 = tpu.vector_load %arg13[%parallel_loop3A_452, %parallel_loop3A_453] {strides = array<i32>} : memref<128x128xf32, #tpu.memory_space<vmem>>, vector<16xf32>,
        %parallel_loop3A_455 = arith.mulf %parallel_loop3A_454, %get3A_412 : vector<16xf32>
        %parallel_loop3A_456 = arith.index_cast %parallel_loop3A_427 : i32 to index
        %parallel_loop3A_457 = arith.constant 112 : index
        %parallel_loop3A_458 = tpu.vector_load %arg13[%parallel_loop3A_456, %parallel_loop3A_457] {strides = array<i32>} : memref<128x128xf32, #tpu.memory_space<vmem>>, vector<16xf32>,
        %parallel_loop3A_459 = arith.mulf %parallel_loop3A_458, %get3A_414 : vector<16xf32>
        %parallel_loop3A_460 = arith.addf %parallel_loop3A_431, %parallel_loop3A_435 : vector<16xf32>
        %parallel_loop3A_461 = arith.addf %parallel_loop3A_439, %parallel_loop3A_443 : vector<16xf32>
        %parallel_loop3A_462 = arith.addf %parallel_loop3A_460, %parallel_loop3A_461 : vector<16xf32>
        %parallel_loop3A_463 = arith.addf %parallel_loop3A_447, %parallel_loop3A_451 : vector<16xf32>
        %parallel_loop3A_464 = arith.addf %parallel_loop3A_455, %parallel_loop3A_459 : vector<16xf32>
        %parallel_loop3A_465 = arith.addf %parallel_loop3A_463, %parallel_loop3A_464 : vector<16xf32>
        %parallel_loop3A_466 = arith.addf %parallel_loop3A_462, %parallel_loop3A_465 : vector<16xf32>
        %parallel_loop3A_467 = arith.constant true
        %parallel_loop3A_468 = vector.broadcast %parallel_loop3A_467 : i1 to vector<16xi1>
        %parallel_loop3A_469 = tpu.scan <sum>, %parallel_loop3A_466 masked %parallel_loop3A_468 : vector<16xf32>, vector<16xi1> -> vector<16xf32>
        %parallel_loop3A_470 = arith.constant 384 : i32
        %parallel_loop3A_471 = arith.addi %parallel_loop3A_470, %parallel_loop3A_427 : i32
        %parallel_loop3A_472 = vector.broadcast %parallel_loop3A_471 : i32 to vector<16xi32>
        tpu.vector_store_idx %arg15[%parallel_loop3A_472], %parallel_loop3A_469 masked %eq3A_2 : memref<512xf32, #tpu.memory_space<vmem>>[vector<16xi32>], vector<16xf32>, vector<16xi1>
      } {sc.loop_unroll_factor = 8 : i64, sc.parallel_access}
      %dma_start3A_418 = arith.constant 1 : i32
      %dma_start3A_419 = arith.constant 0 : i32
      %dma_start3A_420 = tpu.memref_slice %arg5[%add3A_53, %dma_start3A_419] : memref<1024x512xf32, #tpu.memory_space<hbm>> -> memref<1x512xf32, #tpu.memory_space<hbm>>
      %dma_start3A_421 = tpu.memref_squeeze %dma_start3A_420 : memref<1x512xf32, #tpu.memory_space<hbm>> -> memref<512xf32, #tpu.memory_space<hbm>>
      %dma_start3A_422 = tpu.memref_slice %arg18[%dma_start3A_418] : memref<2x!tpu.dma_semaphore, #tpu.memory_space<semaphore_mem>> -> memref<1x!tpu.dma_semaphore, #tpu.memory_space<semaphore_mem>>
      %dma_start3A_423 = tpu.memref_squeeze %dma_start3A_422 : memref<1x!tpu.dma_semaphore, #tpu.memory_space<semaphore_mem>> -> memref<!tpu.dma_semaphore, #tpu.memory_space<semaphore_mem>>
      %dma_start3A_424 = arith.constant 0 : i32
      %dma_start3A_425 = tpu.memref_slice %arg5[%add3A_53, %dma_start3A_424] : memref<1024x512xf32, #tpu.memory_space<hbm>> -> memref<1x512xf32, #tpu.memory_space<hbm>>
      %dma_start3A_426 = tpu.memref_squeeze %dma_start3A_425 : memref<1x512xf32, #tpu.memory_space<hbm>> -> memref<512xf32, #tpu.memory_space<hbm>>
      tpu.enqueue_dma source(%arg15 : memref<512xf32, #tpu.memory_space<vmem>>) target(%dma_start3A_426 : memref<512xf32, #tpu.memory_space<hbm>>) target_semaphore(%dma_start3A_423 : memref<!tpu.dma_semaphore, #tpu.memory_space<semaphore_mem>>)
    }
    %scan3A_28 = arith.constant 16 : i32
    %dma_wait3A = arith.constant 0 : i32
    %dma_wait3A_29 = arith.constant 0 : i32
    %dma_wait3A_30 = arith.constant 0 : i32
    %dma_wait3A_31 = tpu.memref_slice %arg5[%dma_wait3A, %dma_wait3A_30] : memref<1024x512xf32, #tpu.memory_space<hbm>> -> memref<1x512xf32, #tpu.memory_space<hbm>>
    %dma_wait3A_32 = tpu.memref_squeeze %dma_wait3A_31 : memref<1x512xf32, #tpu.memory_space<hbm>> -> memref<512xf32, #tpu.memory_space<hbm>>
    %dma_wait3A_33 = tpu.memref_slice %arg18[%dma_wait3A_29] : memref<2x!tpu.dma_semaphore, #tpu.memory_space<semaphore_mem>> -> memref<1x!tpu.dma_semaphore, #tpu.memory_space<semaphore_mem>>
    %dma_wait3A_34 = tpu.memref_squeeze %dma_wait3A_33 : memref<1x!tpu.dma_semaphore, #tpu.memory_space<semaphore_mem>> -> memref<!tpu.dma_semaphore, #tpu.memory_space<semaphore_mem>>
    %dma_wait3A_35 = arith.constant 0 : i32
    %dma_wait3A_36 = tpu.memref_slice %arg5[%dma_wait3A, %dma_wait3A_35] : memref<1024x512xf32, #tpu.memory_space<hbm>> -> memref<1x512xf32, #tpu.memory_space<hbm>>
    %dma_wait3A_37 = tpu.memref_squeeze %dma_wait3A_36 : memref<1x512xf32, #tpu.memory_space<hbm>> -> memref<512xf32, #tpu.memory_space<hbm>>
    tpu.wait_dma2 semaphore(%dma_wait3A_34 : memref<!tpu.dma_semaphore, #tpu.memory_space<semaphore_mem>>) src(%arg14 : memref<512xf32, #tpu.memory_space<vmem>>) dst(%dma_wait3A_37 : memref<512xf32, #tpu.memory_space<hbm>>)
    %dma_wait3A_38 = arith.constant 0 : i32
    %dma_wait3A_39 = arith.constant 1 : i32
    %dma_wait3A_40 = arith.constant 0 : i32
    %dma_wait3A_41 = tpu.memref_slice %arg5[%dma_wait3A_38, %dma_wait3A_40] : memref<1024x512xf32, #tpu.memory_space<hbm>> -> memref<1x512xf32, #tpu.memory_space<hbm>>
    %dma_wait3A_42 = tpu.memref_squeeze %dma_wait3A_41 : memref<1x512xf32, #tpu.memory_space<hbm>> -> memref<512xf32, #tpu.memory_space<hbm>>
    %dma_wait3A_43 = tpu.memref_slice %arg18[%dma_wait3A_39] : memref<2x!tpu.dma_semaphore, #tpu.memory_space<semaphore_mem>> -> memref<1x!tpu.dma_semaphore, #tpu.memory_space<semaphore_mem>>
    %dma_wait3A_44 = tpu.memref_squeeze %dma_wait3A_43 : memref<1x!tpu.dma_semaphore, #tpu.memory_space<semaphore_mem>> -> memref<!tpu.dma_semaphore, #tpu.memory_space<semaphore_mem>>
    %dma_wait3A_45 = arith.constant 0 : i32
    %dma_wait3A_46 = tpu.memref_slice %arg5[%dma_wait3A_38, %dma_wait3A_45] : memref<1024x512xf32, #tpu.memory_space<hbm>> -> memref<1x512xf32, #tpu.memory_space<hbm>>
    %dma_wait3A_47 = tpu.memref_squeeze %dma_wait3A_46 : memref<1x512xf32, #tpu.memory_space<hbm>> -> memref<512xf32, #tpu.memory_space<hbm>>
    tpu.wait_dma2 semaphore(%dma_wait3A_44 : memref<!tpu.dma_semaphore, #tpu.memory_space<semaphore_mem>>) src(%arg15 : memref<512xf32, #tpu.memory_space<vmem>>) dst(%dma_wait3A_47 : memref<512xf32, #tpu.memory_space<hbm>>)
    return
  }
}

#map = affine_map<(d0, d1) -> (0, 0)>
#map1 = affine_map<(d0, d1) -> (0)>
module attributes {stable_mosaic.version = 14 : i64} {
  func.func @_sc_dmem_body(%arg0: i32, %arg1: i32, %arg2: memref<100000x128xf32, #tpu.memory_space<hbm>>, %arg3: memref<512xi32, #tpu.memory_space<hbm>>, %arg4: memref<512x128xf32, #tpu.memory_space<hbm>>, %arg5: memref<16xi32, #tpu.memory_space<vmem>>, %arg6: memref<16x128xf32, #tpu.memory_space<vmem>>, %arg7: memref<!tpu.dma_semaphore, #tpu.memory_space<semaphore_mem>>) attributes {dimension_semantics = [#tpu.dimension_semantics<core_parallel>, #tpu.dimension_semantics<subcore_parallel>], iteration_bounds = array<i64: 2, 16>, scalar_prefetch = 0 : i64, scratch_operands = 3 : i64, tpu.core_type = #tpu.core_type<sc_vector_subcore>, window_params = [{transform_indices = #map}, {transform_indices = #map1}, {transform_indices = #map}]} {
    %mul3A = arith.constant 16 : i32
    %mul3A_0 = arith.muli %arg0, %mul3A : i32
    %add3A = arith.addi %mul3A_0, %arg1 : i32
    %mul3A_1 = arith.constant 16 : i32
    %mul3A_2 = arith.muli %add3A, %mul3A_1 : i32
    "tpu.region"() ({
      %run_scoped3A = tpu.sem_alloc : memref<!tpu.dma_semaphore, #tpu.memory_space<semaphore_mem>>
      %dma_start3A_9 = tpu.memref_slice %arg3[%mul3A_2] : memref<512xi32, #tpu.memory_space<hbm>> -> memref<16xi32, #tpu.memory_space<hbm>>
      %dma_start3A_10 = tpu.memref_slice %arg3[%mul3A_2] : memref<512xi32, #tpu.memory_space<hbm>> -> memref<16xi32, #tpu.memory_space<hbm>>
      tpu.enqueue_dma source(%dma_start3A_10 : memref<16xi32, #tpu.memory_space<hbm>>) target(%arg5 : memref<16xi32, #tpu.memory_space<vmem>>) target_semaphore(%run_scoped3A : memref<!tpu.dma_semaphore, #tpu.memory_space<semaphore_mem>>)
      %dma_wait3A_11 = tpu.memref_slice %arg3[%mul3A_2] : memref<512xi32, #tpu.memory_space<hbm>> -> memref<16xi32, #tpu.memory_space<hbm>>
      %dma_wait3A_12 = tpu.memref_slice %arg3[%mul3A_2] : memref<512xi32, #tpu.memory_space<hbm>> -> memref<16xi32, #tpu.memory_space<hbm>>
      tpu.wait_dma2 semaphore(%run_scoped3A : memref<!tpu.dma_semaphore, #tpu.memory_space<semaphore_mem>>) src(%dma_wait3A_12 : memref<16xi32, #tpu.memory_space<hbm>>) dst(%arg5 : memref<16xi32, #tpu.memory_space<vmem>>)
      tpu.yield
    }) : () -> ()
    %dma_start3A = arith.constant 0 : i32
    %dma_start3A_3 = arith.constant 0 : i32
    %dma_start3A_4 = tpu.memref_slice %arg2[%dma_start3A, %dma_start3A_3] : memref<100000x128xf32, #tpu.memory_space<hbm>> -> memref<100000x128xf32, #tpu.memory_space<hbm>>
    tpu.enqueue_indirect_dma source(%dma_start3A_4 : memref<100000x128xf32, #tpu.memory_space<hbm>>) target(%arg6 : memref<16x128xf32, #tpu.memory_space<vmem>>) offsets(%arg5 : memref<16xi32, #tpu.memory_space<vmem>>) semaphore(%arg7 : memref<!tpu.dma_semaphore, #tpu.memory_space<semaphore_mem>>)
    %dma_wait3A = arith.constant 0 : i32
    %dma_wait3A_5 = arith.constant 0 : i32
    %dma_wait3A_6 = tpu.memref_slice %arg2[%dma_wait3A, %dma_wait3A_5] : memref<100000x128xf32, #tpu.memory_space<hbm>> -> memref<100000x128xf32, #tpu.memory_space<hbm>>
    tpu.wait_indirect_dma semaphore(%arg7 : memref<!tpu.dma_semaphore, #tpu.memory_space<semaphore_mem>>) src(%dma_wait3A_6 : memref<100000x128xf32, #tpu.memory_space<hbm>>) dst(%arg6 : memref<16x128xf32, #tpu.memory_space<vmem>>)
    %mul3A_7 = arith.constant 16 : i32
    %mul3A_8 = arith.muli %add3A, %mul3A_7 : i32
    "tpu.region"() ({
      %run_scoped3A = tpu.sem_alloc : memref<!tpu.dma_semaphore, #tpu.memory_space<semaphore_mem>>
      %dma_start3A_9 = arith.constant 0 : i32
      %dma_start3A_10 = tpu.memref_slice %arg4[%mul3A_8, %dma_start3A_9] : memref<512x128xf32, #tpu.memory_space<hbm>> -> memref<16x128xf32, #tpu.memory_space<hbm>>
      %dma_start3A_11 = arith.constant 0 : i32
      %dma_start3A_12 = tpu.memref_slice %arg4[%mul3A_8, %dma_start3A_11] : memref<512x128xf32, #tpu.memory_space<hbm>> -> memref<16x128xf32, #tpu.memory_space<hbm>>
      tpu.enqueue_dma source(%arg6 : memref<16x128xf32, #tpu.memory_space<vmem>>) target(%dma_start3A_12 : memref<16x128xf32, #tpu.memory_space<hbm>>) target_semaphore(%run_scoped3A : memref<!tpu.dma_semaphore, #tpu.memory_space<semaphore_mem>>)
      %dma_wait3A_13 = arith.constant 0 : i32
      %dma_wait3A_14 = tpu.memref_slice %arg4[%mul3A_8, %dma_wait3A_13] : memref<512x128xf32, #tpu.memory_space<hbm>> -> memref<16x128xf32, #tpu.memory_space<hbm>>
      %dma_wait3A_15 = arith.constant 0 : i32
      %dma_wait3A_16 = tpu.memref_slice %arg4[%mul3A_8, %dma_wait3A_15] : memref<512x128xf32, #tpu.memory_space<hbm>> -> memref<16x128xf32, #tpu.memory_space<hbm>>
      tpu.wait_dma2 semaphore(%run_scoped3A : memref<!tpu.dma_semaphore, #tpu.memory_space<semaphore_mem>>) src(%arg6 : memref<16x128xf32, #tpu.memory_space<vmem>>) dst(%dma_wait3A_16 : memref<16x128xf32, #tpu.memory_space<hbm>>)
      tpu.yield
    }) : () -> ()
    return
  }
}

module attributes {stable_mosaic.version = 14 : i64} {
  func.func @_tc_outs_body(%arg0: memref<4xf32, #tpu.memory_space<smem>>, %arg1: memref<1024x128xf32, #tpu.memory_space<vmem>>, %arg2: memref<1024x512xf32, #tpu.memory_space<vmem>>, %arg3: memref<1024x513xf32, #tpu.memory_space<vmem>>, %arg4: memref<1x1xf32, #tpu.memory_space<vmem>>) attributes {dimension_semantics = [], scalar_prefetch = 0 : i64, scratch_operands = 0 : i64, tpu.core_type = #tpu.core_type<tc>} {
    %get3A = arith.constant 0 : index
    %get3A_0 = arith.constant 0 : index
    %get3A_1 = vector.load %arg1[%get3A, %get3A_0] : memref<1024x128xf32, #tpu.memory_space<vmem>>, vector<1024x128xf32>
    %slice3A = vector.extract_strided_slice %get3A_1 {offsets = [0, 0], sizes = [512, 128], strides = [1, 1]} : vector<1024x128xf32> to vector<512x128xf32>
    %slice3A_2 = vector.extract_strided_slice %get3A_1 {offsets = [512, 0], sizes = [512, 128], strides = [1, 1]} : vector<1024x128xf32> to vector<512x128xf32>
    %get3A_3 = arith.constant 1 : index
    %get3A_4 = memref.load %arg0[%get3A_3] : memref<4xf32, #tpu.memory_space<smem>>
    %mul3A = arith.mulf %slice3A, %slice3A_2 : vector<512x128xf32>
    %reduce_sum3A = arith.constant dense<0.000000e+00> : vector<512xf32>
    %reduce_sum3A_5 = vector.multi_reduction <add>, %mul3A, %reduce_sum3A [1] : vector<512x128xf32> to vector<512xf32>
    %broadcast_in_dim3A = vector.shape_cast %reduce_sum3A_5 : vector<512xf32> to vector<512x1xf32>
    %div3A = vector.broadcast %get3A_4 : f32 to vector<512x1xf32>
    %div3A_6 = arith.divf %broadcast_in_dim3A, %div3A : vector<512x1xf32>
    %exp3A = math.exp %div3A_6 : vector<512x1xf32>
    %get3A_7 = arith.constant 0 : index
    %get3A_8 = arith.constant 0 : index
    %get3A_9 = vector.load %arg2[%get3A_7, %get3A_8] : memref<1024x512xf32, #tpu.memory_space<vmem>>, vector<1024x512xf32>
    %div3A_10 = vector.broadcast %get3A_4 : f32 to vector<1024x512xf32>
    %div3A_11 = arith.divf %get3A_9, %div3A_10 : vector<1024x512xf32>
    %exp3A_12 = math.exp %div3A_11 : vector<1024x512xf32>
    %reduce_sum3A_13 = vector.shape_cast %exp3A : vector<512x1xf32> to vector<1x512x1xf32>
    %reduce_sum3A_14 = arith.constant dense<0.000000e+00> : vector<1xf32>
    %reduce_sum3A_15 = vector.multi_reduction <add>, %reduce_sum3A_13, %reduce_sum3A_14 [1, 2] : vector<1x512x1xf32> to vector<1xf32>
    %reduce_sum3A_16 = vector.shape_cast %reduce_sum3A_15 : vector<1xf32> to vector<1x1x1xf32>
    %reduce_sum3A_17 = vector.extract %reduce_sum3A_16[0, 0, 0] : f32 from vector<1x1x1xf32>
    %mul3A_18 = arith.constant 2.000000e+00 : f32
    %mul3A_19 = arith.mulf %mul3A_18, %reduce_sum3A_17 : f32
    %reduce_sum3A_20 = vector.shape_cast %exp3A_12 : vector<1024x512xf32> to vector<1x1024x512xf32>
    %reduce_sum3A_21 = arith.constant dense<0.000000e+00> : vector<1xf32>
    %reduce_sum3A_22 = vector.multi_reduction <add>, %reduce_sum3A_20, %reduce_sum3A_21 [1, 2] : vector<1x1024x512xf32> to vector<1xf32>
    %reduce_sum3A_23 = vector.shape_cast %reduce_sum3A_22 : vector<1xf32> to vector<1x1x1xf32>
    %reduce_sum3A_24 = vector.extract %reduce_sum3A_23[0, 0, 0] : f32 from vector<1x1x1xf32>
    %add3A = arith.addf %mul3A_19, %reduce_sum3A_24 : f32
    %div3A_25 = arith.constant 5.253120e+05 : f32
    %div3A_26 = arith.divf %add3A, %div3A_25 : f32
    %mul3A_27 = arith.constant 1.000000e+05 : f32
    %mul3A_28 = arith.mulf %div3A_26, %mul3A_27 : f32
    %get3A_29 = arith.constant 0 : index
    %get3A_30 = memref.load %arg0[%get3A_29] : memref<4xf32, #tpu.memory_space<smem>>
    %lt3A = arith.constant 0.000000e+00 : f32
    %lt3A_31 = arith.cmpf olt, %get3A_30, %lt3A : f32
    %get3A_32 = arith.constant 2 : index
    %get3A_33 = memref.load %arg0[%get3A_32] : memref<4xf32, #tpu.memory_space<smem>>
    %mul3A_34 = arith.mulf %get3A_33, %mul3A_28 : f32
    %get3A_35 = arith.constant 2 : index
    %get3A_36 = memref.load %arg0[%get3A_35] : memref<4xf32, #tpu.memory_space<smem>>
    %sub3A = arith.constant 1.000000e+00 : f32
    %sub3A_37 = arith.subf %sub3A, %get3A_36 : f32
    %get3A_38 = arith.constant 0 : index
    %get3A_39 = memref.load %arg0[%get3A_38] : memref<4xf32, #tpu.memory_space<smem>>
    %mul3A_40 = arith.mulf %sub3A_37, %get3A_39 : f32
    %add3A_41 = arith.addf %mul3A_34, %mul3A_40 : f32
    %select_n3A = arith.select %lt3A_31, %mul3A_28, %add3A_41 : f32
    %concatenate3A = tpu.concatenate %exp3A, %exp3A in 0 : vector<512x1xf32>, vector<512x1xf32> -> vector<1024x1xf32>
    %concatenate3A_42 = tpu.concatenate %concatenate3A, %exp3A_12 in 1 : vector<1024x1xf32>, vector<1024x512xf32> -> vector<1024x513xf32>
    %div3A_43 = vector.broadcast %select_n3A : f32 to vector<1024x513xf32>
    %div3A_44 = arith.divf %concatenate3A_42, %div3A_43 : vector<1024x513xf32>
    %swap3A = arith.constant 0 : index
    %swap3A_45 = arith.constant 0 : index
    %swap3A_46 = vector.load %arg3[%swap3A, %swap3A_45] : memref<1024x513xf32, #tpu.memory_space<vmem>>, vector<1024x513xf32>
    tpu.vector_store %arg3[%swap3A, %swap3A_45], %div3A_44 {strides = array<i32>} : memref<1024x513xf32, #tpu.memory_space<vmem>>, vector<1024x513xf32>,
    %reduce_sum3A_47 = arith.constant dense<0.000000e+00> : vector<1024xf32>
    %reduce_sum3A_48 = vector.multi_reduction <add>, %exp3A_12, %reduce_sum3A_47 [1] : vector<1024x512xf32> to vector<1024xf32>
    %broadcast_in_dim3A_49 = vector.shape_cast %reduce_sum3A_48 : vector<1024xf32> to vector<1024x1xf32>
    %add3A_50 = arith.addf %concatenate3A, %broadcast_in_dim3A_49 : vector<1024x1xf32>
    %div3A_51 = arith.divf %concatenate3A, %add3A_50 : vector<1024x1xf32>
    %reduce_sum3A_52 = vector.shape_cast %div3A_51 : vector<1024x1xf32> to vector<1x1024x1xf32>
    %reduce_sum3A_53 = arith.constant dense<0.000000e+00> : vector<1xf32>
    %reduce_sum3A_54 = vector.multi_reduction <add>, %reduce_sum3A_52, %reduce_sum3A_53 [1, 2] : vector<1x1024x1xf32> to vector<1xf32>
    %reduce_sum3A_55 = vector.shape_cast %reduce_sum3A_54 : vector<1xf32> to vector<1x1x1xf32>
    %reduce_sum3A_56 = vector.extract %reduce_sum3A_55[0, 0, 0] : f32 from vector<1x1x1xf32>
    %div3A_57 = arith.constant 1.024000e+03 : f32
    %div3A_58 = arith.divf %reduce_sum3A_56, %div3A_57 : f32
    %reshape3A = vector.broadcast %div3A_58 : f32 to vector<1x1xf32>
    %swap3A_59 = arith.constant 0 : index
    %swap3A_60 = arith.constant 0 : index
    %swap3A_61 = vector.load %arg4[%swap3A_59, %swap3A_60] : memref<1x1xf32, #tpu.memory_space<vmem>>, vector<1x1xf32>
    tpu.vector_store %arg4[%swap3A_59, %swap3A_60], %reshape3A {strides = array<i32>} : memref<1x1xf32, #tpu.memory_space<vmem>>, vector<1x1xf32>,
    return
  }
}

module attributes {stable_mosaic.version = 14 : i64} {
  func.func @_copy_kernel_body(%arg0: i32, %arg1: memref<2000x128xf32, #tpu.memory_space<vmem>>, %arg2: memref<2000x128xf32, #tpu.memory_space<vmem>>) attributes {dimension_semantics = [#tpu.dimension_semantics<arbitrary>], iteration_bounds = array<i64: 50>, scalar_prefetch = 0 : i64, scratch_operands = 0 : i64, tpu.core_type = #tpu.core_type<tc>, window_params = [{transform_indices = @transform_0, window_bounds = array<i64: 2000, 128>}, {transform_indices = @transform_1, window_bounds = array<i64: 2000, 128>}]} {
    %get3A = arith.constant 0 : index
    %get3A_0 = arith.constant 0 : index
    %get3A_1 = vector.load %arg1[%get3A, %get3A_0] : memref<2000x128xf32, #tpu.memory_space<vmem>>, vector<2000x128xf32>
    %swap3A = arith.constant 0 : index
    %swap3A_2 = arith.constant 0 : index
    %swap3A_3 = vector.load %arg2[%swap3A, %swap3A_2] : memref<2000x128xf32, #tpu.memory_space<vmem>>, vector<2000x128xf32>
    tpu.vector_store %arg2[%swap3A, %swap3A_2], %get3A_1 {strides = array<i32>} : memref<2000x128xf32, #tpu.memory_space<vmem>>, vector<2000x128xf32>,
    return
  }
  func.func @transform_0(%arg0: i32) -> (i32, i32) {
    %c0_i32 = arith.constant 0 : i32
    %c0_i32_0 = arith.constant 0 : i32
    return %arg0, %c0_i32 : i32, i32
  }
  func.func @transform_1(%arg0: i32) -> (i32, i32) {
    %c0_i32 = arith.constant 0 : i32
    %c0_i32_0 = arith.constant 0 : i32
    return %arg0, %c0_i32 : i32, i32
  }
}

module attributes {stable_mosaic.version = 14 : i64} {
  func.func @_tc_update_body(%arg0: memref<512xi32, #tpu.memory_space<smem>>, %arg1: memref<4xf32, #tpu.memory_space<smem>>, %arg2: memref<1024x128xf32, #tpu.memory_space<vmem>>, %arg3: memref<512x128xf32, #tpu.memory_space<vmem>>, %arg4: memref<512x1xi32, #tpu.memory_space<vmem>>, %arg5: memref<1x512xi32, #tpu.memory_space<vmem>>, %arg6: memref<100000x128xf32, #tpu.memory_space<any>>, %arg7: memref<100000x128xf32, #tpu.memory_space<any>>, %arg8: memref<512x128xf32, #tpu.memory_space<vmem>>, %arg9: memref<!tpu.dma_semaphore, #tpu.memory_space<semaphore_mem>>, %arg10: memref<!tpu.dma_semaphore, #tpu.memory_space<semaphore_mem>>) attributes {dimension_semantics = [], scalar_prefetch = 0 : i64, scratch_operands = 3 : i64, tpu.core_type = #tpu.core_type<tc>} {
    %get3A = arith.constant 0 : index
    %get3A_0 = arith.constant 0 : index
    %get3A_1 = vector.load %arg2[%get3A, %get3A_0] : memref<1024x128xf32, #tpu.memory_space<vmem>>, vector<1024x128xf32>
    %slice3A = vector.extract_strided_slice %get3A_1 {offsets = [0, 0], sizes = [512, 128], strides = [1, 1]} : vector<1024x128xf32> to vector<512x128xf32>
    %slice3A_2 = vector.extract_strided_slice %get3A_1 {offsets = [512, 0], sizes = [512, 128], strides = [1, 1]} : vector<1024x128xf32> to vector<512x128xf32>
    %get3A_3 = arith.constant 3 : index
    %get3A_4 = memref.load %arg1[%get3A_3] : memref<4xf32, #tpu.memory_space<smem>>
    %get3A_5 = arith.constant 0 : index
    %get3A_6 = arith.constant 0 : index
    %get3A_7 = vector.load %arg3[%get3A_5, %get3A_6] : memref<512x128xf32, #tpu.memory_space<vmem>>, vector<512x128xf32>
    %mul3A = vector.broadcast %get3A_4 : f32 to vector<512x128xf32>
    %mul3A_8 = arith.mulf %get3A_7, %mul3A : vector<512x128xf32>
    %sub3A = arith.constant 1.000000e+00 : f32
    %sub3A_9 = arith.subf %sub3A, %get3A_4 : f32
    %mul3A_10 = arith.constant 5.000000e-01 : f32
    %mul3A_11 = arith.mulf %sub3A_9, %mul3A_10 : f32
    %add3A = arith.addf %slice3A, %slice3A_2 : vector<512x128xf32>
    %mul3A_12 = vector.broadcast %mul3A_11 : f32 to vector<512x128xf32>
    %mul3A_13 = arith.mulf %mul3A_12, %add3A : vector<512x128xf32>
    %add3A_14 = arith.addf %mul3A_8, %mul3A_13 : vector<512x128xf32>
    %mul3A_15 = arith.mulf %add3A_14, %add3A_14 : vector<512x128xf32>
    %reduce_sum3A = arith.constant dense<0.000000e+00> : vector<512xf32>
    %reduce_sum3A_16 = vector.multi_reduction <add>, %mul3A_15, %reduce_sum3A [1] : vector<512x128xf32> to vector<512xf32>
    %broadcast_in_dim3A = vector.shape_cast %reduce_sum3A_16 : vector<512xf32> to vector<512x1xf32>
    %rsqrt3A = math.rsqrt %broadcast_in_dim3A : vector<512x1xf32>
    %mul3A_17 = vector.broadcast %rsqrt3A : vector<512x1xf32> to vector<512x128xf32>
    %mul3A_18 = arith.mulf %add3A_14, %mul3A_17 : vector<512x128xf32>
    %get3A_19 = arith.constant 0 : index
    %get3A_20 = arith.constant 0 : index
    %get3A_21 = vector.load %arg4[%get3A_19, %get3A_20] : memref<512x1xi32, #tpu.memory_space<vmem>>, vector<512x1xi32>
    %get3A_22 = arith.constant 0 : index
    %get3A_23 = arith.constant 0 : index
    %get3A_24 = vector.load %arg5[%get3A_22, %get3A_23] : memref<1x512xi32, #tpu.memory_space<vmem>>, vector<1x512xi32>
    %eq3A = vector.broadcast %get3A_21 : vector<512x1xi32> to vector<512x512xi32>
    %eq3A_25 = vector.broadcast %get3A_24 : vector<1x512xi32> to vector<512x512xi32>
    %eq3A_26 = arith.cmpi eq, %eq3A, %eq3A_25 : vector<512x512xi32>
    %iota3A = tpu.iota {dimensions = array<i32: 1>} : vector<512x512xi32>
    %jit3A = arith.constant -1 : i32
    %broadcast_in_dim3A_27 = vector.broadcast %jit3A : i32 to vector<512x512xi32>
    %select_n3A = arith.select %eq3A_26, %iota3A, %broadcast_in_dim3A_27 : vector<512x512xi1>, vector<512x512xi32>
    %reduce_max3A = arith.constant dense<-2147483648> : vector<512xi32>
    %reduce_max3A_28 = vector.multi_reduction <maxsi>, %select_n3A, %reduce_max3A [1] : vector<512x512xi32> to vector<512xi32>
    %broadcast_in_dim3A_29 = vector.shape_cast %reduce_max3A_28 : vector<512xi32> to vector<512x1xi32>
    %eq3A_30 = vector.broadcast %broadcast_in_dim3A_29 : vector<512x1xi32> to vector<512x512xi32>
    %eq3A_31 = arith.cmpi eq, %iota3A, %eq3A_30 : vector<512x512xi32>
    %convert_element_type3A = arith.extui %eq3A_31 : vector<512x512xi1> to vector<512x512xi32>
    %convert_element_type3A_32 = arith.sitofp %convert_element_type3A : vector<512x512xi32> to vector<512x512xf32>
    %dot_general3A = arith.constant dense<0.000000e+00> : vector<512x128xf32>
    %dot_general3A_33 = tpu.matmul %convert_element_type3A_32, %mul3A_18, %dot_general3A {dimension_numbers = #tpu.dot_dimension_numbers<[1], [0], [0], [1], [0, 0, 1, 1], [], []>, transpose_lhs_hint = false} : vector<512x512xf32>, vector<512x128xf32>, vector<512x128xf32> -> vector<512x128xf32>
    %swap3A = arith.constant 0 : index
    %swap3A_34 = arith.constant 0 : index
    %swap3A_35 = vector.load %arg8[%swap3A, %swap3A_34] : memref<512x128xf32, #tpu.memory_space<vmem>>, vector<512x128xf32>
    tpu.vector_store %arg8[%swap3A, %swap3A_34], %dot_general3A_33 {strides = array<i32>} : memref<512x128xf32, #tpu.memory_space<vmem>>, vector<512x128xf32>,
    %scan3A = arith.constant 0 : i32
    %scan3A_36 = arith.constant 64 : i32
    %scan3A_37 = arith.addi %scan3A, %scan3A_36 : i32
    %scan3A_38 = arith.constant 1 : i32
    scf.for %scan3A_107 = %scan3A to %scan3A_37 step %scan3A_38  : i32 {
      %get3A_108 = arith.index_cast %scan3A_107 : i32 to index
      %get3A_109 = memref.load %arg0[%get3A_108] : memref<512xi32, #tpu.memory_space<smem>>
      %dma_start3A = arith.constant 0 : i32
      %dma_start3A_110 = tpu.memref_slice %arg7[%get3A_109, %dma_start3A] : memref<100000x128xf32, #tpu.memory_space<any>> -> memref<1x128xf32, #tpu.memory_space<any>>
      %dma_start3A_111 = arith.constant 0 : i32
      %dma_start3A_112 = tpu.memref_slice %arg8[%scan3A_107, %dma_start3A_111] : memref<512x128xf32, #tpu.memory_space<vmem>> -> memref<1x128xf32, #tpu.memory_space<vmem>>
      tpu.enqueue_dma source(%dma_start3A_112 : memref<1x128xf32, #tpu.memory_space<vmem>>) target(%dma_start3A_110 : memref<1x128xf32, #tpu.memory_space<any>>) target_semaphore(%arg10 : memref<!tpu.dma_semaphore, #tpu.memory_space<semaphore_mem>>)
    }
    %scan3A_39 = arith.constant 64 : i32
    %scan3A_40 = arith.constant 0 : i32
    %scan3A_41 = arith.constant 64 : i32
    %scan3A_42 = arith.addi %scan3A_40, %scan3A_41 : i32
    %scan3A_43 = arith.constant 1 : i32
    scf.for %scan3A_107 = %scan3A_40 to %scan3A_42 step %scan3A_43  : i32 {
      %dma_wait3A = arith.constant 0 : i32
      %dma_wait3A_108 = arith.constant 0 : i32
      %dma_wait3A_109 = tpu.memref_slice %arg7[%dma_wait3A, %dma_wait3A_108] : memref<100000x128xf32, #tpu.memory_space<any>> -> memref<1x128xf32, #tpu.memory_space<any>>
      %dma_wait3A_110 = arith.constant 0 : i32
      %dma_wait3A_111 = arith.constant 0 : i32
      %dma_wait3A_112 = tpu.memref_slice %arg8[%dma_wait3A_110, %dma_wait3A_111] : memref<512x128xf32, #tpu.memory_space<vmem>> -> memref<1x128xf32, #tpu.memory_space<vmem>>
      tpu.wait_dma2 semaphore(%arg10 : memref<!tpu.dma_semaphore, #tpu.memory_space<semaphore_mem>>) src(%dma_wait3A_112 : memref<1x128xf32, #tpu.memory_space<vmem>>) dst(%dma_wait3A_109 : memref<1x128xf32, #tpu.memory_space<any>>)
    }
    %scan3A_44 = arith.constant 64 : i32
    %scan3A_45 = arith.constant 64 : i32
    %scan3A_46 = arith.addi %scan3A_44, %scan3A_45 : i32
    %scan3A_47 = arith.constant 1 : i32
    scf.for %scan3A_107 = %scan3A_44 to %scan3A_46 step %scan3A_47  : i32 {
      %get3A_108 = arith.index_cast %scan3A_107 : i32 to index
      %get3A_109 = memref.load %arg0[%get3A_108] : memref<512xi32, #tpu.memory_space<smem>>
      %dma_start3A = arith.constant 0 : i32
      %dma_start3A_110 = tpu.memref_slice %arg7[%get3A_109, %dma_start3A] : memref<100000x128xf32, #tpu.memory_space<any>> -> memref<1x128xf32, #tpu.memory_space<any>>
      %dma_start3A_111 = arith.constant 0 : i32
      %dma_start3A_112 = tpu.memref_slice %arg8[%scan3A_107, %dma_start3A_111] : memref<512x128xf32, #tpu.memory_space<vmem>> -> memref<1x128xf32, #tpu.memory_space<vmem>>
      tpu.enqueue_dma source(%dma_start3A_112 : memref<1x128xf32, #tpu.memory_space<vmem>>) target(%dma_start3A_110 : memref<1x128xf32, #tpu.memory_space<any>>) target_semaphore(%arg10 : memref<!tpu.dma_semaphore, #tpu.memory_space<semaphore_mem>>)
    }
    %scan3A_48 = arith.constant 64 : i32
    %scan3A_49 = arith.constant 0 : i32
    %scan3A_50 = arith.constant 64 : i32
    %scan3A_51 = arith.addi %scan3A_49, %scan3A_50 : i32
    %scan3A_52 = arith.constant 1 : i32
    scf.for %scan3A_107 = %scan3A_49 to %scan3A_51 step %scan3A_52  : i32 {
      %dma_wait3A = arith.constant 0 : i32
      %dma_wait3A_108 = arith.constant 0 : i32
      %dma_wait3A_109 = tpu.memref_slice %arg7[%dma_wait3A, %dma_wait3A_108] : memref<100000x128xf32, #tpu.memory_space<any>> -> memref<1x128xf32, #tpu.memory_space<any>>
      %dma_wait3A_110 = arith.constant 0 : i32
      %dma_wait3A_111 = arith.constant 0 : i32
      %dma_wait3A_112 = tpu.memref_slice %arg8[%dma_wait3A_110, %dma_wait3A_111] : memref<512x128xf32, #tpu.memory_space<vmem>> -> memref<1x128xf32, #tpu.memory_space<vmem>>
      tpu.wait_dma2 semaphore(%arg10 : memref<!tpu.dma_semaphore, #tpu.memory_space<semaphore_mem>>) src(%dma_wait3A_112 : memref<1x128xf32, #tpu.memory_space<vmem>>) dst(%dma_wait3A_109 : memref<1x128xf32, #tpu.memory_space<any>>)
    }
    %scan3A_53 = arith.constant 128 : i32
    %scan3A_54 = arith.constant 64 : i32
    %scan3A_55 = arith.addi %scan3A_53, %scan3A_54 : i32
    %scan3A_56 = arith.constant 1 : i32
    scf.for %scan3A_107 = %scan3A_53 to %scan3A_55 step %scan3A_56  : i32 {
      %get3A_108 = arith.index_cast %scan3A_107 : i32 to index
      %get3A_109 = memref.load %arg0[%get3A_108] : memref<512xi32, #tpu.memory_space<smem>>
      %dma_start3A = arith.constant 0 : i32
      %dma_start3A_110 = tpu.memref_slice %arg7[%get3A_109, %dma_start3A] : memref<100000x128xf32, #tpu.memory_space<any>> -> memref<1x128xf32, #tpu.memory_space<any>>
      %dma_start3A_111 = arith.constant 0 : i32
      %dma_start3A_112 = tpu.memref_slice %arg8[%scan3A_107, %dma_start3A_111] : memref<512x128xf32, #tpu.memory_space<vmem>> -> memref<1x128xf32, #tpu.memory_space<vmem>>
      tpu.enqueue_dma source(%dma_start3A_112 : memref<1x128xf32, #tpu.memory_space<vmem>>) target(%dma_start3A_110 : memref<1x128xf32, #tpu.memory_space<any>>) target_semaphore(%arg10 : memref<!tpu.dma_semaphore, #tpu.memory_space<semaphore_mem>>)
    }
    %scan3A_57 = arith.constant 64 : i32
    %scan3A_58 = arith.constant 0 : i32
    %scan3A_59 = arith.constant 64 : i32
    %scan3A_60 = arith.addi %scan3A_58, %scan3A_59 : i32
    %scan3A_61 = arith.constant 1 : i32
    scf.for %scan3A_107 = %scan3A_58 to %scan3A_60 step %scan3A_61  : i32 {
      %dma_wait3A = arith.constant 0 : i32
      %dma_wait3A_108 = arith.constant 0 : i32
      %dma_wait3A_109 = tpu.memref_slice %arg7[%dma_wait3A, %dma_wait3A_108] : memref<100000x128xf32, #tpu.memory_space<any>> -> memref<1x128xf32, #tpu.memory_space<any>>
      %dma_wait3A_110 = arith.constant 0 : i32
      %dma_wait3A_111 = arith.constant 0 : i32
      %dma_wait3A_112 = tpu.memref_slice %arg8[%dma_wait3A_110, %dma_wait3A_111] : memref<512x128xf32, #tpu.memory_space<vmem>> -> memref<1x128xf32, #tpu.memory_space<vmem>>
      tpu.wait_dma2 semaphore(%arg10 : memref<!tpu.dma_semaphore, #tpu.memory_space<semaphore_mem>>) src(%dma_wait3A_112 : memref<1x128xf32, #tpu.memory_space<vmem>>) dst(%dma_wait3A_109 : memref<1x128xf32, #tpu.memory_space<any>>)
    }
    %scan3A_62 = arith.constant 192 : i32
    %scan3A_63 = arith.constant 64 : i32
    %scan3A_64 = arith.addi %scan3A_62, %scan3A_63 : i32
    %scan3A_65 = arith.constant 1 : i32
    scf.for %scan3A_107 = %scan3A_62 to %scan3A_64 step %scan3A_65  : i32 {
      %get3A_108 = arith.index_cast %scan3A_107 : i32 to index
      %get3A_109 = memref.load %arg0[%get3A_108] : memref<512xi32, #tpu.memory_space<smem>>
      %dma_start3A = arith.constant 0 : i32
      %dma_start3A_110 = tpu.memref_slice %arg7[%get3A_109, %dma_start3A] : memref<100000x128xf32, #tpu.memory_space<any>> -> memref<1x128xf32, #tpu.memory_space<any>>
      %dma_start3A_111 = arith.constant 0 : i32
      %dma_start3A_112 = tpu.memref_slice %arg8[%scan3A_107, %dma_start3A_111] : memref<512x128xf32, #tpu.memory_space<vmem>> -> memref<1x128xf32, #tpu.memory_space<vmem>>
      tpu.enqueue_dma source(%dma_start3A_112 : memref<1x128xf32, #tpu.memory_space<vmem>>) target(%dma_start3A_110 : memref<1x128xf32, #tpu.memory_space<any>>) target_semaphore(%arg10 : memref<!tpu.dma_semaphore, #tpu.memory_space<semaphore_mem>>)
    }
    %scan3A_66 = arith.constant 64 : i32
    %scan3A_67 = arith.constant 0 : i32
    %scan3A_68 = arith.constant 64 : i32
    %scan3A_69 = arith.addi %scan3A_67, %scan3A_68 : i32
    %scan3A_70 = arith.constant 1 : i32
    scf.for %scan3A_107 = %scan3A_67 to %scan3A_69 step %scan3A_70  : i32 {
      %dma_wait3A = arith.constant 0 : i32
      %dma_wait3A_108 = arith.constant 0 : i32
      %dma_wait3A_109 = tpu.memref_slice %arg7[%dma_wait3A, %dma_wait3A_108] : memref<100000x128xf32, #tpu.memory_space<any>> -> memref<1x128xf32, #tpu.memory_space<any>>
      %dma_wait3A_110 = arith.constant 0 : i32
      %dma_wait3A_111 = arith.constant 0 : i32
      %dma_wait3A_112 = tpu.memref_slice %arg8[%dma_wait3A_110, %dma_wait3A_111] : memref<512x128xf32, #tpu.memory_space<vmem>> -> memref<1x128xf32, #tpu.memory_space<vmem>>
      tpu.wait_dma2 semaphore(%arg10 : memref<!tpu.dma_semaphore, #tpu.memory_space<semaphore_mem>>) src(%dma_wait3A_112 : memref<1x128xf32, #tpu.memory_space<vmem>>) dst(%dma_wait3A_109 : memref<1x128xf32, #tpu.memory_space<any>>)
    }
    %scan3A_71 = arith.constant 256 : i32
    %scan3A_72 = arith.constant 64 : i32
    %scan3A_73 = arith.addi %scan3A_71, %scan3A_72 : i32
    %scan3A_74 = arith.constant 1 : i32
    scf.for %scan3A_107 = %scan3A_71 to %scan3A_73 step %scan3A_74  : i32 {
      %get3A_108 = arith.index_cast %scan3A_107 : i32 to index
      %get3A_109 = memref.load %arg0[%get3A_108] : memref<512xi32, #tpu.memory_space<smem>>
      %dma_start3A = arith.constant 0 : i32
      %dma_start3A_110 = tpu.memref_slice %arg7[%get3A_109, %dma_start3A] : memref<100000x128xf32, #tpu.memory_space<any>> -> memref<1x128xf32, #tpu.memory_space<any>>
      %dma_start3A_111 = arith.constant 0 : i32
      %dma_start3A_112 = tpu.memref_slice %arg8[%scan3A_107, %dma_start3A_111] : memref<512x128xf32, #tpu.memory_space<vmem>> -> memref<1x128xf32, #tpu.memory_space<vmem>>
      tpu.enqueue_dma source(%dma_start3A_112 : memref<1x128xf32, #tpu.memory_space<vmem>>) target(%dma_start3A_110 : memref<1x128xf32, #tpu.memory_space<any>>) target_semaphore(%arg10 : memref<!tpu.dma_semaphore, #tpu.memory_space<semaphore_mem>>)
    }
    %scan3A_75 = arith.constant 64 : i32
    %scan3A_76 = arith.constant 0 : i32
    %scan3A_77 = arith.constant 64 : i32
    %scan3A_78 = arith.addi %scan3A_76, %scan3A_77 : i32
    %scan3A_79 = arith.constant 1 : i32
    scf.for %scan3A_107 = %scan3A_76 to %scan3A_78 step %scan3A_79  : i32 {
      %dma_wait3A = arith.constant 0 : i32
      %dma_wait3A_108 = arith.constant 0 : i32
      %dma_wait3A_109 = tpu.memref_slice %arg7[%dma_wait3A, %dma_wait3A_108] : memref<100000x128xf32, #tpu.memory_space<any>> -> memref<1x128xf32, #tpu.memory_space<any>>
      %dma_wait3A_110 = arith.constant 0 : i32
      %dma_wait3A_111 = arith.constant 0 : i32
      %dma_wait3A_112 = tpu.memref_slice %arg8[%dma_wait3A_110, %dma_wait3A_111] : memref<512x128xf32, #tpu.memory_space<vmem>> -> memref<1x128xf32, #tpu.memory_space<vmem>>
      tpu.wait_dma2 semaphore(%arg10 : memref<!tpu.dma_semaphore, #tpu.memory_space<semaphore_mem>>) src(%dma_wait3A_112 : memref<1x128xf32, #tpu.memory_space<vmem>>) dst(%dma_wait3A_109 : memref<1x128xf32, #tpu.memory_space<any>>)
    }
    %scan3A_80 = arith.constant 320 : i32
    %scan3A_81 = arith.constant 64 : i32
    %scan3A_82 = arith.addi %scan3A_80, %scan3A_81 : i32
    %scan3A_83 = arith.constant 1 : i32
    scf.for %scan3A_107 = %scan3A_80 to %scan3A_82 step %scan3A_83  : i32 {
      %get3A_108 = arith.index_cast %scan3A_107 : i32 to index
      %get3A_109 = memref.load %arg0[%get3A_108] : memref<512xi32, #tpu.memory_space<smem>>
      %dma_start3A = arith.constant 0 : i32
      %dma_start3A_110 = tpu.memref_slice %arg7[%get3A_109, %dma_start3A] : memref<100000x128xf32, #tpu.memory_space<any>> -> memref<1x128xf32, #tpu.memory_space<any>>
      %dma_start3A_111 = arith.constant 0 : i32
      %dma_start3A_112 = tpu.memref_slice %arg8[%scan3A_107, %dma_start3A_111] : memref<512x128xf32, #tpu.memory_space<vmem>> -> memref<1x128xf32, #tpu.memory_space<vmem>>
      tpu.enqueue_dma source(%dma_start3A_112 : memref<1x128xf32, #tpu.memory_space<vmem>>) target(%dma_start3A_110 : memref<1x128xf32, #tpu.memory_space<any>>) target_semaphore(%arg10 : memref<!tpu.dma_semaphore, #tpu.memory_space<semaphore_mem>>)
    }
    %scan3A_84 = arith.constant 64 : i32
    %scan3A_85 = arith.constant 0 : i32
    %scan3A_86 = arith.constant 64 : i32
    %scan3A_87 = arith.addi %scan3A_85, %scan3A_86 : i32
    %scan3A_88 = arith.constant 1 : i32
    scf.for %scan3A_107 = %scan3A_85 to %scan3A_87 step %scan3A_88  : i32 {
      %dma_wait3A = arith.constant 0 : i32
      %dma_wait3A_108 = arith.constant 0 : i32
      %dma_wait3A_109 = tpu.memref_slice %arg7[%dma_wait3A, %dma_wait3A_108] : memref<100000x128xf32, #tpu.memory_space<any>> -> memref<1x128xf32, #tpu.memory_space<any>>
      %dma_wait3A_110 = arith.constant 0 : i32
      %dma_wait3A_111 = arith.constant 0 : i32
      %dma_wait3A_112 = tpu.memref_slice %arg8[%dma_wait3A_110, %dma_wait3A_111] : memref<512x128xf32, #tpu.memory_space<vmem>> -> memref<1x128xf32, #tpu.memory_space<vmem>>
      tpu.wait_dma2 semaphore(%arg10 : memref<!tpu.dma_semaphore, #tpu.memory_space<semaphore_mem>>) src(%dma_wait3A_112 : memref<1x128xf32, #tpu.memory_space<vmem>>) dst(%dma_wait3A_109 : memref<1x128xf32, #tpu.memory_space<any>>)
    }
    %scan3A_89 = arith.constant 384 : i32
    %scan3A_90 = arith.constant 64 : i32
    %scan3A_91 = arith.addi %scan3A_89, %scan3A_90 : i32
    %scan3A_92 = arith.constant 1 : i32
    scf.for %scan3A_107 = %scan3A_89 to %scan3A_91 step %scan3A_92  : i32 {
      %get3A_108 = arith.index_cast %scan3A_107 : i32 to index
      %get3A_109 = memref.load %arg0[%get3A_108] : memref<512xi32, #tpu.memory_space<smem>>
      %dma_start3A = arith.constant 0 : i32
      %dma_start3A_110 = tpu.memref_slice %arg7[%get3A_109, %dma_start3A] : memref<100000x128xf32, #tpu.memory_space<any>> -> memref<1x128xf32, #tpu.memory_space<any>>
      %dma_start3A_111 = arith.constant 0 : i32
      %dma_start3A_112 = tpu.memref_slice %arg8[%scan3A_107, %dma_start3A_111] : memref<512x128xf32, #tpu.memory_space<vmem>> -> memref<1x128xf32, #tpu.memory_space<vmem>>
      tpu.enqueue_dma source(%dma_start3A_112 : memref<1x128xf32, #tpu.memory_space<vmem>>) target(%dma_start3A_110 : memref<1x128xf32, #tpu.memory_space<any>>) target_semaphore(%arg10 : memref<!tpu.dma_semaphore, #tpu.memory_space<semaphore_mem>>)
    }
    %scan3A_93 = arith.constant 64 : i32
    %scan3A_94 = arith.constant 0 : i32
    %scan3A_95 = arith.constant 64 : i32
    %scan3A_96 = arith.addi %scan3A_94, %scan3A_95 : i32
    %scan3A_97 = arith.constant 1 : i32
    scf.for %scan3A_107 = %scan3A_94 to %scan3A_96 step %scan3A_97  : i32 {
      %dma_wait3A = arith.constant 0 : i32
      %dma_wait3A_108 = arith.constant 0 : i32
      %dma_wait3A_109 = tpu.memref_slice %arg7[%dma_wait3A, %dma_wait3A_108] : memref<100000x128xf32, #tpu.memory_space<any>> -> memref<1x128xf32, #tpu.memory_space<any>>
      %dma_wait3A_110 = arith.constant 0 : i32
      %dma_wait3A_111 = arith.constant 0 : i32
      %dma_wait3A_112 = tpu.memref_slice %arg8[%dma_wait3A_110, %dma_wait3A_111] : memref<512x128xf32, #tpu.memory_space<vmem>> -> memref<1x128xf32, #tpu.memory_space<vmem>>
      tpu.wait_dma2 semaphore(%arg10 : memref<!tpu.dma_semaphore, #tpu.memory_space<semaphore_mem>>) src(%dma_wait3A_112 : memref<1x128xf32, #tpu.memory_space<vmem>>) dst(%dma_wait3A_109 : memref<1x128xf32, #tpu.memory_space<any>>)
    }
    %scan3A_98 = arith.constant 448 : i32
    %scan3A_99 = arith.constant 64 : i32
    %scan3A_100 = arith.addi %scan3A_98, %scan3A_99 : i32
    %scan3A_101 = arith.constant 1 : i32
    scf.for %scan3A_107 = %scan3A_98 to %scan3A_100 step %scan3A_101  : i32 {
      %get3A_108 = arith.index_cast %scan3A_107 : i32 to index
      %get3A_109 = memref.load %arg0[%get3A_108] : memref<512xi32, #tpu.memory_space<smem>>
      %dma_start3A = arith.constant 0 : i32
      %dma_start3A_110 = tpu.memref_slice %arg7[%get3A_109, %dma_start3A] : memref<100000x128xf32, #tpu.memory_space<any>> -> memref<1x128xf32, #tpu.memory_space<any>>
      %dma_start3A_111 = arith.constant 0 : i32
      %dma_start3A_112 = tpu.memref_slice %arg8[%scan3A_107, %dma_start3A_111] : memref<512x128xf32, #tpu.memory_space<vmem>> -> memref<1x128xf32, #tpu.memory_space<vmem>>
      tpu.enqueue_dma source(%dma_start3A_112 : memref<1x128xf32, #tpu.memory_space<vmem>>) target(%dma_start3A_110 : memref<1x128xf32, #tpu.memory_space<any>>) target_semaphore(%arg10 : memref<!tpu.dma_semaphore, #tpu.memory_space<semaphore_mem>>)
    }
    %scan3A_102 = arith.constant 64 : i32
    %scan3A_103 = arith.constant 0 : i32
    %scan3A_104 = arith.constant 64 : i32
    %scan3A_105 = arith.addi %scan3A_103, %scan3A_104 : i32
    %scan3A_106 = arith.constant 1 : i32
    scf.for %scan3A_107 = %scan3A_103 to %scan3A_105 step %scan3A_106  : i32 {
      %dma_wait3A = arith.constant 0 : i32
      %dma_wait3A_108 = arith.constant 0 : i32
      %dma_wait3A_109 = tpu.memref_slice %arg7[%dma_wait3A, %dma_wait3A_108] : memref<100000x128xf32, #tpu.memory_space<any>> -> memref<1x128xf32, #tpu.memory_space<any>>
      %dma_wait3A_110 = arith.constant 0 : i32
      %dma_wait3A_111 = arith.constant 0 : i32
      %dma_wait3A_112 = tpu.memref_slice %arg8[%dma_wait3A_110, %dma_wait3A_111] : memref<512x128xf32, #tpu.memory_space<vmem>> -> memref<1x128xf32, #tpu.memory_space<vmem>>
      tpu.wait_dma2 semaphore(%arg10 : memref<!tpu.dma_semaphore, #tpu.memory_space<semaphore_mem>>) src(%dma_wait3A_112 : memref<1x128xf32, #tpu.memory_space<vmem>>) dst(%dma_wait3A_109 : memref<1x128xf32, #tpu.memory_space<any>>)
    }
    return
  }
}

</mosaic_0001>

<sc_bundles>
// kernel: kernel.10.cloned.1.call-start
scs
__scs_entry_jumppad:
0x0: {  	(pc) =	sbr.rel $0x88, $3  }
0x1: {  	(tag) =	ssettag $0x0;
	lr =	simm.s32 $0x1  }
0x2: {  	[smem:$0x3F9C] =	sst lr;
	_ =	strace $0xD0000000  }
0x3: {  	_ = 	snop  }
0x4: {  	_ = 	snop  }
0x5: {  	_ = 	snop  }
0x6: {  	_ = 	snop  }
0x7: {  	_ = 	snop  }
__scs_overlays_trampoline_lowered:
0x8: {  	[smem:$0x3FAB] =	sst s0  }
0x9: {  	[smem:$0x3FAC] =	sst s1  }
0xa: {  	[smem:$0x3FAD] =	sst s2  }
0xb: {  	[smem:$0x3FAE] =	sst s3  }
0xc: {  	[smem:$0x3FAF] =	sst s4  }
0xd: {  	[smem:$0x3FB0] =	sst s5  }
0xe: {  	[smem:$0x3FB1] =	sst s6  }
0xf: {  	[smem:$0x3FB2] =	sst s7  }
0x10: {  	[smem:$0x3FB3] =	sst s8  }
0x11: {  	[smem:$0x3FB4] =	sst s9;
	s0 =	simm.s32 @!p0 $0x0  }
0x12: {  	s1 =	sld [smem:$0x3F9A];
	s0 =	simm.s32 @p0 $0x1  }
0x13: {  	[smem:$0x3FB5] =	sst s0;
	s0 =	simm.s32 @!p1 $0x0  }
0x14: {  	s2 =	sld [smem:$0x3F99];
	s0 =	simm.s32 @p1 $0x1  }
0x15: {  	[smem:$0x3FB6] =	sst s0;
	s0 =	simm.s32 @!p2 $0x0  }
0x16: {  	s3 =	sld [smem:$0x3FDB];
	s0 =	simm.s32 @p2 $0x1  }
0x17: {  	s4 =	simm.s32 $0x1BF5;
	[smem:$0x3FB8] =	sst s0  }
0x18: {  	s0 =	sld [smem:$0x3F9B];
	_ =	swait.ge [sflag:s4], $0x0  }
0x19: {  	s7 =	sld [smem:$0x3F9C]  }
0x1a: {  	s8 =	sadd.s32 $0xFFFFE003, lr  }
0x1b: {  	s9 =	sadd.s32 $0xFFFFFEF7, lr;
	s5 =	simm.s32 $0xFFFFFFFF;
	p2 =	slt.u32 s8, $0xFFFFF086  }
0x1c: {  	p1 =	slt.u32 s9, $0xF7A;
	s5 =	simm.s32 @!p2 $0x0  }
0x1d: {  	s5 =	simm.s32 @p1 $0x1;
	p0 =	seq.s32 s7, s2  }
0x1e: {  	s7 =	smul.u32 @!p0 $0xF7A, s2;
	p2 =	seq.s32 @!p0 s5, $0x0  }
0x1f: {  	s9 =	smul.u32 $0xF7A, s1;
	s8 =	simm.s32 @!p0 $0x1BF5;
	p2 =	por !p2, p0  }
0x20: {  	[sflag:s8] =	ssyncset.s32 @!p0 $0xFFFFF086;
	s6 =	sadd.s32 @!p0 s3, s7;
	s7 =	simm.s32 @!p0 $0x108  }
0x21: {  	s3 =	sadd.s32 s3, s9;
	s6 =	sadd.s32 @!p0 $0x88, s6;
	s7 =	simm.s32 @p2 $0x1082  }
0x22: {  	[simem:s7], [sflag:s8] =	dma.local @!p0 [hbm:s6], $0xF7A  }
0x23: {  	s9 =	sor.u32 $0xD0000000, s2;
	s6 =	simm.s32 $0x108;
	_ =	swait.ge @!p0 [sflag:s8], $0x0  }
0x24: {  	s3 =	sadd.s32 $0x88, s3;
	s6 =	simm.s32 @!p1 $0x1082;
	[sflag:s4] =	ssyncset.s32 $0xFFFFF086  }
0x25: {  	[simem:s6], [sflag:s4] =	dma.local [hbm:s3], $0xF7A  }
0x26: {  	[smem:$0x3F9C] =	sst s1;
	(tag) =	ssettag s2;
	_ =	strace s9  }
0x27: {  	s1 =	sld [smem:$0x3FAC]  }
0x28: {  	s2 =	sld [smem:$0x3FAD]  }
0x29: {  	s4 =	sld [smem:$0x3FAF]  }
0x2a: {  	p0 =	seq.s32 s5, $0x0;
	s5 =	sld [smem:$0x3FB0]  }
0x2b: {  	s6 =	sld [smem:$0x3FB1]  }
0x2c: {  	s7 =	sld [smem:$0x3FB2]  }
0x2d: {  	s3 =	simm.s32 $0x108;
	s8 =	sld [smem:$0x3FB3]  }
0x2e: {  	s3 =	simm.s32 @!p0 $0x1082;
	s9 =	sld [smem:$0x3FB4]  }
0x2f: {  	lr =	sadd.s32 s0, s3;
	s0 =	sld [smem:$0x3FAB]  }
0x30: {  	s3 =	sld [smem:$0x3FAE]  }
0x31: {  	[smem:$0x3FB7] =	sst s10  }
0x32: {  	s10 =	sld [smem:$0x3FB5];
	_ =	sdelay $0x3  }
0x33: {  	p0 =	seq.s32 s10, $0x1;
	s10 =	sld [smem:$0x3FB7];
	_ =	sdelay $0x3  }
0x34: {  	[smem:$0x3FB7] =	sst s10  }
0x35: {  	s10 =	sld [smem:$0x3FB6];
	_ =	sdelay $0x3  }
0x36: {  	p1 =	seq.s32 s10, $0x1;
	s10 =	sld [smem:$0x3FB7];
	_ =	sdelay $0x3  }
0x37: {  	[smem:$0x3FB7] =	sst s10  }
0x38: {  	s10 =	sld [smem:$0x3FB8]  }
0x39: {  	_ = 	snop;
	(pc) =	sbr.ind lr, $3  }
0x3a: {  	_ = 	snop  }
0x3b: {  	_ = 	snop  }
0x3c: {  	p2 =	seq.s32 s10, $0x1;
	s10 =	sld [smem:$0x3FB7]  }
0x3d: {  	_ =	shalt  }
0x3e: {  	_ =	shalt  }
0x3f: {  	_ =	shalt  }
0x40: {  	_ =	shalt  }
0x41: {  	_ =	shalt  }
0x42: {  	_ =	shalt  }
0x43: {  	_ =	shalt  }
0x44: {  	_ =	shalt  }
0x45: {  	_ =	shalt  }
0x46: {  	_ =	shalt  }
0x47: {  	_ =	shalt  }
0x48: {  	_ =	shalt  }
0x49: {  	_ =	shalt  }
0x4a: {  	_ =	shalt  }
0x4b: {  	_ =	shalt  }
0x4c: {  	_ =	shalt  }
0x4d: {  	_ =	shalt  }
0x4e: {  	_ =	shalt  }
0x4f: {  	_ =	shalt  }
0x50: {  	_ =	shalt  }
0x51: {  	_ =	shalt  }
0x52: {  	_ =	shalt  }
0x53: {  	_ =	shalt  }
0x54: {  	_ =	shalt  }
0x55: {  	_ =	shalt  }
0x56: {  	_ =	shalt  }
0x57: {  	_ =	shalt  }
0x58: {  	_ =	shalt  }
0x59: {  	_ =	shalt  }
0x5a: {  	_ =	shalt  }
0x5b: {  	_ =	shalt  }
0x5c: {  	_ =	shalt  }
0x5d: {  	_ =	shalt  }
0x5e: {  	_ =	shalt  }
0x5f: {  	_ =	shalt  }
0x60: {  	_ =	shalt  }
0x61: {  	_ =	shalt  }
0x62: {  	_ =	shalt  }
0x63: {  	_ =	shalt  }
0x64: {  	_ =	shalt  }
0x65: {  	_ =	shalt  }
0x66: {  	_ =	shalt  }
0x67: {  	_ =	shalt  }
0x68: {  	_ =	shalt  }
0x69: {  	_ =	shalt  }
0x6a: {  	_ =	shalt  }
0x6b: {  	_ =	shalt  }
0x6c: {  	_ =	shalt  }
0x6d: {  	_ =	shalt  }
0x6e: {  	_ =	shalt  }
0x6f: {  	_ =	shalt  }
0x70: {  	_ =	shalt  }
0x71: {  	_ =	shalt  }
0x72: {  	_ =	shalt  }
0x73: {  	_ =	shalt  }
0x74: {  	_ =	shalt  }
0x75: {  	_ =	shalt  }
0x76: {  	_ =	shalt  }
0x77: {  	_ =	shalt  }
0x78: {  	_ =	shalt  }
0x79: {  	_ =	shalt  }
0x7a: {  	_ =	shalt  }
0x7b: {  	_ =	shalt  }
0x7c: {  	_ =	shalt  }
0x7d: {  	_ =	shalt  }
0x7e: {  	_ =	shalt  }
0x7f: {  	_ =	shalt  }
0x80: {  	_ =	shalt  }
0x81: {  	_ =	shalt  }
0x82: {  	_ =	shalt  }
0x83: {  	_ =	shalt  }
0x84: {  	_ =	shalt  }
0x85: {  	_ =	shalt  }
0x86: {  	_ =	shalt  }
0x87: {  	_ =	shalt  }
.Lfunc_end0:
.L_simem_size_0:
called_computation.1_lowered:
.L_overlay_start_0:
0x88: {  	s2 =	sld [smem:$0x3FD9]  }
0x89: {  	s3 =	sld [smem:$0x3FFE];
	_ =	sdelay $0x1  }
0x8a: {  	s1 =	srdreg.scid  }
0x8b: {  	s0 =	sand.u32 $0x1, s1  }
0x8c: {  	s14 =	sshll.u32 s0, $0xA;
	s2 =	sadd.s32 s3, s2  }
0x8d: {  	s2 =	sadd.s32 s2, s14  }
0x8e: {  	[smem:$0x3FC3] =	sst s2  }
0x8f: {  	_ = 	snop  }
0x90: {  	s2 =	sld [smem:$0x3FD0];
	_ =	sdelay $0x1  }
0x91: {  	s15 =	sld [smem:$0x3FC9]  }
0x92: {  	s5 =	simm.s32 $0xB;
	s6 =	simm.s32 $0x10;
	s4 =	sld [smem:$0x3FC6]  }
0x93: {  	[smem:s6], [sflag:s5] =	dma.local [hbm:s2], $0x1  }
0x94: {  	_ =	swait.eq [sflag:s5], $0x1  }
0x95: {  	[sflag:s5] =	ssyncset.done $0x0  }
0x96: {  	[sflag:s5] =	ssyncadd.s32 $0xFFFFFFFF  }
0x97: {  	s16 =	sld [smem:$0x10];
	(tm) =	ssettm $0x1  }
0x98: {  	s17 =	sld [smem:$0x3FFB];
	_ =	sdelay $0x3  }
0x99: {  	_ =	strace s17  }
0x9a: {  	s5 =	sld [smem:$0x3FFC];
	_ =	sdelay $0x3  }
0x9b: {  	_ =	strace s5  }
0x9c: {  	s5 =	sld [smem:$0x3FFD];
	_ =	sdelay $0x3  }
0x9d: {  	_ =	strace s5  }
0x9e: {  	_ =	strace $0x8FFFFFFF  }
0x9f: {  	s18 =	sld [smem:$0x3FDB];
	_ =	sdelay $0x1  }
0xa0: {  	s19 =	simm.s32 $_scs_section_size  }
0xa1: {  	s7 =	simm.s32 $_size__tile_overlayer_lowered;
	s8 =	simm.s32 $_tile_overlayer_lowered  }
0xa2: {  	s22 =	simm.s32 $0x1BFF;
	s21 =	sshll.u32 s8, $0x1;
	s5 =	sadd.s32 s19, s18  }
0xa3: {  	s9 =	simm.s32 $0x0;
	s20 =	sshll.u32 s7, $0x1;
	s7 =	sadd.s32 s21, s5  }
0xa4: {  	[timem:s9], [sflag:s22] =	dma.local [hbm:s7], s20  }
0xa5: {  	_ =	swait.ge [sflag:s22], s20  }
0xa6: {  	s6 =	ssub.s32 $0x0, s20;
	[sflag:s22] =	ssyncset.done $0x0  }
0xa7: {  	[sflag:s22] =	ssyncadd.s32 s6;
	_ =	sdelay $0x1  }
0xa8: {  	s23 =	simm.s32 $0x1B8B  }
0xa9: {  	_ =	swait.ge [sflag:s23], $0x1  }
0xaa: {  	[sflag:s23] =	ssyncset.done $0x0  }
0xab: {  	s25 =	simm.s32 $0x1B8E;
	s24 =	sld [smem:$0x3FFE];
	[sflag:s23] =	ssyncadd.s32 $0xFFFFFFFF  }
0xac: {  	s26 =	simm.s32 $execute0_lowered;
	[smem:$0x3FD2] =	sst s25  }
0xad: {  	s7 =	sshll.u32 s26, $0x1;
	_ =	strace $0x80000046;
	[dreg:$0x1] =	wrdreg $0xFFFFFFFF  }
0xae: {  	s28 =	simm.s32 $_size_execute0_lowered;
	s5 =	sadd.s32 s5, s7;
	[dreg:$0x0] =	wrdreg $0x0  }
0xaf: {  	s7 =	sshll.u32 s28, $0x1;
	[dreg:$0x2] =	wrdreg s5  }
0xb0: {  	[dreg:$0x3] =	wrdreg s7  }
0xb1: {  	[dreg:$0x4] =	wrdreg $0xC0  }
0xb2: {  	_ =	task [dreg:s9], $0x5FFFF  }
0xb3: {  	[dreg:$0x1] =	wrdreg $0xFFFFFFFF  }
0xb4: {  	[dreg:$0x0] =	wrdreg $0x60  }
0xb5: {  	[dreg:$0x2] =	wrdreg s16  }
0xb6: {  	[dreg:$0x3] =	wrdreg s15  }
0xb7: {  	[dreg:$0x4] =	wrdreg s4  }
0xb8: {  	[dreg:$0x5] =	wrdreg s24  }
0xb9: {  	[dreg:$0x6] =	wrdreg $0xA  }
0xba: {  	_ =	task.clear_ibuf [dreg:s9], $0x7FFFF;
	_ =	strace $0x90000046  }
0xbb: {  	s29 =	simm.s32 $0xA;
	_ =	strace $0x80000048  }
0xbc: {  	_ =	swait.ge [sflag:s29], $0x1  }
0xbd: {  	[sflag:s29] =	ssyncadd.s32 $0xFFFFFFFF  }
0xbe: {  	_ =	strace $0x90000048  }
0xbf: {  	_ =	sfence  }
0xc0: {  	s30 =	sld [smem:$0x0];
	_ =	sdelay $0x2  }
0xc1: {  	s31 =	sshll.u32 s1, $0xD;
	s1 =	sshrl.u32 s1, $0x2  }
0xc2: {  	s3 =	sand.u32 $0x4000, s31;
	s1 =	sadd.s32 s1, s30  }
0xc3: {  	s0 =	sor.u32 s3, s0;
	s1 =	sshll.u32 s1, $0x11  }
0xc4: {  	s0 =	sor.u32 s1, s0  }
0xc5: {  	s0 =	sadd.s32 $0x8F2B, s0  }
0xc6: {  	[sflag:s0] =	ssyncadd.remote.s32 $0x1  }
0xc7: {  	_ =	sfence.sel $0xFFFF  }
0xc8: {  	[dreg:$0x0] =	wrdreg $0xFFFFFFFF;
	(pc) =	sbr.abs _section_cstart, $3  }
0xc9: {  	[dreg:$0x1] =	wrdreg $0xFFFFFFFF  }
0xca: {  	_ =	task.clear_ibuf [dreg:s9], $0x2FFFF;
	_ =	strace $0x9FFFFFFF  }
0xcb: {  	(tm) =	ssettm $0x7FFFFFFF  }
tec
execute0_lowered:
.L_overlay_start_1:
0x0: {  	(tag) =	ssettag $0x1  }
0x1: {  	s1 =	rddreg [dreg:$0x0]  }
0x2: {  	s2 =	rddreg [dreg:$0x1]  }
0x3: {  	s3 =	rddreg [dreg:$0x2]  }
0x4: {  	s0 =	rddreg [dreg:$0x3];
	s5 =	simm.s32 $0x0  }
0x5: {  	s4 =	srdreg.scid;
	s6 =	stileid.u32;
	s12 =	simm.s32 $0x400  }
0x6: {  	s13 =	simm.s32 $0x80;
	s14 =	simm.s32 $0x500;
	s15 =	simm.s32 $0x4500  }
0x7: {  	s16 =	simm.s32 $0x200;
	s19 =	simm.s32 $0x8500;
	s20 =	simm.s32 $0x1  }
0x8: {  	s21 =	simm.s32 $0x10500;
	s23 =	simm.s32 $0xC500;
	s24 =	simm.s32 $0x2  }
0x9: {  	s25 =	simm.s32 $0x6;
	s29 =	simm.s32 $0x4;
	s4 =	sand.u32 $0x1, s4  }
0xa: {  	s7 =	sshll.u32 s6, $0x5;
	s8 =	ssub.s32 $0x2, s4;
	s4 =	sshll.u32 s4, $0x9  }
0xb: {  	s31 =	simm.s32 $0x10700;
	[smem:$0x7FF] =	sst s5;
	s7 =	sor.u32 s7, s4  }
0xc: {  	s6 =	sadd.s32 $0x1400, s0;
	_ =	strace $0x80000047;
	s4 =	sshll.u32 s7, $0x6  }
0xd: {  	s26 =	sshrl.u32 s8, $0x1;
	s28 =	sshll.u32 s7, $0x4;
	s4 =	sadd.s32 s1, s4  }
0xe: {  	s0 =	ssub.s32 s8, s26;
	s30 =	sadd.s32 s2, s28;
	[dreg:$0x5] =	wrdreg s4  }
0xf: {  	s9 =	simm.s32 $0x0;
	s0 =	smax.u32 s0, $0x1;
	[dreg:$0x6] =	wrdreg s30  }
0x10: {  	vm0 =	vcmask $0x3F3C;
	s26 =	simm.s32 $0x3;
	[dreg:$0x7] =	wrdreg s0;
	s0 =	simm.s32 $0x380  }
.LBB2_1:
0x11: {  	[dreg:$0x8] =	wrdreg s9  }
0x12: {  	s4 =	rddreg [dreg:$0x5];
	s8 =	simm.s32 $0x9  }
0x13: {  	[tilespmem:s5], [sflag:$0x9] =	stream.linear.gather [hbm4b:s4+s5], $0x200, $0x38;
	[tilespmem:$0x10900] =	vst v63  }
0x14: {  	_ =	swait.ge [sflag:s8], $0x200  }
0x15: {  	[sflag:s8] =	ssyncset.done $0x0  }
0x16: {  	s30 =	rddreg [dreg:$0x6];
	[sflag:s8] =	ssyncadd.s32 $0xFFFFFE00  }
0x17: {  	[tilespmem:s12], [sflag:$0x9] =	stream.linear.gather [hbm4b:s30+s5], $0x80, $0x38;
	[tilespmem:$0x10900] =	vst v63  }
0x18: {  	_ =	swait.ge [sflag:s8], $0x80  }
0x19: {  	[sflag:s8] =	ssyncset.done $0x0  }
0x1a: {  	[sflag:s8] =	ssyncadd.s32 $0xFFFFFF80  }
0x1b: {  	[tilespmem:s14], [sflag:$0x1] =	stream.indirect.gather [hbm4b:s3+s13], $0x80, s5, s13, $0xb8;
	[tilespmem:$0x10900] =	vst v63  }
0x1c: {  	s10 =	simm.s32 $0x0  }
0x1d: {  	[tilespmem:s15], [sflag:$0x2] =	stream.indirect.gather [hbm4b:s3+s13], $0x80, s13, s13, $0xb8;
	[tilespmem:$0x10900] =	vst v63  }
.LBB2_2:
0x1e: {  	s4 =	sshll.u32 s10, $0x1  }
0x1f: {  	s11 =	sadd.s32 s7, s4  }
0x20: {  	s4 =	sor.u32 $0x1, s11  }
0x21: {  	s8 =	sshll.u32 s4, $0x6  }
0x22: {  	s8 =	sand.u32 $0x1FFFFFC0, s8  }
0x23: {  	s8 =	sadd.s32 s1, s8  }
0x24: {  	[tilespmem:s16], [sflag:$0x6] =	stream.linear.gather [hbm4b:s8+s5], $0x200, $0x38;
	[tilespmem:$0x10900] =	vst v63  }
0x25: {  	s4 =	sshll.u32 s4, $0x7;
	s8 =	sshrl.u32 s11, $0x3  }
0x26: {  	s4 =	sand.u32 $0x380, s4;
	s9 =	sshll.u32 s8, $0xA  }
0x27: {  	s9 =	sor.u32 s9, s4  }
0x28: {  	s9 =	sshrl.u32 s9, $0x3  }
0x29: {  	s17 =	simm.s32 $0x480;
	p1 =	seq.s32 s10, $0x0;
	s9 =	sadd.s32 s2, s9  }
0x2a: {  	[tilespmem:s17], [sflag:$0x6] =	stream.linear.gather [hbm4b:s9+s5], $0x80, $0x38;
	[tilespmem:$0x10900] =	vst v63  }
0x2b: {  	s17 =	simm.s32 $0x100;
	s9 =	simm.s32 @!p1 $0x7  }
0x2c: {  	[tilespmem:s19], [sflag:$0x3] =	stream.indirect.gather [hbm4b:s3+s13], $0x80, s17, s13, $0xb8;
	[tilespmem:$0x10900] =	vst v63  }
0x2d: {  	_ =	swait.ge @!p1 [sflag:s9], $0x200  }
0x2e: {  	[sflag:s9] =	ssyncset.done @!p1 $0x0  }
0x2f: {  	[sflag:s9] =	ssyncadd.s32 @!p1 $0xFFFFFE00  }
0x30: {  	_ =	swait.ge [sflag:s20], $0x4000  }
0x31: {  	[sflag:s20] =	ssyncset.done $0x0  }
0x32: {  	[sflag:s20] =	ssyncadd.s32 $0xFFFFC000  }
0x33: {  	v0 =	vld [tilespmem:$0x400]  }
0x34: {  	v6 =	vld [tilespmem:$0x410]  }
0x35: {  	v7 =	vld [tilespmem:$0x420]  }
0x36: {  	v4 =	vld [tilespmem:$0x430]  }
0x37: {  	v5 =	vld [tilespmem:$0x440]  }
0x38: {  	v3 =	vld [tilespmem:$0x450]  }
0x39: {  	v1 =	vld [tilespmem:$0x460]  }
0x3a: {  	s9 =	simm.s32 $0x700;
	v2 =	vld [tilespmem:$0x470]  }
0x3b: {  	v8 =	vld [tilespmem:s9+$0x180]  }
0x3c: {  	v10 =	vld [tilespmem:s9+$0x190]  }
0x3d: {  	v11 =	vld [tilespmem:s9+$0x1A0]  }
0x3e: {  	v12 =	vld [tilespmem:s9+$0x1B0]  }
0x3f: {  	v13 =	vld [tilespmem:s9+$0x1C0]  }
0x40: {  	v14 =	vld [tilespmem:s9+$0x1D0]  }
0x41: {  	v15 =	vld [tilespmem:s9+$0x1E0]  }
0x42: {  	v16 =	vld [tilespmem:s9+$0x1F0]  }
0x43: {  	v17 =	vld [tilespmem:s9+$0xFFFFFE20]  }
0x44: {  	v18 =	vld [tilespmem:s9+$0xFFFFFE30]  }
0x45: {  	v19 =	vld [tilespmem:s9+$0xFFFFFE40]  }
0x46: {  	v20 =	vld [tilespmem:s9+$0xFFFFFE50]  }
0x47: {  	v21 =	vld [tilespmem:s9+$0xFFFFFE60]  }
0x48: {  	v22 =	vld [tilespmem:s9+$0xFFFFFE70]  }
0x49: {  	v23 =	vld [tilespmem:s9+$0xFFFFFE80]  }
0x4a: {  	v24 =	vld [tilespmem:s9+$0xFFFFFE90]  }
0x4b: {  	v25 =	vld [tilespmem:s9+$0xFFFFFEA0]  }
0x4c: {  	v26 =	vld [tilespmem:s9+$0xFFFFFEB0]  }
0x4d: {  	v27 =	vld [tilespmem:s9+$0xFFFFFEC0]  }
0x4e: {  	v28 =	vld [tilespmem:s9+$0xFFFFFED0]  }
0x4f: {  	v29 =	vld [tilespmem:s9+$0xFFFFFEE0]  }
0x50: {  	v32 =	vld [tilespmem:s9+$0xFFFFFF10]  }
0x51: {  	v33 =	vld [tilespmem:s9+$0xFFFFFF20]  }
0x52: {  	v34 =	vld [tilespmem:s9+$0xFFFFFF30];
	v8 =	vmul.f32 v8, v0  }
0x53: {  	v57 =	vld [tilespmem:s9+$0xFFFFFFC0];
	v10 =	vmul.f32 v10, v6;
	v11 =	vmul.f32 v11, v7  }
0x54: {  	v62 =	vld [tilespmem:s9+$0xFFFFFFF0];
	v12 =	vmul.f32 v12, v4;
	v13 =	vmul.f32 v13, v5  }
0x55: {  	v37 =	vld [tilespmem:s9+$0x0];
	v14 =	vmul.f32 v14, v3;
	v15 =	vmul.f32 v15, v1  }
0x56: {  	v38 =	vld [tilespmem:s9+$0x10];
	v16 =	vmul.f32 v16, v2;
	v21 =	vmul.f32 v21, v1  }
0x57: {  	v39 =	vld [tilespmem:s9+$0x20];
	v22 =	vmul.f32 v22, v2;
	v58 =	vmul.f32 v27, v5  }
0x58: {  	v41 =	vld [tilespmem:s9+$0x30];
	v59 =	vmul.f32 v28, v3;
	v61 =	vmul.f32 v32, v6  }
0x59: {  	v30 =	vld [tilespmem:s9+$0xFFFFFEF0];
	v63 =	vmul.f32 v33, v7;
	v36 =	vmul.f32 v34, v4  }
0x5a: {  	v31 =	vld [tilespmem:s9+$0xFFFFFF00];
	v42 =	vmul.f32 v57, v5;
	v43 =	vmul.f32 v62, v2  }
0x5b: {  	v35 =	vld [tilespmem:s9+$0xFFFFFF40];
	v45 =	vmul.f32 v37, v0;
	v46 =	vmul.f32 v38, v6  }
0x5c: {  	v56 =	vld [tilespmem:s9+$0xFFFFFFB0];
	v48 =	vmul.f32 v39, v7;
	v8 =	vadd.f32 v10, v8;
	v10 =	vadd.f32 v12, v11  }
0x5d: {  	v27 =	vmul.f32 v41, v4;
	v12 =	vld [tilespmem:s9+$0xFFFFFF50];
	v11 =	vadd.f32 v14, v13;
	v13 =	vadd.f32 v16, v15  }
0x5e: {  	v14 =	vld [tilespmem:s9+$0xFFFFFF60];
	v15 =	vmul.f32 v17, v7;
	v16 =	vmul.f32 v18, v4  }
0x5f: {  	v17 =	vld [tilespmem:s9+$0xFFFFFF70];
	v18 =	vmul.f32 v19, v5;
	v10 =	vadd.f32 v10, v8;
	v11 =	vadd.f32 v13, v11  }
0x60: {  	v19 =	vmul.f32 v20, v3;
	v20 =	vmul.f32 v24, v6;
	v40 =	vadd.f32 v36, v63;
	v13 =	vld [tilespmem:s9+$0xFFFFFF80]  }
0x61: {  	v8 =	vadd.f32 v16, v15;
	v15 =	vld [tilespmem:s9+$0xFFFFFF90];
	v16 =	vadd.f32 v11, v10;
	v11 =	vmul.f32 v23, v0  }
0x62: {  	v60 =	vld [tilespmem:s9+$0xFFFFFFE0];
	v10 =	vadd.f32 v19, v18;
	v18 =	vmul.f32 v25, v7;
	v19 =	vmul.f32 v26, v4  }
0x63: {  	v47 =	vld [tilespmem:s9+$0xA0];
	v26 =	vadd.f32 v59, v58;
	v12 =	vmul.f32 v12, v3;
	v20 =	vadd.f32 v20, v11  }
0x64: {  	v23 =	vld [tilespmem:s9+$0xFFFFFFA0];
	v11 =	vadd.f32 v22, v21;
	v21 =	vmul.f32 v29, v1;
	v22 =	vmul.f32 v30, v2  }
0x65: {  	v14 =	vmul.f32 v14, v1;
	v17 =	vmul.f32 v17, v2;
	v18 =	vadd.f32 v19, v18;
	v19 =	vld [tilespmem:s9+$0xFFFFFFD0]  }
0x66: {  	v49 =	vld [tilespmem:s9+$0xB0];
	v13 =	vmul.f32 v13, v0;
	v15 =	vmul.f32 v15, v6;
	v21 =	vadd.f32 v22, v21  }
0x67: {  	v51 =	vld [tilespmem:s9+$0xE0];
	v14 =	vadd.f32 v17, v14;
	v18 =	vadd.f32 v18, v20;
	v22 =	vmul.f32 v35, v5  }
0x68: {  	v17 =	vld [tilespmem:s9+$0x40];
	v20 =	vmul.f32 v31, v0;
	v13 =	vadd.f32 v15, v13;
	v21 =	vadd.f32 v21, v26  }
0x69: {  	v15 =	vld [tilespmem:s9+$0x70];
	v12 =	vadd.f32 v12, v22;
	v22 =	vmul.f32 v23, v7;
	v23 =	vmul.f32 v56, v4  }
0x6a: {  	v20 =	vadd.f32 v61, v20;
	v19 =	vmul.f32 v19, v3;
	v18 =	vadd.f32 v21, v18;
	v21 =	vld [tilespmem:s9+$0x50]  }
0x6b: {  	v12 =	vadd.f32 v14, v12;
	v14 =	vld [tilespmem:s9+$0x60];
	v22 =	vadd.f32 v23, v22;
	v23 =	vmul.f32 v60, v1  }
0x6c: {  	v53 =	vmul.f32 v47, v7;
	v50 =	vadd.f32 v27, v48;
	v20 =	vadd.f32 v40, v20  }
0x6d: {  	v9 =	vld [tilespmem:s9+$0xFFFFFE10];
	v54 =	vmul.f32 v49, v4;
	v19 =	vadd.f32 v19, v42;
	v23 =	vadd.f32 v43, v23  }
0x6e: {  	v44 =	vld [tilespmem:s9+$0x90];
	v25 =	vmul.f32 v51, v1;
	v17 =	vmul.f32 v17, v5;
	v12 =	vadd.f32 v12, v20  }
0x6f: {  	(xrf2) =	vadd.scan.msk.f32 $0xffff, v16;
	v20 =	vld [tilespmem:s9+$0x80];
	v13 =	vadd.f32 v22, v13;
	v15 =	vmul.f32 v15, v2;
	v16 =	vadd.f32 v23, v19  }
0x70: {  	s18 =	simm.s32 $0x1;
	v26 =	vadd.f32 v54, v53;
	v22 =	vld [tilespmem:s9+$0xC0];
	v21 =	vmul.f32 v21, v3;
	v14 =	vmul.f32 v14, v1  }
0x71: {  	(xrf2) =	vadd.scan.msk.f32 $0xffff, v18;
	v18 =	vmov s18;
	v19 =	vld [tilespmem:s9+$0xD0];
	v23 =	vadd.f32 v46, v45;
	v13 =	vadd.f32 v16, v13  }
0x72: {  	s30 =	simm.s32 $0x2;
	v18 =	vand.u32 $0xFFFFFFF9, v18;
	(xrf2) =	vadd.scan.msk.f32 $0xffff, v12;
	v12 =	vadd.f32 v21, v17;
	v14 =	vadd.f32 v15, v14;
	v15 =	vld [tilespmem:s9+$0xF0]  }
0x73: {  	v52 =	vld [tilespmem:s9+$0x120];
	v18 =	vbroadcast v18, $0x0;
	v23 =	vadd.f32 v50, v23;
	v21 =	vmov s30  }
0x74: {  	s22 =	simm.s32 $0x7;
	v16 =	vld [tilespmem:s9+$0x100];
	(xrf2) =	vadd.scan.msk.f32 $0xffff, v13;
	v13 =	vmul.f32 v20, v0;
	v20 =	vmul.f32 v44, v6;
	v12 =	vadd.f32 v14, v12  }
0x75: {  	v17 =	vmov s22;
	v22 =	vmul.f32 v22, v5;
	v21 =	vand.u32 $0xFFFFFFFA, v21;
	v14 =	vld [tilespmem:s9+$0x110]  }
0x76: {  	v57 =	vld [tilespmem:s9+$0x160];
	s18 =	simm.s32 $0x3;
	v21 =	vbroadcast v21, $0x0;
	v13 =	vadd.f32 v20, v13;
	v12 =	vadd.f32 v12, v23  }
0x77: {  	v56 =	vld [tilespmem:s9+$0x150];
	v55 =	vmov s18;
	v19 =	vmul.f32 v19, v3;
	v15 =	vmul.f32 v15, v2  }
0x78: {  	v23 =	vld [tilespmem:s9+$0x130];
	v26 =	vadd.f32 v26, v13;
	(xrf2) =	vadd.scan.msk.f32 $0xffff, v12;
	v12 =	vand.u32 $0xFFFFFFFB, v55  }
0x79: {  	v20 =	vld [tilespmem:s9+$0x140];
	v13 =	vadd.f32 v19, v22;
	v59 =	vbroadcast v12, $0x0;
	v15 =	vadd.f32 v15, v25  }
0x7a: {  	v58, _, _ =	vpop (xrf2);
	s22 =	simm.s32 $0x4;
	v16 =	vmul.f32 v16, v0;
	v19 =	vld [tilespmem:s9+$0x170];
	v14 =	vmul.f32 v14, v6  }
0x7b: {  	v63 =	vmul.f32 v57, v1;
	s18 =	simm.s32 $0xB00;
	[tilespmem:v17+s21+$0x0] =	vst.idx.msk vm0, v58;
	v17 =	vmov s22;
	v22 =	vld [tilespmem:s9+$0xFFFFFE00];
	v12, _, _ =	vpop (xrf2);
	v15 =	vadd.f32 v15, v13  }
0x7c: {  	v17 =	vand.u32 $0xFFFFFFFC, v17;
	v13 =	vld [tilespmem:s18+$0x190];
	v61 =	vadd.f32 v14, v16;
	v60, _, _ =	vpop (xrf2);
	[tilespmem:v18+s21+$0x0] =	vst.idx.msk vm0, v12;
	v18 =	vmul.f32 v52, v7  }
0x7d: {  	v14 =	vld [tilespmem:s18+$0x1A0];
	[tilespmem:v21+s21+$0x0] =	vst.idx.msk vm0, v60;
	v21 =	vmul.f32 v23, v4;
	v23 =	vbroadcast v17, $0x0;
	v62 =	vadd.f32 v15, v26  }
0x7e: {  	v16 =	vmul.f32 v20, v5;
	v12 =	vld [tilespmem:s18+$0x180];
	v17 =	vmul.f32 v56, v3;
	v20, _, _ =	vpop (xrf2)  }
0x7f: {  	v19 =	vmul.f32 v19, v2;
	v15 =	vld [tilespmem:s18+$0x1B0];
	[tilespmem:v59+s21+$0x0] =	vst.idx.msk vm0, v20;
	v18 =	vadd.f32 v21, v18;
	(xrf2) =	vadd.scan.msk.f32 $0xffff, v62  }
0x80: {  	v27 =	vadd.f32 v17, v16;
	v16 =	vld [tilespmem:s18+$0x1C0];
	v20 =	vmul.f32 v9, v6;
	v21 =	vmul.f32 v22, v0  }
0x81: {  	s30 =	simm.s32 $0x5;
	v22 =	vadd.f32 v19, v63;
	v17 =	vld [tilespmem:s18+$0x1D0];
	v9 =	vadd.f32 v11, v10  }
0x82: {  	s28 =	simm.s32 $0x10;
	v11 =	vmov s30;
	v19 =	vadd.f32 v18, v61;
	v18 =	vld [tilespmem:s18+$0x1E0];
	v21 =	vadd.f32 v20, v21;
	v10, _, _ =	vpop (xrf2)  }
0x83: {  	s17 =	simm.s32 $0x8;
	s9 =	sadd.s32 $0x2, s11;
	s22 =	simm.s32 $0x0;
	v20 =	vld [tilespmem:s18+$0x1F0];
	v22 =	vadd.f32 v22, v27;
	[tilespmem:v23+s21+$0x0] =	vst.idx.msk vm0, v10;
	v10 =	vand.u32 $0xFFFFFFFD, v11  }
.LBB2_3:
0x84: {  	p0 =	slt.u32 s28, $0x78;
	v11 =	vld [tilespmem:s18+$0xFFFFFE10];
	v8 =	vadd.f32 v8, v21;
	v21 =	vbroadcast v10, $0x0  }
0x85: {  	v12 =	vmul.f32 v12, v0;
	v13 =	vmul.f32 v13, v6;
	v23 =	vld [tilespmem:s18+$0xFFFFFE20];
	v19 =	vadd.f32 v22, v19  }
0x86: {  	v14 =	vmul.f32 v14, v7;
	v15 =	vmul.f32 v15, v4;
	v22 =	vld [tilespmem:s18+$0xFFFFFE30];
	v8 =	vadd.f32 v9, v8  }
0x87: {  	v16 =	vmul.f32 v16, v5;
	v17 =	vmul.f32 v17, v3;
	v9 =	vld [tilespmem:s18+$0xFFFFFE40]  }
0x88: {  	v25 =	vmov s22;
	v18 =	vmul.f32 v18, v1;
	v24 =	vld [tilespmem:s18+$0xFFFFFE50];
	v20 =	vmul.f32 v20, v2;
	(xrf2) =	vadd.scan.msk.f32 $0xffff, v8  }
0x89: {  	v8 =	vadd.f32 v13, v12;
	v12 =	vadd.f32 v15, v14;
	v10 =	vmul.f32 v11, v6;
	v11 =	vld [tilespmem:s18+$0xFFFFFE60];
	v13, _, _ =	vpop (xrf2)  }
0x8a: {  	v16 =	vadd.f32 v17, v16;
	v14 =	vmul.f32 v23, v7;
	v15 =	vld [tilespmem:s18+$0xFFFFFE70];
	v17 =	vadd.f32 v20, v18  }
0x8b: {  	v18 =	vmul.f32 v22, v4;
	v20 =	vld [tilespmem:s18+$0xFFFFFE80];
	v22 =	vand.u32 $0xFFFFFFF8, v25;
	[tilespmem:v21+s21+$0x0] =	vst.idx.msk vm0, v13;
	(xrf2) =	vadd.scan.msk.f32 $0xffff, v19  }
0x8c: {  	s30 =	sadd.s32 $0x6, s22;
	s22 =	smov.u32 s17;
	s17 =	smov.u32 s28;
	v12 =	vadd.f32 v12, v8;
	v9 =	vmul.f32 v9, v5;
	v13 =	vld [tilespmem:s18+$0xFFFFFE90];
	v16 =	vadd.f32 v17, v16  }
0x8d: {  	v17 =	vmul.f32 v24, v3;
	v8 =	vadd.f32 v18, v14;
	v14 =	vld [tilespmem:s18+$0xFFFFFEA0];
	v18 =	vmov s30  }
0x8e: {  	v11 =	vmul.f32 v11, v1;
	v19 =	vld [tilespmem:s18+$0xFFFFFEB0];
	v12 =	vadd.f32 v16, v12;
	v16 =	vbroadcast v22, $0x0  }
0x8f: {  	v18 =	vand.u32 $0xFFFFFFFE, v18;
	v15 =	vmul.f32 v15, v2;
	v9 =	vadd.f32 v17, v9;
	v17 =	vld [tilespmem:s18+$0xFFFFFEC0]  }
0x90: {  	v20 =	vmul.f32 v20, v0;
	v21 =	vld [tilespmem:s18+$0xFFFFFED0];
	(xrf2) =	vadd.scan.msk.f32 $0xffff, v12;
	v12 =	vbroadcast v18, $0x0  }
0x91: {  	v11 =	vadd.f32 v15, v11;
	v13 =	vmul.f32 v13, v6;
	v15 =	vld [tilespmem:s18+$0xFFFFFEE0]  }
0x92: {  	v14 =	vmul.f32 v14, v7;
	v18 =	vld [tilespmem:s18+$0xFFFFFEF0];
	v22, _, _ =	vpop (xrf2)  }
0x93: {  	v9 =	vadd.f32 v11, v9;
	v11 =	vmul.f32 v19, v4;
	v13 =	vadd.f32 v13, v20;
	v19 =	vld [tilespmem:s18+$0xFFFFFF00]  }
0x94: {  	v17 =	vmul.f32 v17, v5;
	v20 =	vld [tilespmem:s18+$0xFFFFFF10];
	[tilespmem:v16+s21+$0x0] =	vst.idx.msk vm0, v22  }
0x95: {  	s30 =	sadd.s32 $0x7, s22;
	v16 =	vmul.f32 v21, v3;
	v11 =	vadd.f32 v11, v14;
	v14 =	vld [tilespmem:s18+$0xFFFFFF20];
	v21, _, _ =	vpop (xrf2)  }
0x96: {  	v23 =	vmov s30;
	v15 =	vmul.f32 v15, v1;
	v22 =	vld [tilespmem:s18+$0xFFFFFF30];
	[tilespmem:v12+s21+$0x0] =	vst.idx.msk vm0, v21  }
0x97: {  	v12 =	vmul.f32 v18, v2;
	v11 =	vadd.f32 v11, v13;
	v13 =	vadd.f32 v16, v17;
	v16 =	vld [tilespmem:s18+$0xFFFFFF40]  }
0x98: {  	v17 =	vmul.f32 v19, v0;
	v18 =	vld [tilespmem:s18+$0xFFFFFF50]  }
0x99: {  	v12 =	vadd.f32 v12, v15;
	v15 =	vmul.f32 v20, v6;
	v19 =	vld [tilespmem:s18+$0xFFFFFF60]  }
0x9a: {  	v14 =	vmul.f32 v14, v7;
	v20 =	vld [tilespmem:s18+$0xFFFFFF70];
	v21, _, _ =	vpop (xrf2)  }
0x9b: {  	v22 =	vmul.f32 v22, v4;
	v15 =	vadd.f32 v15, v17;
	v17 =	vld [tilespmem:s18+$0xFFFFFF80];
	[tilespmem:v23+s21+$0x0] =	vst.idx.msk vm0, v21  }
0x9c: {  	v12 =	vadd.f32 v12, v13;
	v13 =	vmul.f32 v16, v5;
	v16 =	vld [tilespmem:s18+$0xFFFFFF90]  }
0x9d: {  	v18 =	vmul.f32 v18, v3;
	v14 =	vadd.f32 v22, v14;
	v21 =	vld [tilespmem:s18+$0xFFFFFFA0]  }
0x9e: {  	v11 =	vadd.f32 v12, v11;
	v12 =	vmul.f32 v19, v1;
	v19 =	vld [tilespmem:s18+$0xFFFFFFB0]  }
0x9f: {  	v20 =	vmul.f32 v20, v2;
	v14 =	vadd.f32 v14, v15;
	v13 =	vadd.f32 v18, v13;
	v15 =	vld [tilespmem:s18+$0xFFFFFFC0]  }
0xa0: {  	v17 =	vmul.f32 v17, v0;
	v18 =	vld [tilespmem:s18+$0xFFFFFFD0];
	(xrf2) =	vadd.scan.msk.f32 $0xffff, v11  }
0xa1: {  	s30 =	sadd.s32 $0x1, s22;
	v11 =	vadd.f32 v20, v12;
	v12 =	vmul.f32 v16, v6;
	v16 =	vld [tilespmem:s18+$0xFFFFFFE0]  }
0xa2: {  	v20 =	vmov s30;
	v21 =	vmul.f32 v21, v7;
	v22 =	vld [tilespmem:s18+$0xFFFFFFF0]  }
0xa3: {  	v11 =	vadd.f32 v11, v13;
	v13 =	vmul.f32 v19, v4;
	v12 =	vadd.f32 v12, v17;
	v17 =	vld [tilespmem:s18+$0x0]  }
0xa4: {  	v19 =	vand.u32 $0xFFFFFFF9, v20;
	v15 =	vmul.f32 v15, v5;
	v20 =	vld [tilespmem:s18+$0x10]  }
0xa5: {  	v11 =	vadd.f32 v11, v14;
	v14 =	vmul.f32 v18, v3;
	v13 =	vadd.f32 v13, v21;
	v18 =	vld [tilespmem:s18+$0x20]  }
0xa6: {  	v19 =	vbroadcast v19, $0x0;
	v16 =	vmul.f32 v16, v1;
	v21 =	vld [tilespmem:s18+$0x30]  }
0xa7: {  	v22 =	vmul.f32 v22, v2;
	v12 =	vadd.f32 v13, v12;
	v13 =	vadd.f32 v14, v15;
	v14 =	vld [tilespmem:s18+$0x40];
	(xrf2) =	vadd.scan.msk.f32 $0xffff, v11  }
0xa8: {  	s30 =	sadd.s32 $0x2, s22;
	v11 =	vmul.f32 v17, v0;
	v15 =	vld [tilespmem:s18+$0x50]  }
0xa9: {  	v17 =	vmov s30;
	v16 =	vadd.f32 v22, v16;
	v20 =	vmul.f32 v20, v6;
	v22 =	vld [tilespmem:s18+$0x60]  }
0xaa: {  	v17 =	vand.u32 $0xFFFFFFFA, v17;
	v18 =	vmul.f32 v18, v7;
	v23 =	vld [tilespmem:s18+$0x70];
	v24, _, _ =	vpop (xrf2)  }
0xab: {  	v13 =	vadd.f32 v16, v13;
	v16 =	vmul.f32 v21, v4;
	v11 =	vadd.f32 v20, v11;
	v20 =	vld [tilespmem:s18+$0x80]  }
0xac: {  	v17 =	vbroadcast v17, $0x0;
	[tilespmem:v19+s21+$0x0] =	vst.idx.msk vm0, v24;
	v14 =	vmul.f32 v14, v5;
	v19 =	vld [tilespmem:s18+$0x90]  }
0xad: {  	v12 =	vadd.f32 v13, v12;
	v13 =	vmul.f32 v15, v3;
	v15 =	vadd.f32 v16, v18;
	v16 =	vld [tilespmem:s18+$0xA0]  }
0xae: {  	v18 =	vmul.f32 v22, v1;
	v21 =	vld [tilespmem:s18+$0xB0]  }
0xaf: {  	v22 =	vmul.f32 v23, v2;
	v11 =	vadd.f32 v15, v11;
	v13 =	vadd.f32 v13, v14;
	v14 =	vld [tilespmem:s18+$0xC0];
	(xrf2) =	vadd.scan.msk.f32 $0xffff, v12  }
0xb0: {  	s30 =	sadd.s32 $0x3, s22;
	v12 =	vmul.f32 v20, v0;
	v15 =	vld [tilespmem:s18+$0xD0]  }
0xb1: {  	v20 =	vmov s30;
	v18 =	vadd.f32 v22, v18;
	v19 =	vmul.f32 v19, v6;
	v22 =	vld [tilespmem:s18+$0xE0];
	v23, _, _ =	vpop (xrf2)  }
0xb2: {  	[tilespmem:v17+s21+$0x0] =	vst.idx.msk vm0, v23;
	v17 =	vand.u32 $0xFFFFFFFB, v20;
	v16 =	vmul.f32 v16, v7;
	v20 =	vld [tilespmem:s18+$0xF0]  }
0xb3: {  	v13 =	vadd.f32 v18, v13;
	v18 =	vmul.f32 v21, v4;
	v12 =	vadd.f32 v19, v12;
	v19 =	vld [tilespmem:s18+$0x100]  }
0xb4: {  	v17 =	vbroadcast v17, $0x0;
	v14 =	vmul.f32 v14, v5;
	v21 =	vld [tilespmem:s18+$0x110]  }
0xb5: {  	v11 =	vadd.f32 v13, v11;
	v13 =	vmul.f32 v15, v3;
	v15 =	vadd.f32 v18, v16;
	v16 =	vld [tilespmem:s18+$0x120]  }
0xb6: {  	v18 =	vmul.f32 v22, v1;
	v22 =	vld [tilespmem:s18+$0x130]  }
0xb7: {  	v20 =	vmul.f32 v20, v2;
	v15 =	vadd.f32 v15, v12;
	v12 =	vadd.f32 v13, v14;
	v13 =	vld [tilespmem:s18+$0x140];
	(xrf2) =	vadd.scan.msk.f32 $0xffff, v11  }
0xb8: {  	s30 =	sadd.s32 $0x4, s22;
	v11 =	vmul.f32 v19, v0;
	v14 =	vld [tilespmem:s18+$0x150]  }
0xb9: {  	v19 =	vmov s30;
	v18 =	vadd.f32 v20, v18;
	v20 =	vmul.f32 v21, v6;
	v21 =	vld [tilespmem:s18+$0x160];
	v23, _, _ =	vpop (xrf2)  }
0xba: {  	[tilespmem:v17+s21+$0x0] =	vst.idx.msk vm0, v23;
	v17 =	vand.u32 $0xFFFFFFFC, v19;
	v16 =	vmul.f32 v16, v7;
	v19 =	vld [tilespmem:s18+$0x170]  }
0xbb: {  	v23 =	vld [tilespmem:s18+$0xFFFFFE00];
	v18 =	vadd.f32 v18, v12;
	v22 =	vmul.f32 v22, v4;
	v11 =	vadd.f32 v20, v11;
	s18 =	sadd.s32 $0x400, s18  }
0xbc: {  	v20 =	vbroadcast v17, $0x0;
	v12 =	vld [tilespmem:s18+$0x180];
	v17 =	vmul.f32 v13, v5  }
0xbd: {  	v13 =	vld [tilespmem:s18+$0x190];
	v18 =	vadd.f32 v18, v15;
	v24 =	vmul.f32 v14, v3;
	v16 =	vadd.f32 v22, v16  }
0xbe: {  	v14 =	vld [tilespmem:s18+$0x1A0];
	v21 =	vmul.f32 v21, v1  }
.Ltmp0:
0xbf: {  	v15 =	vld [tilespmem:s18+$0x1B0];
	v22 =	vmul.f32 v19, v2;
	v19 =	vadd.f32 v16, v11;
	v11 =	vadd.f32 v24, v17;
	(xrf2) =	vadd.scan.msk.f32 $0xffff, v18;
	(pc) =	sbr.rel @p0 .LBB2_3-.Ltmp0, $4  }
0xc0: {  	v16 =	vld [tilespmem:s18+$0x1C0];
	v23 =	vmul.f32 v23, v0  }
0xc1: {  	s30 =	sadd.s32 $0x5, s22;
	v17 =	vld [tilespmem:s18+$0x1D0];
	v22 =	vadd.f32 v22, v21;
	v24, _, _ =	vpop (xrf2)  }
0xc2: {  	v18 =	vld [tilespmem:s18+$0x1E0];
	v21 =	vadd.f32 v10, v23;
	[tilespmem:v20+s21+$0x0] =	vst.idx.msk vm0, v24;
	v10 =	vmov s30  }
0xc3: {  	s28 =	sadd.s32 $0x8, s28;
	v20 =	vld [tilespmem:s18+$0x1F0];
	v10 =	vand.u32 $0xFFFFFFFD, v10;
	v22 =	vadd.f32 v22, v11  }
0xc4: {  	v11 =	vld [tilespmem:s18+$0xFFFFFE10]  }
0xc5: {  	v23 =	vld [tilespmem:s18+$0xFFFFFE20]  }
0xc6: {  	v24 =	vld [tilespmem:s18+$0xFFFFFE30]  }
0xc7: {  	v25 =	vld [tilespmem:s18+$0xFFFFFE40]  }
0xc8: {  	v26 =	vld [tilespmem:s18+$0xFFFFFE50]  }
0xc9: {  	v27 =	vld [tilespmem:s18+$0xFFFFFE60]  }
0xca: {  	v28 =	vld [tilespmem:s18+$0xFFFFFE70]  }
0xcb: {  	v29 =	vld [tilespmem:s18+$0xFFFFFE80]  }
0xcc: {  	v30 =	vld [tilespmem:s18+$0xFFFFFE90]  }
0xcd: {  	v31 =	vld [tilespmem:s18+$0xFFFFFEA0]  }
0xce: {  	v32 =	vld [tilespmem:s18+$0xFFFFFEB0]  }
0xcf: {  	v33 =	vld [tilespmem:s18+$0xFFFFFEC0]  }
0xd0: {  	v34 =	vld [tilespmem:s18+$0xFFFFFED0]  }
0xd1: {  	v35 =	vld [tilespmem:s18+$0xFFFFFEE0]  }
0xd2: {  	v36 =	vld [tilespmem:s18+$0xFFFFFEF0]  }
0xd3: {  	v37 =	vld [tilespmem:s18+$0xFFFFFF00]  }
0xd4: {  	v38 =	vld [tilespmem:s18+$0xFFFFFF10]  }
0xd5: {  	v39 =	vld [tilespmem:s18+$0xFFFFFF20]  }
0xd6: {  	v40 =	vld [tilespmem:s18+$0xFFFFFF30]  }
0xd7: {  	v42 =	vld [tilespmem:s18+$0xFFFFFF40]  }
0xd8: {  	v41 =	vmul.f32 v12, v0;
	v12 =	vadd.f32 v8, v21;
	v21 =	vld [tilespmem:s18+$0xFFFFFF50]  }
0xd9: {  	v13 =	vmul.f32 v13, v6;
	v43 =	vld [tilespmem:s18+$0xFFFFFFB0]  }
0xda: {  	v14 =	vmul.f32 v14, v7;
	v15 =	vmul.f32 v15, v4;
	v44 =	vld [tilespmem:s18+$0xFFFFFFC0]  }
0xdb: {  	v46 =	vld [tilespmem:s18+$0xFFFFFFD0];
	v10 =	vbroadcast v10, $0x0;
	v16 =	vmul.f32 v16, v5  }
0xdc: {  	v49 =	vld [tilespmem:s18+$0xFFFFFFE0];
	v17 =	vmul.f32 v17, v3;
	v12 =	vadd.f32 v9, v12;
	v9 =	vmul.f32 v18, v1  }
0xdd: {  	v50 =	vld [tilespmem:s18+$0xFFFFFFF0];
	v8 =	vadd.f32 v22, v19;
	v18 =	vmul.f32 v20, v2;
	v22 =	vmul.f32 v24, v4  }
0xde: {  	v53 =	vld [tilespmem:s18+$0x0];
	v13 =	vadd.f32 v13, v41;
	v41 =	vmul.f32 v26, v3;
	v45 =	vmul.f32 v30, v6  }
0xdf: {  	v54 =	vld [tilespmem:s18+$0x10];
	v14 =	vadd.f32 v15, v14;
	v47 =	vmul.f32 v31, v7;
	v48 =	vmul.f32 v32, v4  }
0xe0: {  	v57 =	vld [tilespmem:s18+$0x20];
	v16 =	vadd.f32 v17, v16;
	v51 =	vmul.f32 v33, v5;
	v52 =	vmul.f32 v34, v3  }
0xe1: {  	v19 =	vld [tilespmem:s18+$0xFFFFFF60];
	v58 =	vmul.f32 v39, v7;
	v59 =	vmul.f32 v40, v4;
	v9 =	vadd.f32 v18, v9  }
0xe2: {  	v15 =	vld [tilespmem:s18+$0xFFFFFF80];
	v13 =	vadd.f32 v14, v13;
	v61 =	vmul.f32 v42, v5;
	v18 =	vmul.f32 v23, v7  }
0xe3: {  	v20 =	vld [tilespmem:s18+$0xFFFFFF70];
	v21 =	vmul.f32 v21, v3;
	v23 =	vmul.f32 v25, v5;
	v16 =	vadd.f32 v9, v16  }
0xe4: {  	v17 =	vld [tilespmem:s18+$0xFFFFFF90];
	v9 =	vadd.f32 v22, v18;
	v18 =	vmul.f32 v27, v1;
	v22 =	vmul.f32 v28, v2  }
0xe5: {  	v60 =	vld [tilespmem:s18+$0x40];
	v40 =	vmul.f32 v46, v3;
	v16 =	vadd.f32 v16, v13;
	v13 =	vmul.f32 v29, v0  }
0xe6: {  	v62 =	vld [tilespmem:s18+$0x50];
	v19 =	vmul.f32 v19, v1;
	v23 =	vadd.f32 v41, v23;
	v18 =	vadd.f32 v22, v18  }
0xe7: {  	v14 =	vld [tilespmem:s18+$0xFFFFFFA0];
	v24 =	vadd.f32 v48, v47;
	v15 =	vmul.f32 v15, v0;
	v22 =	vadd.f32 v45, v13  }
0xe8: {  	v63 =	vld [tilespmem:s18+$0x60];
	v13 =	vadd.f32 v18, v23;
	v18 =	vmul.f32 v35, v1;
	v23 =	vmul.f32 v36, v2  }
0xe9: {  	v39 =	vld [tilespmem:s18+$0x90];
	v31 =	vadd.f32 v52, v51;
	v20 =	vmul.f32 v20, v2;
	v17 =	vmul.f32 v17, v6  }
0xea: {  	v42 =	vld [tilespmem:s18+$0xB0];
	v25 =	vmul.f32 v43, v4;
	v21 =	vadd.f32 v21, v61;
	v18 =	vadd.f32 v23, v18  }
0xeb: {  	v46 =	vld [tilespmem:s18+$0xE0];
	v27 =	vmul.f32 v50, v2;
	v19 =	vadd.f32 v20, v19;
	v15 =	vadd.f32 v17, v15  }
0xec: {  	v43 =	vld [tilespmem:s18+$0xC0];
	v14 =	vmul.f32 v14, v7;
	v22 =	vadd.f32 v24, v22;
	v18 =	vadd.f32 v18, v31  }
0xed: {  	v17 =	vmul.f32 v49, v1;
	v19 =	vadd.f32 v19, v21;
	v21 =	vmul.f32 v44, v5;
	v23 =	vld [tilespmem:s18+$0x30]  }
0xee: {  	v55 =	vmul.f32 v37, v0;
	v14 =	vadd.f32 v25, v14;
	v18 =	vadd.f32 v18, v22;
	v22 =	vld [tilespmem:s18+$0x70]  }
0xef: {  	v47 =	vmul.f32 v57, v7;
	v51 =	vld [tilespmem:s18+$0x110];
	v17 =	vadd.f32 v27, v17;
	v21 =	vadd.f32 v40, v21  }
0xf0: {  	v48 =	vmul.f32 v60, v5;
	v52 =	vld [tilespmem:s18+$0x120];
	v49 =	vmul.f32 v62, v3  }
0xf1: {  	v20 =	vld [tilespmem:s18+$0x80];
	v45 =	vmul.f32 v54, v6;
	v14 =	vadd.f32 v14, v15;
	v17 =	vadd.f32 v17, v21  }
0xf2: {  	v32 =	vadd.f32 v59, v58;
	v41 =	vld [tilespmem:s18+$0xA0];
	v15 =	vmul.f32 v53, v0;
	v21 =	vmul.f32 v23, v4  }
0xf3: {  	v23 =	vld [tilespmem:s18+$0xF0];
	v14 =	vadd.f32 v17, v14;
	v17 =	vmul.f32 v63, v1;
	v22 =	vmul.f32 v22, v2  }
0xf4: {  	v56 =	vmul.f32 v38, v6;
	v57 =	vld [tilespmem:s18+$0x160];
	v26 =	vadd.f32 v49, v48;
	v15 =	vadd.f32 v45, v15  }
0xf5: {  	v50 =	vld [tilespmem:s18+$0x100];
	v54 =	vmul.f32 v42, v4;
	v21 =	vadd.f32 v21, v47;
	v17 =	vadd.f32 v22, v17  }
0xf6: {  	v44 =	vld [tilespmem:s18+$0xD0];
	v24 =	vadd.f32 v56, v55;
	v20 =	vmul.f32 v20, v0;
	v22 =	vmul.f32 v39, v6  }
0xf7: {  	v53 =	vld [tilespmem:s18+$0x130];
	v15 =	vadd.f32 v21, v15;
	v21 =	vmul.f32 v41, v7;
	v17 =	vadd.f32 v17, v26  }
0xf8: {  	v55 =	vld [tilespmem:s18+$0x140];
	v24 =	vadd.f32 v32, v24;
	v23 =	vmul.f32 v23, v2;
	v20 =	vadd.f32 v22, v20  }
0xf9: {  	v22 =	vmul.f32 v46, v1;
	v15 =	vadd.f32 v17, v15;
	v17 =	vadd.f32 v54, v21;
	v21 =	vld [tilespmem:s18+$0xFFFFFE00]  }
0xfa: {  	v11 =	vmul.f32 v11, v6;
	v59 =	vmul.f32 v50, v0;
	v56 =	vld [tilespmem:s18+$0x150]  }
0xfb: {  	v19 =	vadd.f32 v19, v24;
	v24 =	vmul.f32 v43, v5;
	v22 =	vadd.f32 v23, v22;
	v23 =	vld [tilespmem:s18+$0x170]  }
0xfc: {  	s30 =	sadd.s32 $0x6, s22;
	(xrf2) =	vadd.scan.msk.f32 $0xffff, v12;
	v25 =	vmul.f32 v44, v3;
	v4 =	vmul.f32 v53, v4  }
0xfd: {  	(xrf2) =	vadd.scan.msk.f32 $0xffff, v8;
	v8 =	vmov s30;
	v7 =	vmul.f32 v52, v7;
	v6 =	vmul.f32 v51, v6  }
0xfe: {  	v5 =	vmul.f32 v55, v5;
	v24 =	vadd.f32 v25, v24;
	v0 =	vmul.f32 v21, v0  }
0xff: {  	v3 =	vmul.f32 v56, v3;
	v4 =	vadd.f32 v4, v7;
	v6 =	vadd.f32 v6, v59  }
0x100: {  	v1 =	vmul.f32 v57, v1;
	v2 =	vmul.f32 v23, v2;
	v0 =	vadd.f32 v11, v0  }
0x101: {  	v58 =	vmov s22;
	v3 =	vadd.f32 v3, v5;
	v4 =	vadd.f32 v4, v6  }
0x102: {  	(xrf2) =	vadd.scan.msk.f32 $0xffff, v16;
	v25 =	vand.u32 $0xFFFFFFF8, v58;
	v1 =	vadd.f32 v2, v1;
	v0 =	vadd.f32 v9, v0  }
0x103: {  	s28 =	sadd.s32 $0x1, s17;
	(xrf2) =	vadd.scan.msk.f32 $0xffff, v18;
	v7 =	vbroadcast v25, $0x0;
	v17 =	vadd.f32 v17, v20;
	v12 =	vadd.f32 v22, v24  }
0x104: {  	(xrf2) =	vadd.scan.msk.f32 $0xffff, v19;
	v6 =	vmov s28;
	v1 =	vadd.f32 v1, v3;
	v0 =	vadd.f32 v13, v0  }
0x105: {  	s22 =	sadd.s32 $0x7, s17;
	(xrf2) =	vadd.scan.msk.f32 $0xffff, v14;
	v6 =	vand.u32 $0xFFFFFFF9, v6;
	v5 =	vadd.f32 v12, v17;
	v2 =	vand.u32 $0xFFFFFFFE, v8  }
0x106: {  	s30 =	sadd.s32 $0x2, s17;
	(xrf2) =	vadd.scan.msk.f32 $0xffff, v15;
	v2 =	vbroadcast v2, $0x0;
	v3 =	vmov s22;
	s22 =	sadd.s32 $0x3, s17;
	v1 =	vadd.f32 v1, v4  }
0x107: {  	s28 =	sadd.s32 $0x4, s17;
	(xrf2) =	vadd.scan.msk.f32 $0xffff, v5;
	v8 =	vmov s30;
	v4 =	vbroadcast v6, $0x0;
	v6 =	vmov s22  }
0x108: {  	s30 =	sadd.s32 $0x5, s17;
	v5 =	vand.u32 $0xFFFFFFFA, v8;
	v8 =	vmov s28;
	v6 =	vand.u32 $0xFFFFFFFB, v6;
	(xrf2) =	vadd.scan.msk.f32 $0xffff, v0;
	v0, _, _ =	vpop (xrf2)  }
0x109: {  	[tilespmem:v10+s21+$0x0] =	vst.idx.msk vm0, v0;
	v0 =	vbroadcast v6, $0x0;
	v6 =	vand.u32 $0xFFFFFFFC, v8;
	v8 =	vmov s30  }
0x10a: {  	v5 =	vbroadcast v5, $0x0;
	(xrf2) =	vadd.scan.msk.f32 $0xffff, v1;
	v1, _, _ =	vpop (xrf2)  }
0x10b: {  	s18 =	sadd.s32 $0x6, s17;
	v9, _, _ =	vpop (xrf2);
	[tilespmem:v7+s21+$0x0] =	vst.idx.msk vm0, v1;
	v1 =	vbroadcast v6, $0x0;
	v6 =	vand.u32 $0xFFFFFFFD, v8;
	v7 =	vmov s17  }
0x10c: {  	[tilespmem:v2+s21+$0x0] =	vst.idx.msk vm0, v9;
	v2 =	vbroadcast v6, $0x0;
	v6 =	vand.u32 $0xFFFFFFF8, v7;
	v7 =	vmov s18;
	v8, _, _ =	vpop (xrf2)  }
0x10d: {  	[tilespmem:v3+s21+$0x0] =	vst.idx.msk vm0, v8;
	v3 =	vbroadcast v6, $0x0;
	v6 =	vand.u32 $0xFFFFFFFE, v7  }
0x10e: {  	v9, _, _ =	vpop (xrf2)  }
0x10f: {  	v7, _, _ =	vpop (xrf2);
	[tilespmem:v4+s21+$0x0] =	vst.idx.msk vm0, v9;
	v4 =	vbroadcast v6, $0x0  }
0x110: {  	[tilespmem:v5+s21+$0x0] =	vst.idx.msk vm0, v7;
	v6, _, _ =	vpop (xrf2)  }
0x111: {  	[tilespmem:v0+s21+$0x0] =	vst.idx.msk vm0, v6;
	v0, _, _ =	vpop (xrf2)  }
0x112: {  	[tilespmem:v1+s21+$0x0] =	vst.idx.msk vm0, v0;
	v0, _, _ =	vpop (xrf2)  }
0x113: {  	[tilespmem:v2+s21+$0x0] =	vst.idx.msk vm0, v0;
	v0, _, _ =	vpop (xrf2)  }
0x114: {  	[tilespmem:v3+s21+$0x0] =	vst.idx.msk vm0, v0;
	v0, _, _ =	vpop (xrf2)  }
0x115: {  	s22 =	simm.s32 $0x180;
	[tilespmem:v4+s21+$0x0] =	vst.idx.msk vm0, v0  }
0x116: {  	[tilespmem:s23], [sflag:$0x4] =	stream.indirect.gather [hbm4b:s3+s13], $0x80, s22, s13, $0xb8;
	[tilespmem:$0x10900] =	vst v63  }
0x117: {  	_ =	swait.ge [sflag:s24], $0x4000  }
0x118: {  	[sflag:s24] =	ssyncset.done $0x0  }
0x119: {  	[sflag:s24] =	ssyncadd.s32 $0xFFFFC000  }
0x11a: {  	v0 =	vld [tilespmem:$0x400]  }
0x11b: {  	v1 =	vld [tilespmem:$0x410]  }
0x11c: {  	v3 =	vld [tilespmem:$0x420]  }
0x11d: {  	v7 =	vld [tilespmem:$0x430]  }
0x11e: {  	v4 =	vld [tilespmem:$0x440]  }
0x11f: {  	v5 =	vld [tilespmem:$0x450]  }
0x120: {  	v2 =	vld [tilespmem:$0x460]  }
0x121: {  	s22 =	simm.s32 $0x4700;
	v6 =	vld [tilespmem:$0x470]  }
0x122: {  	v8 =	vld [tilespmem:s22+$0x180]  }
0x123: {  	v9 =	vld [tilespmem:s22+$0x190]  }
0x124: {  	v11 =	vld [tilespmem:s22+$0x1A0]  }
0x125: {  	v12 =	vld [tilespmem:s22+$0x1B0]  }
0x126: {  	v13 =	vld [tilespmem:s22+$0x1C0]  }
0x127: {  	v14 =	vld [tilespmem:s22+$0x1D0]  }
0x128: {  	v15 =	vld [tilespmem:s22+$0x1E0]  }
0x129: {  	v16 =	vld [tilespmem:s22+$0x1F0]  }
0x12a: {  	v17 =	vld [tilespmem:s22+$0xFFFFFE20]  }
0x12b: {  	v18 =	vld [tilespmem:s22+$0xFFFFFE30]  }
0x12c: {  	v19 =	vld [tilespmem:s22+$0xFFFFFE40]  }
0x12d: {  	v20 =	vld [tilespmem:s22+$0xFFFFFE50]  }
0x12e: {  	v21 =	vld [tilespmem:s22+$0xFFFFFE60]  }
0x12f: {  	v22 =	vld [tilespmem:s22+$0xFFFFFE70]  }
0x130: {  	v23 =	vld [tilespmem:s22+$0xFFFFFE80]  }
0x131: {  	v60 =	vld [tilespmem:s22+$0xFFFFFE90]  }
0x132: {  	v61 =	vld [tilespmem:s22+$0xFFFFFEA0]  }
0x133: {  	v62 =	vld [tilespmem:s22+$0xFFFFFEB0]  }
0x134: {  	v37 =	vld [tilespmem:s22+$0xFFFFFEE0]  }
0x135: {  	v38 =	vld [tilespmem:s22+$0xFFFFFEF0]  }
0x136: {  	v40 =	vld [tilespmem:s22+$0xFFFFFF10]  }
0x137: {  	v41 =	vld [tilespmem:s22+$0xFFFFFF20];
	v8 =	vmul.f32 v8, v0;
	v9 =	vmul.f32 v9, v1  }
0x138: {  	v63 =	vld [tilespmem:s22+$0xFFFFFEC0];
	v11 =	vmul.f32 v11, v3;
	v12 =	vmul.f32 v12, v7  }
0x139: {  	v36 =	vld [tilespmem:s22+$0xFFFFFED0];
	v13 =	vmul.f32 v13, v4;
	v14 =	vmul.f32 v14, v5  }
0x13a: {  	v39 =	vld [tilespmem:s22+$0xFFFFFF00];
	v15 =	vmul.f32 v15, v2;
	v16 =	vmul.f32 v16, v6  }
0x13b: {  	v42 =	vld [tilespmem:s22+$0xFFFFFF80];
	v43 =	vmul.f32 v37, v2;
	v44 =	vmul.f32 v38, v6  }
0x13c: {  	v46 =	vld [tilespmem:s22+$0xFFFFFFD0];
	v45 =	vmul.f32 v40, v1;
	v47 =	vmul.f32 v41, v3;
	v8 =	vadd.f32 v9, v8  }
0x13d: {  	v48 =	vld [tilespmem:s22+$0xFFFFFFE0];
	v9 =	vadd.f32 v12, v11;
	v11 =	vadd.f32 v14, v13;
	v13 =	vmul.f32 v17, v3  }
0x13e: {  	v12 =	vld [tilespmem:s22+$0xFFFFFF30];
	v14 =	vadd.f32 v16, v15;
	v15 =	vmul.f32 v18, v7;
	v17 =	vmul.f32 v19, v4  }
0x13f: {  	v16 =	vld [tilespmem:s22+$0xFFFFFF40];
	v18 =	vmul.f32 v20, v5;
	v20 =	vmul.f32 v22, v6  }
0x140: {  	v19 =	vld [tilespmem:s22+$0xFFFFFF50];
	v9 =	vadd.f32 v9, v8;
	v11 =	vadd.f32 v14, v11;
	v14 =	vmul.f32 v21, v2  }
0x141: {  	v22 =	vld [tilespmem:s22+$0xFFFFFF70];
	v8 =	vadd.f32 v15, v13;
	v13 =	vmul.f32 v23, v0;
	v15 =	vmul.f32 v60, v1  }
0x142: {  	v21 =	vld [tilespmem:s22+$0xFFFFFF60];
	v23 =	vmul.f32 v62, v7;
	v11 =	vadd.f32 v11, v9;
	v9 =	vmul.f32 v61, v3  }
0x143: {  	v49 =	vld [tilespmem:s22+$0xFFFFFFF0];
	v24 =	vmul.f32 v42, v0;
	v17 =	vadd.f32 v18, v17;
	v14 =	vadd.f32 v20, v14  }
0x144: {  	v50 =	vld [tilespmem:s22+$0x0];
	v13 =	vadd.f32 v15, v13;
	v12 =	vmul.f32 v12, v7;
	v15 =	vadd.f32 v23, v9  }
0x145: {  	v18 =	vld [tilespmem:s22+$0xFFFFFF90];
	v9 =	vadd.f32 v14, v17;
	v14 =	vmul.f32 v63, v4;
	v17 =	vmul.f32 v36, v5  }
0x146: {  	v25 =	vadd.f32 v44, v43;
	v20 =	vld [tilespmem:s22+$0xFFFFFFA0];
	v16 =	vmul.f32 v16, v4;
	v19 =	vmul.f32 v19, v5  }
0x147: {  	v22 =	vmul.f32 v22, v6;
	v23 =	vld [tilespmem:s22+$0xFFFFFFB0];
	v21 =	vmul.f32 v21, v2;
	v14 =	vadd.f32 v17, v14  }
0x148: {  	v16 =	vadd.f32 v19, v16;
	v13 =	vadd.f32 v15, v13;
	v15 =	vld [tilespmem:s22+$0xFFFFFFC0];
	v17 =	vmul.f32 v39, v0  }
0x149: {  	v51 =	vld [tilespmem:s22+$0x10];
	v27 =	vmul.f32 v49, v6;
	v21 =	vadd.f32 v22, v21;
	v14 =	vadd.f32 v25, v14  }
0x14a: {  	v52 =	vld [tilespmem:s22+$0x30];
	v12 =	vadd.f32 v12, v47;
	v18 =	vmul.f32 v18, v1;
	v17 =	vadd.f32 v45, v17  }
0x14b: {  	v53 =	vld [tilespmem:s22+$0x40];
	v19 =	vmul.f32 v46, v5;
	v16 =	vadd.f32 v21, v16;
	v13 =	vadd.f32 v14, v13  }
0x14c: {  	(xrf2) =	vadd.scan.msk.f32 $0xffff, v11;
	v14 =	vmul.f32 v20, v3;
	v20 =	vmul.f32 v23, v7;
	v23 =	vld [tilespmem:s22+$0x20];
	v12 =	vadd.f32 v12, v17  }
0x14d: {  	v22 =	vmul.f32 v48, v2;
	v18 =	vadd.f32 v18, v24;
	v17 =	vld [tilespmem:s22+$0x70];
	v15 =	vmul.f32 v15, v4  }
0x14e: {  	v14 =	vadd.f32 v20, v14;
	v20 =	vld [tilespmem:s22+$0x50];
	(xrf2) =	vadd.scan.msk.f32 $0xffff, v13;
	v12 =	vadd.f32 v16, v12  }
0x14f: {  	s28 =	simm.s32 $0x81;
	v54 =	vmul.f32 v52, v7;
	v16 =	vld [tilespmem:s22+$0x90];
	v11 =	vadd.f32 v19, v15;
	v15 =	vadd.f32 v27, v22  }
0x150: {  	v56 =	vmul.f32 v53, v4;
	v21 =	vmul.f32 v50, v0;
	v13 =	vmov s28;
	v19 =	vld [tilespmem:s22+$0x60]  }
0x151: {  	s30 =	simm.s32 $0x87;
	v55 =	vld [tilespmem:s22+$0xB0];
	v13 =	vand.u32 $0xFFFFFFF9, v13;
	v14 =	vadd.f32 v14, v18;
	v11 =	vadd.f32 v15, v11  }
0x152: {  	s18 =	simm.s32 $0x82;
	v22 =	vmul.f32 v51, v1;
	v18 =	vmov s30;
	v13 =	vbroadcast v13, $0x0;
	v15 =	vld [tilespmem:s22+$0x80]  }
0x153: {  	(xrf2) =	vadd.scan.msk.f32 $0xffff, v12;
	v12 =	vmov s18;
	v23 =	vmul.f32 v23, v3;
	v11 =	vadd.f32 v11, v14;
	v14 =	vld [tilespmem:s22+$0xA0]  }
0x154: {  	v57 =	vld [tilespmem:s22+$0xC0];
	v12 =	vand.u32 $0xFFFFFFFA, v12;
	v17 =	vmul.f32 v17, v6;
	v20 =	vmul.f32 v20, v5  }
0x155: {  	v16 =	vmul.f32 v16, v1;
	v19 =	vmul.f32 v19, v2;
	(xrf2) =	vadd.scan.msk.f32 $0xffff, v11;
	v11 =	vadd.f32 v22, v21;
	v21 =	vld [tilespmem:s22+$0xD0]  }
0x156: {  	s28 =	simm.s32 $0x83;
	v59, _, _ =	vpop (xrf2);
	v22 =	vbroadcast v12, $0x0;
	v12 =	vadd.f32 v54, v23;
	v20 =	vadd.f32 v20, v56;
	v23 =	vld [tilespmem:s22+$0xE0]  }
0x157: {  	v58 =	vmov s28;
	[tilespmem:v18+s21+$0x0] =	vst.idx.msk vm0, v59;
	v15 =	vmul.f32 v15, v0;
	v17 =	vadd.f32 v17, v19;
	v19 =	vld [tilespmem:s22+$0xF0]  }
0x158: {  	v10 =	vld [tilespmem:s22+$0xFFFFFE10];
	v11 =	vadd.f32 v12, v11;
	v12 =	vmul.f32 v55, v7;
	v14 =	vmul.f32 v14, v3;
	v18, _, _ =	vpop (xrf2)  }
0x159: {  	v60 =	vld [tilespmem:s22+$0x100];
	v24 =	vand.u32 $0xFFFFFFFB, v58;
	[tilespmem:v13+s21+$0x0] =	vst.idx.msk vm0, v18;
	v13 =	vadd.f32 v17, v20  }
0x15a: {  	v61 =	vld [tilespmem:s22+$0x110];
	v24 =	vbroadcast v24, $0x0;
	v15 =	vadd.f32 v16, v15;
	v14 =	vadd.f32 v12, v14  }
0x15b: {  	v16 =	vld [tilespmem:s22+$0x120];
	v17 =	vmul.f32 v57, v4;
	v18 =	vmul.f32 v21, v5;
	v20 =	vadd.f32 v13, v11  }
0x15c: {  	v21 =	vld [tilespmem:s22+$0x130];
	v23 =	vmul.f32 v23, v2;
	v19 =	vmul.f32 v19, v6  }
0x15d: {  	v12 =	vld [tilespmem:s22+$0x140];
	v11 =	vadd.f32 v14, v15;
	(xrf2) =	vadd.scan.msk.f32 $0xffff, v20  }
0x15e: {  	v10 =	vmul.f32 v10, v1;
	v13 =	vld [tilespmem:s22+$0x150];
	v62 =	vadd.f32 v18, v17;
	v19 =	vadd.f32 v19, v23;
	v14, _, _ =	vpop (xrf2)  }
0x15f: {  	v63 =	vmul.f32 v60, v0;
	s30 =	simm.s32 $0x84;
	v15 =	vld [tilespmem:s22+$0x160];
	[tilespmem:v22+s21+$0x0] =	vst.idx.msk vm0, v14;
	v22 =	vmul.f32 v61, v1  }
0x160: {  	v18 =	vmul.f32 v16, v3;
	v16 =	vld [tilespmem:s22+$0x170];
	v14 =	vmov s30;
	v17, _, _ =	vpop (xrf2);
	v20 =	vadd.f32 v19, v62  }
0x161: {  	s17 =	simm.s32 $0xFFFFFFF8;
	s18 =	simm.s32 $0x0;
	v21 =	vmul.f32 v21, v7;
	[tilespmem:v24+s21+$0x0] =	vst.idx.msk vm0, v17;
	v14 =	vand.u32 $0xFFFFFFFC, v14;
	v17 =	vld [tilespmem:s22+$0xFFFFFE00];
	s22 =	simm.s32 $0x4B00;
	v19 =	vadd.f32 v22, v63  }
.LBB2_5:
0x162: {  	v22 =	vld [tilespmem:s22+$0x180];
	v14 =	vbroadcast v14, $0x0;
	v12 =	vmul.f32 v12, v4;
	s28 =	smov.u32 s18  }
0x163: {  	v23 =	vld [tilespmem:s22+$0x190];
	v11 =	vadd.f32 v20, v11;
	v13 =	vmul.f32 v13, v5;
	v18 =	vadd.f32 v21, v18  }
0x164: {  	v20 =	vld [tilespmem:s22+$0x1A0];
	v15 =	vmul.f32 v15, v2  }
0x165: {  	v21 =	vld [tilespmem:s22+$0x1B0];
	v24 =	vmul.f32 v16, v6;
	v18 =	vadd.f32 v18, v19;
	v12 =	vadd.f32 v13, v12;
	(xrf2) =	vadd.scan.msk.f32 $0xffff, v11  }
0x166: {  	v11 =	vld [tilespmem:s22+$0x1C0];
	v13 =	vmul.f32 v17, v0  }
0x167: {  	s30 =	sadd.s32 $0x8D, s17;
	v17 =	vld [tilespmem:s22+$0x1D0];
	v15 =	vadd.f32 v24, v15;
	v16, _, _ =	vpop (xrf2)  }
0x168: {  	v19 =	vld [tilespmem:s22+$0x1E0];
	v10 =	vadd.f32 v10, v13;
	[tilespmem:v14+s21+$0x0] =	vst.idx.msk vm0, v16;
	v13 =	vmov s30  }
0x169: {  	s18 =	sadd.s32 $0x8, s18;
	v14 =	vld [tilespmem:s22+$0x1F0];
	v13 =	vand.u32 $0xFFFFFFFD, v13;
	v12 =	vadd.f32 v15, v12  }
0x16a: {  	p0 =	slt.u32 s18, $0x78;
	v15 =	vld [tilespmem:s22+$0xFFFFFE10];
	v8 =	vadd.f32 v8, v10;
	v13 =	vbroadcast v13, $0x0  }
0x16b: {  	v22 =	vmul.f32 v22, v0;
	v23 =	vmul.f32 v23, v1;
	v16 =	vld [tilespmem:s22+$0xFFFFFE20];
	v12 =	vadd.f32 v12, v18  }
0x16c: {  	v20 =	vmul.f32 v20, v3;
	v26 =	vmul.f32 v21, v7;
	v18 =	vld [tilespmem:s22+$0xFFFFFE30];
	v8 =	vadd.f32 v9, v8  }
0x16d: {  	s30 =	sadd.s32 $0x88, s17;
	v11 =	vmul.f32 v11, v4;
	v17 =	vmul.f32 v17, v5;
	v9 =	vld [tilespmem:s22+$0xFFFFFE40]  }
0x16e: {  	v25 =	vmov s30;
	v19 =	vmul.f32 v19, v2;
	v24 =	vld [tilespmem:s22+$0xFFFFFE50];
	v14 =	vmul.f32 v14, v6;
	(xrf2) =	vadd.scan.msk.f32 $0xffff, v8  }
0x16f: {  	v20 =	vadd.f32 v26, v20;
	v8 =	vadd.f32 v23, v22;
	v10 =	vmul.f32 v15, v1;
	v15 =	vld [tilespmem:s22+$0xFFFFFE60];
	v21, _, _ =	vpop (xrf2)  }
0x170: {  	s30 =	sadd.s32 $0x8E, s17;
	s17 =	smov.u32 s28;
	v11 =	vadd.f32 v17, v11;
	v16 =	vmul.f32 v16, v3;
	v22 =	vld [tilespmem:s22+$0xFFFFFE70];
	v14 =	vadd.f32 v14, v19  }
0x171: {  	v17 =	vmul.f32 v18, v7;
	v18 =	vld [tilespmem:s22+$0xFFFFFE80];
	[tilespmem:v13+s21+$0x0] =	vst.idx.msk vm0, v21;
	v13 =	vmov s30;
	(xrf2) =	vadd.scan.msk.f32 $0xffff, v12  }
0x172: {  	v19 =	vadd.f32 v20, v8;
	v9 =	vmul.f32 v9, v4;
	v12 =	vld [tilespmem:s22+$0xFFFFFE90];
	v11 =	vadd.f32 v14, v11  }
0x173: {  	v14 =	vmul.f32 v24, v5;
	v8 =	vadd.f32 v17, v16;
	v16 =	vld [tilespmem:s22+$0xFFFFFEA0];
	v17 =	vand.u32 $0xFFFFFFF8, v25  }
0x174: {  	v15 =	vmul.f32 v15, v2;
	v20 =	vld [tilespmem:s22+$0xFFFFFEB0];
	v11 =	vadd.f32 v11, v19;
	v17 =	vbroadcast v17, $0x0  }
0x175: {  	v13 =	vand.u32 $0xFFFFFFFE, v13;
	v19 =	vmul.f32 v22, v6;
	v9 =	vadd.f32 v14, v9;
	v14 =	vld [tilespmem:s22+$0xFFFFFEC0]  }
0x176: {  	v18 =	vmul.f32 v18, v0;
	v21 =	vld [tilespmem:s22+$0xFFFFFED0];
	(xrf2) =	vadd.scan.msk.f32 $0xffff, v11;
	v11 =	vbroadcast v13, $0x0  }
0x177: {  	v13 =	vadd.f32 v19, v15;
	v12 =	vmul.f32 v12, v1;
	v15 =	vld [tilespmem:s22+$0xFFFFFEE0]  }
0x178: {  	v16 =	vmul.f32 v16, v3;
	v19 =	vld [tilespmem:s22+$0xFFFFFEF0];
	v22, _, _ =	vpop (xrf2)  }
0x179: {  	v9 =	vadd.f32 v13, v9;
	v13 =	vmul.f32 v20, v7;
	v12 =	vadd.f32 v12, v18;
	v18 =	vld [tilespmem:s22+$0xFFFFFF00]  }
0x17a: {  	v14 =	vmul.f32 v14, v4;
	v20 =	vld [tilespmem:s22+$0xFFFFFF10];
	[tilespmem:v17+s21+$0x0] =	vst.idx.msk vm0, v22  }
0x17b: {  	s28 =	sadd.s32 $0x8F, s17;
	v17 =	vmul.f32 v21, v5;
	v13 =	vadd.f32 v13, v16;
	v16 =	vld [tilespmem:s22+$0xFFFFFF20];
	v21, _, _ =	vpop (xrf2)  }
0x17c: {  	v23 =	vmov s28;
	v15 =	vmul.f32 v15, v2;
	v22 =	vld [tilespmem:s22+$0xFFFFFF30];
	[tilespmem:v11+s21+$0x0] =	vst.idx.msk vm0, v21  }
0x17d: {  	v11 =	vmul.f32 v19, v6;
	v12 =	vadd.f32 v13, v12;
	v13 =	vadd.f32 v17, v14;
	v14 =	vld [tilespmem:s22+$0xFFFFFF40]  }
0x17e: {  	v17 =	vmul.f32 v18, v0;
	v18 =	vld [tilespmem:s22+$0xFFFFFF50]  }
0x17f: {  	v11 =	vadd.f32 v11, v15;
	v15 =	vmul.f32 v20, v1;
	v19 =	vld [tilespmem:s22+$0xFFFFFF60]  }
0x180: {  	v16 =	vmul.f32 v16, v3;
	v20 =	vld [tilespmem:s22+$0xFFFFFF70];
	v21, _, _ =	vpop (xrf2)  }
0x181: {  	v22 =	vmul.f32 v22, v7;
	v15 =	vadd.f32 v15, v17;
	v17 =	vld [tilespmem:s22+$0xFFFFFF80];
	[tilespmem:v23+s21+$0x0] =	vst.idx.msk vm0, v21  }
0x182: {  	v11 =	vadd.f32 v11, v13;
	v13 =	vmul.f32 v14, v4;
	v14 =	vld [tilespmem:s22+$0xFFFFFF90]  }
0x183: {  	v18 =	vmul.f32 v18, v5;
	v16 =	vadd.f32 v22, v16;
	v21 =	vld [tilespmem:s22+$0xFFFFFFA0]  }
0x184: {  	v11 =	vadd.f32 v11, v12;
	v12 =	vmul.f32 v19, v2;
	v19 =	vld [tilespmem:s22+$0xFFFFFFB0]  }
0x185: {  	v20 =	vmul.f32 v20, v6;
	v15 =	vadd.f32 v16, v15;
	v13 =	vadd.f32 v18, v13;
	v16 =	vld [tilespmem:s22+$0xFFFFFFC0]  }
0x186: {  	v17 =	vmul.f32 v17, v0;
	v18 =	vld [tilespmem:s22+$0xFFFFFFD0];
	(xrf2) =	vadd.scan.msk.f32 $0xffff, v11  }
0x187: {  	s28 =	sadd.s32 $0x89, s17;
	v11 =	vadd.f32 v20, v12;
	v12 =	vmul.f32 v14, v1;
	v14 =	vld [tilespmem:s22+$0xFFFFFFE0]  }
0x188: {  	v20 =	vmov s28;
	v21 =	vmul.f32 v21, v3;
	v22 =	vld [tilespmem:s22+$0xFFFFFFF0]  }
0x189: {  	v11 =	vadd.f32 v11, v13;
	v13 =	vmul.f32 v19, v7;
	v12 =	vadd.f32 v12, v17;
	v17 =	vld [tilespmem:s22+$0x0]  }
0x18a: {  	v19 =	vand.u32 $0xFFFFFFF9, v20;
	v16 =	vmul.f32 v16, v4;
	v20 =	vld [tilespmem:s22+$0x10]  }
0x18b: {  	v11 =	vadd.f32 v11, v15;
	v15 =	vmul.f32 v18, v5;
	v13 =	vadd.f32 v13, v21;
	v18 =	vld [tilespmem:s22+$0x20]  }
0x18c: {  	v19 =	vbroadcast v19, $0x0;
	v14 =	vmul.f32 v14, v2;
	v21 =	vld [tilespmem:s22+$0x30]  }
0x18d: {  	v22 =	vmul.f32 v22, v6;
	v12 =	vadd.f32 v13, v12;
	v13 =	vadd.f32 v15, v16;
	v15 =	vld [tilespmem:s22+$0x40];
	(xrf2) =	vadd.scan.msk.f32 $0xffff, v11  }
0x18e: {  	s28 =	sadd.s32 $0x8A, s17;
	v11 =	vmul.f32 v17, v0;
	v16 =	vld [tilespmem:s22+$0x50]  }
0x18f: {  	v17 =	vmov s28;
	v14 =	vadd.f32 v22, v14;
	v20 =	vmul.f32 v20, v1;
	v22 =	vld [tilespmem:s22+$0x60]  }
0x190: {  	v17 =	vand.u32 $0xFFFFFFFA, v17;
	v18 =	vmul.f32 v18, v3;
	v23 =	vld [tilespmem:s22+$0x70];
	v24, _, _ =	vpop (xrf2)  }
0x191: {  	v13 =	vadd.f32 v14, v13;
	v14 =	vmul.f32 v21, v7;
	v11 =	vadd.f32 v20, v11;
	v20 =	vld [tilespmem:s22+$0x80]  }
0x192: {  	v17 =	vbroadcast v17, $0x0;
	[tilespmem:v19+s21+$0x0] =	vst.idx.msk vm0, v24;
	v15 =	vmul.f32 v15, v4;
	v19 =	vld [tilespmem:s22+$0x90]  }
0x193: {  	v12 =	vadd.f32 v13, v12;
	v13 =	vmul.f32 v16, v5;
	v14 =	vadd.f32 v14, v18;
	v16 =	vld [tilespmem:s22+$0xA0]  }
0x194: {  	v18 =	vmul.f32 v22, v2;
	v21 =	vld [tilespmem:s22+$0xB0]  }
0x195: {  	v22 =	vmul.f32 v23, v6;
	v11 =	vadd.f32 v14, v11;
	v13 =	vadd.f32 v13, v15;
	v14 =	vld [tilespmem:s22+$0xC0];
	(xrf2) =	vadd.scan.msk.f32 $0xffff, v12  }
0x196: {  	s28 =	sadd.s32 $0x8B, s17;
	v12 =	vmul.f32 v20, v0;
	v15 =	vld [tilespmem:s22+$0xD0]  }
0x197: {  	v20 =	vmov s28;
	v18 =	vadd.f32 v22, v18;
	v19 =	vmul.f32 v19, v1;
	v22 =	vld [tilespmem:s22+$0xE0];
	v23, _, _ =	vpop (xrf2)  }
0x198: {  	[tilespmem:v17+s21+$0x0] =	vst.idx.msk vm0, v23;
	v17 =	vand.u32 $0xFFFFFFFB, v20;
	v16 =	vmul.f32 v16, v3;
	v20 =	vld [tilespmem:s22+$0xF0]  }
0x199: {  	v13 =	vadd.f32 v18, v13;
	v18 =	vmul.f32 v21, v7;
	v12 =	vadd.f32 v19, v12;
	v19 =	vld [tilespmem:s22+$0x100]  }
0x19a: {  	v17 =	vbroadcast v17, $0x0;
	v14 =	vmul.f32 v14, v4;
	v21 =	vld [tilespmem:s22+$0x110]  }
0x19b: {  	v13 =	vadd.f32 v13, v11;
	v15 =	vmul.f32 v15, v5;
	v11 =	vadd.f32 v18, v16;
	v16 =	vld [tilespmem:s22+$0x120]  }
0x19c: {  	v25 =	vmul.f32 v22, v2;
	v22 =	vld [tilespmem:s22+$0x130]  }
.Ltmp1:
0x19d: {  	v20 =	vmul.f32 v20, v6;
	v11 =	vadd.f32 v11, v12;
	v23 =	vadd.f32 v15, v14;
	v12 =	vld [tilespmem:s22+$0x140];
	(xrf2) =	vadd.scan.msk.f32 $0xffff, v13;
	(pc) =	sbr.rel @p0 .LBB2_5-.Ltmp1, $4  }
0x19e: {  	s28 =	sadd.s32 $0x8C, s17;
	v19 =	vmul.f32 v19, v0;
	v13 =	vld [tilespmem:s22+$0x150]  }
0x19f: {  	v14 =	vmov s28;
	v20 =	vadd.f32 v20, v25;
	v24 =	vmul.f32 v21, v1;
	v15 =	vld [tilespmem:s22+$0x160];
	v18, _, _ =	vpop (xrf2)  }
0x1a0: {  	v14 =	vand.u32 $0xFFFFFFFC, v14;
	[tilespmem:v17+s21+$0x0] =	vst.idx.msk vm0, v18;
	v18 =	vmul.f32 v16, v3;
	v16 =	vld [tilespmem:s22+$0x170]  }
0x1a1: {  	v17 =	vld [tilespmem:s22+$0xFFFFFE00];
	v20 =	vadd.f32 v20, v23;
	v21 =	vmul.f32 v22, v7;
	v19 =	vadd.f32 v24, v19;
	s22 =	sadd.s32 $0x400, s22  }
0x1a2: {  	_ =	sdelay $0x2  }
0x1a3: {  	v1 =	vmul.f32 v12, v4  }
0x1a4: {  	v3 =	vmul.f32 v13, v5;
	v0 =	vmul.f32 v17, v0  }
0x1a5: {  	v2 =	vmul.f32 v15, v2;
	v4 =	vmul.f32 v16, v6  }
0x1a6: {  	v5 =	vadd.f32 v21, v18;
	v0 =	vadd.f32 v10, v0  }
0x1a7: {  	v1 =	vadd.f32 v3, v1;
	v2 =	vadd.f32 v4, v2  }
0x1a8: {  	v3 =	vadd.f32 v20, v11;
	v0 =	vadd.f32 v8, v0  }
0x1a9: {  	v4 =	vadd.f32 v5, v19;
	v1 =	vadd.f32 v2, v1  }
0x1aa: {  	v0 =	vadd.f32 v9, v0  }
0x1ab: {  	(xrf2) =	vadd.scan.msk.f32 $0xffff, v3;
	v1 =	vadd.f32 v1, v4  }
0x1ac: {  	(xrf2) =	vadd.scan.msk.f32 $0xffff, v0  }
0x1ad: {  	s18 =	sadd.s32 $0x8D, s17;
	(xrf2) =	vadd.scan.msk.f32 $0xffff, v1  }
0x1ae: {  	s30 =	sadd.s32 $0x88, s17;
	v0 =	vmov s18  }
0x1af: {  	s22 =	sadd.s32 $0x8E, s17;
	v2 =	vmov s30;
	v1 =	vbroadcast v14, $0x0;
	v0 =	vand.u32 $0xFFFFFFFD, v0  }
0x1b0: {  	v3 =	vmov s22;
	v2 =	vand.u32 $0xFFFFFFF8, v2;
	v0 =	vbroadcast v0, $0x0  }
0x1b1: {  	v3 =	vand.u32 $0xFFFFFFFE, v3;
	v2 =	vbroadcast v2, $0x0  }
0x1b2: {  	v3 =	vbroadcast v3, $0x0;
	_ =	sdelay $0x1  }
0x1b3: {  	v4, _, _ =	vpop (xrf2)  }
0x1b4: {  	[tilespmem:v1+s21+$0x0] =	vst.idx.msk vm0, v4;
	v1, _, _ =	vpop (xrf2)  }
0x1b5: {  	[tilespmem:v0+s21+$0x0] =	vst.idx.msk vm0, v1;
	v0, _, _ =	vpop (xrf2)  }
0x1b6: {  	[tilespmem:v2+s21+$0x0] =	vst.idx.msk vm0, v0;
	v0, _, _ =	vpop (xrf2)  }
0x1b7: {  	[tilespmem:v3+s21+$0x0] =	vst.idx.msk vm0, v0  }
0x1b8: {  	_ =	swait.ge [sflag:s25], $0x200  }
0x1b9: {  	[sflag:s25] =	ssyncset.done $0x0  }
0x1ba: {  	[sflag:s25] =	ssyncadd.s32 $0xFFFFFE00  }
0x1bb: {  	_ =	swait.ge [sflag:s25], $0x80  }
0x1bc: {  	[sflag:s25] =	ssyncset.done $0x0  }
0x1bd: {  	[sflag:s25] =	ssyncadd.s32 $0xFFFFFF80  }
0x1be: {  	[tilespmem:s14], [sflag:$0x1] =	stream.indirect.gather [hbm4b:s3+s13], $0x80, s16, s13, $0xb8;
	[tilespmem:$0x10900] =	vst v63  }
0x1bf: {  	_ =	swait.ge [sflag:s26], $0x4000  }
0x1c0: {  	[sflag:s26] =	ssyncset.done $0x0  }
0x1c1: {  	[sflag:s26] =	ssyncadd.s32 $0xFFFFC000  }
0x1c2: {  	v0 =	vld [tilespmem:$0x400]  }
0x1c3: {  	v1 =	vld [tilespmem:$0x410]  }
0x1c4: {  	v3 =	vld [tilespmem:$0x420]  }
0x1c5: {  	v7 =	vld [tilespmem:$0x430]  }
0x1c6: {  	v4 =	vld [tilespmem:$0x440]  }
0x1c7: {  	v5 =	vld [tilespmem:$0x450]  }
0x1c8: {  	v2 =	vld [tilespmem:$0x460]  }
0x1c9: {  	s22 =	simm.s32 $0x8700;
	v6 =	vld [tilespmem:$0x470]  }
0x1ca: {  	v8 =	vld [tilespmem:s22+$0x180]  }
0x1cb: {  	v9 =	vld [tilespmem:s22+$0x190]  }
0x1cc: {  	v11 =	vld [tilespmem:s22+$0x1A0]  }
0x1cd: {  	v12 =	vld [tilespmem:s22+$0x1B0]  }
0x1ce: {  	v13 =	vld [tilespmem:s22+$0x1C0]  }
0x1cf: {  	v14 =	vld [tilespmem:s22+$0x1D0]  }
0x1d0: {  	v15 =	vld [tilespmem:s22+$0x1E0]  }
0x1d1: {  	v16 =	vld [tilespmem:s22+$0x1F0]  }
0x1d2: {  	v17 =	vld [tilespmem:s22+$0xFFFFFE20]  }
0x1d3: {  	v18 =	vld [tilespmem:s22+$0xFFFFFE30]  }
0x1d4: {  	v19 =	vld [tilespmem:s22+$0xFFFFFE40]  }
0x1d5: {  	v20 =	vld [tilespmem:s22+$0xFFFFFE50]  }
0x1d6: {  	v21 =	vld [tilespmem:s22+$0xFFFFFE60]  }
0x1d7: {  	v22 =	vld [tilespmem:s22+$0xFFFFFE70]  }
0x1d8: {  	v23 =	vld [tilespmem:s22+$0xFFFFFE80]  }
0x1d9: {  	v24 =	vld [tilespmem:s22+$0xFFFFFE90]  }
0x1da: {  	v25 =	vld [tilespmem:s22+$0xFFFFFEA0]  }
0x1db: {  	v26 =	vld [tilespmem:s22+$0xFFFFFEB0]  }
0x1dc: {  	v27 =	vld [tilespmem:s22+$0xFFFFFEC0]  }
0x1dd: {  	v29 =	vld [tilespmem:s22+$0xFFFFFEE0]  }
0x1de: {  	v30 =	vld [tilespmem:s22+$0xFFFFFEF0]  }
0x1df: {  	v32 =	vld [tilespmem:s22+$0xFFFFFF10];
	v8 =	vmul.f32 v8, v0  }
0x1e0: {  	v33 =	vld [tilespmem:s22+$0xFFFFFF20];
	v9 =	vmul.f32 v9, v1;
	v11 =	vmul.f32 v11, v3  }
0x1e1: {  	v28 =	vld [tilespmem:s22+$0xFFFFFED0];
	v12 =	vmul.f32 v12, v7;
	v13 =	vmul.f32 v13, v4  }
0x1e2: {  	v31 =	vld [tilespmem:s22+$0xFFFFFF00];
	v14 =	vmul.f32 v14, v5;
	v15 =	vmul.f32 v15, v2  }
0x1e3: {  	v41 =	vld [tilespmem:s22+$0xFFFFFF80];
	v16 =	vmul.f32 v16, v6;
	v42 =	vmul.f32 v29, v2  }
0x1e4: {  	v45 =	vld [tilespmem:s22+$0xFFFFFFD0];
	v43 =	vmul.f32 v30, v6;
	v44 =	vmul.f32 v32, v1;
	v8 =	vadd.f32 v9, v8  }
0x1e5: {  	v47 =	vld [tilespmem:s22+$0xFFFFFFE0];
	v46 =	vmul.f32 v33, v3;
	v9 =	vadd.f32 v12, v11;
	v11 =	vadd.f32 v14, v13  }
0x1e6: {  	v12 =	vld [tilespmem:s22+$0xFFFFFF30];
	v13 =	vmul.f32 v17, v3;
	v14 =	vadd.f32 v16, v15;
	v15 =	vmul.f32 v18, v7  }
0x1e7: {  	v16 =	vld [tilespmem:s22+$0xFFFFFF40];
	v17 =	vmul.f32 v19, v4;
	v18 =	vmul.f32 v20, v5  }
0x1e8: {  	v19 =	vld [tilespmem:s22+$0xFFFFFF50];
	v20 =	vmul.f32 v22, v6;
	v9 =	vadd.f32 v9, v8;
	v11 =	vadd.f32 v14, v11  }
0x1e9: {  	v48 =	vld [tilespmem:s22+$0xFFFFFFF0];
	v14 =	vmul.f32 v21, v2;
	v8 =	vadd.f32 v15, v13;
	v13 =	vmul.f32 v23, v0  }
0x1ea: {  	v22 =	vld [tilespmem:s22+$0xFFFFFF70];
	v15 =	vmul.f32 v24, v1;
	v23 =	vmul.f32 v26, v7;
	v17 =	vadd.f32 v18, v17  }
0x1eb: {  	v21 =	vld [tilespmem:s22+$0xFFFFFF60];
	v24 =	vmul.f32 v41, v0;
	v11 =	vadd.f32 v11, v9;
	v9 =	vmul.f32 v25, v3  }
0x1ec: {  	v18 =	vld [tilespmem:s22+$0xFFFFFF90];
	v14 =	vadd.f32 v20, v14;
	v13 =	vadd.f32 v15, v13;
	v12 =	vmul.f32 v12, v7  }
0x1ed: {  	v49 =	vld [tilespmem:s22+$0x0];
	v16 =	vmul.f32 v16, v4;
	v19 =	vmul.f32 v19, v5;
	v15 =	vadd.f32 v23, v9  }
0x1ee: {  	v20 =	vld [tilespmem:s22+$0xFFFFFFA0];
	v9 =	vadd.f32 v14, v17;
	v14 =	vmul.f32 v27, v4;
	v17 =	vmul.f32 v28, v5  }
0x1ef: {  	v25 =	vadd.f32 v43, v42;
	v22 =	vmul.f32 v22, v6;
	v23 =	vld [tilespmem:s22+$0xFFFFFFB0];
	v27 =	vmul.f32 v48, v6  }
0x1f0: {  	v21 =	vmul.f32 v21, v2;
	v13 =	vadd.f32 v15, v13;
	v15 =	vld [tilespmem:s22+$0xFFFFFFC0];
	v14 =	vadd.f32 v17, v14  }
0x1f1: {  	v51 =	vld [tilespmem:s22+$0x30];
	v12 =	vadd.f32 v12, v46;
	v18 =	vmul.f32 v18, v1;
	v17 =	vmul.f32 v31, v0  }
0x1f2: {  	v52 =	vld [tilespmem:s22+$0x40];
	v16 =	vadd.f32 v19, v16;
	v19 =	vmul.f32 v45, v5;
	v14 =	vadd.f32 v25, v14  }
0x1f3: {  	v50 =	vld [tilespmem:s22+$0x10];
	v21 =	vadd.f32 v22, v21;
	v22 =	vmul.f32 v47, v2;
	v17 =	vadd.f32 v44, v17  }
0x1f4: {  	v54 =	vld [tilespmem:s22+$0xB0];
	v13 =	vadd.f32 v14, v13;
	v14 =	vmul.f32 v20, v3;
	v20 =	vmul.f32 v23, v7  }
0x1f5: {  	(xrf2) =	vadd.scan.msk.f32 $0xffff, v11;
	v18 =	vadd.f32 v18, v24;
	v16 =	vadd.f32 v21, v16;
	v23 =	vld [tilespmem:s22+$0x20];
	v15 =	vmul.f32 v15, v4  }
0x1f6: {  	v53 =	vmul.f32 v51, v7;
	v12 =	vadd.f32 v12, v17;
	v17 =	vld [tilespmem:s22+$0x70];
	v14 =	vadd.f32 v20, v14;
	(xrf2) =	vadd.scan.msk.f32 $0xffff, v13  }
0x1f7: {  	s28 =	simm.s32 $0x101;
	v55 =	vmul.f32 v52, v4;
	v20 =	vld [tilespmem:s22+$0x50];
	v11 =	vadd.f32 v19, v15;
	v15 =	vadd.f32 v27, v22  }
0x1f8: {  	v21 =	vmul.f32 v49, v0;
	v13 =	vmov s28;
	v12 =	vadd.f32 v16, v12;
	v19 =	vld [tilespmem:s22+$0x60]  }
0x1f9: {  	s30 =	simm.s32 $0x107;
	v16 =	vld [tilespmem:s22+$0x90];
	s28 =	simm.s32 $0x103;
	v13 =	vand.u32 $0xFFFFFFF9, v13;
	v14 =	vadd.f32 v14, v18;
	v11 =	vadd.f32 v15, v11  }
0x1fa: {  	s18 =	simm.s32 $0x102;
	v22 =	vmul.f32 v50, v1;
	v57 =	vmov s28;
	v18 =	vmov s30;
	v15 =	vld [tilespmem:s22+$0x80]  }
0x1fb: {  	v13 =	vbroadcast v13, $0x0;
	(xrf2) =	vadd.scan.msk.f32 $0xffff, v12;
	v12 =	vmov s18;
	v11 =	vadd.f32 v11, v14;
	v14 =	vld [tilespmem:s22+$0xA0]  }
0x1fc: {  	v56 =	vld [tilespmem:s22+$0xC0];
	v23 =	vmul.f32 v23, v3;
	v12 =	vand.u32 $0xFFFFFFFA, v12;
	v17 =	vmul.f32 v17, v6  }
0x1fd: {  	v20 =	vmul.f32 v20, v5;
	v19 =	vmul.f32 v19, v2;
	(xrf2) =	vadd.scan.msk.f32 $0xffff, v11;
	v11 =	vadd.f32 v22, v21;
	v21 =	vld [tilespmem:s22+$0xD0]  }
0x1fe: {  	v16 =	vmul.f32 v16, v1;
	v22 =	vbroadcast v12, $0x0;
	v12 =	vadd.f32 v53, v23;
	v23 =	vld [tilespmem:s22+$0xE0]  }
0x1ff: {  	v58, _, _ =	vpop (xrf2);
	v20 =	vadd.f32 v20, v55;
	v15 =	vmul.f32 v15, v0;
	v17 =	vadd.f32 v17, v19;
	v19 =	vld [tilespmem:s22+$0xF0]  }
0x200: {  	v10 =	vld [tilespmem:s22+$0xFFFFFE10];
	v11 =	vadd.f32 v12, v11;
	v12 =	vmul.f32 v54, v7;
	v14 =	vmul.f32 v14, v3;
	v60, _, _ =	vpop (xrf2)  }
0x201: {  	v59 =	vld [tilespmem:s22+$0x100];
	v24 =	vand.u32 $0xFFFFFFFB, v57;
	[tilespmem:v13+s21+$0x0] =	vst.idx.msk vm0, v60;
	v13 =	vadd.f32 v17, v20  }
0x202: {  	v61 =	vld [tilespmem:s22+$0x110];
	[tilespmem:v18+s21+$0x0] =	vst.idx.msk vm0, v58;
	v18 =	vbroadcast v24, $0x0;
	v15 =	vadd.f32 v16, v15;
	v14 =	vadd.f32 v12, v14  }
0x203: {  	v16 =	vld [tilespmem:s22+$0x120];
	v17 =	vmul.f32 v56, v4;
	v20 =	vmul.f32 v21, v5;
	v62 =	vadd.f32 v13, v11  }
0x204: {  	v21 =	vld [tilespmem:s22+$0x130];
	v23 =	vmul.f32 v23, v2;
	v19 =	vmul.f32 v19, v6  }
0x205: {  	v12 =	vld [tilespmem:s22+$0x140];
	v11 =	vadd.f32 v14, v15;
	(xrf2) =	vadd.scan.msk.f32 $0xffff, v62  }
0x206: {  	v63 =	vmul.f32 v59, v0;
	v13 =	vld [tilespmem:s22+$0x150];
	v20 =	vadd.f32 v20, v17;
	v19 =	vadd.f32 v19, v23;
	v14, _, _ =	vpop (xrf2)  }
0x207: {  	v10 =	vmul.f32 v10, v1;
	s30 =	simm.s32 $0x104;
	v15 =	vld [tilespmem:s22+$0x160];
	[tilespmem:v22+s21+$0x0] =	vst.idx.msk vm0, v14;
	v22 =	vmul.f32 v61, v1;
	v17, _, _ =	vpop (xrf2)  }
0x208: {  	v14 =	vmov s30;
	v20 =	vadd.f32 v19, v20;
	[tilespmem:v18+s21+$0x0] =	vst.idx.msk vm0, v17;
	v18 =	vmul.f32 v16, v3;
	v16 =	vld [tilespmem:s22+$0x170]  }
0x209: {  	s17 =	simm.s32 $0xFFFFFFF8;
	s18 =	simm.s32 $0x0;
	v21 =	vmul.f32 v21, v7;
	v14 =	vand.u32 $0xFFFFFFFC, v14;
	v17 =	vld [tilespmem:s22+$0xFFFFFE00];
	s22 =	simm.s32 $0x8B00;
	v19 =	vadd.f32 v22, v63  }
.LBB2_7:
0x20a: {  	v22 =	vld [tilespmem:s22+$0x180];
	v14 =	vbroadcast v14, $0x0;
	v12 =	vmul.f32 v12, v4;
	s28 =	smov.u32 s18  }
0x20b: {  	v23 =	vld [tilespmem:s22+$0x190];
	v11 =	vadd.f32 v20, v11;
	v13 =	vmul.f32 v13, v5;
	v18 =	vadd.f32 v21, v18  }
0x20c: {  	v20 =	vld [tilespmem:s22+$0x1A0];
	v15 =	vmul.f32 v15, v2  }
0x20d: {  	v21 =	vld [tilespmem:s22+$0x1B0];
	v24 =	vmul.f32 v16, v6;
	v18 =	vadd.f32 v18, v19;
	v12 =	vadd.f32 v13, v12;
	(xrf2) =	vadd.scan.msk.f32 $0xffff, v11  }
0x20e: {  	v11 =	vld [tilespmem:s22+$0x1C0];
	v13 =	vmul.f32 v17, v0  }
0x20f: {  	s30 =	sadd.s32 $0x10D, s17;
	v17 =	vld [tilespmem:s22+$0x1D0];
	v15 =	vadd.f32 v24, v15;
	v16, _, _ =	vpop (xrf2)  }
0x210: {  	v19 =	vld [tilespmem:s22+$0x1E0];
	v10 =	vadd.f32 v10, v13;
	[tilespmem:v14+s21+$0x0] =	vst.idx.msk vm0, v16;
	v13 =	vmov s30  }
0x211: {  	s18 =	sadd.s32 $0x8, s18;
	v14 =	vld [tilespmem:s22+$0x1F0];
	v13 =	vand.u32 $0xFFFFFFFD, v13;
	v12 =	vadd.f32 v15, v12  }
0x212: {  	p0 =	slt.u32 s18, $0x78;
	v15 =	vld [tilespmem:s22+$0xFFFFFE10];
	v8 =	vadd.f32 v8, v10;
	v13 =	vbroadcast v13, $0x0  }
0x213: {  	v22 =	vmul.f32 v22, v0;
	v23 =	vmul.f32 v23, v1;
	v16 =	vld [tilespmem:s22+$0xFFFFFE20];
	v12 =	vadd.f32 v12, v18  }
0x214: {  	v20 =	vmul.f32 v20, v3;
	v26 =	vmul.f32 v21, v7;
	v18 =	vld [tilespmem:s22+$0xFFFFFE30];
	v8 =	vadd.f32 v9, v8  }
0x215: {  	s30 =	sadd.s32 $0x108, s17;
	v11 =	vmul.f32 v11, v4;
	v17 =	vmul.f32 v17, v5;
	v9 =	vld [tilespmem:s22+$0xFFFFFE40]  }
0x216: {  	v25 =	vmov s30;
	v19 =	vmul.f32 v19, v2;
	v24 =	vld [tilespmem:s22+$0xFFFFFE50];
	v14 =	vmul.f32 v14, v6;
	(xrf2) =	vadd.scan.msk.f32 $0xffff, v8  }
0x217: {  	v20 =	vadd.f32 v26, v20;
	v8 =	vadd.f32 v23, v22;
	v10 =	vmul.f32 v15, v1;
	v15 =	vld [tilespmem:s22+$0xFFFFFE60];
	v21, _, _ =	vpop (xrf2)  }
0x218: {  	s30 =	sadd.s32 $0x10E, s17;
	s17 =	smov.u32 s28;
	v11 =	vadd.f32 v17, v11;
	v16 =	vmul.f32 v16, v3;
	v22 =	vld [tilespmem:s22+$0xFFFFFE70];
	v14 =	vadd.f32 v14, v19  }
0x219: {  	v17 =	vmul.f32 v18, v7;
	v18 =	vld [tilespmem:s22+$0xFFFFFE80];
	[tilespmem:v13+s21+$0x0] =	vst.idx.msk vm0, v21;
	v13 =	vmov s30;
	(xrf2) =	vadd.scan.msk.f32 $0xffff, v12  }
0x21a: {  	v19 =	vadd.f32 v20, v8;
	v9 =	vmul.f32 v9, v4;
	v12 =	vld [tilespmem:s22+$0xFFFFFE90];
	v11 =	vadd.f32 v14, v11  }
0x21b: {  	v14 =	vmul.f32 v24, v5;
	v8 =	vadd.f32 v17, v16;
	v16 =	vld [tilespmem:s22+$0xFFFFFEA0];
	v17 =	vand.u32 $0xFFFFFFF8, v25  }
0x21c: {  	v15 =	vmul.f32 v15, v2;
	v20 =	vld [tilespmem:s22+$0xFFFFFEB0];
	v11 =	vadd.f32 v11, v19;
	v17 =	vbroadcast v17, $0x0  }
0x21d: {  	v13 =	vand.u32 $0xFFFFFFFE, v13;
	v19 =	vmul.f32 v22, v6;
	v9 =	vadd.f32 v14, v9;
	v14 =	vld [tilespmem:s22+$0xFFFFFEC0]  }
0x21e: {  	v18 =	vmul.f32 v18, v0;
	v21 =	vld [tilespmem:s22+$0xFFFFFED0];
	(xrf2) =	vadd.scan.msk.f32 $0xffff, v11;
	v11 =	vbroadcast v13, $0x0  }
0x21f: {  	v13 =	vadd.f32 v19, v15;
	v12 =	vmul.f32 v12, v1;
	v15 =	vld [tilespmem:s22+$0xFFFFFEE0]  }
0x220: {  	v16 =	vmul.f32 v16, v3;
	v19 =	vld [tilespmem:s22+$0xFFFFFEF0];
	v22, _, _ =	vpop (xrf2)  }
0x221: {  	v9 =	vadd.f32 v13, v9;
	v13 =	vmul.f32 v20, v7;
	v12 =	vadd.f32 v12, v18;
	v18 =	vld [tilespmem:s22+$0xFFFFFF00]  }
0x222: {  	v14 =	vmul.f32 v14, v4;
	v20 =	vld [tilespmem:s22+$0xFFFFFF10];
	[tilespmem:v17+s21+$0x0] =	vst.idx.msk vm0, v22  }
0x223: {  	s28 =	sadd.s32 $0x10F, s17;
	v17 =	vmul.f32 v21, v5;
	v13 =	vadd.f32 v13, v16;
	v16 =	vld [tilespmem:s22+$0xFFFFFF20];
	v21, _, _ =	vpop (xrf2)  }
0x224: {  	v23 =	vmov s28;
	v15 =	vmul.f32 v15, v2;
	v22 =	vld [tilespmem:s22+$0xFFFFFF30];
	[tilespmem:v11+s21+$0x0] =	vst.idx.msk vm0, v21  }
0x225: {  	v11 =	vmul.f32 v19, v6;
	v12 =	vadd.f32 v13, v12;
	v13 =	vadd.f32 v17, v14;
	v14 =	vld [tilespmem:s22+$0xFFFFFF40]  }
0x226: {  	v17 =	vmul.f32 v18, v0;
	v18 =	vld [tilespmem:s22+$0xFFFFFF50]  }
0x227: {  	v11 =	vadd.f32 v11, v15;
	v15 =	vmul.f32 v20, v1;
	v19 =	vld [tilespmem:s22+$0xFFFFFF60]  }
0x228: {  	v16 =	vmul.f32 v16, v3;
	v20 =	vld [tilespmem:s22+$0xFFFFFF70];
	v21, _, _ =	vpop (xrf2)  }
0x229: {  	v22 =	vmul.f32 v22, v7;
	v15 =	vadd.f32 v15, v17;
	v17 =	vld [tilespmem:s22+$0xFFFFFF80];
	[tilespmem:v23+s21+$0x0] =	vst.idx.msk vm0, v21  }
0x22a: {  	v11 =	vadd.f32 v11, v13;
	v13 =	vmul.f32 v14, v4;
	v14 =	vld [tilespmem:s22+$0xFFFFFF90]  }
0x22b: {  	v18 =	vmul.f32 v18, v5;
	v16 =	vadd.f32 v22, v16;
	v21 =	vld [tilespmem:s22+$0xFFFFFFA0]  }
0x22c: {  	v11 =	vadd.f32 v11, v12;
	v12 =	vmul.f32 v19, v2;
	v19 =	vld [tilespmem:s22+$0xFFFFFFB0]  }
0x22d: {  	v20 =	vmul.f32 v20, v6;
	v15 =	vadd.f32 v16, v15;
	v13 =	vadd.f32 v18, v13;
	v16 =	vld [tilespmem:s22+$0xFFFFFFC0]  }
0x22e: {  	v17 =	vmul.f32 v17, v0;
	v18 =	vld [tilespmem:s22+$0xFFFFFFD0];
	(xrf2) =	vadd.scan.msk.f32 $0xffff, v11  }
0x22f: {  	s28 =	sadd.s32 $0x109, s17;
	v11 =	vadd.f32 v20, v12;
	v12 =	vmul.f32 v14, v1;
	v14 =	vld [tilespmem:s22+$0xFFFFFFE0]  }
0x230: {  	v20 =	vmov s28;
	v21 =	vmul.f32 v21, v3;
	v22 =	vld [tilespmem:s22+$0xFFFFFFF0]  }
0x231: {  	v11 =	vadd.f32 v11, v13;
	v13 =	vmul.f32 v19, v7;
	v12 =	vadd.f32 v12, v17;
	v17 =	vld [tilespmem:s22+$0x0]  }
0x232: {  	v19 =	vand.u32 $0xFFFFFFF9, v20;
	v16 =	vmul.f32 v16, v4;
	v20 =	vld [tilespmem:s22+$0x10]  }
0x233: {  	v11 =	vadd.f32 v11, v15;
	v15 =	vmul.f32 v18, v5;
	v13 =	vadd.f32 v13, v21;
	v18 =	vld [tilespmem:s22+$0x20]  }
0x234: {  	v19 =	vbroadcast v19, $0x0;
	v14 =	vmul.f32 v14, v2;
	v21 =	vld [tilespmem:s22+$0x30]  }
0x235: {  	v22 =	vmul.f32 v22, v6;
	v12 =	vadd.f32 v13, v12;
	v13 =	vadd.f32 v15, v16;
	v15 =	vld [tilespmem:s22+$0x40];
	(xrf2) =	vadd.scan.msk.f32 $0xffff, v11  }
0x236: {  	s28 =	sadd.s32 $0x10A, s17;
	v11 =	vmul.f32 v17, v0;
	v16 =	vld [tilespmem:s22+$0x50]  }
0x237: {  	v17 =	vmov s28;
	v14 =	vadd.f32 v22, v14;
	v20 =	vmul.f32 v20, v1;
	v22 =	vld [tilespmem:s22+$0x60]  }
0x238: {  	v17 =	vand.u32 $0xFFFFFFFA, v17;
	v18 =	vmul.f32 v18, v3;
	v23 =	vld [tilespmem:s22+$0x70];
	v24, _, _ =	vpop (xrf2)  }
0x239: {  	v13 =	vadd.f32 v14, v13;
	v14 =	vmul.f32 v21, v7;
	v11 =	vadd.f32 v20, v11;
	v20 =	vld [tilespmem:s22+$0x80]  }
0x23a: {  	v17 =	vbroadcast v17, $0x0;
	[tilespmem:v19+s21+$0x0] =	vst.idx.msk vm0, v24;
	v15 =	vmul.f32 v15, v4;
	v19 =	vld [tilespmem:s22+$0x90]  }
0x23b: {  	v12 =	vadd.f32 v13, v12;
	v13 =	vmul.f32 v16, v5;
	v14 =	vadd.f32 v14, v18;
	v16 =	vld [tilespmem:s22+$0xA0]  }
0x23c: {  	v18 =	vmul.f32 v22, v2;
	v21 =	vld [tilespmem:s22+$0xB0]  }
0x23d: {  	v22 =	vmul.f32 v23, v6;
	v11 =	vadd.f32 v14, v11;
	v13 =	vadd.f32 v13, v15;
	v14 =	vld [tilespmem:s22+$0xC0];
	(xrf2) =	vadd.scan.msk.f32 $0xffff, v12  }
0x23e: {  	s28 =	sadd.s32 $0x10B, s17;
	v12 =	vmul.f32 v20, v0;
	v15 =	vld [tilespmem:s22+$0xD0]  }
0x23f: {  	v20 =	vmov s28;
	v18 =	vadd.f32 v22, v18;
	v19 =	vmul.f32 v19, v1;
	v22 =	vld [tilespmem:s22+$0xE0];
	v23, _, _ =	vpop (xrf2)  }
0x240: {  	[tilespmem:v17+s21+$0x0] =	vst.idx.msk vm0, v23;
	v17 =	vand.u32 $0xFFFFFFFB, v20;
	v16 =	vmul.f32 v16, v3;
	v20 =	vld [tilespmem:s22+$0xF0]  }
0x241: {  	v13 =	vadd.f32 v18, v13;
	v18 =	vmul.f32 v21, v7;
	v12 =	vadd.f32 v19, v12;
	v19 =	vld [tilespmem:s22+$0x100]  }
0x242: {  	v17 =	vbroadcast v17, $0x0;
	v14 =	vmul.f32 v14, v4;
	v21 =	vld [tilespmem:s22+$0x110]  }
0x243: {  	v13 =	vadd.f32 v13, v11;
	v15 =	vmul.f32 v15, v5;
	v11 =	vadd.f32 v18, v16;
	v16 =	vld [tilespmem:s22+$0x120]  }
0x244: {  	v25 =	vmul.f32 v22, v2;
	v22 =	vld [tilespmem:s22+$0x130]  }
.Ltmp2:
0x245: {  	v20 =	vmul.f32 v20, v6;
	v11 =	vadd.f32 v11, v12;
	v23 =	vadd.f32 v15, v14;
	v12 =	vld [tilespmem:s22+$0x140];
	(xrf2) =	vadd.scan.msk.f32 $0xffff, v13;
	(pc) =	sbr.rel @p0 .LBB2_7-.Ltmp2, $4  }
0x246: {  	s28 =	sadd.s32 $0x10C, s17;
	v19 =	vmul.f32 v19, v0;
	v13 =	vld [tilespmem:s22+$0x150]  }
0x247: {  	v14 =	vmov s28;
	v20 =	vadd.f32 v20, v25;
	v24 =	vmul.f32 v21, v1;
	v15 =	vld [tilespmem:s22+$0x160];
	v18, _, _ =	vpop (xrf2)  }
0x248: {  	v14 =	vand.u32 $0xFFFFFFFC, v14;
	[tilespmem:v17+s21+$0x0] =	vst.idx.msk vm0, v18;
	v18 =	vmul.f32 v16, v3;
	v16 =	vld [tilespmem:s22+$0x170]  }
0x249: {  	v17 =	vld [tilespmem:s22+$0xFFFFFE00];
	v20 =	vadd.f32 v20, v23;
	v21 =	vmul.f32 v22, v7;
	v19 =	vadd.f32 v24, v19;
	s22 =	sadd.s32 $0x400, s22  }
0x24a: {  	_ =	sdelay $0x2  }
0x24b: {  	v1 =	vmul.f32 v12, v4  }
0x24c: {  	v3 =	vmul.f32 v13, v5;
	v0 =	vmul.f32 v17, v0  }
0x24d: {  	v2 =	vmul.f32 v15, v2;
	v4 =	vmul.f32 v16, v6  }
0x24e: {  	v5 =	vadd.f32 v21, v18;
	v0 =	vadd.f32 v10, v0  }
0x24f: {  	v1 =	vadd.f32 v3, v1;
	v2 =	vadd.f32 v4, v2  }
0x250: {  	v3 =	vadd.f32 v20, v11;
	v0 =	vadd.f32 v8, v0  }
0x251: {  	v4 =	vadd.f32 v5, v19;
	v1 =	vadd.f32 v2, v1  }
0x252: {  	v0 =	vadd.f32 v9, v0  }
0x253: {  	(xrf2) =	vadd.scan.msk.f32 $0xffff, v3;
	v1 =	vadd.f32 v1, v4  }
0x254: {  	(xrf2) =	vadd.scan.msk.f32 $0xffff, v0  }
0x255: {  	s18 =	sadd.s32 $0x10D, s17;
	(xrf2) =	vadd.scan.msk.f32 $0xffff, v1  }
0x256: {  	s30 =	sadd.s32 $0x108, s17;
	v0 =	vmov s18  }
0x257: {  	s22 =	sadd.s32 $0x10E, s17;
	v2 =	vmov s30;
	v1 =	vbroadcast v14, $0x0;
	v0 =	vand.u32 $0xFFFFFFFD, v0  }
0x258: {  	v3 =	vmov s22;
	v2 =	vand.u32 $0xFFFFFFF8, v2;
	v0 =	vbroadcast v0, $0x0  }
0x259: {  	v3 =	vand.u32 $0xFFFFFFFE, v3;
	v2 =	vbroadcast v2, $0x0  }
0x25a: {  	v3 =	vbroadcast v3, $0x0;
	_ =	sdelay $0x1  }
0x25b: {  	v4, _, _ =	vpop (xrf2)  }
0x25c: {  	[tilespmem:v1+s21+$0x0] =	vst.idx.msk vm0, v4;
	v1, _, _ =	vpop (xrf2)  }
0x25d: {  	[tilespmem:v0+s21+$0x0] =	vst.idx.msk vm0, v1;
	v0, _, _ =	vpop (xrf2)  }
0x25e: {  	[tilespmem:v2+s21+$0x0] =	vst.idx.msk vm0, v0;
	v0, _, _ =	vpop (xrf2)  }
0x25f: {  	s28 =	simm.s32 $0x280;
	p0 =	seq.s32 s10, $0xF;
	[tilespmem:v3+s21+$0x0] =	vst.idx.msk vm0, v0  }
0x260: {  	[tilespmem:s15], [sflag:$0x2] =	stream.indirect.gather [hbm4b:s3+s13], $0x80, s28, s13, $0xb8;
	[tilespmem:$0x10900] =	vst v63  }
0x261: {  	s17 =	sshll.u32 @!p0 s9, $0x6;
	s9 =	sshll.u32 @!p0 s9, $0x4;
	_ =	swait.ge [sflag:s29], $0x4000  }
0x262: {  	s17 =	sand.u32 @!p0 $0x1FFFFF80, s17;
	s9 =	sand.u32 @!p0 $0xFFFFFE0, s9;
	[sflag:s29] =	ssyncset.done $0x0  }
0x263: {  	s17 =	sadd.s32 @!p0 s1, s17;
	s18 =	simm.s32 @!p0 $0x0;
	[sflag:s29] =	ssyncadd.s32 $0xFFFFC000  }
0x264: {  	[tilespmem:s18], [sflag:$0x5] =	stream.linear.gather @!p0 [hbm4b:s17+s18], $0x200, $0x38;
	[tilespmem:$0x10900] =	vst v63  }
0x265: {  	s9 =	sadd.s32 @!p0 s2, s9;
	s17 =	simm.s32 @!p0 $0x400  }
0x266: {  	[tilespmem:s17], [sflag:$0x5] =	stream.linear.gather @!p0 [hbm4b:s9+s18], $0x80, $0x38;
	[tilespmem:$0x10900] =	vst v63  }
0x267: {  	v0 =	vld [tilespmem:$0x400]  }
0x268: {  	v1 =	vld [tilespmem:$0x410]  }
0x269: {  	v3 =	vld [tilespmem:$0x420]  }
0x26a: {  	v7 =	vld [tilespmem:$0x430]  }
0x26b: {  	v4 =	vld [tilespmem:$0x440]  }
0x26c: {  	v5 =	vld [tilespmem:$0x450]  }
0x26d: {  	v2 =	vld [tilespmem:$0x460]  }
0x26e: {  	s18 =	simm.s32 $0xC700;
	v6 =	vld [tilespmem:$0x470]  }
0x26f: {  	v8 =	vld [tilespmem:s18+$0x180]  }
0x270: {  	v9 =	vld [tilespmem:s18+$0x190]  }
0x271: {  	v11 =	vld [tilespmem:s18+$0x1A0]  }
0x272: {  	v12 =	vld [tilespmem:s18+$0x1B0]  }
0x273: {  	v13 =	vld [tilespmem:s18+$0x1C0]  }
0x274: {  	v14 =	vld [tilespmem:s18+$0x1D0]  }
0x275: {  	v15 =	vld [tilespmem:s18+$0x1E0]  }
0x276: {  	v16 =	vld [tilespmem:s18+$0x1F0]  }
0x277: {  	v17 =	vld [tilespmem:s18+$0xFFFFFE20]  }
0x278: {  	v18 =	vld [tilespmem:s18+$0xFFFFFE30]  }
0x279: {  	v19 =	vld [tilespmem:s18+$0xFFFFFE40]  }
0x27a: {  	v20 =	vld [tilespmem:s18+$0xFFFFFE50]  }
0x27b: {  	v21 =	vld [tilespmem:s18+$0xFFFFFE60]  }
0x27c: {  	v22 =	vld [tilespmem:s18+$0xFFFFFE70]  }
0x27d: {  	v23 =	vld [tilespmem:s18+$0xFFFFFE80]  }
0x27e: {  	v24 =	vld [tilespmem:s18+$0xFFFFFE90]  }
0x27f: {  	v25 =	vld [tilespmem:s18+$0xFFFFFEA0]  }
0x280: {  	v26 =	vld [tilespmem:s18+$0xFFFFFEB0]  }
0x281: {  	v27 =	vld [tilespmem:s18+$0xFFFFFEC0]  }
0x282: {  	v29 =	vld [tilespmem:s18+$0xFFFFFEE0]  }
0x283: {  	v30 =	vld [tilespmem:s18+$0xFFFFFEF0]  }
0x284: {  	v32 =	vld [tilespmem:s18+$0xFFFFFF10];
	v8 =	vmul.f32 v8, v0  }
0x285: {  	v33 =	vld [tilespmem:s18+$0xFFFFFF20];
	v9 =	vmul.f32 v9, v1;
	v11 =	vmul.f32 v11, v3  }
0x286: {  	v28 =	vld [tilespmem:s18+$0xFFFFFED0];
	v12 =	vmul.f32 v12, v7;
	v13 =	vmul.f32 v13, v4  }
0x287: {  	v31 =	vld [tilespmem:s18+$0xFFFFFF00];
	v14 =	vmul.f32 v14, v5;
	v15 =	vmul.f32 v15, v2  }
0x288: {  	v41 =	vld [tilespmem:s18+$0xFFFFFF80];
	v16 =	vmul.f32 v16, v6;
	v42 =	vmul.f32 v29, v2  }
0x289: {  	v45 =	vld [tilespmem:s18+$0xFFFFFFD0];
	v43 =	vmul.f32 v30, v6;
	v44 =	vmul.f32 v32, v1;
	v8 =	vadd.f32 v9, v8  }
0x28a: {  	v47 =	vld [tilespmem:s18+$0xFFFFFFE0];
	v46 =	vmul.f32 v33, v3;
	v9 =	vadd.f32 v12, v11;
	v11 =	vadd.f32 v14, v13  }
0x28b: {  	v12 =	vld [tilespmem:s18+$0xFFFFFF30];
	v13 =	vmul.f32 v17, v3;
	v14 =	vadd.f32 v16, v15;
	v15 =	vmul.f32 v18, v7  }
0x28c: {  	v16 =	vld [tilespmem:s18+$0xFFFFFF40];
	v17 =	vmul.f32 v19, v4;
	v18 =	vmul.f32 v20, v5  }
0x28d: {  	v19 =	vld [tilespmem:s18+$0xFFFFFF50];
	v20 =	vmul.f32 v22, v6;
	v9 =	vadd.f32 v9, v8;
	v11 =	vadd.f32 v14, v11  }
0x28e: {  	v48 =	vld [tilespmem:s18+$0xFFFFFFF0];
	v14 =	vmul.f32 v21, v2;
	v8 =	vadd.f32 v15, v13;
	v13 =	vmul.f32 v23, v0  }
0x28f: {  	v22 =	vld [tilespmem:s18+$0xFFFFFF70];
	v15 =	vmul.f32 v24, v1;
	v23 =	vmul.f32 v26, v7;
	v17 =	vadd.f32 v18, v17  }
0x290: {  	v21 =	vld [tilespmem:s18+$0xFFFFFF60];
	v24 =	vmul.f32 v41, v0;
	v11 =	vadd.f32 v11, v9;
	v9 =	vmul.f32 v25, v3  }
0x291: {  	v18 =	vld [tilespmem:s18+$0xFFFFFF90];
	v14 =	vadd.f32 v20, v14;
	v13 =	vadd.f32 v15, v13;
	v12 =	vmul.f32 v12, v7  }
0x292: {  	v49 =	vld [tilespmem:s18+$0x0];
	v16 =	vmul.f32 v16, v4;
	v19 =	vmul.f32 v19, v5;
	v15 =	vadd.f32 v23, v9  }
0x293: {  	v20 =	vld [tilespmem:s18+$0xFFFFFFA0];
	v9 =	vadd.f32 v14, v17;
	v14 =	vmul.f32 v27, v4;
	v17 =	vmul.f32 v28, v5  }
0x294: {  	v25 =	vadd.f32 v43, v42;
	v22 =	vmul.f32 v22, v6;
	v23 =	vld [tilespmem:s18+$0xFFFFFFB0];
	v27 =	vmul.f32 v48, v6  }
0x295: {  	v21 =	vmul.f32 v21, v2;
	v13 =	vadd.f32 v15, v13;
	v15 =	vld [tilespmem:s18+$0xFFFFFFC0];
	v14 =	vadd.f32 v17, v14  }
0x296: {  	v50 =	vld [tilespmem:s18+$0x10];
	v12 =	vadd.f32 v12, v46;
	v18 =	vmul.f32 v18, v1;
	v17 =	vmul.f32 v31, v0  }
0x297: {  	v51 =	vld [tilespmem:s18+$0x30];
	v16 =	vadd.f32 v19, v16;
	v19 =	vmul.f32 v45, v5;
	v14 =	vadd.f32 v25, v14  }
0x298: {  	v52 =	vld [tilespmem:s18+$0x40];
	v21 =	vadd.f32 v22, v21;
	v22 =	vmul.f32 v47, v2;
	v17 =	vadd.f32 v44, v17  }
0x299: {  	v54 =	vld [tilespmem:s18+$0xB0];
	v13 =	vadd.f32 v14, v13;
	v14 =	vmul.f32 v20, v3;
	v20 =	vmul.f32 v23, v7  }
0x29a: {  	s28 =	simm.s32 $0x183;
	(xrf2) =	vadd.scan.msk.f32 $0xffff, v11;
	v18 =	vadd.f32 v18, v24;
	v16 =	vadd.f32 v21, v16;
	v23 =	vld [tilespmem:s18+$0x20];
	v15 =	vmul.f32 v15, v4  }
0x29b: {  	v57 =	vmov s28;
	v12 =	vadd.f32 v12, v17;
	v17 =	vld [tilespmem:s18+$0x70];
	v14 =	vadd.f32 v20, v14;
	(xrf2) =	vadd.scan.msk.f32 $0xffff, v13  }
0x29c: {  	v53 =	vmul.f32 v51, v7;
	v20 =	vld [tilespmem:s18+$0x50];
	v11 =	vadd.f32 v19, v15;
	v15 =	vadd.f32 v27, v22  }
0x29d: {  	s30 =	simm.s32 $0x181;
	v55 =	vmul.f32 v52, v4;
	v21 =	vmul.f32 v49, v0;
	v12 =	vadd.f32 v16, v12;
	v19 =	vld [tilespmem:s18+$0x60]  }
0x29e: {  	s17 =	simm.s32 $0x187;
	v13 =	vmov s30;
	v16 =	vld [tilespmem:s18+$0x90];
	v14 =	vadd.f32 v14, v18;
	v11 =	vadd.f32 v15, v11  }
0x29f: {  	s22 =	simm.s32 $0x182;
	v13 =	vand.u32 $0xFFFFFFF9, v13;
	v22 =	vmul.f32 v50, v1;
	v18 =	vmov s17;
	v15 =	vld [tilespmem:s18+$0x80]  }
0x2a0: {  	v13 =	vbroadcast v13, $0x0;
	(xrf2) =	vadd.scan.msk.f32 $0xffff, v12;
	v12 =	vmov s22;
	v11 =	vadd.f32 v11, v14;
	v14 =	vld [tilespmem:s18+$0xA0]  }
0x2a1: {  	v56 =	vld [tilespmem:s18+$0xC0];
	v23 =	vmul.f32 v23, v3;
	v12 =	vand.u32 $0xFFFFFFFA, v12;
	v17 =	vmul.f32 v17, v6  }
0x2a2: {  	v20 =	vmul.f32 v20, v5;
	v19 =	vmul.f32 v19, v2;
	(xrf2) =	vadd.scan.msk.f32 $0xffff, v11;
	v11 =	vadd.f32 v22, v21;
	v21 =	vld [tilespmem:s18+$0xD0]  }
0x2a3: {  	v16 =	vmul.f32 v16, v1;
	v22 =	vbroadcast v12, $0x0;
	v12 =	vadd.f32 v53, v23;
	v23 =	vld [tilespmem:s18+$0xE0]  }
0x2a4: {  	v58, _, _ =	vpop (xrf2);
	v20 =	vadd.f32 v20, v55;
	v15 =	vmul.f32 v15, v0;
	v17 =	vadd.f32 v17, v19;
	v19 =	vld [tilespmem:s18+$0xF0]  }
0x2a5: {  	v10 =	vld [tilespmem:s18+$0xFFFFFE10];
	v11 =	vadd.f32 v12, v11;
	v12 =	vmul.f32 v54, v7;
	v14 =	vmul.f32 v14, v3;
	v60, _, _ =	vpop (xrf2)  }
0x2a6: {  	v59 =	vld [tilespmem:s18+$0x100];
	v24 =	vand.u32 $0xFFFFFFFB, v57;
	[tilespmem:v13+s21+$0x0] =	vst.idx.msk vm0, v60;
	v13 =	vadd.f32 v17, v20  }
0x2a7: {  	v61 =	vld [tilespmem:s18+$0x110];
	[tilespmem:v18+s21+$0x0] =	vst.idx.msk vm0, v58;
	v18 =	vbroadcast v24, $0x0;
	v15 =	vadd.f32 v16, v15;
	v14 =	vadd.f32 v12, v14  }
0x2a8: {  	v16 =	vld [tilespmem:s18+$0x120];
	v17 =	vmul.f32 v56, v4;
	v20 =	vmul.f32 v21, v5;
	v62 =	vadd.f32 v13, v11  }
0x2a9: {  	v21 =	vld [tilespmem:s18+$0x130];
	v23 =	vmul.f32 v23, v2;
	v19 =	vmul.f32 v19, v6  }
0x2aa: {  	v12 =	vld [tilespmem:s18+$0x140];
	v11 =	vadd.f32 v14, v15;
	(xrf2) =	vadd.scan.msk.f32 $0xffff, v62  }
0x2ab: {  	v63 =	vmul.f32 v59, v0;
	v13 =	vld [tilespmem:s18+$0x150];
	v20 =	vadd.f32 v20, v17;
	v19 =	vadd.f32 v19, v23;
	v14, _, _ =	vpop (xrf2)  }
0x2ac: {  	v10 =	vmul.f32 v10, v1;
	s30 =	simm.s32 $0x184;
	v15 =	vld [tilespmem:s18+$0x160];
	[tilespmem:v22+s21+$0x0] =	vst.idx.msk vm0, v14;
	v22 =	vmul.f32 v61, v1;
	v17, _, _ =	vpop (xrf2)  }
0x2ad: {  	v14 =	vmov s30;
	v20 =	vadd.f32 v19, v20;
	[tilespmem:v18+s21+$0x0] =	vst.idx.msk vm0, v17;
	v18 =	vmul.f32 v16, v3;
	v16 =	vld [tilespmem:s18+$0x170]  }
0x2ae: {  	s9 =	simm.s32 $0xFFFFFFF8;
	s17 =	simm.s32 $0x0;
	v21 =	vmul.f32 v21, v7;
	v14 =	vand.u32 $0xFFFFFFFC, v14;
	v17 =	vld [tilespmem:s18+$0xFFFFFE00];
	s18 =	simm.s32 $0xCB00;
	v19 =	vadd.f32 v22, v63  }
.LBB2_9:
0x2af: {  	v22 =	vld [tilespmem:s18+$0x180];
	v14 =	vbroadcast v14, $0x0;
	v12 =	vmul.f32 v12, v4;
	s22 =	smov.u32 s17  }
0x2b0: {  	v23 =	vld [tilespmem:s18+$0x190];
	v11 =	vadd.f32 v20, v11;
	v13 =	vmul.f32 v13, v5;
	v18 =	vadd.f32 v21, v18  }
0x2b1: {  	v20 =	vld [tilespmem:s18+$0x1A0];
	v15 =	vmul.f32 v15, v2  }
0x2b2: {  	v21 =	vld [tilespmem:s18+$0x1B0];
	v24 =	vmul.f32 v16, v6;
	v18 =	vadd.f32 v18, v19;
	v12 =	vadd.f32 v13, v12;
	(xrf2) =	vadd.scan.msk.f32 $0xffff, v11  }
0x2b3: {  	v11 =	vld [tilespmem:s18+$0x1C0];
	v13 =	vmul.f32 v17, v0  }
0x2b4: {  	s28 =	sadd.s32 $0x18D, s9;
	v17 =	vld [tilespmem:s18+$0x1D0];
	v15 =	vadd.f32 v24, v15;
	v16, _, _ =	vpop (xrf2)  }
0x2b5: {  	v19 =	vld [tilespmem:s18+$0x1E0];
	v10 =	vadd.f32 v10, v13;
	[tilespmem:v14+s21+$0x0] =	vst.idx.msk vm0, v16;
	v13 =	vmov s28  }
0x2b6: {  	s17 =	sadd.s32 $0x8, s17;
	v14 =	vld [tilespmem:s18+$0x1F0];
	v13 =	vand.u32 $0xFFFFFFFD, v13;
	v12 =	vadd.f32 v15, v12  }
0x2b7: {  	p2 =	slt.u32 s17, $0x78;
	v15 =	vld [tilespmem:s18+$0xFFFFFE10];
	v8 =	vadd.f32 v8, v10;
	v13 =	vbroadcast v13, $0x0  }
0x2b8: {  	v22 =	vmul.f32 v22, v0;
	v23 =	vmul.f32 v23, v1;
	v16 =	vld [tilespmem:s18+$0xFFFFFE20];
	v12 =	vadd.f32 v12, v18  }
0x2b9: {  	v20 =	vmul.f32 v20, v3;
	v26 =	vmul.f32 v21, v7;
	v18 =	vld [tilespmem:s18+$0xFFFFFE30];
	v8 =	vadd.f32 v9, v8  }
0x2ba: {  	s28 =	sadd.s32 $0x188, s9;
	v11 =	vmul.f32 v11, v4;
	v17 =	vmul.f32 v17, v5;
	v9 =	vld [tilespmem:s18+$0xFFFFFE40]  }
0x2bb: {  	v25 =	vmov s28;
	v19 =	vmul.f32 v19, v2;
	v24 =	vld [tilespmem:s18+$0xFFFFFE50];
	v14 =	vmul.f32 v14, v6;
	(xrf2) =	vadd.scan.msk.f32 $0xffff, v8  }
0x2bc: {  	v20 =	vadd.f32 v26, v20;
	v8 =	vadd.f32 v23, v22;
	v10 =	vmul.f32 v15, v1;
	v15 =	vld [tilespmem:s18+$0xFFFFFE60];
	v21, _, _ =	vpop (xrf2)  }
0x2bd: {  	s28 =	sadd.s32 $0x18E, s9;
	s9 =	smov.u32 s22;
	v11 =	vadd.f32 v17, v11;
	v16 =	vmul.f32 v16, v3;
	v22 =	vld [tilespmem:s18+$0xFFFFFE70];
	v14 =	vadd.f32 v14, v19  }
0x2be: {  	v17 =	vmul.f32 v18, v7;
	v18 =	vld [tilespmem:s18+$0xFFFFFE80];
	[tilespmem:v13+s21+$0x0] =	vst.idx.msk vm0, v21;
	v13 =	vmov s28;
	(xrf2) =	vadd.scan.msk.f32 $0xffff, v12  }
0x2bf: {  	v19 =	vadd.f32 v20, v8;
	v9 =	vmul.f32 v9, v4;
	v12 =	vld [tilespmem:s18+$0xFFFFFE90];
	v11 =	vadd.f32 v14, v11  }
0x2c0: {  	v14 =	vmul.f32 v24, v5;
	v8 =	vadd.f32 v17, v16;
	v16 =	vld [tilespmem:s18+$0xFFFFFEA0];
	v17 =	vand.u32 $0xFFFFFFF8, v25  }
0x2c1: {  	v15 =	vmul.f32 v15, v2;
	v20 =	vld [tilespmem:s18+$0xFFFFFEB0];
	v11 =	vadd.f32 v11, v19;
	v17 =	vbroadcast v17, $0x0  }
0x2c2: {  	v13 =	vand.u32 $0xFFFFFFFE, v13;
	v19 =	vmul.f32 v22, v6;
	v9 =	vadd.f32 v14, v9;
	v14 =	vld [tilespmem:s18+$0xFFFFFEC0]  }
0x2c3: {  	v18 =	vmul.f32 v18, v0;
	v21 =	vld [tilespmem:s18+$0xFFFFFED0];
	(xrf2) =	vadd.scan.msk.f32 $0xffff, v11;
	v11 =	vbroadcast v13, $0x0  }
0x2c4: {  	v13 =	vadd.f32 v19, v15;
	v12 =	vmul.f32 v12, v1;
	v15 =	vld [tilespmem:s18+$0xFFFFFEE0]  }
0x2c5: {  	v16 =	vmul.f32 v16, v3;
	v19 =	vld [tilespmem:s18+$0xFFFFFEF0];
	v22, _, _ =	vpop (xrf2)  }
0x2c6: {  	v9 =	vadd.f32 v13, v9;
	v13 =	vmul.f32 v20, v7;
	v12 =	vadd.f32 v12, v18;
	v18 =	vld [tilespmem:s18+$0xFFFFFF00]  }
0x2c7: {  	v14 =	vmul.f32 v14, v4;
	v20 =	vld [tilespmem:s18+$0xFFFFFF10];
	[tilespmem:v17+s21+$0x0] =	vst.idx.msk vm0, v22  }
0x2c8: {  	s22 =	sadd.s32 $0x18F, s9;
	v17 =	vmul.f32 v21, v5;
	v13 =	vadd.f32 v13, v16;
	v16 =	vld [tilespmem:s18+$0xFFFFFF20];
	v21, _, _ =	vpop (xrf2)  }
0x2c9: {  	v23 =	vmov s22;
	v15 =	vmul.f32 v15, v2;
	v22 =	vld [tilespmem:s18+$0xFFFFFF30];
	[tilespmem:v11+s21+$0x0] =	vst.idx.msk vm0, v21  }
0x2ca: {  	v11 =	vmul.f32 v19, v6;
	v12 =	vadd.f32 v13, v12;
	v13 =	vadd.f32 v17, v14;
	v14 =	vld [tilespmem:s18+$0xFFFFFF40]  }
0x2cb: {  	v17 =	vmul.f32 v18, v0;
	v18 =	vld [tilespmem:s18+$0xFFFFFF50]  }
0x2cc: {  	v11 =	vadd.f32 v11, v15;
	v15 =	vmul.f32 v20, v1;
	v19 =	vld [tilespmem:s18+$0xFFFFFF60]  }
0x2cd: {  	v16 =	vmul.f32 v16, v3;
	v20 =	vld [tilespmem:s18+$0xFFFFFF70];
	v21, _, _ =	vpop (xrf2)  }
0x2ce: {  	v22 =	vmul.f32 v22, v7;
	v15 =	vadd.f32 v15, v17;
	v17 =	vld [tilespmem:s18+$0xFFFFFF80];
	[tilespmem:v23+s21+$0x0] =	vst.idx.msk vm0, v21  }
0x2cf: {  	v11 =	vadd.f32 v11, v13;
	v13 =	vmul.f32 v14, v4;
	v14 =	vld [tilespmem:s18+$0xFFFFFF90]  }
0x2d0: {  	v18 =	vmul.f32 v18, v5;
	v16 =	vadd.f32 v22, v16;
	v21 =	vld [tilespmem:s18+$0xFFFFFFA0]  }
0x2d1: {  	v11 =	vadd.f32 v11, v12;
	v12 =	vmul.f32 v19, v2;
	v19 =	vld [tilespmem:s18+$0xFFFFFFB0]  }
0x2d2: {  	v20 =	vmul.f32 v20, v6;
	v15 =	vadd.f32 v16, v15;
	v13 =	vadd.f32 v18, v13;
	v16 =	vld [tilespmem:s18+$0xFFFFFFC0]  }
0x2d3: {  	v17 =	vmul.f32 v17, v0;
	v18 =	vld [tilespmem:s18+$0xFFFFFFD0];
	(xrf2) =	vadd.scan.msk.f32 $0xffff, v11  }
0x2d4: {  	s22 =	sadd.s32 $0x189, s9;
	v11 =	vadd.f32 v20, v12;
	v12 =	vmul.f32 v14, v1;
	v14 =	vld [tilespmem:s18+$0xFFFFFFE0]  }
0x2d5: {  	v20 =	vmov s22;
	v21 =	vmul.f32 v21, v3;
	v22 =	vld [tilespmem:s18+$0xFFFFFFF0]  }
0x2d6: {  	v11 =	vadd.f32 v11, v13;
	v13 =	vmul.f32 v19, v7;
	v12 =	vadd.f32 v12, v17;
	v17 =	vld [tilespmem:s18+$0x0]  }
0x2d7: {  	v19 =	vand.u32 $0xFFFFFFF9, v20;
	v16 =	vmul.f32 v16, v4;
	v20 =	vld [tilespmem:s18+$0x10]  }
0x2d8: {  	v11 =	vadd.f32 v11, v15;
	v15 =	vmul.f32 v18, v5;
	v13 =	vadd.f32 v13, v21;
	v18 =	vld [tilespmem:s18+$0x20]  }
0x2d9: {  	v19 =	vbroadcast v19, $0x0;
	v14 =	vmul.f32 v14, v2;
	v21 =	vld [tilespmem:s18+$0x30]  }
0x2da: {  	v22 =	vmul.f32 v22, v6;
	v12 =	vadd.f32 v13, v12;
	v13 =	vadd.f32 v15, v16;
	v15 =	vld [tilespmem:s18+$0x40];
	(xrf2) =	vadd.scan.msk.f32 $0xffff, v11  }
0x2db: {  	s22 =	sadd.s32 $0x18A, s9;
	v11 =	vmul.f32 v17, v0;
	v16 =	vld [tilespmem:s18+$0x50]  }
0x2dc: {  	v17 =	vmov s22;
	v14 =	vadd.f32 v22, v14;
	v20 =	vmul.f32 v20, v1;
	v22 =	vld [tilespmem:s18+$0x60]  }
0x2dd: {  	v17 =	vand.u32 $0xFFFFFFFA, v17;
	v18 =	vmul.f32 v18, v3;
	v23 =	vld [tilespmem:s18+$0x70];
	v24, _, _ =	vpop (xrf2)  }
0x2de: {  	v13 =	vadd.f32 v14, v13;
	v14 =	vmul.f32 v21, v7;
	v11 =	vadd.f32 v20, v11;
	v20 =	vld [tilespmem:s18+$0x80]  }
0x2df: {  	v17 =	vbroadcast v17, $0x0;
	[tilespmem:v19+s21+$0x0] =	vst.idx.msk vm0, v24;
	v15 =	vmul.f32 v15, v4;
	v19 =	vld [tilespmem:s18+$0x90]  }
0x2e0: {  	v12 =	vadd.f32 v13, v12;
	v13 =	vmul.f32 v16, v5;
	v14 =	vadd.f32 v14, v18;
	v16 =	vld [tilespmem:s18+$0xA0]  }
0x2e1: {  	v18 =	vmul.f32 v22, v2;
	v21 =	vld [tilespmem:s18+$0xB0]  }
0x2e2: {  	v22 =	vmul.f32 v23, v6;
	v11 =	vadd.f32 v14, v11;
	v13 =	vadd.f32 v13, v15;
	v14 =	vld [tilespmem:s18+$0xC0];
	(xrf2) =	vadd.scan.msk.f32 $0xffff, v12  }
0x2e3: {  	s22 =	sadd.s32 $0x18B, s9;
	v12 =	vmul.f32 v20, v0;
	v15 =	vld [tilespmem:s18+$0xD0]  }
0x2e4: {  	v20 =	vmov s22;
	v18 =	vadd.f32 v22, v18;
	v19 =	vmul.f32 v19, v1;
	v22 =	vld [tilespmem:s18+$0xE0];
	v23, _, _ =	vpop (xrf2)  }
0x2e5: {  	[tilespmem:v17+s21+$0x0] =	vst.idx.msk vm0, v23;
	v17 =	vand.u32 $0xFFFFFFFB, v20;
	v16 =	vmul.f32 v16, v3;
	v20 =	vld [tilespmem:s18+$0xF0]  }
0x2e6: {  	v13 =	vadd.f32 v18, v13;
	v18 =	vmul.f32 v21, v7;
	v12 =	vadd.f32 v19, v12;
	v19 =	vld [tilespmem:s18+$0x100]  }
0x2e7: {  	v17 =	vbroadcast v17, $0x0;
	v14 =	vmul.f32 v14, v4;
	v21 =	vld [tilespmem:s18+$0x110]  }
0x2e8: {  	v13 =	vadd.f32 v13, v11;
	v15 =	vmul.f32 v15, v5;
	v11 =	vadd.f32 v18, v16;
	v16 =	vld [tilespmem:s18+$0x120]  }
0x2e9: {  	v25 =	vmul.f32 v22, v2;
	v22 =	vld [tilespmem:s18+$0x130]  }
.Ltmp3:
0x2ea: {  	v20 =	vmul.f32 v20, v6;
	v11 =	vadd.f32 v11, v12;
	v23 =	vadd.f32 v15, v14;
	v12 =	vld [tilespmem:s18+$0x140];
	(xrf2) =	vadd.scan.msk.f32 $0xffff, v13;
	(pc) =	sbr.rel @p2 .LBB2_9-.Ltmp3, $4  }
0x2eb: {  	s22 =	sadd.s32 $0x18C, s9;
	v19 =	vmul.f32 v19, v0;
	v13 =	vld [tilespmem:s18+$0x150]  }
0x2ec: {  	v14 =	vmov s22;
	v20 =	vadd.f32 v20, v25;
	v24 =	vmul.f32 v21, v1;
	v15 =	vld [tilespmem:s18+$0x160];
	v18, _, _ =	vpop (xrf2)  }
0x2ed: {  	v14 =	vand.u32 $0xFFFFFFFC, v14;
	[tilespmem:v17+s21+$0x0] =	vst.idx.msk vm0, v18;
	v18 =	vmul.f32 v16, v3;
	v16 =	vld [tilespmem:s18+$0x170]  }
0x2ee: {  	v17 =	vld [tilespmem:s18+$0xFFFFFE00];
	v20 =	vadd.f32 v20, v23;
	v21 =	vmul.f32 v22, v7;
	v19 =	vadd.f32 v24, v19;
	s18 =	sadd.s32 $0x400, s18  }
0x2ef: {  	_ =	sdelay $0x2  }
0x2f0: {  	v1 =	vmul.f32 v12, v4  }
0x2f1: {  	v3 =	vmul.f32 v13, v5;
	v0 =	vmul.f32 v17, v0  }
0x2f2: {  	v2 =	vmul.f32 v15, v2;
	v4 =	vmul.f32 v16, v6  }
0x2f3: {  	v5 =	vadd.f32 v21, v18;
	v0 =	vadd.f32 v10, v0  }
0x2f4: {  	v1 =	vadd.f32 v3, v1;
	v2 =	vadd.f32 v4, v2  }
0x2f5: {  	v3 =	vadd.f32 v20, v11;
	v0 =	vadd.f32 v8, v0  }
0x2f6: {  	v4 =	vadd.f32 v5, v19;
	v1 =	vadd.f32 v2, v1  }
0x2f7: {  	v0 =	vadd.f32 v9, v0  }
0x2f8: {  	(xrf2) =	vadd.scan.msk.f32 $0xffff, v3;
	v1 =	vadd.f32 v1, v4  }
0x2f9: {  	(xrf2) =	vadd.scan.msk.f32 $0xffff, v0  }
0x2fa: {  	s17 =	sadd.s32 $0x18D, s9;
	(xrf2) =	vadd.scan.msk.f32 $0xffff, v1  }
0x2fb: {  	s30 =	sadd.s32 $0x188, s9;
	v0 =	vmov s17  }
0x2fc: {  	s18 =	sadd.s32 $0x18E, s9;
	v2 =	vmov s30;
	v1 =	vbroadcast v14, $0x0;
	v0 =	vand.u32 $0xFFFFFFFD, v0  }
0x2fd: {  	v3 =	vmov s18;
	v2 =	vand.u32 $0xFFFFFFF8, v2;
	v0 =	vbroadcast v0, $0x0  }
0x2fe: {  	v3 =	vand.u32 $0xFFFFFFFE, v3;
	v2 =	vbroadcast v2, $0x0  }
0x2ff: {  	v3 =	vbroadcast v3, $0x0;
	_ =	sdelay $0x1  }
0x300: {  	v4, _, _ =	vpop (xrf2)  }
0x301: {  	s22 =	sshll.u32 s10, $0x5;
	[tilespmem:v1+s21+$0x0] =	vst.idx.msk vm0, v4;
	v1, _, _ =	vpop (xrf2)  }
0x302: {  	s11 =	sshll.u32 s11, $0x6;
	s9 =	sand.u32 $0x60, s22;
	[tilespmem:v0+s21+$0x0] =	vst.idx.msk vm0, v1;
	v0, _, _ =	vpop (xrf2)  }
0x303: {  	s11 =	sand.u32 $0xFE00, s11;
	s9 =	sadd.s32 s6, s9;
	[tilespmem:v2+s21+$0x0] =	vst.idx.msk vm0, v0;
	v0, _, _ =	vpop (xrf2)  }
0x304: {  	s9 =	sadd.s32 s11, s9;
	[tilespmem:v3+s21+$0x0] =	vst.idx.msk vm0, v0  }
0x305: {  	[hbm4b:s9+s13] =	stream.strided.scatter [tilespmem:s21], [sflag:$0x7], $0x200, s12, s13, $0x38;
	[tilespmem:$0x10900] =	vst v63  }
0x306: {  	s28 =	simm.s32 $0x300;
	s9 =	simm.s32 @!p1 $0x8  }
0x307: {  	[tilespmem:s19], [sflag:$0x3] =	stream.indirect.gather [hbm4b:s3+s13], $0x80, s28, s13, $0xb8;
	[tilespmem:$0x10900] =	vst v63  }
0x308: {  	_ =	swait.ge @!p1 [sflag:s9], $0x200  }
0x309: {  	[sflag:s9] =	ssyncset.done @!p1 $0x0  }
0x30a: {  	[sflag:s9] =	ssyncadd.s32 @!p1 $0xFFFFFE00  }
0x30b: {  	_ =	swait.ge [sflag:s20], $0x4000  }
0x30c: {  	[sflag:s20] =	ssyncset.done $0x0  }
0x30d: {  	[sflag:s20] =	ssyncadd.s32 $0xFFFFC000  }
0x30e: {  	v0 =	vld [tilespmem:$0x480]  }
0x30f: {  	v6 =	vld [tilespmem:$0x490]  }
0x310: {  	v7 =	vld [tilespmem:$0x4A0]  }
0x311: {  	v4 =	vld [tilespmem:$0x4B0]  }
0x312: {  	v5 =	vld [tilespmem:$0x4C0]  }
0x313: {  	v3 =	vld [tilespmem:$0x4D0]  }
0x314: {  	v1 =	vld [tilespmem:$0x4E0]  }
0x315: {  	s9 =	simm.s32 $0x700;
	v2 =	vld [tilespmem:$0x4F0]  }
0x316: {  	v8 =	vld [tilespmem:s9+$0x180]  }
0x317: {  	v10 =	vld [tilespmem:s9+$0x190]  }
0x318: {  	v11 =	vld [tilespmem:s9+$0x1A0]  }
0x319: {  	v12 =	vld [tilespmem:s9+$0x1B0]  }
0x31a: {  	v13 =	vld [tilespmem:s9+$0x1C0]  }
0x31b: {  	v14 =	vld [tilespmem:s9+$0x1D0]  }
0x31c: {  	v15 =	vld [tilespmem:s9+$0x1E0]  }
0x31d: {  	v16 =	vld [tilespmem:s9+$0x1F0]  }
0x31e: {  	v17 =	vld [tilespmem:s9+$0xFFFFFE20]  }
0x31f: {  	v18 =	vld [tilespmem:s9+$0xFFFFFE30]  }
0x320: {  	v19 =	vld [tilespmem:s9+$0xFFFFFE40]  }
0x321: {  	v20 =	vld [tilespmem:s9+$0xFFFFFE50]  }
0x322: {  	v21 =	vld [tilespmem:s9+$0xFFFFFE60]  }
0x323: {  	v22 =	vld [tilespmem:s9+$0xFFFFFE70]  }
0x324: {  	v23 =	vld [tilespmem:s9+$0xFFFFFE80]  }
0x325: {  	v24 =	vld [tilespmem:s9+$0xFFFFFE90]  }
0x326: {  	v25 =	vld [tilespmem:s9+$0xFFFFFEA0]  }
0x327: {  	v26 =	vld [tilespmem:s9+$0xFFFFFEB0]  }
0x328: {  	v27 =	vld [tilespmem:s9+$0xFFFFFEC0]  }
0x329: {  	v28 =	vld [tilespmem:s9+$0xFFFFFED0]  }
0x32a: {  	v29 =	vld [tilespmem:s9+$0xFFFFFEE0]  }
0x32b: {  	v32 =	vld [tilespmem:s9+$0xFFFFFF10]  }
0x32c: {  	v33 =	vld [tilespmem:s9+$0xFFFFFF20]  }
0x32d: {  	v34 =	vld [tilespmem:s9+$0xFFFFFF30];
	v8 =	vmul.f32 v8, v0  }
0x32e: {  	v57 =	vld [tilespmem:s9+$0xFFFFFFC0];
	v10 =	vmul.f32 v10, v6;
	v11 =	vmul.f32 v11, v7  }
0x32f: {  	v62 =	vld [tilespmem:s9+$0xFFFFFFF0];
	v12 =	vmul.f32 v12, v4;
	v13 =	vmul.f32 v13, v5  }
0x330: {  	v37 =	vld [tilespmem:s9+$0x0];
	v14 =	vmul.f32 v14, v3;
	v15 =	vmul.f32 v15, v1  }
0x331: {  	v38 =	vld [tilespmem:s9+$0x10];
	v16 =	vmul.f32 v16, v2;
	v21 =	vmul.f32 v21, v1  }
0x332: {  	v39 =	vld [tilespmem:s9+$0x20];
	v22 =	vmul.f32 v22, v2;
	v58 =	vmul.f32 v27, v5  }
0x333: {  	v41 =	vld [tilespmem:s9+$0x30];
	v59 =	vmul.f32 v28, v3;
	v61 =	vmul.f32 v32, v6  }
0x334: {  	v30 =	vld [tilespmem:s9+$0xFFFFFEF0];
	v63 =	vmul.f32 v33, v7;
	v36 =	vmul.f32 v34, v4  }
0x335: {  	v31 =	vld [tilespmem:s9+$0xFFFFFF00];
	v42 =	vmul.f32 v57, v5;
	v43 =	vmul.f32 v62, v2  }
0x336: {  	v35 =	vld [tilespmem:s9+$0xFFFFFF40];
	v45 =	vmul.f32 v37, v0;
	v46 =	vmul.f32 v38, v6  }
0x337: {  	v56 =	vld [tilespmem:s9+$0xFFFFFFB0];
	v48 =	vmul.f32 v39, v7;
	v8 =	vadd.f32 v10, v8;
	v10 =	vadd.f32 v12, v11  }
0x338: {  	v27 =	vmul.f32 v41, v4;
	v12 =	vld [tilespmem:s9+$0xFFFFFF50];
	v11 =	vadd.f32 v14, v13;
	v13 =	vadd.f32 v16, v15  }
0x339: {  	v14 =	vld [tilespmem:s9+$0xFFFFFF60];
	v15 =	vmul.f32 v17, v7;
	v16 =	vmul.f32 v18, v4  }
0x33a: {  	v17 =	vld [tilespmem:s9+$0xFFFFFF70];
	v18 =	vmul.f32 v19, v5;
	v10 =	vadd.f32 v10, v8;
	v11 =	vadd.f32 v13, v11  }
0x33b: {  	v19 =	vmul.f32 v20, v3;
	v20 =	vmul.f32 v24, v6;
	v40 =	vadd.f32 v36, v63;
	v13 =	vld [tilespmem:s9+$0xFFFFFF80]  }
0x33c: {  	v8 =	vadd.f32 v16, v15;
	v15 =	vld [tilespmem:s9+$0xFFFFFF90];
	v16 =	vadd.f32 v11, v10;
	v11 =	vmul.f32 v23, v0  }
0x33d: {  	v60 =	vld [tilespmem:s9+$0xFFFFFFE0];
	v10 =	vadd.f32 v19, v18;
	v18 =	vmul.f32 v25, v7;
	v19 =	vmul.f32 v26, v4  }
0x33e: {  	v47 =	vld [tilespmem:s9+$0xA0];
	v26 =	vadd.f32 v59, v58;
	v12 =	vmul.f32 v12, v3;
	v20 =	vadd.f32 v20, v11  }
0x33f: {  	v23 =	vld [tilespmem:s9+$0xFFFFFFA0];
	v11 =	vadd.f32 v22, v21;
	v21 =	vmul.f32 v29, v1;
	v22 =	vmul.f32 v30, v2  }
0x340: {  	v14 =	vmul.f32 v14, v1;
	v17 =	vmul.f32 v17, v2;
	v18 =	vadd.f32 v19, v18;
	v19 =	vld [tilespmem:s9+$0xFFFFFFD0]  }
0x341: {  	v49 =	vld [tilespmem:s9+$0xB0];
	v13 =	vmul.f32 v13, v0;
	v15 =	vmul.f32 v15, v6;
	v21 =	vadd.f32 v22, v21  }
0x342: {  	v51 =	vld [tilespmem:s9+$0xE0];
	v14 =	vadd.f32 v17, v14;
	v18 =	vadd.f32 v18, v20;
	v22 =	vmul.f32 v35, v5  }
0x343: {  	v17 =	vld [tilespmem:s9+$0x40];
	v20 =	vmul.f32 v31, v0;
	v13 =	vadd.f32 v15, v13;
	v21 =	vadd.f32 v21, v26  }
0x344: {  	v15 =	vld [tilespmem:s9+$0x70];
	v12 =	vadd.f32 v12, v22;
	v22 =	vmul.f32 v23, v7;
	v23 =	vmul.f32 v56, v4  }
0x345: {  	v20 =	vadd.f32 v61, v20;
	v19 =	vmul.f32 v19, v3;
	v18 =	vadd.f32 v21, v18;
	v21 =	vld [tilespmem:s9+$0x50]  }
0x346: {  	v12 =	vadd.f32 v14, v12;
	v14 =	vld [tilespmem:s9+$0x60];
	v22 =	vadd.f32 v23, v22;
	v23 =	vmul.f32 v60, v1  }
0x347: {  	v53 =	vmul.f32 v47, v7;
	v50 =	vadd.f32 v27, v48;
	v20 =	vadd.f32 v40, v20  }
0x348: {  	v9 =	vld [tilespmem:s9+$0xFFFFFE10];
	v54 =	vmul.f32 v49, v4;
	v19 =	vadd.f32 v19, v42;
	v23 =	vadd.f32 v43, v23  }
0x349: {  	v44 =	vld [tilespmem:s9+$0x90];
	v25 =	vmul.f32 v51, v1;
	v17 =	vmul.f32 v17, v5;
	v12 =	vadd.f32 v12, v20  }
0x34a: {  	(xrf2) =	vadd.scan.msk.f32 $0xffff, v16;
	v20 =	vld [tilespmem:s9+$0x80];
	v13 =	vadd.f32 v22, v13;
	v15 =	vmul.f32 v15, v2;
	v16 =	vadd.f32 v23, v19  }
0x34b: {  	s30 =	simm.s32 $0x1;
	v26 =	vadd.f32 v54, v53;
	v22 =	vld [tilespmem:s9+$0xC0];
	v21 =	vmul.f32 v21, v3;
	v14 =	vmul.f32 v14, v1  }
0x34c: {  	(xrf2) =	vadd.scan.msk.f32 $0xffff, v18;
	v18 =	vmov s30;
	v19 =	vld [tilespmem:s9+$0xD0];
	v23 =	vadd.f32 v46, v45;
	v13 =	vadd.f32 v16, v13  }
0x34d: {  	s18 =	simm.s32 $0x2;
	v18 =	vand.u32 $0xFFFFFFF9, v18;
	(xrf2) =	vadd.scan.msk.f32 $0xffff, v12;
	v12 =	vadd.f32 v21, v17;
	v14 =	vadd.f32 v15, v14;
	v15 =	vld [tilespmem:s9+$0xF0]  }
0x34e: {  	v52 =	vld [tilespmem:s9+$0x120];
	v18 =	vbroadcast v18, $0x0;
	v23 =	vadd.f32 v50, v23;
	v21 =	vmov s18  }
0x34f: {  	s17 =	simm.s32 $0x7;
	v16 =	vld [tilespmem:s9+$0x100];
	(xrf2) =	vadd.scan.msk.f32 $0xffff, v13;
	v13 =	vmul.f32 v20, v0;
	v20 =	vmul.f32 v44, v6;
	v12 =	vadd.f32 v14, v12  }
0x350: {  	v17 =	vmov s17;
	v22 =	vmul.f32 v22, v5;
	v21 =	vand.u32 $0xFFFFFFFA, v21;
	v14 =	vld [tilespmem:s9+$0x110]  }
0x351: {  	s22 =	simm.s32 $0x3;
	v57 =	vld [tilespmem:s9+$0x160];
	v21 =	vbroadcast v21, $0x0;
	v13 =	vadd.f32 v20, v13;
	v12 =	vadd.f32 v12, v23  }
0x352: {  	v55 =	vmov s22;
	v56 =	vld [tilespmem:s9+$0x150];
	v19 =	vmul.f32 v19, v3;
	v15 =	vmul.f32 v15, v2  }
0x353: {  	v23 =	vld [tilespmem:s9+$0x130];
	v26 =	vadd.f32 v26, v13;
	(xrf2) =	vadd.scan.msk.f32 $0xffff, v12;
	v12 =	vand.u32 $0xFFFFFFFB, v55  }
0x354: {  	v20 =	vld [tilespmem:s9+$0x140];
	v13 =	vadd.f32 v19, v22;
	v59 =	vbroadcast v12, $0x0;
	v15 =	vadd.f32 v15, v25  }
0x355: {  	s28 =	simm.s32 $0x4;
	v58, _, _ =	vpop (xrf2);
	v16 =	vmul.f32 v16, v0;
	v19 =	vld [tilespmem:s9+$0x170];
	v14 =	vmul.f32 v14, v6  }
0x356: {  	s11 =	simm.s32 $0xB00;
	v63 =	vmul.f32 v57, v1;
	[tilespmem:v17+s31+$0x0] =	vst.idx.msk vm0, v58;
	v17 =	vmov s28;
	v22 =	vld [tilespmem:s9+$0xFFFFFE00];
	v12, _, _ =	vpop (xrf2);
	v15 =	vadd.f32 v15, v13  }
0x357: {  	v17 =	vand.u32 $0xFFFFFFFC, v17;
	v13 =	vld [tilespmem:s11+$0x190];
	v61 =	vadd.f32 v14, v16;
	v60, _, _ =	vpop (xrf2);
	[tilespmem:v18+s31+$0x0] =	vst.idx.msk vm0, v12;
	v18 =	vmul.f32 v52, v7  }
0x358: {  	v14 =	vld [tilespmem:s11+$0x1A0];
	[tilespmem:v21+s31+$0x0] =	vst.idx.msk vm0, v60;
	v21 =	vmul.f32 v23, v4;
	v23 =	vbroadcast v17, $0x0;
	v62 =	vadd.f32 v15, v26  }
0x359: {  	v16 =	vmul.f32 v20, v5;
	v12 =	vld [tilespmem:s11+$0x180];
	v17 =	vmul.f32 v56, v3;
	v20, _, _ =	vpop (xrf2)  }
0x35a: {  	v19 =	vmul.f32 v19, v2;
	v15 =	vld [tilespmem:s11+$0x1B0];
	[tilespmem:v59+s31+$0x0] =	vst.idx.msk vm0, v20;
	v18 =	vadd.f32 v21, v18;
	(xrf2) =	vadd.scan.msk.f32 $0xffff, v62  }
0x35b: {  	v27 =	vadd.f32 v17, v16;
	v16 =	vld [tilespmem:s11+$0x1C0];
	v20 =	vmul.f32 v9, v6;
	v21 =	vmul.f32 v22, v0  }
0x35c: {  	s30 =	simm.s32 $0x5;
	v22 =	vadd.f32 v19, v63;
	v17 =	vld [tilespmem:s11+$0x1D0];
	v9 =	vadd.f32 v11, v10  }
0x35d: {  	v11 =	vmov s30;
	v19 =	vadd.f32 v18, v61;
	v18 =	vld [tilespmem:s11+$0x1E0];
	v21 =	vadd.f32 v20, v21;
	v10, _, _ =	vpop (xrf2)  }
0x35e: {  	s17 =	simm.s32 $0x0;
	s18 =	simm.s32 $0x10;
	s9 =	simm.s32 $0x8;
	v20 =	vld [tilespmem:s11+$0x1F0];
	v22 =	vadd.f32 v22, v27;
	[tilespmem:v23+s31+$0x0] =	vst.idx.msk vm0, v10;
	v10 =	vand.u32 $0xFFFFFFFD, v11  }
.LBB2_11:
0x35f: {  	p1 =	slt.u32 s18, $0x78;
	v11 =	vld [tilespmem:s11+$0xFFFFFE10];
	v8 =	vadd.f32 v8, v21;
	v21 =	vbroadcast v10, $0x0  }
0x360: {  	v12 =	vmul.f32 v12, v0;
	v13 =	vmul.f32 v13, v6;
	v23 =	vld [tilespmem:s11+$0xFFFFFE20];
	v19 =	vadd.f32 v22, v19  }
0x361: {  	v14 =	vmul.f32 v14, v7;
	v15 =	vmul.f32 v15, v4;
	v22 =	vld [tilespmem:s11+$0xFFFFFE30];
	v8 =	vadd.f32 v9, v8  }
0x362: {  	v16 =	vmul.f32 v16, v5;
	v17 =	vmul.f32 v17, v3;
	v9 =	vld [tilespmem:s11+$0xFFFFFE40]  }
0x363: {  	v25 =	vmov s17;
	v18 =	vmul.f32 v18, v1;
	v24 =	vld [tilespmem:s11+$0xFFFFFE50];
	v20 =	vmul.f32 v20, v2;
	(xrf2) =	vadd.scan.msk.f32 $0xffff, v8  }
0x364: {  	v8 =	vadd.f32 v13, v12;
	v12 =	vadd.f32 v15, v14;
	v10 =	vmul.f32 v11, v6;
	v11 =	vld [tilespmem:s11+$0xFFFFFE60];
	v13, _, _ =	vpop (xrf2)  }
0x365: {  	v16 =	vadd.f32 v17, v16;
	v14 =	vmul.f32 v23, v7;
	v15 =	vld [tilespmem:s11+$0xFFFFFE70];
	v17 =	vadd.f32 v20, v18  }
0x366: {  	v18 =	vmul.f32 v22, v4;
	v20 =	vld [tilespmem:s11+$0xFFFFFE80];
	v22 =	vand.u32 $0xFFFFFFF8, v25;
	[tilespmem:v21+s31+$0x0] =	vst.idx.msk vm0, v13;
	(xrf2) =	vadd.scan.msk.f32 $0xffff, v19  }
0x367: {  	s22 =	sadd.s32 $0x6, s17;
	s17 =	smov.u32 s9;
	s9 =	smov.u32 s18;
	v12 =	vadd.f32 v12, v8;
	v9 =	vmul.f32 v9, v5;
	v13 =	vld [tilespmem:s11+$0xFFFFFE90];
	v16 =	vadd.f32 v17, v16  }
0x368: {  	v17 =	vmul.f32 v24, v3;
	v8 =	vadd.f32 v18, v14;
	v14 =	vld [tilespmem:s11+$0xFFFFFEA0];
	v18 =	vmov s22  }
0x369: {  	v11 =	vmul.f32 v11, v1;
	v19 =	vld [tilespmem:s11+$0xFFFFFEB0];
	v12 =	vadd.f32 v16, v12;
	v16 =	vbroadcast v22, $0x0  }
0x36a: {  	v18 =	vand.u32 $0xFFFFFFFE, v18;
	v15 =	vmul.f32 v15, v2;
	v9 =	vadd.f32 v17, v9;
	v17 =	vld [tilespmem:s11+$0xFFFFFEC0]  }
0x36b: {  	v20 =	vmul.f32 v20, v0;
	v21 =	vld [tilespmem:s11+$0xFFFFFED0];
	(xrf2) =	vadd.scan.msk.f32 $0xffff, v12;
	v12 =	vbroadcast v18, $0x0  }
0x36c: {  	v11 =	vadd.f32 v15, v11;
	v13 =	vmul.f32 v13, v6;
	v15 =	vld [tilespmem:s11+$0xFFFFFEE0]  }
0x36d: {  	v14 =	vmul.f32 v14, v7;
	v18 =	vld [tilespmem:s11+$0xFFFFFEF0];
	v22, _, _ =	vpop (xrf2)  }
0x36e: {  	v9 =	vadd.f32 v11, v9;
	v11 =	vmul.f32 v19, v4;
	v13 =	vadd.f32 v13, v20;
	v19 =	vld [tilespmem:s11+$0xFFFFFF00]  }
0x36f: {  	v17 =	vmul.f32 v17, v5;
	v20 =	vld [tilespmem:s11+$0xFFFFFF10];
	[tilespmem:v16+s31+$0x0] =	vst.idx.msk vm0, v22  }
0x370: {  	s22 =	sadd.s32 $0x7, s17;
	v16 =	vmul.f32 v21, v3;
	v11 =	vadd.f32 v11, v14;
	v14 =	vld [tilespmem:s11+$0xFFFFFF20];
	v21, _, _ =	vpop (xrf2)  }
0x371: {  	v23 =	vmov s22;
	v15 =	vmul.f32 v15, v1;
	v22 =	vld [tilespmem:s11+$0xFFFFFF30];
	[tilespmem:v12+s31+$0x0] =	vst.idx.msk vm0, v21  }
0x372: {  	v12 =	vmul.f32 v18, v2;
	v11 =	vadd.f32 v11, v13;
	v13 =	vadd.f32 v16, v17;
	v16 =	vld [tilespmem:s11+$0xFFFFFF40]  }
0x373: {  	v17 =	vmul.f32 v19, v0;
	v18 =	vld [tilespmem:s11+$0xFFFFFF50]  }
0x374: {  	v12 =	vadd.f32 v12, v15;
	v15 =	vmul.f32 v20, v6;
	v19 =	vld [tilespmem:s11+$0xFFFFFF60]  }
0x375: {  	v14 =	vmul.f32 v14, v7;
	v20 =	vld [tilespmem:s11+$0xFFFFFF70];
	v21, _, _ =	vpop (xrf2)  }
0x376: {  	v22 =	vmul.f32 v22, v4;
	v15 =	vadd.f32 v15, v17;
	v17 =	vld [tilespmem:s11+$0xFFFFFF80];
	[tilespmem:v23+s31+$0x0] =	vst.idx.msk vm0, v21  }
0x377: {  	v12 =	vadd.f32 v12, v13;
	v13 =	vmul.f32 v16, v5;
	v16 =	vld [tilespmem:s11+$0xFFFFFF90]  }
0x378: {  	v18 =	vmul.f32 v18, v3;
	v14 =	vadd.f32 v22, v14;
	v21 =	vld [tilespmem:s11+$0xFFFFFFA0]  }
0x379: {  	v11 =	vadd.f32 v12, v11;
	v12 =	vmul.f32 v19, v1;
	v19 =	vld [tilespmem:s11+$0xFFFFFFB0]  }
0x37a: {  	v20 =	vmul.f32 v20, v2;
	v14 =	vadd.f32 v14, v15;
	v13 =	vadd.f32 v18, v13;
	v15 =	vld [tilespmem:s11+$0xFFFFFFC0]  }
0x37b: {  	v17 =	vmul.f32 v17, v0;
	v18 =	vld [tilespmem:s11+$0xFFFFFFD0];
	(xrf2) =	vadd.scan.msk.f32 $0xffff, v11  }
0x37c: {  	s22 =	sadd.s32 $0x1, s17;
	v11 =	vadd.f32 v20, v12;
	v12 =	vmul.f32 v16, v6;
	v16 =	vld [tilespmem:s11+$0xFFFFFFE0]  }
0x37d: {  	v20 =	vmov s22;
	v21 =	vmul.f32 v21, v7;
	v22 =	vld [tilespmem:s11+$0xFFFFFFF0]  }
0x37e: {  	v11 =	vadd.f32 v11, v13;
	v13 =	vmul.f32 v19, v4;
	v12 =	vadd.f32 v12, v17;
	v17 =	vld [tilespmem:s11+$0x0]  }
0x37f: {  	v19 =	vand.u32 $0xFFFFFFF9, v20;
	v15 =	vmul.f32 v15, v5;
	v20 =	vld [tilespmem:s11+$0x10]  }
0x380: {  	v11 =	vadd.f32 v11, v14;
	v14 =	vmul.f32 v18, v3;
	v13 =	vadd.f32 v13, v21;
	v18 =	vld [tilespmem:s11+$0x20]  }
0x381: {  	v19 =	vbroadcast v19, $0x0;
	v16 =	vmul.f32 v16, v1;
	v21 =	vld [tilespmem:s11+$0x30]  }
0x382: {  	v22 =	vmul.f32 v22, v2;
	v12 =	vadd.f32 v13, v12;
	v13 =	vadd.f32 v14, v15;
	v14 =	vld [tilespmem:s11+$0x40];
	(xrf2) =	vadd.scan.msk.f32 $0xffff, v11  }
0x383: {  	s22 =	sadd.s32 $0x2, s17;
	v11 =	vmul.f32 v17, v0;
	v15 =	vld [tilespmem:s11+$0x50]  }
0x384: {  	v17 =	vmov s22;
	v16 =	vadd.f32 v22, v16;
	v20 =	vmul.f32 v20, v6;
	v22 =	vld [tilespmem:s11+$0x60]  }
0x385: {  	v17 =	vand.u32 $0xFFFFFFFA, v17;
	v18 =	vmul.f32 v18, v7;
	v23 =	vld [tilespmem:s11+$0x70];
	v24, _, _ =	vpop (xrf2)  }
0x386: {  	v13 =	vadd.f32 v16, v13;
	v16 =	vmul.f32 v21, v4;
	v11 =	vadd.f32 v20, v11;
	v20 =	vld [tilespmem:s11+$0x80]  }
0x387: {  	v17 =	vbroadcast v17, $0x0;
	[tilespmem:v19+s31+$0x0] =	vst.idx.msk vm0, v24;
	v14 =	vmul.f32 v14, v5;
	v19 =	vld [tilespmem:s11+$0x90]  }
0x388: {  	v12 =	vadd.f32 v13, v12;
	v13 =	vmul.f32 v15, v3;
	v15 =	vadd.f32 v16, v18;
	v16 =	vld [tilespmem:s11+$0xA0]  }
0x389: {  	v18 =	vmul.f32 v22, v1;
	v21 =	vld [tilespmem:s11+$0xB0]  }
0x38a: {  	v22 =	vmul.f32 v23, v2;
	v11 =	vadd.f32 v15, v11;
	v13 =	vadd.f32 v13, v14;
	v14 =	vld [tilespmem:s11+$0xC0];
	(xrf2) =	vadd.scan.msk.f32 $0xffff, v12  }
0x38b: {  	s22 =	sadd.s32 $0x3, s17;
	v12 =	vmul.f32 v20, v0;
	v15 =	vld [tilespmem:s11+$0xD0]  }
0x38c: {  	v20 =	vmov s22;
	v18 =	vadd.f32 v22, v18;
	v19 =	vmul.f32 v19, v6;
	v22 =	vld [tilespmem:s11+$0xE0];
	v23, _, _ =	vpop (xrf2)  }
0x38d: {  	[tilespmem:v17+s31+$0x0] =	vst.idx.msk vm0, v23;
	v17 =	vand.u32 $0xFFFFFFFB, v20;
	v16 =	vmul.f32 v16, v7;
	v20 =	vld [tilespmem:s11+$0xF0]  }
0x38e: {  	v13 =	vadd.f32 v18, v13;
	v18 =	vmul.f32 v21, v4;
	v12 =	vadd.f32 v19, v12;
	v19 =	vld [tilespmem:s11+$0x100]  }
0x38f: {  	v17 =	vbroadcast v17, $0x0;
	v14 =	vmul.f32 v14, v5;
	v21 =	vld [tilespmem:s11+$0x110]  }
0x390: {  	v11 =	vadd.f32 v13, v11;
	v13 =	vmul.f32 v15, v3;
	v15 =	vadd.f32 v18, v16;
	v16 =	vld [tilespmem:s11+$0x120]  }
0x391: {  	v18 =	vmul.f32 v22, v1;
	v22 =	vld [tilespmem:s11+$0x130]  }
0x392: {  	v20 =	vmul.f32 v20, v2;
	v15 =	vadd.f32 v15, v12;
	v12 =	vadd.f32 v13, v14;
	v13 =	vld [tilespmem:s11+$0x140];
	(xrf2) =	vadd.scan.msk.f32 $0xffff, v11  }
0x393: {  	s22 =	sadd.s32 $0x4, s17;
	v11 =	vmul.f32 v19, v0;
	v14 =	vld [tilespmem:s11+$0x150]  }
0x394: {  	v19 =	vmov s22;
	v18 =	vadd.f32 v20, v18;
	v20 =	vmul.f32 v21, v6;
	v21 =	vld [tilespmem:s11+$0x160];
	v23, _, _ =	vpop (xrf2)  }
0x395: {  	[tilespmem:v17+s31+$0x0] =	vst.idx.msk vm0, v23;
	v17 =	vand.u32 $0xFFFFFFFC, v19;
	v16 =	vmul.f32 v16, v7;
	v19 =	vld [tilespmem:s11+$0x170]  }
0x396: {  	v23 =	vld [tilespmem:s11+$0xFFFFFE00];
	v18 =	vadd.f32 v18, v12;
	v22 =	vmul.f32 v22, v4;
	v11 =	vadd.f32 v20, v11;
	s11 =	sadd.s32 $0x400, s11  }
0x397: {  	v20 =	vbroadcast v17, $0x0;
	v12 =	vld [tilespmem:s11+$0x180];
	v17 =	vmul.f32 v13, v5  }
0x398: {  	v13 =	vld [tilespmem:s11+$0x190];
	v18 =	vadd.f32 v18, v15;
	v24 =	vmul.f32 v14, v3;
	v16 =	vadd.f32 v22, v16  }
0x399: {  	v14 =	vld [tilespmem:s11+$0x1A0];
	v21 =	vmul.f32 v21, v1  }
.Ltmp4:
0x39a: {  	v15 =	vld [tilespmem:s11+$0x1B0];
	v22 =	vmul.f32 v19, v2;
	v19 =	vadd.f32 v16, v11;
	v11 =	vadd.f32 v24, v17;
	(xrf2) =	vadd.scan.msk.f32 $0xffff, v18;
	(pc) =	sbr.rel @p1 .LBB2_11-.Ltmp4, $4  }
0x39b: {  	v16 =	vld [tilespmem:s11+$0x1C0];
	v23 =	vmul.f32 v23, v0  }
0x39c: {  	s22 =	sadd.s32 $0x5, s17;
	v17 =	vld [tilespmem:s11+$0x1D0];
	v22 =	vadd.f32 v22, v21;
	v24, _, _ =	vpop (xrf2)  }
0x39d: {  	v18 =	vld [tilespmem:s11+$0x1E0];
	v21 =	vadd.f32 v10, v23;
	[tilespmem:v20+s31+$0x0] =	vst.idx.msk vm0, v24;
	v10 =	vmov s22  }
0x39e: {  	s18 =	sadd.s32 $0x8, s18;
	v20 =	vld [tilespmem:s11+$0x1F0];
	v10 =	vand.u32 $0xFFFFFFFD, v10;
	v22 =	vadd.f32 v22, v11  }
0x39f: {  	v11 =	vld [tilespmem:s11+$0xFFFFFE10]  }
0x3a0: {  	v23 =	vld [tilespmem:s11+$0xFFFFFE20]  }
0x3a1: {  	v24 =	vld [tilespmem:s11+$0xFFFFFE30]  }
0x3a2: {  	v25 =	vld [tilespmem:s11+$0xFFFFFE40]  }
0x3a3: {  	v26 =	vld [tilespmem:s11+$0xFFFFFE50]  }
0x3a4: {  	v27 =	vld [tilespmem:s11+$0xFFFFFE60]  }
0x3a5: {  	v28 =	vld [tilespmem:s11+$0xFFFFFE70]  }
0x3a6: {  	v29 =	vld [tilespmem:s11+$0xFFFFFE80]  }
0x3a7: {  	v30 =	vld [tilespmem:s11+$0xFFFFFE90]  }
0x3a8: {  	v31 =	vld [tilespmem:s11+$0xFFFFFEA0]  }
0x3a9: {  	v32 =	vld [tilespmem:s11+$0xFFFFFEB0]  }
0x3aa: {  	v33 =	vld [tilespmem:s11+$0xFFFFFEC0]  }
0x3ab: {  	v34 =	vld [tilespmem:s11+$0xFFFFFED0]  }
0x3ac: {  	v35 =	vld [tilespmem:s11+$0xFFFFFEE0]  }
0x3ad: {  	v36 =	vld [tilespmem:s11+$0xFFFFFEF0]  }
0x3ae: {  	v37 =	vld [tilespmem:s11+$0xFFFFFF00]  }
0x3af: {  	v38 =	vld [tilespmem:s11+$0xFFFFFF10]  }
0x3b0: {  	v39 =	vld [tilespmem:s11+$0xFFFFFF20]  }
0x3b1: {  	v40 =	vld [tilespmem:s11+$0xFFFFFF30]  }
0x3b2: {  	v42 =	vld [tilespmem:s11+$0xFFFFFF40]  }
0x3b3: {  	v41 =	vmul.f32 v12, v0;
	v12 =	vadd.f32 v8, v21;
	v21 =	vld [tilespmem:s11+$0xFFFFFF50]  }
0x3b4: {  	v13 =	vmul.f32 v13, v6;
	v43 =	vld [tilespmem:s11+$0xFFFFFFB0]  }
0x3b5: {  	v14 =	vmul.f32 v14, v7;
	v15 =	vmul.f32 v15, v4;
	v44 =	vld [tilespmem:s11+$0xFFFFFFC0]  }
0x3b6: {  	v46 =	vld [tilespmem:s11+$0xFFFFFFD0];
	v10 =	vbroadcast v10, $0x0;
	v16 =	vmul.f32 v16, v5  }
0x3b7: {  	v49 =	vld [tilespmem:s11+$0xFFFFFFE0];
	v17 =	vmul.f32 v17, v3;
	v12 =	vadd.f32 v9, v12;
	v9 =	vmul.f32 v18, v1  }
0x3b8: {  	v50 =	vld [tilespmem:s11+$0xFFFFFFF0];
	v8 =	vadd.f32 v22, v19;
	v18 =	vmul.f32 v20, v2;
	v22 =	vmul.f32 v24, v4  }
0x3b9: {  	v53 =	vld [tilespmem:s11+$0x0];
	v13 =	vadd.f32 v13, v41;
	v41 =	vmul.f32 v26, v3;
	v45 =	vmul.f32 v30, v6  }
0x3ba: {  	v54 =	vld [tilespmem:s11+$0x10];
	v14 =	vadd.f32 v15, v14;
	v47 =	vmul.f32 v31, v7;
	v48 =	vmul.f32 v32, v4  }
0x3bb: {  	v57 =	vld [tilespmem:s11+$0x20];
	v16 =	vadd.f32 v17, v16;
	v51 =	vmul.f32 v33, v5;
	v52 =	vmul.f32 v34, v3  }
0x3bc: {  	v19 =	vld [tilespmem:s11+$0xFFFFFF60];
	v58 =	vmul.f32 v39, v7;
	v59 =	vmul.f32 v40, v4;
	v9 =	vadd.f32 v18, v9  }
0x3bd: {  	v15 =	vld [tilespmem:s11+$0xFFFFFF80];
	v13 =	vadd.f32 v14, v13;
	v61 =	vmul.f32 v42, v5;
	v18 =	vmul.f32 v23, v7  }
0x3be: {  	v20 =	vld [tilespmem:s11+$0xFFFFFF70];
	v21 =	vmul.f32 v21, v3;
	v23 =	vmul.f32 v25, v5;
	v16 =	vadd.f32 v9, v16  }
0x3bf: {  	v17 =	vld [tilespmem:s11+$0xFFFFFF90];
	v9 =	vadd.f32 v22, v18;
	v18 =	vmul.f32 v27, v1;
	v22 =	vmul.f32 v28, v2  }
0x3c0: {  	v60 =	vld [tilespmem:s11+$0x40];
	v40 =	vmul.f32 v46, v3;
	v16 =	vadd.f32 v16, v13;
	v13 =	vmul.f32 v29, v0  }
0x3c1: {  	v62 =	vld [tilespmem:s11+$0x50];
	v19 =	vmul.f32 v19, v1;
	v23 =	vadd.f32 v41, v23;
	v18 =	vadd.f32 v22, v18  }
0x3c2: {  	v14 =	vld [tilespmem:s11+$0xFFFFFFA0];
	v24 =	vadd.f32 v48, v47;
	v15 =	vmul.f32 v15, v0;
	v22 =	vadd.f32 v45, v13  }
0x3c3: {  	v63 =	vld [tilespmem:s11+$0x60];
	v13 =	vadd.f32 v18, v23;
	v18 =	vmul.f32 v35, v1;
	v23 =	vmul.f32 v36, v2  }
0x3c4: {  	v39 =	vld [tilespmem:s11+$0x90];
	v31 =	vadd.f32 v52, v51;
	v20 =	vmul.f32 v20, v2;
	v17 =	vmul.f32 v17, v6  }
0x3c5: {  	v42 =	vld [tilespmem:s11+$0xB0];
	v25 =	vmul.f32 v43, v4;
	v21 =	vadd.f32 v21, v61;
	v18 =	vadd.f32 v23, v18  }
0x3c6: {  	v46 =	vld [tilespmem:s11+$0xE0];
	v27 =	vmul.f32 v50, v2;
	v19 =	vadd.f32 v20, v19;
	v15 =	vadd.f32 v17, v15  }
0x3c7: {  	v43 =	vld [tilespmem:s11+$0xC0];
	v14 =	vmul.f32 v14, v7;
	v22 =	vadd.f32 v24, v22;
	v18 =	vadd.f32 v18, v31  }
0x3c8: {  	v17 =	vmul.f32 v49, v1;
	v19 =	vadd.f32 v19, v21;
	v21 =	vmul.f32 v44, v5;
	v23 =	vld [tilespmem:s11+$0x30]  }
0x3c9: {  	v55 =	vmul.f32 v37, v0;
	v14 =	vadd.f32 v25, v14;
	v18 =	vadd.f32 v18, v22;
	v22 =	vld [tilespmem:s11+$0x70]  }
0x3ca: {  	v47 =	vmul.f32 v57, v7;
	v51 =	vld [tilespmem:s11+$0x110];
	v17 =	vadd.f32 v27, v17;
	v21 =	vadd.f32 v40, v21  }
0x3cb: {  	v48 =	vmul.f32 v60, v5;
	v52 =	vld [tilespmem:s11+$0x120];
	v49 =	vmul.f32 v62, v3  }
0x3cc: {  	v20 =	vld [tilespmem:s11+$0x80];
	v45 =	vmul.f32 v54, v6;
	v14 =	vadd.f32 v14, v15;
	v17 =	vadd.f32 v17, v21  }
0x3cd: {  	v32 =	vadd.f32 v59, v58;
	v41 =	vld [tilespmem:s11+$0xA0];
	v15 =	vmul.f32 v53, v0;
	v21 =	vmul.f32 v23, v4  }
0x3ce: {  	v23 =	vld [tilespmem:s11+$0xF0];
	v14 =	vadd.f32 v17, v14;
	v17 =	vmul.f32 v63, v1;
	v22 =	vmul.f32 v22, v2  }
0x3cf: {  	v56 =	vmul.f32 v38, v6;
	v57 =	vld [tilespmem:s11+$0x160];
	v26 =	vadd.f32 v49, v48;
	v15 =	vadd.f32 v45, v15  }
0x3d0: {  	v50 =	vld [tilespmem:s11+$0x100];
	v54 =	vmul.f32 v42, v4;
	v21 =	vadd.f32 v21, v47;
	v17 =	vadd.f32 v22, v17  }
0x3d1: {  	v44 =	vld [tilespmem:s11+$0xD0];
	v24 =	vadd.f32 v56, v55;
	v20 =	vmul.f32 v20, v0;
	v22 =	vmul.f32 v39, v6  }
0x3d2: {  	v53 =	vld [tilespmem:s11+$0x130];
	v15 =	vadd.f32 v21, v15;
	v21 =	vmul.f32 v41, v7;
	v17 =	vadd.f32 v17, v26  }
0x3d3: {  	v55 =	vld [tilespmem:s11+$0x140];
	v24 =	vadd.f32 v32, v24;
	v23 =	vmul.f32 v23, v2;
	v20 =	vadd.f32 v22, v20  }
0x3d4: {  	v22 =	vmul.f32 v46, v1;
	v15 =	vadd.f32 v17, v15;
	v17 =	vadd.f32 v54, v21;
	v21 =	vld [tilespmem:s11+$0xFFFFFE00]  }
0x3d5: {  	v11 =	vmul.f32 v11, v6;
	v59 =	vmul.f32 v50, v0;
	v56 =	vld [tilespmem:s11+$0x150]  }
0x3d6: {  	v19 =	vadd.f32 v19, v24;
	v24 =	vmul.f32 v43, v5;
	v22 =	vadd.f32 v23, v22;
	v23 =	vld [tilespmem:s11+$0x170]  }
0x3d7: {  	s22 =	sadd.s32 $0x6, s17;
	(xrf2) =	vadd.scan.msk.f32 $0xffff, v12;
	v25 =	vmul.f32 v44, v3;
	v4 =	vmul.f32 v53, v4  }
0x3d8: {  	(xrf2) =	vadd.scan.msk.f32 $0xffff, v8;
	v8 =	vmov s22;
	v7 =	vmul.f32 v52, v7;
	v6 =	vmul.f32 v51, v6  }
0x3d9: {  	v5 =	vmul.f32 v55, v5;
	v24 =	vadd.f32 v25, v24;
	v0 =	vmul.f32 v21, v0  }
0x3da: {  	v3 =	vmul.f32 v56, v3;
	v4 =	vadd.f32 v4, v7;
	v6 =	vadd.f32 v6, v59  }
0x3db: {  	v1 =	vmul.f32 v57, v1;
	v2 =	vmul.f32 v23, v2;
	v0 =	vadd.f32 v11, v0  }
0x3dc: {  	v58 =	vmov s17;
	v3 =	vadd.f32 v3, v5;
	v4 =	vadd.f32 v4, v6  }
0x3dd: {  	(xrf2) =	vadd.scan.msk.f32 $0xffff, v16;
	v25 =	vand.u32 $0xFFFFFFF8, v58;
	v1 =	vadd.f32 v2, v1;
	v0 =	vadd.f32 v9, v0  }
0x3de: {  	s30 =	sadd.s32 $0x1, s9;
	(xrf2) =	vadd.scan.msk.f32 $0xffff, v18;
	v7 =	vbroadcast v25, $0x0;
	v17 =	vadd.f32 v17, v20;
	v12 =	vadd.f32 v22, v24  }
0x3df: {  	(xrf2) =	vadd.scan.msk.f32 $0xffff, v19;
	v6 =	vmov s30;
	v1 =	vadd.f32 v1, v3;
	v0 =	vadd.f32 v13, v0  }
0x3e0: {  	s17 =	sadd.s32 $0x2, s9;
	(xrf2) =	vadd.scan.msk.f32 $0xffff, v14;
	v6 =	vand.u32 $0xFFFFFFF9, v6;
	v5 =	vadd.f32 v12, v17;
	v2 =	vand.u32 $0xFFFFFFFE, v8  }
0x3e1: {  	s18 =	sadd.s32 $0x3, s9;
	(xrf2) =	vadd.scan.msk.f32 $0xffff, v15;
	v8 =	vmov s17;
	v2 =	vbroadcast v2, $0x0;
	v1 =	vadd.f32 v1, v4  }
0x3e2: {  	s28 =	sadd.s32 $0x7, s9;
	s22 =	sadd.s32 $0x4, s9;
	(xrf2) =	vadd.scan.msk.f32 $0xffff, v5;
	v5 =	vand.u32 $0xFFFFFFFA, v8;
	v4 =	vbroadcast v6, $0x0;
	v6 =	vmov s18  }
0x3e3: {  	v8 =	vmov s22;
	v3 =	vmov s28;
	s28 =	sadd.s32 $0x5, s9;
	v6 =	vand.u32 $0xFFFFFFFB, v6;
	(xrf2) =	vadd.scan.msk.f32 $0xffff, v0;
	v0, _, _ =	vpop (xrf2)  }
0x3e4: {  	[tilespmem:v10+s31+$0x0] =	vst.idx.msk vm0, v0;
	v0 =	vbroadcast v6, $0x0;
	v6 =	vand.u32 $0xFFFFFFFC, v8;
	v8 =	vmov s28  }
0x3e5: {  	v5 =	vbroadcast v5, $0x0;
	(xrf2) =	vadd.scan.msk.f32 $0xffff, v1;
	v1, _, _ =	vpop (xrf2)  }
0x3e6: {  	s30 =	sadd.s32 $0x6, s9;
	v9, _, _ =	vpop (xrf2);
	[tilespmem:v7+s31+$0x0] =	vst.idx.msk vm0, v1;
	v1 =	vbroadcast v6, $0x0;
	v6 =	vand.u32 $0xFFFFFFFD, v8;
	v7 =	vmov s9  }
0x3e7: {  	[tilespmem:v2+s31+$0x0] =	vst.idx.msk vm0, v9;
	v2 =	vbroadcast v6, $0x0;
	v6 =	vand.u32 $0xFFFFFFF8, v7;
	v7 =	vmov s30;
	v8, _, _ =	vpop (xrf2)  }
0x3e8: {  	[tilespmem:v3+s31+$0x0] =	vst.idx.msk vm0, v8;
	v3 =	vbroadcast v6, $0x0;
	v6 =	vand.u32 $0xFFFFFFFE, v7  }
0x3e9: {  	v9, _, _ =	vpop (xrf2)  }
0x3ea: {  	v7, _, _ =	vpop (xrf2);
	[tilespmem:v4+s31+$0x0] =	vst.idx.msk vm0, v9;
	v4 =	vbroadcast v6, $0x0  }
0x3eb: {  	[tilespmem:v5+s31+$0x0] =	vst.idx.msk vm0, v7;
	v6, _, _ =	vpop (xrf2)  }
0x3ec: {  	[tilespmem:v0+s31+$0x0] =	vst.idx.msk vm0, v6;
	v0, _, _ =	vpop (xrf2)  }
0x3ed: {  	[tilespmem:v1+s31+$0x0] =	vst.idx.msk vm0, v0;
	v0, _, _ =	vpop (xrf2)  }
0x3ee: {  	[tilespmem:v2+s31+$0x0] =	vst.idx.msk vm0, v0;
	v0, _, _ =	vpop (xrf2)  }
0x3ef: {  	[tilespmem:v3+s31+$0x0] =	vst.idx.msk vm0, v0;
	v0, _, _ =	vpop (xrf2)  }
0x3f0: {  	[tilespmem:v4+s31+$0x0] =	vst.idx.msk vm0, v0  }
0x3f1: {  	[tilespmem:s23], [sflag:$0x4] =	stream.indirect.gather [hbm4b:s3+s13], $0x80, s0, s13, $0xb8;
	[tilespmem:$0x10900] =	vst v63  }
0x3f2: {  	_ =	swait.ge [sflag:s24], $0x4000  }
0x3f3: {  	[sflag:s24] =	ssyncset.done $0x0  }
0x3f4: {  	[sflag:s24] =	ssyncadd.s32 $0xFFFFC000  }
0x3f5: {  	v0 =	vld [tilespmem:$0x480]  }
0x3f6: {  	v1 =	vld [tilespmem:$0x490]  }
0x3f7: {  	v3 =	vld [tilespmem:$0x4A0]  }
0x3f8: {  	v7 =	vld [tilespmem:$0x4B0]  }
0x3f9: {  	v4 =	vld [tilespmem:$0x4C0]  }
0x3fa: {  	v5 =	vld [tilespmem:$0x4D0]  }
0x3fb: {  	v2 =	vld [tilespmem:$0x4E0]  }
0x3fc: {  	s17 =	simm.s32 $0x4700;
	v6 =	vld [tilespmem:$0x4F0]  }
0x3fd: {  	v8 =	vld [tilespmem:s17+$0x180]  }
0x3fe: {  	v9 =	vld [tilespmem:s17+$0x190]  }
0x3ff: {  	v11 =	vld [tilespmem:s17+$0x1A0]  }
0x400: {  	v12 =	vld [tilespmem:s17+$0x1B0]  }
0x401: {  	v13 =	vld [tilespmem:s17+$0x1C0]  }
0x402: {  	v14 =	vld [tilespmem:s17+$0x1D0]  }
0x403: {  	v15 =	vld [tilespmem:s17+$0x1E0]  }
0x404: {  	v16 =	vld [tilespmem:s17+$0x1F0]  }
0x405: {  	v17 =	vld [tilespmem:s17+$0xFFFFFE20]  }
0x406: {  	v18 =	vld [tilespmem:s17+$0xFFFFFE30]  }
0x407: {  	v19 =	vld [tilespmem:s17+$0xFFFFFE40]  }
0x408: {  	v20 =	vld [tilespmem:s17+$0xFFFFFE50]  }
0x409: {  	v21 =	vld [tilespmem:s17+$0xFFFFFE60]  }
0x40a: {  	v22 =	vld [tilespmem:s17+$0xFFFFFE70]  }
0x40b: {  	v23 =	vld [tilespmem:s17+$0xFFFFFE80]  }
0x40c: {  	v60 =	vld [tilespmem:s17+$0xFFFFFE90]  }
0x40d: {  	v61 =	vld [tilespmem:s17+$0xFFFFFEA0]  }
0x40e: {  	v62 =	vld [tilespmem:s17+$0xFFFFFEB0]  }
0x40f: {  	v37 =	vld [tilespmem:s17+$0xFFFFFEE0]  }
0x410: {  	v38 =	vld [tilespmem:s17+$0xFFFFFEF0]  }
0x411: {  	v40 =	vld [tilespmem:s17+$0xFFFFFF10]  }
0x412: {  	v41 =	vld [tilespmem:s17+$0xFFFFFF20];
	v8 =	vmul.f32 v8, v0;
	v9 =	vmul.f32 v9, v1  }
0x413: {  	v63 =	vld [tilespmem:s17+$0xFFFFFEC0];
	v11 =	vmul.f32 v11, v3;
	v12 =	vmul.f32 v12, v7  }
0x414: {  	v36 =	vld [tilespmem:s17+$0xFFFFFED0];
	v13 =	vmul.f32 v13, v4;
	v14 =	vmul.f32 v14, v5  }
0x415: {  	v39 =	vld [tilespmem:s17+$0xFFFFFF00];
	v15 =	vmul.f32 v15, v2;
	v16 =	vmul.f32 v16, v6  }
0x416: {  	v42 =	vld [tilespmem:s17+$0xFFFFFF80];
	v43 =	vmul.f32 v37, v2;
	v44 =	vmul.f32 v38, v6  }
0x417: {  	v46 =	vld [tilespmem:s17+$0xFFFFFFD0];
	v45 =	vmul.f32 v40, v1;
	v47 =	vmul.f32 v41, v3;
	v8 =	vadd.f32 v9, v8  }
0x418: {  	v48 =	vld [tilespmem:s17+$0xFFFFFFE0];
	v9 =	vadd.f32 v12, v11;
	v11 =	vadd.f32 v14, v13;
	v13 =	vmul.f32 v17, v3  }
0x419: {  	v12 =	vld [tilespmem:s17+$0xFFFFFF30];
	v14 =	vadd.f32 v16, v15;
	v15 =	vmul.f32 v18, v7;
	v17 =	vmul.f32 v19, v4  }
0x41a: {  	v16 =	vld [tilespmem:s17+$0xFFFFFF40];
	v18 =	vmul.f32 v20, v5;
	v20 =	vmul.f32 v22, v6  }
0x41b: {  	v19 =	vld [tilespmem:s17+$0xFFFFFF50];
	v9 =	vadd.f32 v9, v8;
	v11 =	vadd.f32 v14, v11;
	v14 =	vmul.f32 v21, v2  }
0x41c: {  	v22 =	vld [tilespmem:s17+$0xFFFFFF70];
	v8 =	vadd.f32 v15, v13;
	v13 =	vmul.f32 v23, v0;
	v15 =	vmul.f32 v60, v1  }
0x41d: {  	v21 =	vld [tilespmem:s17+$0xFFFFFF60];
	v23 =	vmul.f32 v62, v7;
	v11 =	vadd.f32 v11, v9;
	v9 =	vmul.f32 v61, v3  }
0x41e: {  	v49 =	vld [tilespmem:s17+$0xFFFFFFF0];
	v24 =	vmul.f32 v42, v0;
	v17 =	vadd.f32 v18, v17;
	v14 =	vadd.f32 v20, v14  }
0x41f: {  	v50 =	vld [tilespmem:s17+$0x0];
	v13 =	vadd.f32 v15, v13;
	v12 =	vmul.f32 v12, v7;
	v15 =	vadd.f32 v23, v9  }
0x420: {  	v18 =	vld [tilespmem:s17+$0xFFFFFF90];
	v9 =	vadd.f32 v14, v17;
	v14 =	vmul.f32 v63, v4;
	v17 =	vmul.f32 v36, v5  }
0x421: {  	v25 =	vadd.f32 v44, v43;
	v20 =	vld [tilespmem:s17+$0xFFFFFFA0];
	v16 =	vmul.f32 v16, v4;
	v19 =	vmul.f32 v19, v5  }
0x422: {  	v22 =	vmul.f32 v22, v6;
	v23 =	vld [tilespmem:s17+$0xFFFFFFB0];
	v21 =	vmul.f32 v21, v2;
	v14 =	vadd.f32 v17, v14  }
0x423: {  	v16 =	vadd.f32 v19, v16;
	v13 =	vadd.f32 v15, v13;
	v15 =	vld [tilespmem:s17+$0xFFFFFFC0];
	v17 =	vmul.f32 v39, v0  }
0x424: {  	v51 =	vld [tilespmem:s17+$0x10];
	v27 =	vmul.f32 v49, v6;
	v21 =	vadd.f32 v22, v21;
	v14 =	vadd.f32 v25, v14  }
0x425: {  	v52 =	vld [tilespmem:s17+$0x30];
	v12 =	vadd.f32 v12, v47;
	v18 =	vmul.f32 v18, v1;
	v17 =	vadd.f32 v45, v17  }
0x426: {  	v53 =	vld [tilespmem:s17+$0x40];
	v19 =	vmul.f32 v46, v5;
	v16 =	vadd.f32 v21, v16;
	v13 =	vadd.f32 v14, v13  }
0x427: {  	(xrf2) =	vadd.scan.msk.f32 $0xffff, v11;
	v14 =	vmul.f32 v20, v3;
	v20 =	vmul.f32 v23, v7;
	v23 =	vld [tilespmem:s17+$0x20];
	v12 =	vadd.f32 v12, v17  }
0x428: {  	v22 =	vmul.f32 v48, v2;
	v18 =	vadd.f32 v18, v24;
	v17 =	vld [tilespmem:s17+$0x70];
	v15 =	vmul.f32 v15, v4  }
0x429: {  	v14 =	vadd.f32 v20, v14;
	v20 =	vld [tilespmem:s17+$0x50];
	(xrf2) =	vadd.scan.msk.f32 $0xffff, v13;
	v12 =	vadd.f32 v16, v12  }
0x42a: {  	s11 =	simm.s32 $0x81;
	v54 =	vmul.f32 v52, v7;
	v16 =	vld [tilespmem:s17+$0x90];
	v11 =	vadd.f32 v19, v15;
	v15 =	vadd.f32 v27, v22  }
0x42b: {  	v56 =	vmul.f32 v53, v4;
	v21 =	vmul.f32 v50, v0;
	v13 =	vmov s11;
	v19 =	vld [tilespmem:s17+$0x60]  }
0x42c: {  	s18 =	simm.s32 $0x87;
	v55 =	vld [tilespmem:s17+$0xB0];
	v13 =	vand.u32 $0xFFFFFFF9, v13;
	v14 =	vadd.f32 v14, v18;
	v11 =	vadd.f32 v15, v11  }
0x42d: {  	s22 =	simm.s32 $0x82;
	v22 =	vmul.f32 v51, v1;
	v18 =	vmov s18;
	v13 =	vbroadcast v13, $0x0;
	v15 =	vld [tilespmem:s17+$0x80]  }
0x42e: {  	(xrf2) =	vadd.scan.msk.f32 $0xffff, v12;
	v12 =	vmov s22;
	v23 =	vmul.f32 v23, v3;
	v11 =	vadd.f32 v11, v14;
	v14 =	vld [tilespmem:s17+$0xA0]  }
0x42f: {  	v57 =	vld [tilespmem:s17+$0xC0];
	v12 =	vand.u32 $0xFFFFFFFA, v12;
	v17 =	vmul.f32 v17, v6;
	v20 =	vmul.f32 v20, v5  }
0x430: {  	v16 =	vmul.f32 v16, v1;
	v19 =	vmul.f32 v19, v2;
	(xrf2) =	vadd.scan.msk.f32 $0xffff, v11;
	v11 =	vadd.f32 v22, v21;
	v21 =	vld [tilespmem:s17+$0xD0]  }
0x431: {  	s28 =	simm.s32 $0x83;
	v59, _, _ =	vpop (xrf2);
	v22 =	vbroadcast v12, $0x0;
	v12 =	vadd.f32 v54, v23;
	v20 =	vadd.f32 v20, v56;
	v23 =	vld [tilespmem:s17+$0xE0]  }
0x432: {  	v58 =	vmov s28;
	[tilespmem:v18+s31+$0x0] =	vst.idx.msk vm0, v59;
	v15 =	vmul.f32 v15, v0;
	v17 =	vadd.f32 v17, v19;
	v19 =	vld [tilespmem:s17+$0xF0]  }
0x433: {  	v10 =	vld [tilespmem:s17+$0xFFFFFE10];
	v11 =	vadd.f32 v12, v11;
	v12 =	vmul.f32 v55, v7;
	v14 =	vmul.f32 v14, v3;
	v18, _, _ =	vpop (xrf2)  }
0x434: {  	v60 =	vld [tilespmem:s17+$0x100];
	v24 =	vand.u32 $0xFFFFFFFB, v58;
	[tilespmem:v13+s31+$0x0] =	vst.idx.msk vm0, v18;
	v13 =	vadd.f32 v17, v20  }
0x435: {  	v61 =	vld [tilespmem:s17+$0x110];
	v24 =	vbroadcast v24, $0x0;
	v15 =	vadd.f32 v16, v15;
	v14 =	vadd.f32 v12, v14  }
0x436: {  	v16 =	vld [tilespmem:s17+$0x120];
	v17 =	vmul.f32 v57, v4;
	v18 =	vmul.f32 v21, v5;
	v20 =	vadd.f32 v13, v11  }
0x437: {  	v21 =	vld [tilespmem:s17+$0x130];
	v23 =	vmul.f32 v23, v2;
	v19 =	vmul.f32 v19, v6  }
0x438: {  	v12 =	vld [tilespmem:s17+$0x140];
	v11 =	vadd.f32 v14, v15;
	(xrf2) =	vadd.scan.msk.f32 $0xffff, v20  }
0x439: {  	v10 =	vmul.f32 v10, v1;
	v13 =	vld [tilespmem:s17+$0x150];
	v62 =	vadd.f32 v18, v17;
	v19 =	vadd.f32 v19, v23;
	v14, _, _ =	vpop (xrf2)  }
0x43a: {  	s30 =	simm.s32 $0x84;
	v63 =	vmul.f32 v60, v0;
	v15 =	vld [tilespmem:s17+$0x160];
	[tilespmem:v22+s31+$0x0] =	vst.idx.msk vm0, v14;
	v22 =	vmul.f32 v61, v1  }
0x43b: {  	v18 =	vmul.f32 v16, v3;
	v16 =	vld [tilespmem:s17+$0x170];
	v14 =	vmov s30;
	v17, _, _ =	vpop (xrf2);
	v20 =	vadd.f32 v19, v62  }
0x43c: {  	s9 =	simm.s32 $0xFFFFFFF8;
	s11 =	simm.s32 $0x0;
	v21 =	vmul.f32 v21, v7;
	[tilespmem:v24+s31+$0x0] =	vst.idx.msk vm0, v17;
	v14 =	vand.u32 $0xFFFFFFFC, v14;
	v17 =	vld [tilespmem:s17+$0xFFFFFE00];
	s17 =	simm.s32 $0x4B00;
	v19 =	vadd.f32 v22, v63  }
.LBB2_13:
0x43d: {  	v22 =	vld [tilespmem:s17+$0x180];
	v14 =	vbroadcast v14, $0x0;
	v12 =	vmul.f32 v12, v4;
	s18 =	smov.u32 s11  }
0x43e: {  	v23 =	vld [tilespmem:s17+$0x190];
	v11 =	vadd.f32 v20, v11;
	v13 =	vmul.f32 v13, v5;
	v18 =	vadd.f32 v21, v18  }
0x43f: {  	v20 =	vld [tilespmem:s17+$0x1A0];
	v15 =	vmul.f32 v15, v2  }
0x440: {  	v21 =	vld [tilespmem:s17+$0x1B0];
	v24 =	vmul.f32 v16, v6;
	v18 =	vadd.f32 v18, v19;
	v12 =	vadd.f32 v13, v12;
	(xrf2) =	vadd.scan.msk.f32 $0xffff, v11  }
0x441: {  	v11 =	vld [tilespmem:s17+$0x1C0];
	v13 =	vmul.f32 v17, v0  }
0x442: {  	s22 =	sadd.s32 $0x8D, s9;
	v17 =	vld [tilespmem:s17+$0x1D0];
	v15 =	vadd.f32 v24, v15;
	v16, _, _ =	vpop (xrf2)  }
0x443: {  	v19 =	vld [tilespmem:s17+$0x1E0];
	v10 =	vadd.f32 v10, v13;
	[tilespmem:v14+s31+$0x0] =	vst.idx.msk vm0, v16;
	v13 =	vmov s22  }
0x444: {  	s11 =	sadd.s32 $0x8, s11;
	v14 =	vld [tilespmem:s17+$0x1F0];
	v13 =	vand.u32 $0xFFFFFFFD, v13;
	v12 =	vadd.f32 v15, v12  }
0x445: {  	p1 =	slt.u32 s11, $0x78;
	v15 =	vld [tilespmem:s17+$0xFFFFFE10];
	v8 =	vadd.f32 v8, v10;
	v13 =	vbroadcast v13, $0x0  }
0x446: {  	v22 =	vmul.f32 v22, v0;
	v23 =	vmul.f32 v23, v1;
	v16 =	vld [tilespmem:s17+$0xFFFFFE20];
	v12 =	vadd.f32 v12, v18  }
0x447: {  	v20 =	vmul.f32 v20, v3;
	v26 =	vmul.f32 v21, v7;
	v18 =	vld [tilespmem:s17+$0xFFFFFE30];
	v8 =	vadd.f32 v9, v8  }
0x448: {  	s22 =	sadd.s32 $0x88, s9;
	v11 =	vmul.f32 v11, v4;
	v17 =	vmul.f32 v17, v5;
	v9 =	vld [tilespmem:s17+$0xFFFFFE40]  }
0x449: {  	v25 =	vmov s22;
	v19 =	vmul.f32 v19, v2;
	v24 =	vld [tilespmem:s17+$0xFFFFFE50];
	v14 =	vmul.f32 v14, v6;
	(xrf2) =	vadd.scan.msk.f32 $0xffff, v8  }
0x44a: {  	v20 =	vadd.f32 v26, v20;
	v8 =	vadd.f32 v23, v22;
	v10 =	vmul.f32 v15, v1;
	v15 =	vld [tilespmem:s17+$0xFFFFFE60];
	v21, _, _ =	vpop (xrf2)  }
0x44b: {  	s22 =	sadd.s32 $0x8E, s9;
	s9 =	smov.u32 s18;
	v11 =	vadd.f32 v17, v11;
	v16 =	vmul.f32 v16, v3;
	v22 =	vld [tilespmem:s17+$0xFFFFFE70];
	v14 =	vadd.f32 v14, v19  }
0x44c: {  	v17 =	vmul.f32 v18, v7;
	v18 =	vld [tilespmem:s17+$0xFFFFFE80];
	[tilespmem:v13+s31+$0x0] =	vst.idx.msk vm0, v21;
	v13 =	vmov s22;
	(xrf2) =	vadd.scan.msk.f32 $0xffff, v12  }
0x44d: {  	v19 =	vadd.f32 v20, v8;
	v9 =	vmul.f32 v9, v4;
	v12 =	vld [tilespmem:s17+$0xFFFFFE90];
	v11 =	vadd.f32 v14, v11  }
0x44e: {  	v14 =	vmul.f32 v24, v5;
	v8 =	vadd.f32 v17, v16;
	v16 =	vld [tilespmem:s17+$0xFFFFFEA0];
	v17 =	vand.u32 $0xFFFFFFF8, v25  }
0x44f: {  	v15 =	vmul.f32 v15, v2;
	v20 =	vld [tilespmem:s17+$0xFFFFFEB0];
	v11 =	vadd.f32 v11, v19;
	v17 =	vbroadcast v17, $0x0  }
0x450: {  	v13 =	vand.u32 $0xFFFFFFFE, v13;
	v19 =	vmul.f32 v22, v6;
	v9 =	vadd.f32 v14, v9;
	v14 =	vld [tilespmem:s17+$0xFFFFFEC0]  }
0x451: {  	v18 =	vmul.f32 v18, v0;
	v21 =	vld [tilespmem:s17+$0xFFFFFED0];
	(xrf2) =	vadd.scan.msk.f32 $0xffff, v11;
	v11 =	vbroadcast v13, $0x0  }
0x452: {  	v13 =	vadd.f32 v19, v15;
	v12 =	vmul.f32 v12, v1;
	v15 =	vld [tilespmem:s17+$0xFFFFFEE0]  }
0x453: {  	v16 =	vmul.f32 v16, v3;
	v19 =	vld [tilespmem:s17+$0xFFFFFEF0];
	v22, _, _ =	vpop (xrf2)  }
0x454: {  	v9 =	vadd.f32 v13, v9;
	v13 =	vmul.f32 v20, v7;
	v12 =	vadd.f32 v12, v18;
	v18 =	vld [tilespmem:s17+$0xFFFFFF00]  }
0x455: {  	v14 =	vmul.f32 v14, v4;
	v20 =	vld [tilespmem:s17+$0xFFFFFF10];
	[tilespmem:v17+s31+$0x0] =	vst.idx.msk vm0, v22  }
0x456: {  	s18 =	sadd.s32 $0x8F, s9;
	v17 =	vmul.f32 v21, v5;
	v13 =	vadd.f32 v13, v16;
	v16 =	vld [tilespmem:s17+$0xFFFFFF20];
	v21, _, _ =	vpop (xrf2)  }
0x457: {  	v23 =	vmov s18;
	v15 =	vmul.f32 v15, v2;
	v22 =	vld [tilespmem:s17+$0xFFFFFF30];
	[tilespmem:v11+s31+$0x0] =	vst.idx.msk vm0, v21  }
0x458: {  	v11 =	vmul.f32 v19, v6;
	v12 =	vadd.f32 v13, v12;
	v13 =	vadd.f32 v17, v14;
	v14 =	vld [tilespmem:s17+$0xFFFFFF40]  }
0x459: {  	v17 =	vmul.f32 v18, v0;
	v18 =	vld [tilespmem:s17+$0xFFFFFF50]  }
0x45a: {  	v11 =	vadd.f32 v11, v15;
	v15 =	vmul.f32 v20, v1;
	v19 =	vld [tilespmem:s17+$0xFFFFFF60]  }
0x45b: {  	v16 =	vmul.f32 v16, v3;
	v20 =	vld [tilespmem:s17+$0xFFFFFF70];
	v21, _, _ =	vpop (xrf2)  }
0x45c: {  	v22 =	vmul.f32 v22, v7;
	v15 =	vadd.f32 v15, v17;
	v17 =	vld [tilespmem:s17+$0xFFFFFF80];
	[tilespmem:v23+s31+$0x0] =	vst.idx.msk vm0, v21  }
0x45d: {  	v11 =	vadd.f32 v11, v13;
	v13 =	vmul.f32 v14, v4;
	v14 =	vld [tilespmem:s17+$0xFFFFFF90]  }
0x45e: {  	v18 =	vmul.f32 v18, v5;
	v16 =	vadd.f32 v22, v16;
	v21 =	vld [tilespmem:s17+$0xFFFFFFA0]  }
0x45f: {  	v11 =	vadd.f32 v11, v12;
	v12 =	vmul.f32 v19, v2;
	v19 =	vld [tilespmem:s17+$0xFFFFFFB0]  }
0x460: {  	v20 =	vmul.f32 v20, v6;
	v15 =	vadd.f32 v16, v15;
	v13 =	vadd.f32 v18, v13;
	v16 =	vld [tilespmem:s17+$0xFFFFFFC0]  }
0x461: {  	v17 =	vmul.f32 v17, v0;
	v18 =	vld [tilespmem:s17+$0xFFFFFFD0];
	(xrf2) =	vadd.scan.msk.f32 $0xffff, v11  }
0x462: {  	s18 =	sadd.s32 $0x89, s9;
	v11 =	vadd.f32 v20, v12;
	v12 =	vmul.f32 v14, v1;
	v14 =	vld [tilespmem:s17+$0xFFFFFFE0]  }
0x463: {  	v20 =	vmov s18;
	v21 =	vmul.f32 v21, v3;
	v22 =	vld [tilespmem:s17+$0xFFFFFFF0]  }
0x464: {  	v11 =	vadd.f32 v11, v13;
	v13 =	vmul.f32 v19, v7;
	v12 =	vadd.f32 v12, v17;
	v17 =	vld [tilespmem:s17+$0x0]  }
0x465: {  	v19 =	vand.u32 $0xFFFFFFF9, v20;
	v16 =	vmul.f32 v16, v4;
	v20 =	vld [tilespmem:s17+$0x10]  }
0x466: {  	v11 =	vadd.f32 v11, v15;
	v15 =	vmul.f32 v18, v5;
	v13 =	vadd.f32 v13, v21;
	v18 =	vld [tilespmem:s17+$0x20]  }
0x467: {  	v19 =	vbroadcast v19, $0x0;
	v14 =	vmul.f32 v14, v2;
	v21 =	vld [tilespmem:s17+$0x30]  }
0x468: {  	v22 =	vmul.f32 v22, v6;
	v12 =	vadd.f32 v13, v12;
	v13 =	vadd.f32 v15, v16;
	v15 =	vld [tilespmem:s17+$0x40];
	(xrf2) =	vadd.scan.msk.f32 $0xffff, v11  }
0x469: {  	s18 =	sadd.s32 $0x8A, s9;
	v11 =	vmul.f32 v17, v0;
	v16 =	vld [tilespmem:s17+$0x50]  }
0x46a: {  	v17 =	vmov s18;
	v14 =	vadd.f32 v22, v14;
	v20 =	vmul.f32 v20, v1;
	v22 =	vld [tilespmem:s17+$0x60]  }
0x46b: {  	v17 =	vand.u32 $0xFFFFFFFA, v17;
	v18 =	vmul.f32 v18, v3;
	v23 =	vld [tilespmem:s17+$0x70];
	v24, _, _ =	vpop (xrf2)  }
0x46c: {  	v13 =	vadd.f32 v14, v13;
	v14 =	vmul.f32 v21, v7;
	v11 =	vadd.f32 v20, v11;
	v20 =	vld [tilespmem:s17+$0x80]  }
0x46d: {  	v17 =	vbroadcast v17, $0x0;
	[tilespmem:v19+s31+$0x0] =	vst.idx.msk vm0, v24;
	v15 =	vmul.f32 v15, v4;
	v19 =	vld [tilespmem:s17+$0x90]  }
0x46e: {  	v12 =	vadd.f32 v13, v12;
	v13 =	vmul.f32 v16, v5;
	v14 =	vadd.f32 v14, v18;
	v16 =	vld [tilespmem:s17+$0xA0]  }
0x46f: {  	v18 =	vmul.f32 v22, v2;
	v21 =	vld [tilespmem:s17+$0xB0]  }
0x470: {  	v22 =	vmul.f32 v23, v6;
	v11 =	vadd.f32 v14, v11;
	v13 =	vadd.f32 v13, v15;
	v14 =	vld [tilespmem:s17+$0xC0];
	(xrf2) =	vadd.scan.msk.f32 $0xffff, v12  }
0x471: {  	s18 =	sadd.s32 $0x8B, s9;
	v12 =	vmul.f32 v20, v0;
	v15 =	vld [tilespmem:s17+$0xD0]  }
0x472: {  	v20 =	vmov s18;
	v18 =	vadd.f32 v22, v18;
	v19 =	vmul.f32 v19, v1;
	v22 =	vld [tilespmem:s17+$0xE0];
	v23, _, _ =	vpop (xrf2)  }
0x473: {  	[tilespmem:v17+s31+$0x0] =	vst.idx.msk vm0, v23;
	v17 =	vand.u32 $0xFFFFFFFB, v20;
	v16 =	vmul.f32 v16, v3;
	v20 =	vld [tilespmem:s17+$0xF0]  }
0x474: {  	v13 =	vadd.f32 v18, v13;
	v18 =	vmul.f32 v21, v7;
	v12 =	vadd.f32 v19, v12;
	v19 =	vld [tilespmem:s17+$0x100]  }
0x475: {  	v17 =	vbroadcast v17, $0x0;
	v14 =	vmul.f32 v14, v4;
	v21 =	vld [tilespmem:s17+$0x110]  }
0x476: {  	v13 =	vadd.f32 v13, v11;
	v15 =	vmul.f32 v15, v5;
	v11 =	vadd.f32 v18, v16;
	v16 =	vld [tilespmem:s17+$0x120]  }
0x477: {  	v25 =	vmul.f32 v22, v2;
	v22 =	vld [tilespmem:s17+$0x130]  }
.Ltmp5:
0x478: {  	v20 =	vmul.f32 v20, v6;
	v11 =	vadd.f32 v11, v12;
	v23 =	vadd.f32 v15, v14;
	v12 =	vld [tilespmem:s17+$0x140];
	(xrf2) =	vadd.scan.msk.f32 $0xffff, v13;
	(pc) =	sbr.rel @p1 .LBB2_13-.Ltmp5, $4  }
0x479: {  	s18 =	sadd.s32 $0x8C, s9;
	v19 =	vmul.f32 v19, v0;
	v13 =	vld [tilespmem:s17+$0x150]  }
0x47a: {  	v14 =	vmov s18;
	v20 =	vadd.f32 v20, v25;
	v24 =	vmul.f32 v21, v1;
	v15 =	vld [tilespmem:s17+$0x160];
	v18, _, _ =	vpop (xrf2)  }
0x47b: {  	v14 =	vand.u32 $0xFFFFFFFC, v14;
	[tilespmem:v17+s31+$0x0] =	vst.idx.msk vm0, v18;
	v18 =	vmul.f32 v16, v3;
	v16 =	vld [tilespmem:s17+$0x170]  }
0x47c: {  	v17 =	vld [tilespmem:s17+$0xFFFFFE00];
	v20 =	vadd.f32 v20, v23;
	v21 =	vmul.f32 v22, v7;
	v19 =	vadd.f32 v24, v19;
	s17 =	sadd.s32 $0x400, s17  }
0x47d: {  	_ =	sdelay $0x2  }
0x47e: {  	v1 =	vmul.f32 v12, v4  }
0x47f: {  	v3 =	vmul.f32 v13, v5;
	v0 =	vmul.f32 v17, v0  }
0x480: {  	v2 =	vmul.f32 v15, v2;
	v4 =	vmul.f32 v16, v6  }
0x481: {  	v5 =	vadd.f32 v21, v18;
	v0 =	vadd.f32 v10, v0  }
0x482: {  	v1 =	vadd.f32 v3, v1;
	v2 =	vadd.f32 v4, v2  }
0x483: {  	v3 =	vadd.f32 v20, v11;
	v0 =	vadd.f32 v8, v0  }
0x484: {  	v4 =	vadd.f32 v5, v19;
	v1 =	vadd.f32 v2, v1  }
0x485: {  	v0 =	vadd.f32 v9, v0  }
0x486: {  	(xrf2) =	vadd.scan.msk.f32 $0xffff, v3;
	v1 =	vadd.f32 v1, v4  }
0x487: {  	(xrf2) =	vadd.scan.msk.f32 $0xffff, v0  }
0x488: {  	s11 =	sadd.s32 $0x8D, s9;
	(xrf2) =	vadd.scan.msk.f32 $0xffff, v1  }
0x489: {  	s28 =	sadd.s32 $0x88, s9;
	v0 =	vmov s11  }
0x48a: {  	s30 =	sadd.s32 $0x8E, s9;
	v2 =	vmov s28;
	v1 =	vbroadcast v14, $0x0;
	v0 =	vand.u32 $0xFFFFFFFD, v0  }
0x48b: {  	v3 =	vmov s30;
	v2 =	vand.u32 $0xFFFFFFF8, v2;
	v0 =	vbroadcast v0, $0x0  }
0x48c: {  	v3 =	vand.u32 $0xFFFFFFFE, v3;
	v2 =	vbroadcast v2, $0x0  }
0x48d: {  	v3 =	vbroadcast v3, $0x0;
	_ =	sdelay $0x1  }
0x48e: {  	v4, _, _ =	vpop (xrf2)  }
0x48f: {  	[tilespmem:v1+s31+$0x0] =	vst.idx.msk vm0, v4;
	v1, _, _ =	vpop (xrf2)  }
0x490: {  	[tilespmem:v0+s31+$0x0] =	vst.idx.msk vm0, v1;
	v0, _, _ =	vpop (xrf2)  }
0x491: {  	[tilespmem:v2+s31+$0x0] =	vst.idx.msk vm0, v0;
	v0, _, _ =	vpop (xrf2)  }
0x492: {  	s9 =	simm.s32 @!p0 $0x5;
	[tilespmem:v3+s31+$0x0] =	vst.idx.msk vm0, v0  }
0x493: {  	_ =	swait.ge @!p0 [sflag:s9], $0x200  }
0x494: {  	[sflag:s9] =	ssyncset.done @!p0 $0x0  }
0x495: {  	[sflag:s9] =	ssyncadd.s32 @!p0 $0xFFFFFE00  }
0x496: {  	_ =	swait.ge @!p0 [sflag:s9], $0x80  }
0x497: {  	s17 =	simm.s32 @!p0 $0x500;
	[sflag:s9] =	ssyncset.done @!p0 $0x0  }
0x498: {  	s11 =	simm.s32 @!p0 $0x0;
	[sflag:s9] =	ssyncadd.s32 @!p0 $0xFFFFFF80;
	s9 =	simm.s32 @!p0 $0x80  }
0x499: {  	[tilespmem:s17], [sflag:$0x1] =	stream.indirect.gather @!p0 [hbm4b:s3+s9], $0x80, s11, s9, $0xb8;
	[tilespmem:$0x10900] =	vst v63  }
0x49a: {  	_ =	swait.ge [sflag:s26], $0x4000  }
0x49b: {  	[sflag:s26] =	ssyncset.done $0x0  }
0x49c: {  	[sflag:s26] =	ssyncadd.s32 $0xFFFFC000  }
0x49d: {  	v0 =	vld [tilespmem:$0x480]  }
0x49e: {  	v1 =	vld [tilespmem:$0x490]  }
0x49f: {  	v3 =	vld [tilespmem:$0x4A0]  }
0x4a0: {  	v7 =	vld [tilespmem:$0x4B0]  }
0x4a1: {  	v4 =	vld [tilespmem:$0x4C0]  }
0x4a2: {  	v5 =	vld [tilespmem:$0x4D0]  }
0x4a3: {  	v2 =	vld [tilespmem:$0x4E0]  }
0x4a4: {  	s17 =	simm.s32 $0x8700;
	v6 =	vld [tilespmem:$0x4F0]  }
0x4a5: {  	v8 =	vld [tilespmem:s17+$0x180]  }
0x4a6: {  	v9 =	vld [tilespmem:s17+$0x190]  }
0x4a7: {  	v11 =	vld [tilespmem:s17+$0x1A0]  }
0x4a8: {  	v12 =	vld [tilespmem:s17+$0x1B0]  }
0x4a9: {  	v13 =	vld [tilespmem:s17+$0x1C0]  }
0x4aa: {  	v14 =	vld [tilespmem:s17+$0x1D0]  }
0x4ab: {  	v15 =	vld [tilespmem:s17+$0x1E0]  }
0x4ac: {  	v16 =	vld [tilespmem:s17+$0x1F0]  }
0x4ad: {  	v17 =	vld [tilespmem:s17+$0xFFFFFE20]  }
0x4ae: {  	v18 =	vld [tilespmem:s17+$0xFFFFFE30]  }
0x4af: {  	v19 =	vld [tilespmem:s17+$0xFFFFFE40]  }
0x4b0: {  	v20 =	vld [tilespmem:s17+$0xFFFFFE50]  }
0x4b1: {  	v21 =	vld [tilespmem:s17+$0xFFFFFE60]  }
0x4b2: {  	v22 =	vld [tilespmem:s17+$0xFFFFFE70]  }
0x4b3: {  	v23 =	vld [tilespmem:s17+$0xFFFFFE80]  }
0x4b4: {  	v24 =	vld [tilespmem:s17+$0xFFFFFE90]  }
0x4b5: {  	v25 =	vld [tilespmem:s17+$0xFFFFFEA0]  }
0x4b6: {  	v26 =	vld [tilespmem:s17+$0xFFFFFEB0]  }
0x4b7: {  	v27 =	vld [tilespmem:s17+$0xFFFFFEC0]  }
0x4b8: {  	v29 =	vld [tilespmem:s17+$0xFFFFFEE0]  }
0x4b9: {  	v30 =	vld [tilespmem:s17+$0xFFFFFEF0]  }
0x4ba: {  	v32 =	vld [tilespmem:s17+$0xFFFFFF10];
	v8 =	vmul.f32 v8, v0  }
0x4bb: {  	v33 =	vld [tilespmem:s17+$0xFFFFFF20];
	v9 =	vmul.f32 v9, v1;
	v11 =	vmul.f32 v11, v3  }
0x4bc: {  	v28 =	vld [tilespmem:s17+$0xFFFFFED0];
	v12 =	vmul.f32 v12, v7;
	v13 =	vmul.f32 v13, v4  }
0x4bd: {  	v31 =	vld [tilespmem:s17+$0xFFFFFF00];
	v14 =	vmul.f32 v14, v5;
	v15 =	vmul.f32 v15, v2  }
0x4be: {  	v41 =	vld [tilespmem:s17+$0xFFFFFF80];
	v16 =	vmul.f32 v16, v6;
	v42 =	vmul.f32 v29, v2  }
0x4bf: {  	v45 =	vld [tilespmem:s17+$0xFFFFFFD0];
	v43 =	vmul.f32 v30, v6;
	v44 =	vmul.f32 v32, v1;
	v8 =	vadd.f32 v9, v8  }
0x4c0: {  	v47 =	vld [tilespmem:s17+$0xFFFFFFE0];
	v46 =	vmul.f32 v33, v3;
	v9 =	vadd.f32 v12, v11;
	v11 =	vadd.f32 v14, v13  }
0x4c1: {  	v12 =	vld [tilespmem:s17+$0xFFFFFF30];
	v13 =	vmul.f32 v17, v3;
	v14 =	vadd.f32 v16, v15;
	v15 =	vmul.f32 v18, v7  }
0x4c2: {  	v16 =	vld [tilespmem:s17+$0xFFFFFF40];
	v17 =	vmul.f32 v19, v4;
	v18 =	vmul.f32 v20, v5  }
0x4c3: {  	v19 =	vld [tilespmem:s17+$0xFFFFFF50];
	v20 =	vmul.f32 v22, v6;
	v9 =	vadd.f32 v9, v8;
	v11 =	vadd.f32 v14, v11  }
0x4c4: {  	v48 =	vld [tilespmem:s17+$0xFFFFFFF0];
	v14 =	vmul.f32 v21, v2;
	v8 =	vadd.f32 v15, v13;
	v13 =	vmul.f32 v23, v0  }
0x4c5: {  	v22 =	vld [tilespmem:s17+$0xFFFFFF70];
	v15 =	vmul.f32 v24, v1;
	v23 =	vmul.f32 v26, v7;
	v17 =	vadd.f32 v18, v17  }
0x4c6: {  	v21 =	vld [tilespmem:s17+$0xFFFFFF60];
	v24 =	vmul.f32 v41, v0;
	v11 =	vadd.f32 v11, v9;
	v9 =	vmul.f32 v25, v3  }
0x4c7: {  	v18 =	vld [tilespmem:s17+$0xFFFFFF90];
	v14 =	vadd.f32 v20, v14;
	v13 =	vadd.f32 v15, v13;
	v12 =	vmul.f32 v12, v7  }
0x4c8: {  	v49 =	vld [tilespmem:s17+$0x0];
	v16 =	vmul.f32 v16, v4;
	v19 =	vmul.f32 v19, v5;
	v15 =	vadd.f32 v23, v9  }
0x4c9: {  	v20 =	vld [tilespmem:s17+$0xFFFFFFA0];
	v9 =	vadd.f32 v14, v17;
	v14 =	vmul.f32 v27, v4;
	v17 =	vmul.f32 v28, v5  }
0x4ca: {  	v25 =	vadd.f32 v43, v42;
	v22 =	vmul.f32 v22, v6;
	v23 =	vld [tilespmem:s17+$0xFFFFFFB0];
	v27 =	vmul.f32 v48, v6  }
0x4cb: {  	v21 =	vmul.f32 v21, v2;
	v13 =	vadd.f32 v15, v13;
	v15 =	vld [tilespmem:s17+$0xFFFFFFC0];
	v14 =	vadd.f32 v17, v14  }
0x4cc: {  	v50 =	vld [tilespmem:s17+$0x10];
	v12 =	vadd.f32 v12, v46;
	v18 =	vmul.f32 v18, v1;
	v17 =	vmul.f32 v31, v0  }
0x4cd: {  	v51 =	vld [tilespmem:s17+$0x30];
	v16 =	vadd.f32 v19, v16;
	v19 =	vmul.f32 v45, v5;
	v14 =	vadd.f32 v25, v14  }
0x4ce: {  	v52 =	vld [tilespmem:s17+$0x40];
	v21 =	vadd.f32 v22, v21;
	v22 =	vmul.f32 v47, v2;
	v17 =	vadd.f32 v44, v17  }
0x4cf: {  	v54 =	vld [tilespmem:s17+$0xB0];
	v13 =	vadd.f32 v14, v13;
	v14 =	vmul.f32 v20, v3;
	v20 =	vmul.f32 v23, v7  }
0x4d0: {  	s28 =	simm.s32 $0x103;
	(xrf2) =	vadd.scan.msk.f32 $0xffff, v11;
	v18 =	vadd.f32 v18, v24;
	v16 =	vadd.f32 v21, v16;
	v23 =	vld [tilespmem:s17+$0x20];
	v15 =	vmul.f32 v15, v4  }
0x4d1: {  	v57 =	vmov s28;
	v12 =	vadd.f32 v12, v17;
	v17 =	vld [tilespmem:s17+$0x70];
	v14 =	vadd.f32 v20, v14;
	(xrf2) =	vadd.scan.msk.f32 $0xffff, v13  }
0x4d2: {  	v53 =	vmul.f32 v51, v7;
	v20 =	vld [tilespmem:s17+$0x50];
	v11 =	vadd.f32 v19, v15;
	v15 =	vadd.f32 v27, v22  }
0x4d3: {  	s11 =	simm.s32 $0x101;
	v55 =	vmul.f32 v52, v4;
	v21 =	vmul.f32 v49, v0;
	v12 =	vadd.f32 v16, v12;
	v19 =	vld [tilespmem:s17+$0x60]  }
0x4d4: {  	s18 =	simm.s32 $0x107;
	v13 =	vmov s11;
	v16 =	vld [tilespmem:s17+$0x90];
	v14 =	vadd.f32 v14, v18;
	v11 =	vadd.f32 v15, v11  }
0x4d5: {  	s22 =	simm.s32 $0x102;
	v13 =	vand.u32 $0xFFFFFFF9, v13;
	v22 =	vmul.f32 v50, v1;
	v18 =	vmov s18;
	v15 =	vld [tilespmem:s17+$0x80]  }
0x4d6: {  	v13 =	vbroadcast v13, $0x0;
	(xrf2) =	vadd.scan.msk.f32 $0xffff, v12;
	v12 =	vmov s22;
	v11 =	vadd.f32 v11, v14;
	v14 =	vld [tilespmem:s17+$0xA0]  }
0x4d7: {  	v56 =	vld [tilespmem:s17+$0xC0];
	v23 =	vmul.f32 v23, v3;
	v12 =	vand.u32 $0xFFFFFFFA, v12;
	v17 =	vmul.f32 v17, v6  }
0x4d8: {  	v20 =	vmul.f32 v20, v5;
	v19 =	vmul.f32 v19, v2;
	(xrf2) =	vadd.scan.msk.f32 $0xffff, v11;
	v11 =	vadd.f32 v22, v21;
	v21 =	vld [tilespmem:s17+$0xD0]  }
0x4d9: {  	v16 =	vmul.f32 v16, v1;
	v22 =	vbroadcast v12, $0x0;
	v12 =	vadd.f32 v53, v23;
	v23 =	vld [tilespmem:s17+$0xE0]  }
0x4da: {  	v58, _, _ =	vpop (xrf2);
	v20 =	vadd.f32 v20, v55;
	v15 =	vmul.f32 v15, v0;
	v17 =	vadd.f32 v17, v19;
	v19 =	vld [tilespmem:s17+$0xF0]  }
0x4db: {  	v10 =	vld [tilespmem:s17+$0xFFFFFE10];
	v11 =	vadd.f32 v12, v11;
	v12 =	vmul.f32 v54, v7;
	v14 =	vmul.f32 v14, v3;
	v60, _, _ =	vpop (xrf2)  }
0x4dc: {  	v59 =	vld [tilespmem:s17+$0x100];
	v24 =	vand.u32 $0xFFFFFFFB, v57;
	[tilespmem:v13+s31+$0x0] =	vst.idx.msk vm0, v60;
	v13 =	vadd.f32 v17, v20  }
0x4dd: {  	v61 =	vld [tilespmem:s17+$0x110];
	[tilespmem:v18+s31+$0x0] =	vst.idx.msk vm0, v58;
	v18 =	vbroadcast v24, $0x0;
	v15 =	vadd.f32 v16, v15;
	v14 =	vadd.f32 v12, v14  }
0x4de: {  	v16 =	vld [tilespmem:s17+$0x120];
	v17 =	vmul.f32 v56, v4;
	v20 =	vmul.f32 v21, v5;
	v62 =	vadd.f32 v13, v11  }
0x4df: {  	v21 =	vld [tilespmem:s17+$0x130];
	v23 =	vmul.f32 v23, v2;
	v19 =	vmul.f32 v19, v6  }
0x4e0: {  	v12 =	vld [tilespmem:s17+$0x140];
	v11 =	vadd.f32 v14, v15;
	(xrf2) =	vadd.scan.msk.f32 $0xffff, v62  }
0x4e1: {  	v63 =	vmul.f32 v59, v0;
	v13 =	vld [tilespmem:s17+$0x150];
	v20 =	vadd.f32 v20, v17;
	v19 =	vadd.f32 v19, v23;
	v14, _, _ =	vpop (xrf2)  }
0x4e2: {  	s30 =	simm.s32 $0x104;
	v10 =	vmul.f32 v10, v1;
	v15 =	vld [tilespmem:s17+$0x160];
	[tilespmem:v22+s31+$0x0] =	vst.idx.msk vm0, v14;
	v22 =	vmul.f32 v61, v1;
	v17, _, _ =	vpop (xrf2)  }
0x4e3: {  	v14 =	vmov s30;
	v20 =	vadd.f32 v19, v20;
	[tilespmem:v18+s31+$0x0] =	vst.idx.msk vm0, v17;
	v18 =	vmul.f32 v16, v3;
	v16 =	vld [tilespmem:s17+$0x170]  }
0x4e4: {  	s9 =	simm.s32 $0xFFFFFFF8;
	s11 =	simm.s32 $0x0;
	v21 =	vmul.f32 v21, v7;
	v14 =	vand.u32 $0xFFFFFFFC, v14;
	v17 =	vld [tilespmem:s17+$0xFFFFFE00];
	s17 =	simm.s32 $0x8B00;
	v19 =	vadd.f32 v22, v63  }
.LBB2_15:
0x4e5: {  	v22 =	vld [tilespmem:s17+$0x180];
	v14 =	vbroadcast v14, $0x0;
	v12 =	vmul.f32 v12, v4;
	s18 =	smov.u32 s11  }
0x4e6: {  	v23 =	vld [tilespmem:s17+$0x190];
	v11 =	vadd.f32 v20, v11;
	v13 =	vmul.f32 v13, v5;
	v18 =	vadd.f32 v21, v18  }
0x4e7: {  	v20 =	vld [tilespmem:s17+$0x1A0];
	v15 =	vmul.f32 v15, v2  }
0x4e8: {  	v21 =	vld [tilespmem:s17+$0x1B0];
	v24 =	vmul.f32 v16, v6;
	v18 =	vadd.f32 v18, v19;
	v12 =	vadd.f32 v13, v12;
	(xrf2) =	vadd.scan.msk.f32 $0xffff, v11  }
0x4e9: {  	v11 =	vld [tilespmem:s17+$0x1C0];
	v13 =	vmul.f32 v17, v0  }
0x4ea: {  	s22 =	sadd.s32 $0x10D, s9;
	v17 =	vld [tilespmem:s17+$0x1D0];
	v15 =	vadd.f32 v24, v15;
	v16, _, _ =	vpop (xrf2)  }
0x4eb: {  	v19 =	vld [tilespmem:s17+$0x1E0];
	v10 =	vadd.f32 v10, v13;
	[tilespmem:v14+s31+$0x0] =	vst.idx.msk vm0, v16;
	v13 =	vmov s22  }
0x4ec: {  	s11 =	sadd.s32 $0x8, s11;
	v14 =	vld [tilespmem:s17+$0x1F0];
	v13 =	vand.u32 $0xFFFFFFFD, v13;
	v12 =	vadd.f32 v15, v12  }
0x4ed: {  	p1 =	slt.u32 s11, $0x78;
	v15 =	vld [tilespmem:s17+$0xFFFFFE10];
	v8 =	vadd.f32 v8, v10;
	v13 =	vbroadcast v13, $0x0  }
0x4ee: {  	v22 =	vmul.f32 v22, v0;
	v23 =	vmul.f32 v23, v1;
	v16 =	vld [tilespmem:s17+$0xFFFFFE20];
	v12 =	vadd.f32 v12, v18  }
0x4ef: {  	v20 =	vmul.f32 v20, v3;
	v26 =	vmul.f32 v21, v7;
	v18 =	vld [tilespmem:s17+$0xFFFFFE30];
	v8 =	vadd.f32 v9, v8  }
0x4f0: {  	s22 =	sadd.s32 $0x108, s9;
	v11 =	vmul.f32 v11, v4;
	v17 =	vmul.f32 v17, v5;
	v9 =	vld [tilespmem:s17+$0xFFFFFE40]  }
0x4f1: {  	v25 =	vmov s22;
	v19 =	vmul.f32 v19, v2;
	v24 =	vld [tilespmem:s17+$0xFFFFFE50];
	v14 =	vmul.f32 v14, v6;
	(xrf2) =	vadd.scan.msk.f32 $0xffff, v8  }
0x4f2: {  	v20 =	vadd.f32 v26, v20;
	v8 =	vadd.f32 v23, v22;
	v10 =	vmul.f32 v15, v1;
	v15 =	vld [tilespmem:s17+$0xFFFFFE60];
	v21, _, _ =	vpop (xrf2)  }
0x4f3: {  	s22 =	sadd.s32 $0x10E, s9;
	s9 =	smov.u32 s18;
	v11 =	vadd.f32 v17, v11;
	v16 =	vmul.f32 v16, v3;
	v22 =	vld [tilespmem:s17+$0xFFFFFE70];
	v14 =	vadd.f32 v14, v19  }
0x4f4: {  	v17 =	vmul.f32 v18, v7;
	v18 =	vld [tilespmem:s17+$0xFFFFFE80];
	[tilespmem:v13+s31+$0x0] =	vst.idx.msk vm0, v21;
	v13 =	vmov s22;
	(xrf2) =	vadd.scan.msk.f32 $0xffff, v12  }
0x4f5: {  	v19 =	vadd.f32 v20, v8;
	v9 =	vmul.f32 v9, v4;
	v12 =	vld [tilespmem:s17+$0xFFFFFE90];
	v11 =	vadd.f32 v14, v11  }
0x4f6: {  	v14 =	vmul.f32 v24, v5;
	v8 =	vadd.f32 v17, v16;
	v16 =	vld [tilespmem:s17+$0xFFFFFEA0];
	v17 =	vand.u32 $0xFFFFFFF8, v25  }
0x4f7: {  	v15 =	vmul.f32 v15, v2;
	v20 =	vld [tilespmem:s17+$0xFFFFFEB0];
	v11 =	vadd.f32 v11, v19;
	v17 =	vbroadcast v17, $0x0  }
0x4f8: {  	v13 =	vand.u32 $0xFFFFFFFE, v13;
	v19 =	vmul.f32 v22, v6;
	v9 =	vadd.f32 v14, v9;
	v14 =	vld [tilespmem:s17+$0xFFFFFEC0]  }
0x4f9: {  	v18 =	vmul.f32 v18, v0;
	v21 =	vld [tilespmem:s17+$0xFFFFFED0];
	(xrf2) =	vadd.scan.msk.f32 $0xffff, v11;
	v11 =	vbroadcast v13, $0x0  }
0x4fa: {  	v13 =	vadd.f32 v19, v15;
	v12 =	vmul.f32 v12, v1;
	v15 =	vld [tilespmem:s17+$0xFFFFFEE0]  }
0x4fb: {  	v16 =	vmul.f32 v16, v3;
	v19 =	vld [tilespmem:s17+$0xFFFFFEF0];
	v22, _, _ =	vpop (xrf2)  }
0x4fc: {  	v9 =	vadd.f32 v13, v9;
	v13 =	vmul.f32 v20, v7;
	v12 =	vadd.f32 v12, v18;
	v18 =	vld [tilespmem:s17+$0xFFFFFF00]  }
0x4fd: {  	v14 =	vmul.f32 v14, v4;
	v20 =	vld [tilespmem:s17+$0xFFFFFF10];
	[tilespmem:v17+s31+$0x0] =	vst.idx.msk vm0, v22  }
0x4fe: {  	s18 =	sadd.s32 $0x10F, s9;
	v17 =	vmul.f32 v21, v5;
	v13 =	vadd.f32 v13, v16;
	v16 =	vld [tilespmem:s17+$0xFFFFFF20];
	v21, _, _ =	vpop (xrf2)  }
0x4ff: {  	v23 =	vmov s18;
	v15 =	vmul.f32 v15, v2;
	v22 =	vld [tilespmem:s17+$0xFFFFFF30];
	[tilespmem:v11+s31+$0x0] =	vst.idx.msk vm0, v21  }
0x500: {  	v11 =	vmul.f32 v19, v6;
	v12 =	vadd.f32 v13, v12;
	v13 =	vadd.f32 v17, v14;
	v14 =	vld [tilespmem:s17+$0xFFFFFF40]  }
0x501: {  	v17 =	vmul.f32 v18, v0;
	v18 =	vld [tilespmem:s17+$0xFFFFFF50]  }
0x502: {  	v11 =	vadd.f32 v11, v15;
	v15 =	vmul.f32 v20, v1;
	v19 =	vld [tilespmem:s17+$0xFFFFFF60]  }
0x503: {  	v16 =	vmul.f32 v16, v3;
	v20 =	vld [tilespmem:s17+$0xFFFFFF70];
	v21, _, _ =	vpop (xrf2)  }
0x504: {  	v22 =	vmul.f32 v22, v7;
	v15 =	vadd.f32 v15, v17;
	v17 =	vld [tilespmem:s17+$0xFFFFFF80];
	[tilespmem:v23+s31+$0x0] =	vst.idx.msk vm0, v21  }
0x505: {  	v11 =	vadd.f32 v11, v13;
	v13 =	vmul.f32 v14, v4;
	v14 =	vld [tilespmem:s17+$0xFFFFFF90]  }
0x506: {  	v18 =	vmul.f32 v18, v5;
	v16 =	vadd.f32 v22, v16;
	v21 =	vld [tilespmem:s17+$0xFFFFFFA0]  }
0x507: {  	v11 =	vadd.f32 v11, v12;
	v12 =	vmul.f32 v19, v2;
	v19 =	vld [tilespmem:s17+$0xFFFFFFB0]  }
0x508: {  	v20 =	vmul.f32 v20, v6;
	v15 =	vadd.f32 v16, v15;
	v13 =	vadd.f32 v18, v13;
	v16 =	vld [tilespmem:s17+$0xFFFFFFC0]  }
0x509: {  	v17 =	vmul.f32 v17, v0;
	v18 =	vld [tilespmem:s17+$0xFFFFFFD0];
	(xrf2) =	vadd.scan.msk.f32 $0xffff, v11  }
0x50a: {  	s18 =	sadd.s32 $0x109, s9;
	v11 =	vadd.f32 v20, v12;
	v12 =	vmul.f32 v14, v1;
	v14 =	vld [tilespmem:s17+$0xFFFFFFE0]  }
0x50b: {  	v20 =	vmov s18;
	v21 =	vmul.f32 v21, v3;
	v22 =	vld [tilespmem:s17+$0xFFFFFFF0]  }
0x50c: {  	v11 =	vadd.f32 v11, v13;
	v13 =	vmul.f32 v19, v7;
	v12 =	vadd.f32 v12, v17;
	v17 =	vld [tilespmem:s17+$0x0]  }
0x50d: {  	v19 =	vand.u32 $0xFFFFFFF9, v20;
	v16 =	vmul.f32 v16, v4;
	v20 =	vld [tilespmem:s17+$0x10]  }
0x50e: {  	v11 =	vadd.f32 v11, v15;
	v15 =	vmul.f32 v18, v5;
	v13 =	vadd.f32 v13, v21;
	v18 =	vld [tilespmem:s17+$0x20]  }
0x50f: {  	v19 =	vbroadcast v19, $0x0;
	v14 =	vmul.f32 v14, v2;
	v21 =	vld [tilespmem:s17+$0x30]  }
0x510: {  	v22 =	vmul.f32 v22, v6;
	v12 =	vadd.f32 v13, v12;
	v13 =	vadd.f32 v15, v16;
	v15 =	vld [tilespmem:s17+$0x40];
	(xrf2) =	vadd.scan.msk.f32 $0xffff, v11  }
0x511: {  	s18 =	sadd.s32 $0x10A, s9;
	v11 =	vmul.f32 v17, v0;
	v16 =	vld [tilespmem:s17+$0x50]  }
0x512: {  	v17 =	vmov s18;
	v14 =	vadd.f32 v22, v14;
	v20 =	vmul.f32 v20, v1;
	v22 =	vld [tilespmem:s17+$0x60]  }
0x513: {  	v17 =	vand.u32 $0xFFFFFFFA, v17;
	v18 =	vmul.f32 v18, v3;
	v23 =	vld [tilespmem:s17+$0x70];
	v24, _, _ =	vpop (xrf2)  }
0x514: {  	v13 =	vadd.f32 v14, v13;
	v14 =	vmul.f32 v21, v7;
	v11 =	vadd.f32 v20, v11;
	v20 =	vld [tilespmem:s17+$0x80]  }
0x515: {  	v17 =	vbroadcast v17, $0x0;
	[tilespmem:v19+s31+$0x0] =	vst.idx.msk vm0, v24;
	v15 =	vmul.f32 v15, v4;
	v19 =	vld [tilespmem:s17+$0x90]  }
0x516: {  	v12 =	vadd.f32 v13, v12;
	v13 =	vmul.f32 v16, v5;
	v14 =	vadd.f32 v14, v18;
	v16 =	vld [tilespmem:s17+$0xA0]  }
0x517: {  	v18 =	vmul.f32 v22, v2;
	v21 =	vld [tilespmem:s17+$0xB0]  }
0x518: {  	v22 =	vmul.f32 v23, v6;
	v11 =	vadd.f32 v14, v11;
	v13 =	vadd.f32 v13, v15;
	v14 =	vld [tilespmem:s17+$0xC0];
	(xrf2) =	vadd.scan.msk.f32 $0xffff, v12  }
0x519: {  	s18 =	sadd.s32 $0x10B, s9;
	v12 =	vmul.f32 v20, v0;
	v15 =	vld [tilespmem:s17+$0xD0]  }
0x51a: {  	v20 =	vmov s18;
	v18 =	vadd.f32 v22, v18;
	v19 =	vmul.f32 v19, v1;
	v22 =	vld [tilespmem:s17+$0xE0];
	v23, _, _ =	vpop (xrf2)  }
0x51b: {  	[tilespmem:v17+s31+$0x0] =	vst.idx.msk vm0, v23;
	v17 =	vand.u32 $0xFFFFFFFB, v20;
	v16 =	vmul.f32 v16, v3;
	v20 =	vld [tilespmem:s17+$0xF0]  }
0x51c: {  	v13 =	vadd.f32 v18, v13;
	v18 =	vmul.f32 v21, v7;
	v12 =	vadd.f32 v19, v12;
	v19 =	vld [tilespmem:s17+$0x100]  }
0x51d: {  	v17 =	vbroadcast v17, $0x0;
	v14 =	vmul.f32 v14, v4;
	v21 =	vld [tilespmem:s17+$0x110]  }
0x51e: {  	v13 =	vadd.f32 v13, v11;
	v15 =	vmul.f32 v15, v5;
	v11 =	vadd.f32 v18, v16;
	v16 =	vld [tilespmem:s17+$0x120]  }
0x51f: {  	v25 =	vmul.f32 v22, v2;
	v22 =	vld [tilespmem:s17+$0x130]  }
.Ltmp6:
0x520: {  	v20 =	vmul.f32 v20, v6;
	v11 =	vadd.f32 v11, v12;
	v23 =	vadd.f32 v15, v14;
	v12 =	vld [tilespmem:s17+$0x140];
	(xrf2) =	vadd.scan.msk.f32 $0xffff, v13;
	(pc) =	sbr.rel @p1 .LBB2_15-.Ltmp6, $4  }
0x521: {  	s18 =	sadd.s32 $0x10C, s9;
	v19 =	vmul.f32 v19, v0;
	v13 =	vld [tilespmem:s17+$0x150]  }
0x522: {  	v14 =	vmov s18;
	v20 =	vadd.f32 v20, v25;
	v24 =	vmul.f32 v21, v1;
	v15 =	vld [tilespmem:s17+$0x160];
	v18, _, _ =	vpop (xrf2)  }
0x523: {  	v14 =	vand.u32 $0xFFFFFFFC, v14;
	[tilespmem:v17+s31+$0x0] =	vst.idx.msk vm0, v18;
	v18 =	vmul.f32 v16, v3;
	v16 =	vld [tilespmem:s17+$0x170]  }
0x524: {  	v17 =	vld [tilespmem:s17+$0xFFFFFE00];
	v20 =	vadd.f32 v20, v23;
	v21 =	vmul.f32 v22, v7;
	v19 =	vadd.f32 v24, v19;
	s17 =	sadd.s32 $0x400, s17  }
0x525: {  	_ =	sdelay $0x2  }
0x526: {  	v1 =	vmul.f32 v12, v4  }
0x527: {  	v3 =	vmul.f32 v13, v5;
	v0 =	vmul.f32 v17, v0  }
0x528: {  	v2 =	vmul.f32 v15, v2;
	v4 =	vmul.f32 v16, v6  }
0x529: {  	v5 =	vadd.f32 v21, v18;
	v0 =	vadd.f32 v10, v0  }
0x52a: {  	v1 =	vadd.f32 v3, v1;
	v2 =	vadd.f32 v4, v2  }
0x52b: {  	v3 =	vadd.f32 v20, v11;
	v0 =	vadd.f32 v8, v0  }
0x52c: {  	v4 =	vadd.f32 v5, v19;
	v1 =	vadd.f32 v2, v1  }
0x52d: {  	v0 =	vadd.f32 v9, v0  }
0x52e: {  	(xrf2) =	vadd.scan.msk.f32 $0xffff, v3;
	v1 =	vadd.f32 v1, v4  }
0x52f: {  	(xrf2) =	vadd.scan.msk.f32 $0xffff, v0  }
0x530: {  	s11 =	sadd.s32 $0x10D, s9;
	(xrf2) =	vadd.scan.msk.f32 $0xffff, v1  }
0x531: {  	s28 =	sadd.s32 $0x108, s9;
	v0 =	vmov s11  }
0x532: {  	s30 =	sadd.s32 $0x10E, s9;
	v2 =	vmov s28;
	v1 =	vbroadcast v14, $0x0;
	v0 =	vand.u32 $0xFFFFFFFD, v0  }
0x533: {  	v3 =	vmov s30;
	v2 =	vand.u32 $0xFFFFFFF8, v2;
	v0 =	vbroadcast v0, $0x0  }
0x534: {  	v3 =	vand.u32 $0xFFFFFFFE, v3;
	v2 =	vbroadcast v2, $0x0  }
0x535: {  	v3 =	vbroadcast v3, $0x0;
	_ =	sdelay $0x1  }
0x536: {  	v4, _, _ =	vpop (xrf2)  }
0x537: {  	[tilespmem:v1+s31+$0x0] =	vst.idx.msk vm0, v4;
	v1, _, _ =	vpop (xrf2)  }
0x538: {  	[tilespmem:v0+s31+$0x0] =	vst.idx.msk vm0, v1;
	v0, _, _ =	vpop (xrf2)  }
0x539: {  	[tilespmem:v2+s31+$0x0] =	vst.idx.msk vm0, v0;
	v0, _, _ =	vpop (xrf2)  }
0x53a: {  	[tilespmem:v3+s31+$0x0] =	vst.idx.msk vm0, v0  }
0x53b: {  	_ =	swait.ge [sflag:s29], $0x4000  }
0x53c: {  	[sflag:s29] =	ssyncset.done $0x0  }
0x53d: {  	s9 =	simm.s32 @!p0 $0x80;
	s11 =	simm.s32 @!p0 $0x4500;
	[sflag:s29] =	ssyncadd.s32 $0xFFFFC000  }
0x53e: {  	[tilespmem:s11], [sflag:$0x2] =	stream.indirect.gather @!p0 [hbm4b:s3+s9], $0x80, s9, s9, $0xb8;
	[tilespmem:$0x10900] =	vst v63  }
0x53f: {  	v0 =	vld [tilespmem:$0x480]  }
0x540: {  	v1 =	vld [tilespmem:$0x490]  }
0x541: {  	v3 =	vld [tilespmem:$0x4A0]  }
0x542: {  	v7 =	vld [tilespmem:$0x4B0]  }
0x543: {  	v4 =	vld [tilespmem:$0x4C0]  }
0x544: {  	v5 =	vld [tilespmem:$0x4D0]  }
0x545: {  	v2 =	vld [tilespmem:$0x4E0]  }
0x546: {  	s17 =	simm.s32 $0xC700;
	v6 =	vld [tilespmem:$0x4F0]  }
0x547: {  	v8 =	vld [tilespmem:s17+$0x180]  }
0x548: {  	v9 =	vld [tilespmem:s17+$0x190]  }
0x549: {  	v11 =	vld [tilespmem:s17+$0x1A0]  }
0x54a: {  	v12 =	vld [tilespmem:s17+$0x1B0]  }
0x54b: {  	v13 =	vld [tilespmem:s17+$0x1C0]  }
0x54c: {  	v14 =	vld [tilespmem:s17+$0x1D0]  }
0x54d: {  	v15 =	vld [tilespmem:s17+$0x1E0]  }
0x54e: {  	v16 =	vld [tilespmem:s17+$0x1F0]  }
0x54f: {  	v17 =	vld [tilespmem:s17+$0xFFFFFE20]  }
0x550: {  	v18 =	vld [tilespmem:s17+$0xFFFFFE30]  }
0x551: {  	v19 =	vld [tilespmem:s17+$0xFFFFFE40]  }
0x552: {  	v20 =	vld [tilespmem:s17+$0xFFFFFE50]  }
0x553: {  	v21 =	vld [tilespmem:s17+$0xFFFFFE60]  }
0x554: {  	v22 =	vld [tilespmem:s17+$0xFFFFFE70]  }
0x555: {  	v23 =	vld [tilespmem:s17+$0xFFFFFE80]  }
0x556: {  	v24 =	vld [tilespmem:s17+$0xFFFFFE90]  }
0x557: {  	v25 =	vld [tilespmem:s17+$0xFFFFFEA0]  }
0x558: {  	v26 =	vld [tilespmem:s17+$0xFFFFFEB0]  }
0x559: {  	v27 =	vld [tilespmem:s17+$0xFFFFFEC0]  }
0x55a: {  	v29 =	vld [tilespmem:s17+$0xFFFFFEE0]  }
0x55b: {  	v30 =	vld [tilespmem:s17+$0xFFFFFEF0]  }
0x55c: {  	v32 =	vld [tilespmem:s17+$0xFFFFFF10];
	v8 =	vmul.f32 v8, v0  }
0x55d: {  	v33 =	vld [tilespmem:s17+$0xFFFFFF20];
	v9 =	vmul.f32 v9, v1;
	v11 =	vmul.f32 v11, v3  }
0x55e: {  	v28 =	vld [tilespmem:s17+$0xFFFFFED0];
	v12 =	vmul.f32 v12, v7;
	v13 =	vmul.f32 v13, v4  }
0x55f: {  	v31 =	vld [tilespmem:s17+$0xFFFFFF00];
	v14 =	vmul.f32 v14, v5;
	v15 =	vmul.f32 v15, v2  }
0x560: {  	v41 =	vld [tilespmem:s17+$0xFFFFFF80];
	v16 =	vmul.f32 v16, v6;
	v42 =	vmul.f32 v29, v2  }
0x561: {  	v45 =	vld [tilespmem:s17+$0xFFFFFFD0];
	v43 =	vmul.f32 v30, v6;
	v44 =	vmul.f32 v32, v1;
	v8 =	vadd.f32 v9, v8  }
0x562: {  	v47 =	vld [tilespmem:s17+$0xFFFFFFE0];
	v46 =	vmul.f32 v33, v3;
	v9 =	vadd.f32 v12, v11;
	v11 =	vadd.f32 v14, v13  }
0x563: {  	v12 =	vld [tilespmem:s17+$0xFFFFFF30];
	v13 =	vmul.f32 v17, v3;
	v14 =	vadd.f32 v16, v15;
	v15 =	vmul.f32 v18, v7  }
0x564: {  	v16 =	vld [tilespmem:s17+$0xFFFFFF40];
	v17 =	vmul.f32 v19, v4;
	v18 =	vmul.f32 v20, v5  }
0x565: {  	v19 =	vld [tilespmem:s17+$0xFFFFFF50];
	v20 =	vmul.f32 v22, v6;
	v9 =	vadd.f32 v9, v8;
	v11 =	vadd.f32 v14, v11  }
0x566: {  	v48 =	vld [tilespmem:s17+$0xFFFFFFF0];
	v14 =	vmul.f32 v21, v2;
	v8 =	vadd.f32 v15, v13;
	v13 =	vmul.f32 v23, v0  }
0x567: {  	v22 =	vld [tilespmem:s17+$0xFFFFFF70];
	v15 =	vmul.f32 v24, v1;
	v23 =	vmul.f32 v26, v7;
	v17 =	vadd.f32 v18, v17  }
0x568: {  	v21 =	vld [tilespmem:s17+$0xFFFFFF60];
	v24 =	vmul.f32 v41, v0;
	v11 =	vadd.f32 v11, v9;
	v9 =	vmul.f32 v25, v3  }
0x569: {  	v18 =	vld [tilespmem:s17+$0xFFFFFF90];
	v14 =	vadd.f32 v20, v14;
	v13 =	vadd.f32 v15, v13;
	v12 =	vmul.f32 v12, v7  }
0x56a: {  	v49 =	vld [tilespmem:s17+$0x0];
	v16 =	vmul.f32 v16, v4;
	v19 =	vmul.f32 v19, v5;
	v15 =	vadd.f32 v23, v9  }
0x56b: {  	v20 =	vld [tilespmem:s17+$0xFFFFFFA0];
	v9 =	vadd.f32 v14, v17;
	v14 =	vmul.f32 v27, v4;
	v17 =	vmul.f32 v28, v5  }
0x56c: {  	v25 =	vadd.f32 v43, v42;
	v22 =	vmul.f32 v22, v6;
	v23 =	vld [tilespmem:s17+$0xFFFFFFB0];
	v27 =	vmul.f32 v48, v6  }
0x56d: {  	v21 =	vmul.f32 v21, v2;
	v13 =	vadd.f32 v15, v13;
	v15 =	vld [tilespmem:s17+$0xFFFFFFC0];
	v14 =	vadd.f32 v17, v14  }
0x56e: {  	v50 =	vld [tilespmem:s17+$0x10];
	v12 =	vadd.f32 v12, v46;
	v18 =	vmul.f32 v18, v1;
	v17 =	vmul.f32 v31, v0  }
0x56f: {  	v51 =	vld [tilespmem:s17+$0x30];
	v16 =	vadd.f32 v19, v16;
	v19 =	vmul.f32 v45, v5;
	v14 =	vadd.f32 v25, v14  }
0x570: {  	v52 =	vld [tilespmem:s17+$0x40];
	v21 =	vadd.f32 v22, v21;
	v22 =	vmul.f32 v47, v2;
	v17 =	vadd.f32 v44, v17  }
0x571: {  	v54 =	vld [tilespmem:s17+$0xB0];
	v13 =	vadd.f32 v14, v13;
	v14 =	vmul.f32 v20, v3;
	v20 =	vmul.f32 v23, v7  }
0x572: {  	s28 =	simm.s32 $0x183;
	(xrf2) =	vadd.scan.msk.f32 $0xffff, v11;
	v18 =	vadd.f32 v18, v24;
	v16 =	vadd.f32 v21, v16;
	v23 =	vld [tilespmem:s17+$0x20];
	v15 =	vmul.f32 v15, v4  }
0x573: {  	v57 =	vmov s28;
	v12 =	vadd.f32 v12, v17;
	v17 =	vld [tilespmem:s17+$0x70];
	v14 =	vadd.f32 v20, v14;
	(xrf2) =	vadd.scan.msk.f32 $0xffff, v13  }
0x574: {  	v53 =	vmul.f32 v51, v7;
	v20 =	vld [tilespmem:s17+$0x50];
	v11 =	vadd.f32 v19, v15;
	v15 =	vadd.f32 v27, v22  }
0x575: {  	s11 =	simm.s32 $0x181;
	v55 =	vmul.f32 v52, v4;
	v21 =	vmul.f32 v49, v0;
	v12 =	vadd.f32 v16, v12;
	v19 =	vld [tilespmem:s17+$0x60]  }
0x576: {  	s18 =	simm.s32 $0x187;
	v13 =	vmov s11;
	v16 =	vld [tilespmem:s17+$0x90];
	v14 =	vadd.f32 v14, v18;
	v11 =	vadd.f32 v15, v11  }
0x577: {  	s22 =	simm.s32 $0x182;
	v13 =	vand.u32 $0xFFFFFFF9, v13;
	v22 =	vmul.f32 v50, v1;
	v18 =	vmov s18;
	v15 =	vld [tilespmem:s17+$0x80]  }
0x578: {  	v13 =	vbroadcast v13, $0x0;
	(xrf2) =	vadd.scan.msk.f32 $0xffff, v12;
	v12 =	vmov s22;
	v11 =	vadd.f32 v11, v14;
	v14 =	vld [tilespmem:s17+$0xA0]  }
0x579: {  	v56 =	vld [tilespmem:s17+$0xC0];
	v23 =	vmul.f32 v23, v3;
	v12 =	vand.u32 $0xFFFFFFFA, v12;
	v17 =	vmul.f32 v17, v6  }
0x57a: {  	v20 =	vmul.f32 v20, v5;
	v19 =	vmul.f32 v19, v2;
	(xrf2) =	vadd.scan.msk.f32 $0xffff, v11;
	v11 =	vadd.f32 v22, v21;
	v21 =	vld [tilespmem:s17+$0xD0]  }
0x57b: {  	v16 =	vmul.f32 v16, v1;
	v22 =	vbroadcast v12, $0x0;
	v12 =	vadd.f32 v53, v23;
	v23 =	vld [tilespmem:s17+$0xE0]  }
0x57c: {  	v58, _, _ =	vpop (xrf2);
	v20 =	vadd.f32 v20, v55;
	v15 =	vmul.f32 v15, v0;
	v17 =	vadd.f32 v17, v19;
	v19 =	vld [tilespmem:s17+$0xF0]  }
0x57d: {  	v10 =	vld [tilespmem:s17+$0xFFFFFE10];
	v11 =	vadd.f32 v12, v11;
	v12 =	vmul.f32 v54, v7;
	v14 =	vmul.f32 v14, v3;
	v60, _, _ =	vpop (xrf2)  }
0x57e: {  	v59 =	vld [tilespmem:s17+$0x100];
	v24 =	vand.u32 $0xFFFFFFFB, v57;
	[tilespmem:v13+s31+$0x0] =	vst.idx.msk vm0, v60;
	v13 =	vadd.f32 v17, v20  }
0x57f: {  	v61 =	vld [tilespmem:s17+$0x110];
	[tilespmem:v18+s31+$0x0] =	vst.idx.msk vm0, v58;
	v18 =	vbroadcast v24, $0x0;
	v15 =	vadd.f32 v16, v15;
	v14 =	vadd.f32 v12, v14  }
0x580: {  	v16 =	vld [tilespmem:s17+$0x120];
	v17 =	vmul.f32 v56, v4;
	v20 =	vmul.f32 v21, v5;
	v62 =	vadd.f32 v13, v11  }
0x581: {  	v21 =	vld [tilespmem:s17+$0x130];
	v23 =	vmul.f32 v23, v2;
	v19 =	vmul.f32 v19, v6  }
0x582: {  	v12 =	vld [tilespmem:s17+$0x140];
	v11 =	vadd.f32 v14, v15;
	(xrf2) =	vadd.scan.msk.f32 $0xffff, v62  }
0x583: {  	v63 =	vmul.f32 v59, v0;
	v13 =	vld [tilespmem:s17+$0x150];
	v20 =	vadd.f32 v20, v17;
	v19 =	vadd.f32 v19, v23;
	v14, _, _ =	vpop (xrf2)  }
0x584: {  	s30 =	simm.s32 $0x184;
	v10 =	vmul.f32 v10, v1;
	v15 =	vld [tilespmem:s17+$0x160];
	[tilespmem:v22+s31+$0x0] =	vst.idx.msk vm0, v14;
	v22 =	vmul.f32 v61, v1;
	v17, _, _ =	vpop (xrf2)  }
0x585: {  	v14 =	vmov s30;
	v20 =	vadd.f32 v19, v20;
	[tilespmem:v18+s31+$0x0] =	vst.idx.msk vm0, v17;
	v18 =	vmul.f32 v16, v3;
	v16 =	vld [tilespmem:s17+$0x170]  }
0x586: {  	s9 =	simm.s32 $0xFFFFFFF8;
	s11 =	simm.s32 $0x0;
	v21 =	vmul.f32 v21, v7;
	v14 =	vand.u32 $0xFFFFFFFC, v14;
	v17 =	vld [tilespmem:s17+$0xFFFFFE00];
	s17 =	simm.s32 $0xCB00;
	v19 =	vadd.f32 v22, v63  }
.LBB2_17:
0x587: {  	v22 =	vld [tilespmem:s17+$0x180];
	v14 =	vbroadcast v14, $0x0;
	v12 =	vmul.f32 v12, v4;
	s18 =	smov.u32 s11  }
0x588: {  	v23 =	vld [tilespmem:s17+$0x190];
	v11 =	vadd.f32 v20, v11;
	v13 =	vmul.f32 v13, v5;
	v18 =	vadd.f32 v21, v18  }
0x589: {  	v20 =	vld [tilespmem:s17+$0x1A0];
	v15 =	vmul.f32 v15, v2  }
0x58a: {  	v21 =	vld [tilespmem:s17+$0x1B0];
	v24 =	vmul.f32 v16, v6;
	v18 =	vadd.f32 v18, v19;
	v12 =	vadd.f32 v13, v12;
	(xrf2) =	vadd.scan.msk.f32 $0xffff, v11  }
0x58b: {  	v11 =	vld [tilespmem:s17+$0x1C0];
	v13 =	vmul.f32 v17, v0  }
0x58c: {  	s22 =	sadd.s32 $0x18D, s9;
	v17 =	vld [tilespmem:s17+$0x1D0];
	v15 =	vadd.f32 v24, v15;
	v16, _, _ =	vpop (xrf2)  }
0x58d: {  	v19 =	vld [tilespmem:s17+$0x1E0];
	v10 =	vadd.f32 v10, v13;
	[tilespmem:v14+s31+$0x0] =	vst.idx.msk vm0, v16;
	v13 =	vmov s22  }
0x58e: {  	s11 =	sadd.s32 $0x8, s11;
	v14 =	vld [tilespmem:s17+$0x1F0];
	v13 =	vand.u32 $0xFFFFFFFD, v13;
	v12 =	vadd.f32 v15, v12  }
0x58f: {  	p0 =	slt.u32 s11, $0x78;
	v15 =	vld [tilespmem:s17+$0xFFFFFE10];
	v8 =	vadd.f32 v8, v10;
	v13 =	vbroadcast v13, $0x0  }
0x590: {  	v22 =	vmul.f32 v22, v0;
	v23 =	vmul.f32 v23, v1;
	v16 =	vld [tilespmem:s17+$0xFFFFFE20];
	v12 =	vadd.f32 v12, v18  }
0x591: {  	v20 =	vmul.f32 v20, v3;
	v26 =	vmul.f32 v21, v7;
	v18 =	vld [tilespmem:s17+$0xFFFFFE30];
	v8 =	vadd.f32 v9, v8  }
0x592: {  	s22 =	sadd.s32 $0x188, s9;
	v11 =	vmul.f32 v11, v4;
	v17 =	vmul.f32 v17, v5;
	v9 =	vld [tilespmem:s17+$0xFFFFFE40]  }
0x593: {  	v25 =	vmov s22;
	v19 =	vmul.f32 v19, v2;
	v24 =	vld [tilespmem:s17+$0xFFFFFE50];
	v14 =	vmul.f32 v14, v6;
	(xrf2) =	vadd.scan.msk.f32 $0xffff, v8  }
0x594: {  	v20 =	vadd.f32 v26, v20;
	v8 =	vadd.f32 v23, v22;
	v10 =	vmul.f32 v15, v1;
	v15 =	vld [tilespmem:s17+$0xFFFFFE60];
	v21, _, _ =	vpop (xrf2)  }
0x595: {  	s22 =	sadd.s32 $0x18E, s9;
	s9 =	smov.u32 s18;
	v11 =	vadd.f32 v17, v11;
	v16 =	vmul.f32 v16, v3;
	v22 =	vld [tilespmem:s17+$0xFFFFFE70];
	v14 =	vadd.f32 v14, v19  }
0x596: {  	v17 =	vmul.f32 v18, v7;
	v18 =	vld [tilespmem:s17+$0xFFFFFE80];
	[tilespmem:v13+s31+$0x0] =	vst.idx.msk vm0, v21;
	v13 =	vmov s22;
	(xrf2) =	vadd.scan.msk.f32 $0xffff, v12  }
0x597: {  	v19 =	vadd.f32 v20, v8;
	v9 =	vmul.f32 v9, v4;
	v12 =	vld [tilespmem:s17+$0xFFFFFE90];
	v11 =	vadd.f32 v14, v11  }
0x598: {  	v14 =	vmul.f32 v24, v5;
	v8 =	vadd.f32 v17, v16;
	v16 =	vld [tilespmem:s17+$0xFFFFFEA0];
	v17 =	vand.u32 $0xFFFFFFF8, v25  }
0x599: {  	v15 =	vmul.f32 v15, v2;
	v20 =	vld [tilespmem:s17+$0xFFFFFEB0];
	v11 =	vadd.f32 v11, v19;
	v17 =	vbroadcast v17, $0x0  }
0x59a: {  	v13 =	vand.u32 $0xFFFFFFFE, v13;
	v19 =	vmul.f32 v22, v6;
	v9 =	vadd.f32 v14, v9;
	v14 =	vld [tilespmem:s17+$0xFFFFFEC0]  }
0x59b: {  	v18 =	vmul.f32 v18, v0;
	v21 =	vld [tilespmem:s17+$0xFFFFFED0];
	(xrf2) =	vadd.scan.msk.f32 $0xffff, v11;
	v11 =	vbroadcast v13, $0x0  }
0x59c: {  	v13 =	vadd.f32 v19, v15;
	v12 =	vmul.f32 v12, v1;
	v15 =	vld [tilespmem:s17+$0xFFFFFEE0]  }
0x59d: {  	v16 =	vmul.f32 v16, v3;
	v19 =	vld [tilespmem:s17+$0xFFFFFEF0];
	v22, _, _ =	vpop (xrf2)  }
0x59e: {  	v9 =	vadd.f32 v13, v9;
	v13 =	vmul.f32 v20, v7;
	v12 =	vadd.f32 v12, v18;
	v18 =	vld [tilespmem:s17+$0xFFFFFF00]  }
0x59f: {  	v14 =	vmul.f32 v14, v4;
	v20 =	vld [tilespmem:s17+$0xFFFFFF10];
	[tilespmem:v17+s31+$0x0] =	vst.idx.msk vm0, v22  }
0x5a0: {  	s18 =	sadd.s32 $0x18F, s9;
	v17 =	vmul.f32 v21, v5;
	v13 =	vadd.f32 v13, v16;
	v16 =	vld [tilespmem:s17+$0xFFFFFF20];
	v21, _, _ =	vpop (xrf2)  }
0x5a1: {  	v23 =	vmov s18;
	v15 =	vmul.f32 v15, v2;
	v22 =	vld [tilespmem:s17+$0xFFFFFF30];
	[tilespmem:v11+s31+$0x0] =	vst.idx.msk vm0, v21  }
0x5a2: {  	v11 =	vmul.f32 v19, v6;
	v12 =	vadd.f32 v13, v12;
	v13 =	vadd.f32 v17, v14;
	v14 =	vld [tilespmem:s17+$0xFFFFFF40]  }
0x5a3: {  	v17 =	vmul.f32 v18, v0;
	v18 =	vld [tilespmem:s17+$0xFFFFFF50]  }
0x5a4: {  	v11 =	vadd.f32 v11, v15;
	v15 =	vmul.f32 v20, v1;
	v19 =	vld [tilespmem:s17+$0xFFFFFF60]  }
0x5a5: {  	v16 =	vmul.f32 v16, v3;
	v20 =	vld [tilespmem:s17+$0xFFFFFF70];
	v21, _, _ =	vpop (xrf2)  }
0x5a6: {  	v22 =	vmul.f32 v22, v7;
	v15 =	vadd.f32 v15, v17;
	v17 =	vld [tilespmem:s17+$0xFFFFFF80];
	[tilespmem:v23+s31+$0x0] =	vst.idx.msk vm0, v21  }
0x5a7: {  	v11 =	vadd.f32 v11, v13;
	v13 =	vmul.f32 v14, v4;
	v14 =	vld [tilespmem:s17+$0xFFFFFF90]  }
0x5a8: {  	v18 =	vmul.f32 v18, v5;
	v16 =	vadd.f32 v22, v16;
	v21 =	vld [tilespmem:s17+$0xFFFFFFA0]  }
0x5a9: {  	v11 =	vadd.f32 v11, v12;
	v12 =	vmul.f32 v19, v2;
	v19 =	vld [tilespmem:s17+$0xFFFFFFB0]  }
0x5aa: {  	v20 =	vmul.f32 v20, v6;
	v15 =	vadd.f32 v16, v15;
	v13 =	vadd.f32 v18, v13;
	v16 =	vld [tilespmem:s17+$0xFFFFFFC0]  }
0x5ab: {  	v17 =	vmul.f32 v17, v0;
	v18 =	vld [tilespmem:s17+$0xFFFFFFD0];
	(xrf2) =	vadd.scan.msk.f32 $0xffff, v11  }
0x5ac: {  	s18 =	sadd.s32 $0x189, s9;
	v11 =	vadd.f32 v20, v12;
	v12 =	vmul.f32 v14, v1;
	v14 =	vld [tilespmem:s17+$0xFFFFFFE0]  }
0x5ad: {  	v20 =	vmov s18;
	v21 =	vmul.f32 v21, v3;
	v22 =	vld [tilespmem:s17+$0xFFFFFFF0]  }
0x5ae: {  	v11 =	vadd.f32 v11, v13;
	v13 =	vmul.f32 v19, v7;
	v12 =	vadd.f32 v12, v17;
	v17 =	vld [tilespmem:s17+$0x0]  }
0x5af: {  	v19 =	vand.u32 $0xFFFFFFF9, v20;
	v16 =	vmul.f32 v16, v4;
	v20 =	vld [tilespmem:s17+$0x10]  }
0x5b0: {  	v11 =	vadd.f32 v11, v15;
	v15 =	vmul.f32 v18, v5;
	v13 =	vadd.f32 v13, v21;
	v18 =	vld [tilespmem:s17+$0x20]  }
0x5b1: {  	v19 =	vbroadcast v19, $0x0;
	v14 =	vmul.f32 v14, v2;
	v21 =	vld [tilespmem:s17+$0x30]  }
0x5b2: {  	v22 =	vmul.f32 v22, v6;
	v12 =	vadd.f32 v13, v12;
	v13 =	vadd.f32 v15, v16;
	v15 =	vld [tilespmem:s17+$0x40];
	(xrf2) =	vadd.scan.msk.f32 $0xffff, v11  }
0x5b3: {  	s18 =	sadd.s32 $0x18A, s9;
	v11 =	vmul.f32 v17, v0;
	v16 =	vld [tilespmem:s17+$0x50]  }
0x5b4: {  	v17 =	vmov s18;
	v14 =	vadd.f32 v22, v14;
	v20 =	vmul.f32 v20, v1;
	v22 =	vld [tilespmem:s17+$0x60]  }
0x5b5: {  	v17 =	vand.u32 $0xFFFFFFFA, v17;
	v18 =	vmul.f32 v18, v3;
	v23 =	vld [tilespmem:s17+$0x70];
	v24, _, _ =	vpop (xrf2)  }
0x5b6: {  	v13 =	vadd.f32 v14, v13;
	v14 =	vmul.f32 v21, v7;
	v11 =	vadd.f32 v20, v11;
	v20 =	vld [tilespmem:s17+$0x80]  }
0x5b7: {  	v17 =	vbroadcast v17, $0x0;
	[tilespmem:v19+s31+$0x0] =	vst.idx.msk vm0, v24;
	v15 =	vmul.f32 v15, v4;
	v19 =	vld [tilespmem:s17+$0x90]  }
0x5b8: {  	v12 =	vadd.f32 v13, v12;
	v13 =	vmul.f32 v16, v5;
	v14 =	vadd.f32 v14, v18;
	v16 =	vld [tilespmem:s17+$0xA0]  }
0x5b9: {  	v18 =	vmul.f32 v22, v2;
	v21 =	vld [tilespmem:s17+$0xB0]  }
0x5ba: {  	v22 =	vmul.f32 v23, v6;
	v11 =	vadd.f32 v14, v11;
	v13 =	vadd.f32 v13, v15;
	v14 =	vld [tilespmem:s17+$0xC0];
	(xrf2) =	vadd.scan.msk.f32 $0xffff, v12  }
0x5bb: {  	s18 =	sadd.s32 $0x18B, s9;
	v12 =	vmul.f32 v20, v0;
	v15 =	vld [tilespmem:s17+$0xD0]  }
0x5bc: {  	v20 =	vmov s18;
	v18 =	vadd.f32 v22, v18;
	v19 =	vmul.f32 v19, v1;
	v22 =	vld [tilespmem:s17+$0xE0];
	v23, _, _ =	vpop (xrf2)  }
0x5bd: {  	[tilespmem:v17+s31+$0x0] =	vst.idx.msk vm0, v23;
	v17 =	vand.u32 $0xFFFFFFFB, v20;
	v16 =	vmul.f32 v16, v3;
	v20 =	vld [tilespmem:s17+$0xF0]  }
0x5be: {  	v13 =	vadd.f32 v18, v13;
	v18 =	vmul.f32 v21, v7;
	v12 =	vadd.f32 v19, v12;
	v19 =	vld [tilespmem:s17+$0x100]  }
0x5bf: {  	v17 =	vbroadcast v17, $0x0;
	v14 =	vmul.f32 v14, v4;
	v21 =	vld [tilespmem:s17+$0x110]  }
0x5c0: {  	v13 =	vadd.f32 v13, v11;
	v15 =	vmul.f32 v15, v5;
	v11 =	vadd.f32 v18, v16;
	v16 =	vld [tilespmem:s17+$0x120]  }
0x5c1: {  	v25 =	vmul.f32 v22, v2;
	v22 =	vld [tilespmem:s17+$0x130]  }
.Ltmp7:
0x5c2: {  	v20 =	vmul.f32 v20, v6;
	v11 =	vadd.f32 v11, v12;
	v23 =	vadd.f32 v15, v14;
	v12 =	vld [tilespmem:s17+$0x140];
	(xrf2) =	vadd.scan.msk.f32 $0xffff, v13;
	(pc) =	sbr.rel @p0 .LBB2_17-.Ltmp7, $4  }
0x5c3: {  	s18 =	sadd.s32 $0x18C, s9;
	v19 =	vmul.f32 v19, v0;
	v13 =	vld [tilespmem:s17+$0x150]  }
0x5c4: {  	v14 =	vmov s18;
	v20 =	vadd.f32 v20, v25;
	v24 =	vmul.f32 v21, v1;
	v15 =	vld [tilespmem:s17+$0x160];
	v18, _, _ =	vpop (xrf2)  }
0x5c5: {  	v14 =	vand.u32 $0xFFFFFFFC, v14;
	[tilespmem:v17+s31+$0x0] =	vst.idx.msk vm0, v18;
	v18 =	vmul.f32 v16, v3;
	v16 =	vld [tilespmem:s17+$0x170]  }
0x5c6: {  	v17 =	vld [tilespmem:s17+$0xFFFFFE00];
	v20 =	vadd.f32 v20, v23;
	v21 =	vmul.f32 v22, v7;
	v19 =	vadd.f32 v24, v19;
	s17 =	sadd.s32 $0x400, s17  }
0x5c7: {  	_ =	sdelay $0x2  }
0x5c8: {  	v1 =	vmul.f32 v12, v4  }
0x5c9: {  	v3 =	vmul.f32 v13, v5;
	v0 =	vmul.f32 v17, v0  }
0x5ca: {  	v2 =	vmul.f32 v15, v2;
	v52 =	vmul.f32 v16, v6  }
0x5cb: {  	v53 =	vadd.f32 v21, v18;
	v0 =	vadd.f32 v10, v0  }
0x5cc: {  	v1 =	vadd.f32 v3, v1;
	v2 =	vadd.f32 v52, v2  }
0x5cd: {  	v54 =	vadd.f32 v20, v11;
	v0 =	vadd.f32 v8, v0  }
0x5ce: {  	v55 =	vadd.f32 v53, v19;
	v1 =	vadd.f32 v2, v1  }
0x5cf: {  	v0 =	vadd.f32 v9, v0  }
0x5d0: {  	(xrf2) =	vadd.scan.msk.f32 $0xffff, v54;
	v1 =	vadd.f32 v1, v55  }
0x5d1: {  	(xrf2) =	vadd.scan.msk.f32 $0xffff, v0  }
0x5d2: {  	s11 =	sadd.s32 $0x18D, s9;
	(xrf2) =	vadd.scan.msk.f32 $0xffff, v1  }
0x5d3: {  	s28 =	sadd.s32 $0x188, s9;
	v56 =	vmov s11  }
0x5d4: {  	v57 =	vbroadcast v14, $0x0;
	s30 =	sadd.s32 $0x18E, s9;
	v58 =	vmov s28;
	v0 =	vand.u32 $0xFFFFFFFD, v56  }
0x5d5: {  	v59 =	vmov s30;
	v2 =	vand.u32 $0xFFFFFFF8, v58;
	v0 =	vbroadcast v0, $0x0  }
0x5d6: {  	v3 =	vand.u32 $0xFFFFFFFE, v59;
	v2 =	vbroadcast v2, $0x0  }
0x5d7: {  	v3 =	vbroadcast v3, $0x0  }
0x5d8: {  	s10 =	sadd.s32 $0x1, s10  }
0x5d9: {  	p0 =	sne.s32 s10, $0x10;
	v60, _, _ =	vpop (xrf2)  }
.Ltmp8:
0x5da: {  	s8 =	sshll.u32 s8, $0xC;
	[tilespmem:v57+s31+$0x0] =	vst.idx.msk vm0, v60;
	v61, _, _ =	vpop (xrf2);
	(pc) =	sbr.rel @p0 .LBB2_2-.Ltmp8, $4  }
0x5db: {  	s4 =	sor.u32 s8, s4;
	[tilespmem:v0+s31+$0x0] =	vst.idx.msk vm0, v61;
	v62, _, _ =	vpop (xrf2)  }
0x5dc: {  	s4 =	sshrl.u32 s4, $0x3;
	[tilespmem:v2+s31+$0x0] =	vst.idx.msk vm0, v62;
	v63, _, _ =	vpop (xrf2)  }
0x5dd: {  	s4 =	sadd.s32 s6, s4;
	[tilespmem:v3+s31+$0x0] =	vst.idx.msk vm0, v63  }
0x5de: {  	[hbm4b:s4+s13] =	stream.strided.scatter [tilespmem:s31], [sflag:$0x8], $0x200, s12, s13, $0x38;
	[tilespmem:$0x10900] =	vst v63  }
0x5df: {  	s4 =	simm.s32 $0x7  }
0x5e0: {  	_ =	swait.ge [sflag:s4], $0x200  }
0x5e1: {  	[sflag:s4] =	ssyncset.done $0x0  }
0x5e2: {  	s8 =	simm.s32 $0x8;
	[sflag:s4] =	ssyncadd.s32 $0xFFFFFE00  }
0x5e3: {  	_ =	swait.ge [sflag:s8], $0x200  }
0x5e4: {  	s9 =	rddreg [dreg:$0x8]  }
0x5e5: {  	s30 =	rddreg [dreg:$0x7];
	s9 =	sadd.s32 $0x1, s9  }
0x5e6: {  	p0 =	sne.s32 s9, s30  }
.Ltmp9:
0x5e7: {  	_ = 	snop;
	(pc) =	sbr.rel @p0 .LBB2_1-.Ltmp9, $3  }
0x5e8: {  	_ =	sdelay $0x1  }
0x5e9: {  	[sflag:s8] =	ssyncset.done $0x0  }
0x5ea: {  	[sflag:s8] =	ssyncadd.s32 $0xFFFFFE00  }
0x5eb: {  	_ =	sfence.sel $0x180000  }
0x5ec: {  	[bflag:$0x0] =	sbarrier.arrive $0xFFFF  }
0x5ed: {  	_ =	strace $0x90000047  }
0x5ee: {  	s0 =	stileid.u32;
	[bflag:$0x2] =	sbarrier.arrive $0xFFFF  }
0x5ef: {  	p0 =	sne.s32 s0, $0x0;
	s0 =	rddreg [dreg:$0x4]  }
0x5f0: {  	s0 =	sadd.s32 @!p0 $0x100000, s0  }
0x5f1: {  	[sflag:s0] =	ssyncadd.tile.s32 @!p0 $0x1;
	_ =	shalt  }
.Lfunc_end2:
_tile_overlayer_lowered:
.L_overlay_start_2:
0x5f2: {  	(tag) =	ssettag $0x2  }
0x5f3: {  	s0 =	rddreg [dreg:$0x0];
	s2 =	stileid.u32  }
0x5f4: {  	s1 =	rddreg [dreg:$0x1];
	p0 =	sne.s32 s2, $0x0  }
0x5f5: {  	s3 =	rddreg [dreg:$0x2];
	[bflag:$0x3] =	sbarrier.arrive $0xFFFF;
	s2 =	simm.s32 @!p0 $0x1C09  }
0x5f6: {  	[timem:s3], [sflag:s2] =	dma.local @!p0 [hbm:s0], s1  }
0x5f7: {  	s0 =	simm.s32 @!p0 $0x9  }
0x5f8: {  	_ =	swait.ge @!p0 [sflag:s0], s1  }
0x5f9: {  	s1 =	ssub.s32 @!p0 $0x0, s1;
	[sflag:s0] =	ssyncset.done @!p0 $0x0  }
0x5fa: {  	[sflag:s0] =	ssyncadd.s32 @!p0 s1  }
0x5fb: {  	[bflag:$0x3] =	sbarrier.arrive $0xFFFF  }
0x5fc: {  	_ =	shalt  }

// kernel: kernel.7.cloned.1.call-start
scs
__scs_entry_jumppad:
0x0: {  	(pc) =	sbr.rel $0x88, $3  }
0x1: {  	(tag) =	ssettag $0x0;
	lr =	simm.s32 $0x1  }
0x2: {  	[smem:$0x3F9C] =	sst lr;
	_ =	strace $0xD0000000  }
0x3: {  	_ = 	snop  }
0x4: {  	_ = 	snop  }
0x5: {  	_ = 	snop  }
0x6: {  	_ = 	snop  }
0x7: {  	_ = 	snop  }
__scs_overlays_trampoline_lowered:
0x8: {  	[smem:$0x3FAB] =	sst s0  }
0x9: {  	[smem:$0x3FAC] =	sst s1  }
0xa: {  	[smem:$0x3FAD] =	sst s2  }
0xb: {  	[smem:$0x3FAE] =	sst s3  }
0xc: {  	[smem:$0x3FAF] =	sst s4  }
0xd: {  	[smem:$0x3FB0] =	sst s5  }
0xe: {  	[smem:$0x3FB1] =	sst s6  }
0xf: {  	[smem:$0x3FB2] =	sst s7  }
0x10: {  	[smem:$0x3FB3] =	sst s8  }
0x11: {  	[smem:$0x3FB4] =	sst s9;
	s0 =	simm.s32 @!p0 $0x0  }
0x12: {  	s1 =	sld [smem:$0x3F9A];
	s0 =	simm.s32 @p0 $0x1  }
0x13: {  	[smem:$0x3FB5] =	sst s0;
	s0 =	simm.s32 @!p1 $0x0  }
0x14: {  	s2 =	sld [smem:$0x3F99];
	s0 =	simm.s32 @p1 $0x1  }
0x15: {  	[smem:$0x3FB6] =	sst s0;
	s0 =	simm.s32 @!p2 $0x0  }
0x16: {  	s3 =	sld [smem:$0x3FDB];
	s0 =	simm.s32 @p2 $0x1  }
0x17: {  	s4 =	simm.s32 $0x1BF5;
	[smem:$0x3FB8] =	sst s0  }
0x18: {  	s0 =	sld [smem:$0x3F9B];
	_ =	swait.ge [sflag:s4], $0x0  }
0x19: {  	s7 =	sld [smem:$0x3F9C]  }
0x1a: {  	s8 =	sadd.s32 $0xFFFFE003, lr  }
0x1b: {  	s9 =	sadd.s32 $0xFFFFFEF7, lr;
	s5 =	simm.s32 $0xFFFFFFFF;
	p2 =	slt.u32 s8, $0xFFFFF086  }
0x1c: {  	p1 =	slt.u32 s9, $0xF7A;
	s5 =	simm.s32 @!p2 $0x0  }
0x1d: {  	s5 =	simm.s32 @p1 $0x1;
	p0 =	seq.s32 s7, s2  }
0x1e: {  	s7 =	smul.u32 @!p0 $0xF7A, s2;
	p2 =	seq.s32 @!p0 s5, $0x0  }
0x1f: {  	s9 =	smul.u32 $0xF7A, s1;
	s8 =	simm.s32 @!p0 $0x1BF5;
	p2 =	por !p2, p0  }
0x20: {  	[sflag:s8] =	ssyncset.s32 @!p0 $0xFFFFF086;
	s6 =	sadd.s32 @!p0 s3, s7;
	s7 =	simm.s32 @!p0 $0x108  }
0x21: {  	s3 =	sadd.s32 s3, s9;
	s6 =	sadd.s32 @!p0 $0x88, s6;
	s7 =	simm.s32 @p2 $0x1082  }
0x22: {  	[simem:s7], [sflag:s8] =	dma.local @!p0 [hbm:s6], $0xF7A  }
0x23: {  	s9 =	sor.u32 $0xD0000000, s2;
	s6 =	simm.s32 $0x108;
	_ =	swait.ge @!p0 [sflag:s8], $0x0  }
0x24: {  	s3 =	sadd.s32 $0x88, s3;
	s6 =	simm.s32 @!p1 $0x1082;
	[sflag:s4] =	ssyncset.s32 $0xFFFFF086  }
0x25: {  	[simem:s6], [sflag:s4] =	dma.local [hbm:s3], $0xF7A  }
0x26: {  	[smem:$0x3F9C] =	sst s1;
	(tag) =	ssettag s2;
	_ =	strace s9  }
0x27: {  	s1 =	sld [smem:$0x3FAC]  }
0x28: {  	s2 =	sld [smem:$0x3FAD]  }
0x29: {  	s4 =	sld [smem:$0x3FAF]  }
0x2a: {  	p0 =	seq.s32 s5, $0x0;
	s5 =	sld [smem:$0x3FB0]  }
0x2b: {  	s6 =	sld [smem:$0x3FB1]  }
0x2c: {  	s7 =	sld [smem:$0x3FB2]  }
0x2d: {  	s3 =	simm.s32 $0x108;
	s8 =	sld [smem:$0x3FB3]  }
0x2e: {  	s3 =	simm.s32 @!p0 $0x1082;
	s9 =	sld [smem:$0x3FB4]  }
0x2f: {  	lr =	sadd.s32 s0, s3;
	s0 =	sld [smem:$0x3FAB]  }
0x30: {  	s3 =	sld [smem:$0x3FAE]  }
0x31: {  	[smem:$0x3FB7] =	sst s10  }
0x32: {  	s10 =	sld [smem:$0x3FB5];
	_ =	sdelay $0x3  }
0x33: {  	p0 =	seq.s32 s10, $0x1;
	s10 =	sld [smem:$0x3FB7];
	_ =	sdelay $0x3  }
0x34: {  	[smem:$0x3FB7] =	sst s10  }
0x35: {  	s10 =	sld [smem:$0x3FB6];
	_ =	sdelay $0x3  }
0x36: {  	p1 =	seq.s32 s10, $0x1;
	s10 =	sld [smem:$0x3FB7];
	_ =	sdelay $0x3  }
0x37: {  	[smem:$0x3FB7] =	sst s10  }
0x38: {  	s10 =	sld [smem:$0x3FB8]  }
0x39: {  	_ = 	snop;
	(pc) =	sbr.ind lr, $3  }
0x3a: {  	_ = 	snop  }
0x3b: {  	_ = 	snop  }
0x3c: {  	p2 =	seq.s32 s10, $0x1;
	s10 =	sld [smem:$0x3FB7]  }
0x3d: {  	_ =	shalt  }
0x3e: {  	_ =	shalt  }
0x3f: {  	_ =	shalt  }
0x40: {  	_ =	shalt  }
0x41: {  	_ =	shalt  }
0x42: {  	_ =	shalt  }
0x43: {  	_ =	shalt  }
0x44: {  	_ =	shalt  }
0x45: {  	_ =	shalt  }
0x46: {  	_ =	shalt  }
0x47: {  	_ =	shalt  }
0x48: {  	_ =	shalt  }
0x49: {  	_ =	shalt  }
0x4a: {  	_ =	shalt  }
0x4b: {  	_ =	shalt  }
0x4c: {  	_ =	shalt  }
0x4d: {  	_ =	shalt  }
0x4e: {  	_ =	shalt  }
0x4f: {  	_ =	shalt  }
0x50: {  	_ =	shalt  }
0x51: {  	_ =	shalt  }
0x52: {  	_ =	shalt  }
0x53: {  	_ =	shalt  }
0x54: {  	_ =	shalt  }
0x55: {  	_ =	shalt  }
0x56: {  	_ =	shalt  }
0x57: {  	_ =	shalt  }
0x58: {  	_ =	shalt  }
0x59: {  	_ =	shalt  }
0x5a: {  	_ =	shalt  }
0x5b: {  	_ =	shalt  }
0x5c: {  	_ =	shalt  }
0x5d: {  	_ =	shalt  }
0x5e: {  	_ =	shalt  }
0x5f: {  	_ =	shalt  }
0x60: {  	_ =	shalt  }
0x61: {  	_ =	shalt  }
0x62: {  	_ =	shalt  }
0x63: {  	_ =	shalt  }
0x64: {  	_ =	shalt  }
0x65: {  	_ =	shalt  }
0x66: {  	_ =	shalt  }
0x67: {  	_ =	shalt  }
0x68: {  	_ =	shalt  }
0x69: {  	_ =	shalt  }
0x6a: {  	_ =	shalt  }
0x6b: {  	_ =	shalt  }
0x6c: {  	_ =	shalt  }
0x6d: {  	_ =	shalt  }
0x6e: {  	_ =	shalt  }
0x6f: {  	_ =	shalt  }
0x70: {  	_ =	shalt  }
0x71: {  	_ =	shalt  }
0x72: {  	_ =	shalt  }
0x73: {  	_ =	shalt  }
0x74: {  	_ =	shalt  }
0x75: {  	_ =	shalt  }
0x76: {  	_ =	shalt  }
0x77: {  	_ =	shalt  }
0x78: {  	_ =	shalt  }
0x79: {  	_ =	shalt  }
0x7a: {  	_ =	shalt  }
0x7b: {  	_ =	shalt  }
0x7c: {  	_ =	shalt  }
0x7d: {  	_ =	shalt  }
0x7e: {  	_ =	shalt  }
0x7f: {  	_ =	shalt  }
0x80: {  	_ =	shalt  }
0x81: {  	_ =	shalt  }
0x82: {  	_ =	shalt  }
0x83: {  	_ =	shalt  }
0x84: {  	_ =	shalt  }
0x85: {  	_ =	shalt  }
0x86: {  	_ =	shalt  }
0x87: {  	_ =	shalt  }
.Lfunc_end0:
.L_simem_size_0:
called_computation_lowered:
.L_overlay_start_0:
0x88: {  	s2 =	sld [smem:$0x3FD9]  }
0x89: {  	s3 =	sld [smem:$0x3FFE];
	_ =	sdelay $0x1  }
0x8a: {  	s1 =	srdreg.scid  }
0x8b: {  	s0 =	sand.u32 $0x1, s1  }
0x8c: {  	s17 =	sshll.u32 s0, $0xA;
	s2 =	sadd.s32 s3, s2  }
0x8d: {  	s2 =	sadd.s32 s2, s17  }
0x8e: {  	[smem:$0x3FC3] =	sst s2  }
0x8f: {  	_ = 	snop  }
0x90: {  	s18 =	sld [smem:$0x3FC8]  }
0x91: {  	s4 =	sld [smem:$0x3FC6];
	(tm) =	ssettm $0x1  }
0x92: {  	s19 =	sld [smem:$0x3FFB];
	_ =	sdelay $0x3  }
0x93: {  	_ =	strace s19  }
0x94: {  	s2 =	sld [smem:$0x3FFC];
	_ =	sdelay $0x3  }
0x95: {  	_ =	strace s2  }
0x96: {  	s2 =	sld [smem:$0x3FFD];
	_ =	sdelay $0x3  }
0x97: {  	_ =	strace s2  }
0x98: {  	_ =	strace $0x8FFFFFFF  }
0x99: {  	s20 =	sld [smem:$0x3FDB];
	_ =	sdelay $0x1  }
0x9a: {  	s5 =	simm.s32 $_scs_section_size  }
0x9b: {  	s6 =	simm.s32 $_size__tile_overlayer_lowered;
	s7 =	simm.s32 $_tile_overlayer_lowered  }
0x9c: {  	s8 =	simm.s32 $0x1BFF;
	s21 =	sshll.u32 s7, $0x1;
	s5 =	sadd.s32 s5, s20  }
0x9d: {  	s22 =	simm.s32 $0x0;
	s6 =	sshll.u32 s6, $0x1;
	s7 =	sadd.s32 s21, s5  }
0x9e: {  	[timem:s22], [sflag:s8] =	dma.local [hbm:s7], s6  }
0x9f: {  	_ =	swait.ge [sflag:s8], s6  }
0xa0: {  	s6 =	ssub.s32 $0x0, s6;
	[sflag:s8] =	ssyncset.done $0x0  }
0xa1: {  	[sflag:s8] =	ssyncadd.s32 s6;
	_ =	sdelay $0x1  }
0xa2: {  	s23 =	simm.s32 $0x1B8B  }
0xa3: {  	_ =	swait.ge [sflag:s23], $0x1  }
0xa4: {  	[sflag:s23] =	ssyncset.done $0x0  }
0xa5: {  	[sflag:s23] =	ssyncadd.s32 $0xFFFFFFFF  }
0xa6: {  	s6 =	sld [smem:$0x0]  }
0xa7: {  	s7 =	sand.u32 $0xFFFFFFFE, s1  }
0xa8: {  	p0 =	sne.s32 s1, s7  }
0xa9: {  	s7 =	sshll.u32 @p0 s7, $0xE  }
0xaa: {  	s7 =	sadd.s32 @p0 $0x11B8D, s7;
	s8 =	sshll.u32 @p0 s6, $0x11  }
0xab: {  	s7 =	sor.u32 @p0 s8, s7  }
0xac: {  	[sflag:s7] =	ssyncadd.remote.s32 @p0 $0x1;
	_ =	sdelay $0x1  }
0xad: {  	s7 =	simm.s32 @p0 $0x1B8D  }
0xae: {  	_ =	swait.eq @p0 [sflag:s7], $0x1  }
0xaf: {  	[sflag:s7] =	ssyncadd.s32 @p0 $0xFFFFFFFF  }
0xb0: {  	s8 =	sshll.u32 @!p0 s1, $0xE  }
0xb1: {  	s8 =	sor.u32 @!p0 $0x4000, s8;
	s7 =	simm.s32 @!p0 $0x1B8D  }
0xb2: {  	s6 =	sshll.u32 @!p0 s6, $0x11;
	s8 =	sadd.s32 @!p0 $0x11B8D, s8;
	_ =	swait.eq @!p0 [sflag:s7], $0x1  }
0xb3: {  	s6 =	sor.u32 @!p0 s6, s8;
	[sflag:s7] =	ssyncadd.s32 @!p0 $0xFFFFFFFF  }
0xb4: {  	s25 =	simm.s32 $0x1B8E;
	s24 =	sld [smem:$0x3FFE];
	[sflag:s6] =	ssyncadd.remote.s32 @!p0 $0x1  }
0xb5: {  	s26 =	simm.s32 $execute0_lowered;
	[smem:$0x3FD2] =	sst s25  }
0xb6: {  	s7 =	sshll.u32 s26, $0x1;
	_ =	strace $0x80000049;
	[dreg:$0x1] =	wrdreg $0xFFFFFFFF  }
0xb7: {  	s28 =	simm.s32 $_size_execute0_lowered;
	s5 =	sadd.s32 s5, s7;
	[dreg:$0x0] =	wrdreg $0x0  }
0xb8: {  	s7 =	sshll.u32 s28, $0x1;
	[dreg:$0x2] =	wrdreg s5  }
0xb9: {  	[dreg:$0x3] =	wrdreg s7  }
0xba: {  	[dreg:$0x4] =	wrdreg $0xC0  }
0xbb: {  	_ =	task [dreg:s22], $0x5FFFF  }
0xbc: {  	[dreg:$0x1] =	wrdreg $0xFFFFFFFF  }
0xbd: {  	[dreg:$0x0] =	wrdreg $0x60  }
0xbe: {  	[dreg:$0x2] =	wrdreg s4  }
0xbf: {  	[dreg:$0x3] =	wrdreg s18  }
0xc0: {  	[dreg:$0x4] =	wrdreg s24  }
0xc1: {  	[dreg:$0x5] =	wrdreg $0x9  }
0xc2: {  	_ =	task.clear_ibuf [dreg:s22], $0x6FFFF;
	_ =	strace $0x90000049  }
0xc3: {  	s29 =	simm.s32 $0x9;
	_ =	strace $0x8000004B  }
0xc4: {  	_ =	swait.ge [sflag:s29], $0x1  }
0xc5: {  	[sflag:s29] =	ssyncadd.s32 $0xFFFFFFFF  }
0xc6: {  	_ =	strace $0x9000004B  }
0xc7: {  	_ =	sfence  }
0xc8: {  	s30 =	sld [smem:$0x0];
	_ =	sdelay $0x2  }
0xc9: {  	s31 =	sshll.u32 s1, $0xD;
	s1 =	sshrl.u32 s1, $0x2  }
0xca: {  	s4 =	sand.u32 $0x4000, s31;
	s1 =	sadd.s32 s1, s30  }
0xcb: {  	s0 =	sor.u32 s4, s0;
	s1 =	sshll.u32 s1, $0x11  }
0xcc: {  	s0 =	sor.u32 s1, s0  }
0xcd: {  	s0 =	sadd.s32 $0x8F2B, s0  }
0xce: {  	[sflag:s0] =	ssyncadd.remote.s32 $0x1  }
0xcf: {  	_ =	sfence.sel $0xFFFF  }
0xd0: {  	[dreg:$0x0] =	wrdreg $0xFFFFFFFF;
	(pc) =	sbr.abs _section_cstart, $3  }
0xd1: {  	[dreg:$0x1] =	wrdreg $0xFFFFFFFF  }
0xd2: {  	_ =	task.clear_ibuf [dreg:s22], $0x2FFFF;
	_ =	strace $0x9FFFFFFF  }
0xd3: {  	(tm) =	ssettm $0x7FFFFFFF  }
tec
execute0_lowered:
.L_overlay_start_1:
0x0: {  	(tag) =	ssettag $0x1  }
0x1: {  	s1 =	rddreg [dreg:$0x0];
	s2 =	srdreg.scid  }
0x2: {  	s4 =	rddreg [dreg:$0x1];
	s0 =	stileid.u32  }
0x3: {  	s9 =	rddreg [dreg:$0x2];
	s3 =	simm.s32 $0x0;
	s6 =	sand.u32 $0x1, s2  }
0x4: {  	s7 =	sshll.u32 s0, $0x4;
	s2 =	rddreg [dreg:$0x3];
	s5 =	sshll.u32 s6, $0x8  }
0x5: {  	s8 =	simm.s32 $0x1;
	[smem:$0x7FF] =	sst s3;
	s10 =	sor.u32 s7, s5  }
0x6: {  	_ =	strace $0x8000004A;
	s11 =	ssub.s32 $0x2, s6;
	s5 =	sshrl.u32 s10, $0x3  }
0x7: {  	s6 =	simm.s32 $0x10;
	s5 =	sadd.s32 s4, s5;
	s4 =	simm.s32 $0x2  }
0x8: {  	[tilespmem:s3], [sflag:$0x2] =	stream.linear.gather [hbm4b:s5+s3], $0x10, $0x38;
	[tilespmem:$0x880] =	vst v63  }
0x9: {  	s7 =	simm.s32 $0x80;
	s12 =	sshrl.u32 s11, $0x1;
	_ =	swait.ge [sflag:s4], $0x10  }
0xa: {  	s10 =	sshll.u32 s10, $0x4;
	s31 =	ssub.s32 s11, s12;
	[sflag:s4] =	ssyncset.done $0x0  }
0xb: {  	s9 =	sadd.s32 s10, s9;
	s10 =	smax.u32 s31, $0x1;
	[sflag:s4] =	ssyncadd.s32 $0xFFFFFFF0  }
0xc: {  	[tilespmem:s7], [sflag:$0x1] =	stream.indirect.gather [hbm4b:s1+s6], $0x80, s3, s6, $0xb8;
	[tilespmem:$0x880] =	vst v63  }
0xd: {  	p0 =	sne.s32 s10, $0x1;
	_ =	swait.ge [sflag:s8], $0x800  }
.Ltmp0:
0xe: {  	[sflag:s8] =	ssyncset.done $0x0;
	(pc) =	sbr.rel @!p0 .LBB2_2-.Ltmp0, $4  }
0xf: {  	s9 =	sadd.s32 $0x11400, s9;
	[sflag:s8] =	ssyncadd.s32 $0xFFFFF800  }
0x10: {  	[hbm4b:s9+s3] =	stream.linear.scatter [tilespmem:s7], [sflag:$0x2], $0x800, $0x38;
	[tilespmem:$0x880] =	vst v63  }
0x11: {  	_ =	swait.ge [sflag:s4], $0x800  }
0x12: {  	s10 =	sadd.s32 $0xFFFFFFFF, s10;
	[sflag:s4] =	ssyncset.done $0x0  }
.LBB2_1:
0x13: {  	p0 =	sne.s32 s10, $0x1;
	s10 =	sadd.s32 $0xFFFFFFFF, s10;
	[sflag:s4] =	ssyncadd.s32 $0xFFFFF800  }
0x14: {  	[tilespmem:s3], [sflag:$0x2] =	stream.linear.gather [hbm4b:s5+s3], $0x10, $0x38;
	[tilespmem:$0x880] =	vst v63  }
0x15: {  	_ =	swait.ge [sflag:s4], $0x10  }
0x16: {  	[sflag:s4] =	ssyncset.done $0x0  }
0x17: {  	[sflag:s4] =	ssyncadd.s32 $0xFFFFFFF0  }
0x18: {  	[tilespmem:s7], [sflag:$0x1] =	stream.indirect.gather [hbm4b:s1+s6], $0x80, s3, s6, $0xb8;
	[tilespmem:$0x880] =	vst v63  }
0x19: {  	_ =	swait.ge [sflag:s8], $0x800  }
.Ltmp1:
0x1a: {  	[sflag:s8] =	ssyncset.done $0x0;
	(pc) =	sbr.rel @p0 .LBB2_1-.Ltmp1, $4  }
0x1b: {  	[sflag:s8] =	ssyncadd.s32 $0xFFFFF800  }
0x1c: {  	[hbm4b:s9+s3] =	stream.linear.scatter [tilespmem:s7], [sflag:$0x2], $0x800, $0x38;
	[tilespmem:$0x880] =	vst v63  }
0x1d: {  	_ =	swait.ge [sflag:s4], $0x800  }
0x1e: {  	[sflag:s4] =	ssyncset.done $0x0  }
.LBB2_2:
0x1f: {  	[sflag:s4] =	ssyncadd.s32 $0xFFFFF800  }
0x20: {  	_ =	sfence.sel $0x180000  }
0x21: {  	[bflag:$0x0] =	sbarrier.arrive $0xFFFF  }
0x22: {  	p0 =	sne.s32 s0, $0x0;
	_ =	strace $0x9000004A  }
0x23: {  	s0 =	sadd.s32 @!p0 $0x100000, s2;
	[bflag:$0x2] =	sbarrier.arrive $0xFFFF  }
0x24: {  	[sflag:s0] =	ssyncadd.tile.s32 @!p0 $0x1;
	_ =	shalt  }
.Lfunc_end2:
_tile_overlayer_lowered:
.L_overlay_start_2:
0x25: {  	(tag) =	ssettag $0x2  }
0x26: {  	s0 =	rddreg [dreg:$0x0];
	s2 =	stileid.u32  }
0x27: {  	s1 =	rddreg [dreg:$0x1];
	p0 =	sne.s32 s2, $0x0  }
0x28: {  	s3 =	rddreg [dreg:$0x2];
	[bflag:$0x3] =	sbarrier.arrive $0xFFFF;
	s2 =	simm.s32 @!p0 $0x1C02  }
0x29: {  	[timem:s3], [sflag:s2] =	dma.local @!p0 [hbm:s0], s1  }
0x2a: {  	s0 =	simm.s32 @!p0 $0x2  }
0x2b: {  	_ =	swait.ge @!p0 [sflag:s0], s1  }
0x2c: {  	s1 =	ssub.s32 @!p0 $0x0, s1;
	[sflag:s0] =	ssyncset.done @!p0 $0x0  }
0x2d: {  	[sflag:s0] =	ssyncadd.s32 @!p0 s1  }
0x2e: {  	[bflag:$0x3] =	sbarrier.arrive $0xFFFF  }
0x2f: {  	_ =	shalt  }

</sc_bundles>
